<compile_context>
chip_gen: v7x
topology: tpu7x:2x2x1
jax: 0.10.2.dev20260603
libtpu: 0.0.44.dev20260713+nightly
codegen_flags: <defaults>
</compile_context>

<pallas_src>
import jax
import jax.numpy as jnp
from jax import lax
from jax.experimental import pallas as pl
from jax.experimental.pallas import tpu as pltpu
from jax.experimental.pallas import tpu_sc as plsc

N = 100000
D = 128
G = 512
NW = 32
RW = 3200
C = 160
NCH = RW // C
L = 16
BN = 4096
NATT = ((N + BN - 1) // BN) * BN


def _tc_att(h_ref, w_ref, b_ref, o_ref):
    z8 = lax.dot_general(w_ref[...], h_ref[...],
                         (((1,), (1,)), ((), ())),
                         preferred_element_type=jnp.float32)
    z = z8[:1, :] + b_ref[0, 0]
    o_ref[...] = jnp.exp(jnp.where(z >= 0, z, 0.01 * z)).reshape(BN)


def _sc_body(h_hbm, seg_hbm, att_hbm, num_hbm, den_hbm,
             hb0, hb1, sb0, sb1, ab0, ab1, num_acc, den_acc,
             sh0, sh1, ss0, ss1, sa0, sa1):
    cid = lax.axis_index("c")
    sid = lax.axis_index("s")
    wid = cid * 16 + sid
    r0 = wid * RW

    def _chunk_base(j):
        s_j = r0 + j * C
        d_j = jnp.minimum(s_j, N - C)
        return s_j, d_j

    def _dma_start(j, hb, sb, ab, sh, ss, sa):
        _, d_j = _chunk_base(j)
        pltpu.async_copy(h_hbm.at[pl.ds(d_j, C), :], hb, sh)
        pltpu.async_copy(seg_hbm.at[pl.ds(d_j, C)], sb, ss)
        pltpu.async_copy(att_hbm.at[pl.ds(d_j, C)], ab, sa)

    def _dma_wait(j, hb, sb, ab, sh, ss, sa):
        _, d_j = _chunk_base(j)
        pltpu.make_async_copy(h_hbm.at[pl.ds(d_j, C), :], hb, sh).wait()
        pltpu.make_async_copy(seg_hbm.at[pl.ds(d_j, C)], sb, ss).wait()
        pltpu.make_async_copy(att_hbm.at[pl.ds(d_j, C)], ab, sa).wait()

    def _process(j, hb, sb, ab):
        s_j, d_j = _chunk_base(j)
        lo = s_j - d_j
        hi = jnp.minimum(s_j + C, N) - d_j

        def _group(g, carry):
            sv = sb[pl.ds(g * L, L)]
            at16 = ab[pl.ds(g * L, L)]

            def _loads(k):
                r = g * L + k
                return [hb[r, pl.ds(L * q, L)] for q in range(D // L)]

            hk = _loads(0)
            for k in range(L):
                r = g * L + k
                s = sv[k]
                att = jnp.where((r >= lo) & (r < hi), at16[k], 0.0)
                av = jnp.full((L,), att, jnp.float32)
                pk = [av * hk[q] for q in range(D // L)]
                hk = _loads(k + 1) if k + 1 < L else None
                for q in range(D // L):
                    plsc.addupdate(num_acc.at[s, pl.ds(L * q, L)], pk[q])
                plsc.addupdate(den_acc.at[pl.ds(s * L, L)], av)
            return carry
        lax.fori_loop(0, C // L, _group, None)

    _dma_start(0, hb0, sb0, ab0, sh0, ss0, sa0)

    def _zero(r, carry):
        for k in range(D // L):
            num_acc[r, pl.ds(L * k, L)] = jnp.zeros((L,), jnp.float32)
        den_acc[pl.ds(r * L, L)] = jnp.zeros((L,), jnp.float32)
        return carry
    lax.fori_loop(0, G, _zero, None)

    def _outer(i, carry):
        j0 = 2 * i
        j1 = 2 * i + 1
        _dma_wait(j0, hb0, sb0, ab0, sh0, ss0, sa0)
        _dma_start(j1, hb1, sb1, ab1, sh1, ss1, sa1)
        _process(j0, hb0, sb0, ab0)
        _dma_wait(j1, hb1, sb1, ab1, sh1, ss1, sa1)
        _dma_start(jnp.minimum(j1 + 1, NCH - 1), hb0, sb0, ab0, sh0, ss0, sa0)
        _process(j1, hb1, sb1, ab1)
        return carry
    lax.fori_loop(0, NCH // 2, _outer, None)

    _dma_wait(NCH - 1, hb0, sb0, ab0, sh0, ss0, sa0)

    pltpu.sync_copy(num_acc, num_hbm.at[wid])
    pltpu.sync_copy(den_acc, den_hbm.at[wid])


GB = 64


def _tc_merge(p_ref, d_ref, o_ref):
    num = jnp.sum(p_ref[...], axis=0)
    dsum = jnp.sum(d_ref[...], axis=0)
    den_rep = jnp.reshape(
        jnp.broadcast_to(dsum[:, None, :], (GB // 8, 8, D)), (GB, D))
    rows = lax.broadcasted_iota(jnp.int32, (GB, D), 0)
    lanes = lax.broadcasted_iota(jnp.int32, (GB, D), 1)
    mask = lanes == (rows % 8) * L
    den = jnp.sum(jnp.where(mask, den_rep, 0.0), axis=1, keepdims=True)
    o_ref[...] = num / jnp.maximum(den, 1e-9)


def kernel(h, segment_ids, W, b):
    seg = segment_ids.astype(jnp.int32)
    wf = jnp.broadcast_to(W.astype(jnp.float32), (8, D))
    bf = b.astype(jnp.float32).reshape(1, 1)
    att = pl.pallas_call(
        _tc_att,
        grid=(NATT // BN,),
        in_specs=[
            pl.BlockSpec((BN, D), lambda i: (i, 0)),
            pl.BlockSpec((8, D), lambda i: (0, 0)),
            pl.BlockSpec((1, 1), lambda i: (0, 0)),
        ],
        out_specs=pl.BlockSpec((BN,), lambda i: (i,)),
        out_shape=jax.ShapeDtypeStruct((NATT,), jnp.float32),
    )(h, wf, bf)

    mesh = plsc.VectorSubcoreMesh(core_axis_name="c", subcore_axis_name="s")
    sc = pl.kernel(
        _sc_body,
        mesh=mesh,
        compiler_params=pltpu.CompilerParams(needs_layout_passes=False),
        out_type=(
            jax.ShapeDtypeStruct((NW, G, D), jnp.float32),
            jax.ShapeDtypeStruct((NW, G * L), jnp.float32),
        ),
        scratch_types=[
            pltpu.VMEM((C, D), jnp.float32),
            pltpu.VMEM((C, D), jnp.float32),
            pltpu.VMEM((C,), jnp.int32),
            pltpu.VMEM((C,), jnp.int32),
            pltpu.VMEM((C,), jnp.float32),
            pltpu.VMEM((C,), jnp.float32),
            pltpu.VMEM((G, D), jnp.float32),
            pltpu.VMEM((G * L,), jnp.float32),
            pltpu.SemaphoreType.DMA,
            pltpu.SemaphoreType.DMA,
            pltpu.SemaphoreType.DMA,
            pltpu.SemaphoreType.DMA,
            pltpu.SemaphoreType.DMA,
            pltpu.SemaphoreType.DMA,
        ],
    )
    num_p, den_p = sc(h, seg, att)
    den3 = den_p.reshape(NW, G // 8, D)
    out = pl.pallas_call(
        _tc_merge,
        grid=(G // GB,),
        in_specs=[
            pl.BlockSpec((NW, GB, D), lambda i: (0, i, 0)),
            pl.BlockSpec((NW, GB // 8, D), lambda i: (0, i, 0)),
        ],
        out_specs=pl.BlockSpec((GB, D), lambda i: (i, 0)),
        out_shape=jax.ShapeDtypeStruct((G, D), jnp.float32),
    )(num_p, den3)
    return out

# --- scband reference (transcript-rebuilt; emitter-appended) ---
"""Pipeline reference for scband-readout-layer-1151051235753 (READ-ONLY COPY).

The authoritative reference and input builder live on the scoring server;
editing this copy changes nothing except your own understanding.
"""

import jax, jax.numpy as jnp
import numpy as np

N = 100000
D = 128
G = 512  # number of graphs in the batch

def setup_inputs(seed: int = 0) -> dict:
    key = jax.random.key(seed)
    k1, k2, k3, k4 = jax.random.split(key, 4)
    h = jax.random.normal(k1, (N, D), dtype=jnp.float32)
    segment_ids = jnp.sort(jax.random.randint(k2, (N,), 0, G)).astype(jnp.int64)
    # learned params of att_fc = nn.Linear(in_features=128, out_features=1)
    W = jax.random.normal(k3, (1, D), dtype=jnp.float32) * 0.05
    b = jax.random.normal(k4, (1,), dtype=jnp.float32) * 0.05
    return {"h": h, "segment_ids": segment_ids, "W": W, "b": b}

def _leaky_relu(x, slope=0.01):
    return jnp.where(x >= 0, x, slope * x)

def reference(h, segment_ids, W, b):
    # node attention: a = leaky_relu(Linear(h)); att = exp(a)
    a = h @ W.T + b            # [N, 1]
    att = jnp.exp(_leaky_relu(a))  # [N, 1]
    # dgl.mean_nodes(g, 'z', 'att'): weighted mean per graph = sum(att*z)/sum(att)
    num = jax.ops.segment_sum(att * h, segment_ids, num_segments=G)  # [G, D]
    den = jax.ops.segment_sum(att, segment_ids, num_segments=G)      # [G, 1]
    node_embedding = num / jnp.maximum(den, 1e-9)
    return node_embedding

if __name__ == "__main__":
    import jax
    _d = setup_inputs()
    print(jax.jit(kernel)(*tuple(_d.values())))

</pallas_src>

<mosaic_0001>
#map = affine_map<(d0, d1) -> (0, 0)>
#map1 = affine_map<(d0, d1) -> (0)>
#map2 = affine_map<(d0, d1) -> (0, 0, 0)>
module attributes {stable_mosaic.version = 14 : i64} {
  func.func @_sc_body(%arg0: i32, %arg1: i32, %arg2: memref<100000x128xf32, #tpu.memory_space<hbm>>, %arg3: memref<100000xi32, #tpu.memory_space<hbm>>, %arg4: memref<102400xf32, #tpu.memory_space<hbm>>, %arg5: memref<32x512x128xf32, #tpu.memory_space<hbm>>, %arg6: memref<32x8192xf32, #tpu.memory_space<hbm>>, %arg7: memref<160x128xf32, #tpu.memory_space<vmem>>, %arg8: memref<160x128xf32, #tpu.memory_space<vmem>>, %arg9: memref<160xi32, #tpu.memory_space<vmem>>, %arg10: memref<160xi32, #tpu.memory_space<vmem>>, %arg11: memref<160xf32, #tpu.memory_space<vmem>>, %arg12: memref<160xf32, #tpu.memory_space<vmem>>, %arg13: memref<512x128xf32, #tpu.memory_space<vmem>>, %arg14: memref<8192xf32, #tpu.memory_space<vmem>>, %arg15: memref<!tpu.dma_semaphore, #tpu.memory_space<semaphore_mem>>, %arg16: memref<!tpu.dma_semaphore, #tpu.memory_space<semaphore_mem>>, %arg17: memref<!tpu.dma_semaphore, #tpu.memory_space<semaphore_mem>>, %arg18: memref<!tpu.dma_semaphore, #tpu.memory_space<semaphore_mem>>, %arg19: memref<!tpu.dma_semaphore, #tpu.memory_space<semaphore_mem>>, %arg20: memref<!tpu.dma_semaphore, #tpu.memory_space<semaphore_mem>>) attributes {dimension_semantics = [#tpu.dimension_semantics<core_parallel>, #tpu.dimension_semantics<subcore_parallel>], iteration_bounds = array<i64: 2, 16>, scalar_prefetch = 0 : i64, scratch_operands = 14 : i64, tpu.core_type = #tpu.core_type<sc_vector_subcore>, window_params = [{transform_indices = #map}, {transform_indices = #map1}, {transform_indices = #map1}, {transform_indices = #map2}, {transform_indices = #map}]} {
    %mul3A = arith.constant 16 : i32
    %mul3A_0 = arith.muli %arg0, %mul3A : i32
    %add3A = arith.addi %mul3A_0, %arg1 : i32
    %mul3A_1 = arith.constant 3200 : i32
    %mul3A_2 = arith.muli %add3A, %mul3A_1 : i32
    %add3A_3 = arith.constant 0 : i32
    %add3A_4 = arith.addi %mul3A_2, %add3A_3 : i32
    %min3A = arith.constant 99840 : i32
    %min3A_5 = arith.minsi %add3A_4, %min3A : i32
    %dma_start3A = arith.constant 0 : i32
    %dma_start3A_6 = tpu.memref_slice %arg2[%min3A_5, %dma_start3A] : memref<100000x128xf32, #tpu.memory_space<hbm>> -> memref<160x128xf32, #tpu.memory_space<hbm>>
    %dma_start3A_7 = arith.constant 0 : i32
    %dma_start3A_8 = tpu.memref_slice %arg2[%min3A_5, %dma_start3A_7] : memref<100000x128xf32, #tpu.memory_space<hbm>> -> memref<160x128xf32, #tpu.memory_space<hbm>>
    tpu.enqueue_dma source(%dma_start3A_8 : memref<160x128xf32, #tpu.memory_space<hbm>>) target(%arg7 : memref<160x128xf32, #tpu.memory_space<vmem>>) target_semaphore(%arg15 : memref<!tpu.dma_semaphore, #tpu.memory_space<semaphore_mem>>)
    %dma_start3A_9 = tpu.memref_slice %arg3[%min3A_5] : memref<100000xi32, #tpu.memory_space<hbm>> -> memref<160xi32, #tpu.memory_space<hbm>>
    %dma_start3A_10 = tpu.memref_slice %arg3[%min3A_5] : memref<100000xi32, #tpu.memory_space<hbm>> -> memref<160xi32, #tpu.memory_space<hbm>>
    tpu.enqueue_dma source(%dma_start3A_10 : memref<160xi32, #tpu.memory_space<hbm>>) target(%arg9 : memref<160xi32, #tpu.memory_space<vmem>>) target_semaphore(%arg17 : memref<!tpu.dma_semaphore, #tpu.memory_space<semaphore_mem>>)
    %dma_start3A_11 = tpu.memref_slice %arg4[%min3A_5] : memref<102400xf32, #tpu.memory_space<hbm>> -> memref<160xf32, #tpu.memory_space<hbm>>
    %dma_start3A_12 = tpu.memref_slice %arg4[%min3A_5] : memref<102400xf32, #tpu.memory_space<hbm>> -> memref<160xf32, #tpu.memory_space<hbm>>
    tpu.enqueue_dma source(%dma_start3A_12 : memref<160xf32, #tpu.memory_space<hbm>>) target(%arg11 : memref<160xf32, #tpu.memory_space<vmem>>) target_semaphore(%arg19 : memref<!tpu.dma_semaphore, #tpu.memory_space<semaphore_mem>>)
    %scan3A = arith.constant 0 : i32
    %scan3A_13 = arith.constant 512 : i32
    %scan3A_14 = arith.addi %scan3A, %scan3A_13 : i32
    %scan3A_15 = arith.constant 1 : i32
    scf.for %scan3A_33 = %scan3A to %scan3A_14 step %scan3A_15  : i32 {
      %broadcast_in_dim3A = arith.constant 0.000000e+00 : f32
      %broadcast_in_dim3A_34 = vector.broadcast %broadcast_in_dim3A : f32 to vector<16xf32>
      %swap3A = arith.index_cast %scan3A_33 : i32 to index
      %swap3A_35 = arith.constant 0 : index
      %swap3A_36 = tpu.vector_load %arg13[%swap3A, %swap3A_35] {strides = array<i32>} : memref<512x128xf32, #tpu.memory_space<vmem>>, vector<16xf32>,
      tpu.vector_store %arg13[%swap3A, %swap3A_35], %broadcast_in_dim3A_34 {strides = array<i32>} : memref<512x128xf32, #tpu.memory_space<vmem>>, vector<16xf32>,
      %broadcast_in_dim3A_37 = arith.constant 0.000000e+00 : f32
      %broadcast_in_dim3A_38 = vector.broadcast %broadcast_in_dim3A_37 : f32 to vector<16xf32>
      %swap3A_39 = arith.index_cast %scan3A_33 : i32 to index
      %swap3A_40 = arith.constant 16 : index
      %swap3A_41 = tpu.vector_load %arg13[%swap3A_39, %swap3A_40] {strides = array<i32>} : memref<512x128xf32, #tpu.memory_space<vmem>>, vector<16xf32>,
      tpu.vector_store %arg13[%swap3A_39, %swap3A_40], %broadcast_in_dim3A_38 {strides = array<i32>} : memref<512x128xf32, #tpu.memory_space<vmem>>, vector<16xf32>,
      %broadcast_in_dim3A_42 = arith.constant 0.000000e+00 : f32
      %broadcast_in_dim3A_43 = vector.broadcast %broadcast_in_dim3A_42 : f32 to vector<16xf32>
      %swap3A_44 = arith.index_cast %scan3A_33 : i32 to index
      %swap3A_45 = arith.constant 32 : index
      %swap3A_46 = tpu.vector_load %arg13[%swap3A_44, %swap3A_45] {strides = array<i32>} : memref<512x128xf32, #tpu.memory_space<vmem>>, vector<16xf32>,
      tpu.vector_store %arg13[%swap3A_44, %swap3A_45], %broadcast_in_dim3A_43 {strides = array<i32>} : memref<512x128xf32, #tpu.memory_space<vmem>>, vector<16xf32>,
      %broadcast_in_dim3A_47 = arith.constant 0.000000e+00 : f32
      %broadcast_in_dim3A_48 = vector.broadcast %broadcast_in_dim3A_47 : f32 to vector<16xf32>
      %swap3A_49 = arith.index_cast %scan3A_33 : i32 to index
      %swap3A_50 = arith.constant 48 : index
      %swap3A_51 = tpu.vector_load %arg13[%swap3A_49, %swap3A_50] {strides = array<i32>} : memref<512x128xf32, #tpu.memory_space<vmem>>, vector<16xf32>,
      tpu.vector_store %arg13[%swap3A_49, %swap3A_50], %broadcast_in_dim3A_48 {strides = array<i32>} : memref<512x128xf32, #tpu.memory_space<vmem>>, vector<16xf32>,
      %broadcast_in_dim3A_52 = arith.constant 0.000000e+00 : f32
      %broadcast_in_dim3A_53 = vector.broadcast %broadcast_in_dim3A_52 : f32 to vector<16xf32>
      %swap3A_54 = arith.index_cast %scan3A_33 : i32 to index
      %swap3A_55 = arith.constant 64 : index
      %swap3A_56 = tpu.vector_load %arg13[%swap3A_54, %swap3A_55] {strides = array<i32>} : memref<512x128xf32, #tpu.memory_space<vmem>>, vector<16xf32>,
      tpu.vector_store %arg13[%swap3A_54, %swap3A_55], %broadcast_in_dim3A_53 {strides = array<i32>} : memref<512x128xf32, #tpu.memory_space<vmem>>, vector<16xf32>,
      %broadcast_in_dim3A_57 = arith.constant 0.000000e+00 : f32
      %broadcast_in_dim3A_58 = vector.broadcast %broadcast_in_dim3A_57 : f32 to vector<16xf32>
      %swap3A_59 = arith.index_cast %scan3A_33 : i32 to index
      %swap3A_60 = arith.constant 80 : index
      %swap3A_61 = tpu.vector_load %arg13[%swap3A_59, %swap3A_60] {strides = array<i32>} : memref<512x128xf32, #tpu.memory_space<vmem>>, vector<16xf32>,
      tpu.vector_store %arg13[%swap3A_59, %swap3A_60], %broadcast_in_dim3A_58 {strides = array<i32>} : memref<512x128xf32, #tpu.memory_space<vmem>>, vector<16xf32>,
      %broadcast_in_dim3A_62 = arith.constant 0.000000e+00 : f32
      %broadcast_in_dim3A_63 = vector.broadcast %broadcast_in_dim3A_62 : f32 to vector<16xf32>
      %swap3A_64 = arith.index_cast %scan3A_33 : i32 to index
      %swap3A_65 = arith.constant 96 : index
      %swap3A_66 = tpu.vector_load %arg13[%swap3A_64, %swap3A_65] {strides = array<i32>} : memref<512x128xf32, #tpu.memory_space<vmem>>, vector<16xf32>,
      tpu.vector_store %arg13[%swap3A_64, %swap3A_65], %broadcast_in_dim3A_63 {strides = array<i32>} : memref<512x128xf32, #tpu.memory_space<vmem>>, vector<16xf32>,
      %broadcast_in_dim3A_67 = arith.constant 0.000000e+00 : f32
      %broadcast_in_dim3A_68 = vector.broadcast %broadcast_in_dim3A_67 : f32 to vector<16xf32>
      %swap3A_69 = arith.index_cast %scan3A_33 : i32 to index
      %swap3A_70 = arith.constant 112 : index
      %swap3A_71 = tpu.vector_load %arg13[%swap3A_69, %swap3A_70] {strides = array<i32>} : memref<512x128xf32, #tpu.memory_space<vmem>>, vector<16xf32>,
      tpu.vector_store %arg13[%swap3A_69, %swap3A_70], %broadcast_in_dim3A_68 {strides = array<i32>} : memref<512x128xf32, #tpu.memory_space<vmem>>, vector<16xf32>,
      %broadcast_in_dim3A_72 = arith.constant 0.000000e+00 : f32
      %broadcast_in_dim3A_73 = vector.broadcast %broadcast_in_dim3A_72 : f32 to vector<16xf32>
      %mul3A_74 = arith.constant 16 : i32
      %mul3A_75 = arith.muli %scan3A_33, %mul3A_74 : i32
      %swap3A_76 = arith.index_cast %mul3A_75 : i32 to index
      %swap3A_77 = tpu.vector_load %arg14[%swap3A_76] {strides = array<i32>} : memref<8192xf32, #tpu.memory_space<vmem>>, vector<16xf32>,
      tpu.vector_store %arg14[%swap3A_76], %broadcast_in_dim3A_73 {strides = array<i32>} : memref<8192xf32, #tpu.memory_space<vmem>>, vector<16xf32>,
    }
    %scan3A_16 = arith.constant 512 : i32
    %scan3A_17 = arith.constant 0 : i32
    %scan3A_18 = arith.constant 10 : i32
    %scan3A_19 = arith.addi %scan3A_17, %scan3A_18 : i32
    %scan3A_20 = arith.constant 1 : i32
    scf.for %scan3A_33 = %scan3A_17 to %scan3A_19 step %scan3A_20  : i32 {
      %mul3A_34 = arith.constant 2 : i32
      %mul3A_35 = arith.muli %mul3A_34, %scan3A_33 : i32
      %mul3A_36 = arith.constant 2 : i32
      %mul3A_37 = arith.muli %mul3A_36, %scan3A_33 : i32
      %add3A_38 = arith.constant 1 : i32
      %add3A_39 = arith.addi %mul3A_37, %add3A_38 : i32
      %mul3A_40 = arith.constant 160 : i32
      %mul3A_41 = arith.muli %mul3A_35, %mul3A_40 : i32
      %add3A_42 = arith.addi %mul3A_2, %mul3A_41 : i32
      %min3A_43 = arith.constant 99840 : i32
      %min3A_44 = arith.minsi %add3A_42, %min3A_43 : i32
      %dma_wait3A_45 = arith.constant 0 : i32
      %dma_wait3A_46 = tpu.memref_slice %arg2[%min3A_44, %dma_wait3A_45] : memref<100000x128xf32, #tpu.memory_space<hbm>> -> memref<160x128xf32, #tpu.memory_space<hbm>>
      %dma_wait3A_47 = arith.constant 0 : i32
      %dma_wait3A_48 = tpu.memref_slice %arg2[%min3A_44, %dma_wait3A_47] : memref<100000x128xf32, #tpu.memory_space<hbm>> -> memref<160x128xf32, #tpu.memory_space<hbm>>
      tpu.wait_dma2 semaphore(%arg15 : memref<!tpu.dma_semaphore, #tpu.memory_space<semaphore_mem>>) src(%dma_wait3A_48 : memref<160x128xf32, #tpu.memory_space<hbm>>) dst(%arg7 : memref<160x128xf32, #tpu.memory_space<vmem>>)
      %dma_wait3A_49 = tpu.memref_slice %arg3[%min3A_44] : memref<100000xi32, #tpu.memory_space<hbm>> -> memref<160xi32, #tpu.memory_space<hbm>>
      %dma_wait3A_50 = tpu.memref_slice %arg3[%min3A_44] : memref<100000xi32, #tpu.memory_space<hbm>> -> memref<160xi32, #tpu.memory_space<hbm>>
      tpu.wait_dma2 semaphore(%arg17 : memref<!tpu.dma_semaphore, #tpu.memory_space<semaphore_mem>>) src(%dma_wait3A_50 : memref<160xi32, #tpu.memory_space<hbm>>) dst(%arg9 : memref<160xi32, #tpu.memory_space<vmem>>)
      %dma_wait3A_51 = tpu.memref_slice %arg4[%min3A_44] : memref<102400xf32, #tpu.memory_space<hbm>> -> memref<160xf32, #tpu.memory_space<hbm>>
      %dma_wait3A_52 = tpu.memref_slice %arg4[%min3A_44] : memref<102400xf32, #tpu.memory_space<hbm>> -> memref<160xf32, #tpu.memory_space<hbm>>
      tpu.wait_dma2 semaphore(%arg19 : memref<!tpu.dma_semaphore, #tpu.memory_space<semaphore_mem>>) src(%dma_wait3A_52 : memref<160xf32, #tpu.memory_space<hbm>>) dst(%arg11 : memref<160xf32, #tpu.memory_space<vmem>>)
      %mul3A_53 = arith.constant 160 : i32
      %mul3A_54 = arith.muli %add3A_39, %mul3A_53 : i32
      %add3A_55 = arith.addi %mul3A_2, %mul3A_54 : i32
      %min3A_56 = arith.constant 99840 : i32
      %min3A_57 = arith.minsi %add3A_55, %min3A_56 : i32
      %dma_start3A_58 = arith.constant 0 : i32
      %dma_start3A_59 = tpu.memref_slice %arg2[%min3A_57, %dma_start3A_58] : memref<100000x128xf32, #tpu.memory_space<hbm>> -> memref<160x128xf32, #tpu.memory_space<hbm>>
      %dma_start3A_60 = arith.constant 0 : i32
      %dma_start3A_61 = tpu.memref_slice %arg2[%min3A_57, %dma_start3A_60] : memref<100000x128xf32, #tpu.memory_space<hbm>> -> memref<160x128xf32, #tpu.memory_space<hbm>>
      tpu.enqueue_dma source(%dma_start3A_61 : memref<160x128xf32, #tpu.memory_space<hbm>>) target(%arg8 : memref<160x128xf32, #tpu.memory_space<vmem>>) target_semaphore(%arg16 : memref<!tpu.dma_semaphore, #tpu.memory_space<semaphore_mem>>)
      %dma_start3A_62 = tpu.memref_slice %arg3[%min3A_57] : memref<100000xi32, #tpu.memory_space<hbm>> -> memref<160xi32, #tpu.memory_space<hbm>>
      %dma_start3A_63 = tpu.memref_slice %arg3[%min3A_57] : memref<100000xi32, #tpu.memory_space<hbm>> -> memref<160xi32, #tpu.memory_space<hbm>>
      tpu.enqueue_dma source(%dma_start3A_63 : memref<160xi32, #tpu.memory_space<hbm>>) target(%arg10 : memref<160xi32, #tpu.memory_space<vmem>>) target_semaphore(%arg18 : memref<!tpu.dma_semaphore, #tpu.memory_space<semaphore_mem>>)
      %dma_start3A_64 = tpu.memref_slice %arg4[%min3A_57] : memref<102400xf32, #tpu.memory_space<hbm>> -> memref<160xf32, #tpu.memory_space<hbm>>
      %dma_start3A_65 = tpu.memref_slice %arg4[%min3A_57] : memref<102400xf32, #tpu.memory_space<hbm>> -> memref<160xf32, #tpu.memory_space<hbm>>
      tpu.enqueue_dma source(%dma_start3A_65 : memref<160xf32, #tpu.memory_space<hbm>>) target(%arg12 : memref<160xf32, #tpu.memory_space<vmem>>) target_semaphore(%arg20 : memref<!tpu.dma_semaphore, #tpu.memory_space<semaphore_mem>>)
      %mul3A_66 = arith.constant 160 : i32
      %mul3A_67 = arith.muli %mul3A_35, %mul3A_66 : i32
      %add3A_68 = arith.addi %mul3A_2, %mul3A_67 : i32
      %min3A_69 = arith.constant 99840 : i32
      %min3A_70 = arith.minsi %add3A_68, %min3A_69 : i32
      %sub3A = arith.subi %add3A_68, %min3A_70 : i32
      %add3A_71 = arith.constant 160 : i32
      %add3A_72 = arith.addi %add3A_68, %add3A_71 : i32
      %min3A_73 = arith.constant 100000 : i32
      %min3A_74 = arith.minsi %add3A_72, %min3A_73 : i32
      %sub3A_75 = arith.subi %min3A_74, %min3A_70 : i32
      %scan3A_76 = arith.constant 0 : i32
      %scan3A_77 = arith.constant 10 : i32
      %scan3A_78 = arith.addi %scan3A_76, %scan3A_77 : i32
      %scan3A_79 = arith.constant 1 : i32
      scf.for %scan3A_127 = %scan3A_76 to %scan3A_78 step %scan3A_79  : i32 {
        %mul3A_128 = arith.constant 16 : i32
        %mul3A_129 = arith.muli %scan3A_127, %mul3A_128 : i32
        %get3A = arith.index_cast %mul3A_129 : i32 to index
        %get3A_130 = tpu.vector_load %arg9[%get3A] {strides = array<i32>} : memref<160xi32, #tpu.memory_space<vmem>>, vector<16xi32>,
        %mul3A_131 = arith.constant 16 : i32
        %mul3A_132 = arith.muli %scan3A_127, %mul3A_131 : i32
        %get3A_133 = arith.index_cast %mul3A_132 : i32 to index
        %get3A_134 = tpu.vector_load %arg11[%get3A_133] {strides = array<i32>} : memref<160xf32, #tpu.memory_space<vmem>>, vector<16xf32>,
        %mul3A_135 = arith.constant 16 : i32
        %mul3A_136 = arith.muli %scan3A_127, %mul3A_135 : i32
        %add3A_137 = arith.constant 0 : i32
        %add3A_138 = arith.addi %mul3A_136, %add3A_137 : i32
        %get3A_139 = arith.index_cast %add3A_138 : i32 to index
        %get3A_140 = arith.constant 0 : index
        %get3A_141 = tpu.vector_load %arg7[%get3A_139, %get3A_140] {strides = array<i32>} : memref<160x128xf32, #tpu.memory_space<vmem>>, vector<16xf32>,
        %get3A_142 = arith.index_cast %add3A_138 : i32 to index
        %get3A_143 = arith.constant 16 : index
        %get3A_144 = tpu.vector_load %arg7[%get3A_142, %get3A_143] {strides = array<i32>} : memref<160x128xf32, #tpu.memory_space<vmem>>, vector<16xf32>,
        %get3A_145 = arith.index_cast %add3A_138 : i32 to index
        %get3A_146 = arith.constant 32 : index
        %get3A_147 = tpu.vector_load %arg7[%get3A_145, %get3A_146] {strides = array<i32>} : memref<160x128xf32, #tpu.memory_space<vmem>>, vector<16xf32>,
        %get3A_148 = arith.index_cast %add3A_138 : i32 to index
        %get3A_149 = arith.constant 48 : index
        %get3A_150 = tpu.vector_load %arg7[%get3A_148, %get3A_149] {strides = array<i32>} : memref<160x128xf32, #tpu.memory_space<vmem>>, vector<16xf32>,
        %get3A_151 = arith.index_cast %add3A_138 : i32 to index
        %get3A_152 = arith.constant 64 : index
        %get3A_153 = tpu.vector_load %arg7[%get3A_151, %get3A_152] {strides = array<i32>} : memref<160x128xf32, #tpu.memory_space<vmem>>, vector<16xf32>,
        %get3A_154 = arith.index_cast %add3A_138 : i32 to index
        %get3A_155 = arith.constant 80 : index
        %get3A_156 = tpu.vector_load %arg7[%get3A_154, %get3A_155] {strides = array<i32>} : memref<160x128xf32, #tpu.memory_space<vmem>>, vector<16xf32>,
        %get3A_157 = arith.index_cast %add3A_138 : i32 to index
        %get3A_158 = arith.constant 96 : index
        %get3A_159 = tpu.vector_load %arg7[%get3A_157, %get3A_158] {strides = array<i32>} : memref<160x128xf32, #tpu.memory_space<vmem>>, vector<16xf32>,
        %get3A_160 = arith.index_cast %add3A_138 : i32 to index
        %get3A_161 = arith.constant 112 : index
        %get3A_162 = tpu.vector_load %arg7[%get3A_160, %get3A_161] {strides = array<i32>} : memref<160x128xf32, #tpu.memory_space<vmem>>, vector<16xf32>,
        %mul3A_163 = arith.constant 16 : i32
        %mul3A_164 = arith.muli %scan3A_127, %mul3A_163 : i32
        %add3A_165 = arith.constant 0 : i32
        %add3A_166 = arith.addi %mul3A_164, %add3A_165 : i32
        %slice3A = vector.extract_strided_slice %get3A_130 {offsets = [0], sizes = [1], strides = [1]} : vector<16xi32> to vector<1xi32>
        %squeeze3A = vector.extract %slice3A[0] : i32 from vector<1xi32>
        %ge3A = arith.cmpi sge, %add3A_166, %sub3A : i32
        %lt3A = arith.cmpi slt, %add3A_166, %sub3A_75 : i32
        %and3A = arith.andi %ge3A, %lt3A : i1
        %slice3A_167 = vector.extract_strided_slice %get3A_134 {offsets = [0], sizes = [1], strides = [1]} : vector<16xf32> to vector<1xf32>
        %squeeze3A_168 = vector.extract %slice3A_167[0] : f32 from vector<1xf32>
        %jit3A = arith.constant 0.000000e+00 : f32
        %select_n3A = arith.select %and3A, %squeeze3A_168, %jit3A : f32
        %broadcast_in_dim3A = vector.broadcast %select_n3A : f32 to vector<16xf32>
        %mul3A_169 = arith.mulf %broadcast_in_dim3A, %get3A_141 : vector<16xf32>
        %mul3A_170 = arith.mulf %broadcast_in_dim3A, %get3A_144 : vector<16xf32>
        %mul3A_171 = arith.mulf %broadcast_in_dim3A, %get3A_147 : vector<16xf32>
        %mul3A_172 = arith.mulf %broadcast_in_dim3A, %get3A_150 : vector<16xf32>
        %mul3A_173 = arith.mulf %broadcast_in_dim3A, %get3A_153 : vector<16xf32>
        %mul3A_174 = arith.mulf %broadcast_in_dim3A, %get3A_156 : vector<16xf32>
        %mul3A_175 = arith.mulf %broadcast_in_dim3A, %get3A_159 : vector<16xf32>
        %mul3A_176 = arith.mulf %broadcast_in_dim3A, %get3A_162 : vector<16xf32>
        %mul3A_177 = arith.constant 16 : i32
        %mul3A_178 = arith.muli %scan3A_127, %mul3A_177 : i32
        %add3A_179 = arith.constant 1 : i32
        %add3A_180 = arith.addi %mul3A_178, %add3A_179 : i32
        %get3A_181 = arith.index_cast %add3A_180 : i32 to index
        %get3A_182 = arith.constant 0 : index
        %get3A_183 = tpu.vector_load %arg7[%get3A_181, %get3A_182] {strides = array<i32>} : memref<160x128xf32, #tpu.memory_space<vmem>>, vector<16xf32>,
        %get3A_184 = arith.index_cast %add3A_180 : i32 to index
        %get3A_185 = arith.constant 16 : index
        %get3A_186 = tpu.vector_load %arg7[%get3A_184, %get3A_185] {strides = array<i32>} : memref<160x128xf32, #tpu.memory_space<vmem>>, vector<16xf32>,
        %get3A_187 = arith.index_cast %add3A_180 : i32 to index
        %get3A_188 = arith.constant 32 : index
        %get3A_189 = tpu.vector_load %arg7[%get3A_187, %get3A_188] {strides = array<i32>} : memref<160x128xf32, #tpu.memory_space<vmem>>, vector<16xf32>,
        %get3A_190 = arith.index_cast %add3A_180 : i32 to index
        %get3A_191 = arith.constant 48 : index
        %get3A_192 = tpu.vector_load %arg7[%get3A_190, %get3A_191] {strides = array<i32>} : memref<160x128xf32, #tpu.memory_space<vmem>>, vector<16xf32>,
        %get3A_193 = arith.index_cast %add3A_180 : i32 to index
        %get3A_194 = arith.constant 64 : index
        %get3A_195 = tpu.vector_load %arg7[%get3A_193, %get3A_194] {strides = array<i32>} : memref<160x128xf32, #tpu.memory_space<vmem>>, vector<16xf32>,
        %get3A_196 = arith.index_cast %add3A_180 : i32 to index
        %get3A_197 = arith.constant 80 : index
        %get3A_198 = tpu.vector_load %arg7[%get3A_196, %get3A_197] {strides = array<i32>} : memref<160x128xf32, #tpu.memory_space<vmem>>, vector<16xf32>,
        %get3A_199 = arith.index_cast %add3A_180 : i32 to index
        %get3A_200 = arith.constant 96 : index
        %get3A_201 = tpu.vector_load %arg7[%get3A_199, %get3A_200] {strides = array<i32>} : memref<160x128xf32, #tpu.memory_space<vmem>>, vector<16xf32>,
        %get3A_202 = arith.index_cast %add3A_180 : i32 to index
        %get3A_203 = arith.constant 112 : index
        %get3A_204 = tpu.vector_load %arg7[%get3A_202, %get3A_203] {strides = array<i32>} : memref<160x128xf32, #tpu.memory_space<vmem>>, vector<16xf32>,
        %swap3A = arith.index_cast %squeeze3A : i32 to index
        %swap3A_205 = arith.constant 0 : index
        %swap3A_206 = tpu.vector_load %arg13[%swap3A, %swap3A_205] {strides = array<i32>} : memref<512x128xf32, #tpu.memory_space<vmem>>, vector<16xf32>,
        tpu.vector_store %arg13[%swap3A, %swap3A_205], %mul3A_169 {add = true, strides = array<i32>} : memref<512x128xf32, #tpu.memory_space<vmem>>, vector<16xf32>,
        %swap3A_207 = arith.index_cast %squeeze3A : i32 to index
        %swap3A_208 = arith.constant 16 : index
        %swap3A_209 = tpu.vector_load %arg13[%swap3A_207, %swap3A_208] {strides = array<i32>} : memref<512x128xf32, #tpu.memory_space<vmem>>, vector<16xf32>,
        tpu.vector_store %arg13[%swap3A_207, %swap3A_208], %mul3A_170 {add = true, strides = array<i32>} : memref<512x128xf32, #tpu.memory_space<vmem>>, vector<16xf32>,
        %swap3A_210 = arith.index_cast %squeeze3A : i32 to index
        %swap3A_211 = arith.constant 32 : index
        %swap3A_212 = tpu.vector_load %arg13[%swap3A_210, %swap3A_211] {strides = array<i32>} : memref<512x128xf32, #tpu.memory_space<vmem>>, vector<16xf32>,
        tpu.vector_store %arg13[%swap3A_210, %swap3A_211], %mul3A_171 {add = true, strides = array<i32>} : memref<512x128xf32, #tpu.memory_space<vmem>>, vector<16xf32>,
        %swap3A_213 = arith.index_cast %squeeze3A : i32 to index
        %swap3A_214 = arith.constant 48 : index
        %swap3A_215 = tpu.vector_load %arg13[%swap3A_213, %swap3A_214] {strides = array<i32>} : memref<512x128xf32, #tpu.memory_space<vmem>>, vector<16xf32>,
        tpu.vector_store %arg13[%swap3A_213, %swap3A_214], %mul3A_172 {add = true, strides = array<i32>} : memref<512x128xf32, #tpu.memory_space<vmem>>, vector<16xf32>,
        %swap3A_216 = arith.index_cast %squeeze3A : i32 to index
        %swap3A_217 = arith.constant 64 : index
        %swap3A_218 = tpu.vector_load %arg13[%swap3A_216, %swap3A_217] {strides = array<i32>} : memref<512x128xf32, #tpu.memory_space<vmem>>, vector<16xf32>,
        tpu.vector_store %arg13[%swap3A_216, %swap3A_217], %mul3A_173 {add = true, strides = array<i32>} : memref<512x128xf32, #tpu.memory_space<vmem>>, vector<16xf32>,
        %swap3A_219 = arith.index_cast %squeeze3A : i32 to index
        %swap3A_220 = arith.constant 80 : index
        %swap3A_221 = tpu.vector_load %arg13[%swap3A_219, %swap3A_220] {strides = array<i32>} : memref<512x128xf32, #tpu.memory_space<vmem>>, vector<16xf32>,
        tpu.vector_store %arg13[%swap3A_219, %swap3A_220], %mul3A_174 {add = true, strides = array<i32>} : memref<512x128xf32, #tpu.memory_space<vmem>>, vector<16xf32>,
        %swap3A_222 = arith.index_cast %squeeze3A : i32 to index
        %swap3A_223 = arith.constant 96 : index
        %swap3A_224 = tpu.vector_load %arg13[%swap3A_222, %swap3A_223] {strides = array<i32>} : memref<512x128xf32, #tpu.memory_space<vmem>>, vector<16xf32>,
        tpu.vector_store %arg13[%swap3A_222, %swap3A_223], %mul3A_175 {add = true, strides = array<i32>} : memref<512x128xf32, #tpu.memory_space<vmem>>, vector<16xf32>,
        %swap3A_225 = arith.index_cast %squeeze3A : i32 to index
        %swap3A_226 = arith.constant 112 : index
        %swap3A_227 = tpu.vector_load %arg13[%swap3A_225, %swap3A_226] {strides = array<i32>} : memref<512x128xf32, #tpu.memory_space<vmem>>, vector<16xf32>,
        tpu.vector_store %arg13[%swap3A_225, %swap3A_226], %mul3A_176 {add = true, strides = array<i32>} : memref<512x128xf32, #tpu.memory_space<vmem>>, vector<16xf32>,
        %mul3A_228 = arith.constant 16 : i32
        %mul3A_229 = arith.muli %squeeze3A, %mul3A_228 : i32
        %swap3A_230 = arith.index_cast %mul3A_229 : i32 to index
        %swap3A_231 = tpu.vector_load %arg14[%swap3A_230] {strides = array<i32>} : memref<8192xf32, #tpu.memory_space<vmem>>, vector<16xf32>,
        tpu.vector_store %arg14[%swap3A_230], %broadcast_in_dim3A {add = true, strides = array<i32>} : memref<8192xf32, #tpu.memory_space<vmem>>, vector<16xf32>,
        %mul3A_232 = arith.constant 16 : i32
        %mul3A_233 = arith.muli %scan3A_127, %mul3A_232 : i32
        %add3A_234 = arith.constant 1 : i32
        %add3A_235 = arith.addi %mul3A_233, %add3A_234 : i32
        %slice3A_236 = vector.extract_strided_slice %get3A_130 {offsets = [1], sizes = [1], strides = [1]} : vector<16xi32> to vector<1xi32>
        %squeeze3A_237 = vector.extract %slice3A_236[0] : i32 from vector<1xi32>
        %ge3A_238 = arith.cmpi sge, %add3A_235, %sub3A : i32
        %lt3A_239 = arith.cmpi slt, %add3A_235, %sub3A_75 : i32
        %and3A_240 = arith.andi %ge3A_238, %lt3A_239 : i1
        %slice3A_241 = vector.extract_strided_slice %get3A_134 {offsets = [1], sizes = [1], strides = [1]} : vector<16xf32> to vector<1xf32>
        %squeeze3A_242 = vector.extract %slice3A_241[0] : f32 from vector<1xf32>
        %jit3A_243 = arith.constant 0.000000e+00 : f32
        %select_n3A_244 = arith.select %and3A_240, %squeeze3A_242, %jit3A_243 : f32
        %broadcast_in_dim3A_245 = vector.broadcast %select_n3A_244 : f32 to vector<16xf32>
        %mul3A_246 = arith.mulf %broadcast_in_dim3A_245, %get3A_183 : vector<16xf32>
        %mul3A_247 = arith.mulf %broadcast_in_dim3A_245, %get3A_186 : vector<16xf32>
        %mul3A_248 = arith.mulf %broadcast_in_dim3A_245, %get3A_189 : vector<16xf32>
        %mul3A_249 = arith.mulf %broadcast_in_dim3A_245, %get3A_192 : vector<16xf32>
        %mul3A_250 = arith.mulf %broadcast_in_dim3A_245, %get3A_195 : vector<16xf32>
        %mul3A_251 = arith.mulf %broadcast_in_dim3A_245, %get3A_198 : vector<16xf32>
        %mul3A_252 = arith.mulf %broadcast_in_dim3A_245, %get3A_201 : vector<16xf32>
        %mul3A_253 = arith.mulf %broadcast_in_dim3A_245, %get3A_204 : vector<16xf32>
        %mul3A_254 = arith.constant 16 : i32
        %mul3A_255 = arith.muli %scan3A_127, %mul3A_254 : i32
        %add3A_256 = arith.constant 2 : i32
        %add3A_257 = arith.addi %mul3A_255, %add3A_256 : i32
        %get3A_258 = arith.index_cast %add3A_257 : i32 to index
        %get3A_259 = arith.constant 0 : index
        %get3A_260 = tpu.vector_load %arg7[%get3A_258, %get3A_259] {strides = array<i32>} : memref<160x128xf32, #tpu.memory_space<vmem>>, vector<16xf32>,
        %get3A_261 = arith.index_cast %add3A_257 : i32 to index
        %get3A_262 = arith.constant 16 : index
        %get3A_263 = tpu.vector_load %arg7[%get3A_261, %get3A_262] {strides = array<i32>} : memref<160x128xf32, #tpu.memory_space<vmem>>, vector<16xf32>,
        %get3A_264 = arith.index_cast %add3A_257 : i32 to index
        %get3A_265 = arith.constant 32 : index
        %get3A_266 = tpu.vector_load %arg7[%get3A_264, %get3A_265] {strides = array<i32>} : memref<160x128xf32, #tpu.memory_space<vmem>>, vector<16xf32>,
        %get3A_267 = arith.index_cast %add3A_257 : i32 to index
        %get3A_268 = arith.constant 48 : index
        %get3A_269 = tpu.vector_load %arg7[%get3A_267, %get3A_268] {strides = array<i32>} : memref<160x128xf32, #tpu.memory_space<vmem>>, vector<16xf32>,
        %get3A_270 = arith.index_cast %add3A_257 : i32 to index
        %get3A_271 = arith.constant 64 : index
        %get3A_272 = tpu.vector_load %arg7[%get3A_270, %get3A_271] {strides = array<i32>} : memref<160x128xf32, #tpu.memory_space<vmem>>, vector<16xf32>,
        %get3A_273 = arith.index_cast %add3A_257 : i32 to index
        %get3A_274 = arith.constant 80 : index
        %get3A_275 = tpu.vector_load %arg7[%get3A_273, %get3A_274] {strides = array<i32>} : memref<160x128xf32, #tpu.memory_space<vmem>>, vector<16xf32>,
        %get3A_276 = arith.index_cast %add3A_257 : i32 to index
        %get3A_277 = arith.constant 96 : index
        %get3A_278 = tpu.vector_load %arg7[%get3A_276, %get3A_277] {strides = array<i32>} : memref<160x128xf32, #tpu.memory_space<vmem>>, vector<16xf32>,
        %get3A_279 = arith.index_cast %add3A_257 : i32 to index
        %get3A_280 = arith.constant 112 : index
        %get3A_281 = tpu.vector_load %arg7[%get3A_279, %get3A_280] {strides = array<i32>} : memref<160x128xf32, #tpu.memory_space<vmem>>, vector<16xf32>,
        %swap3A_282 = arith.index_cast %squeeze3A_237 : i32 to index
        %swap3A_283 = arith.constant 0 : index
        %swap3A_284 = tpu.vector_load %arg13[%swap3A_282, %swap3A_283] {strides = array<i32>} : memref<512x128xf32, #tpu.memory_space<vmem>>, vector<16xf32>,
        tpu.vector_store %arg13[%swap3A_282, %swap3A_283], %mul3A_246 {add = true, strides = array<i32>} : memref<512x128xf32, #tpu.memory_space<vmem>>, vector<16xf32>,
        %swap3A_285 = arith.index_cast %squeeze3A_237 : i32 to index
        %swap3A_286 = arith.constant 16 : index
        %swap3A_287 = tpu.vector_load %arg13[%swap3A_285, %swap3A_286] {strides = array<i32>} : memref<512x128xf32, #tpu.memory_space<vmem>>, vector<16xf32>,
        tpu.vector_store %arg13[%swap3A_285, %swap3A_286], %mul3A_247 {add = true, strides = array<i32>} : memref<512x128xf32, #tpu.memory_space<vmem>>, vector<16xf32>,
        %swap3A_288 = arith.index_cast %squeeze3A_237 : i32 to index
        %swap3A_289 = arith.constant 32 : index
        %swap3A_290 = tpu.vector_load %arg13[%swap3A_288, %swap3A_289] {strides = array<i32>} : memref<512x128xf32, #tpu.memory_space<vmem>>, vector<16xf32>,
        tpu.vector_store %arg13[%swap3A_288, %swap3A_289], %mul3A_248 {add = true, strides = array<i32>} : memref<512x128xf32, #tpu.memory_space<vmem>>, vector<16xf32>,
        %swap3A_291 = arith.index_cast %squeeze3A_237 : i32 to index
        %swap3A_292 = arith.constant 48 : index
        %swap3A_293 = tpu.vector_load %arg13[%swap3A_291, %swap3A_292] {strides = array<i32>} : memref<512x128xf32, #tpu.memory_space<vmem>>, vector<16xf32>,
        tpu.vector_store %arg13[%swap3A_291, %swap3A_292], %mul3A_249 {add = true, strides = array<i32>} : memref<512x128xf32, #tpu.memory_space<vmem>>, vector<16xf32>,
        %swap3A_294 = arith.index_cast %squeeze3A_237 : i32 to index
        %swap3A_295 = arith.constant 64 : index
        %swap3A_296 = tpu.vector_load %arg13[%swap3A_294, %swap3A_295] {strides = array<i32>} : memref<512x128xf32, #tpu.memory_space<vmem>>, vector<16xf32>,
        tpu.vector_store %arg13[%swap3A_294, %swap3A_295], %mul3A_250 {add = true, strides = array<i32>} : memref<512x128xf32, #tpu.memory_space<vmem>>, vector<16xf32>,
        %swap3A_297 = arith.index_cast %squeeze3A_237 : i32 to index
        %swap3A_298 = arith.constant 80 : index
        %swap3A_299 = tpu.vector_load %arg13[%swap3A_297, %swap3A_298] {strides = array<i32>} : memref<512x128xf32, #tpu.memory_space<vmem>>, vector<16xf32>,
        tpu.vector_store %arg13[%swap3A_297, %swap3A_298], %mul3A_251 {add = true, strides = array<i32>} : memref<512x128xf32, #tpu.memory_space<vmem>>, vector<16xf32>,
        %swap3A_300 = arith.index_cast %squeeze3A_237 : i32 to index
        %swap3A_301 = arith.constant 96 : index
        %swap3A_302 = tpu.vector_load %arg13[%swap3A_300, %swap3A_301] {strides = array<i32>} : memref<512x128xf32, #tpu.memory_space<vmem>>, vector<16xf32>,
        tpu.vector_store %arg13[%swap3A_300, %swap3A_301], %mul3A_252 {add = true, strides = array<i32>} : memref<512x128xf32, #tpu.memory_space<vmem>>, vector<16xf32>,
        %swap3A_303 = arith.index_cast %squeeze3A_237 : i32 to index
        %swap3A_304 = arith.constant 112 : index
        %swap3A_305 = tpu.vector_load %arg13[%swap3A_303, %swap3A_304] {strides = array<i32>} : memref<512x128xf32, #tpu.memory_space<vmem>>, vector<16xf32>,
        tpu.vector_store %arg13[%swap3A_303, %swap3A_304], %mul3A_253 {add = true, strides = array<i32>} : memref<512x128xf32, #tpu.memory_space<vmem>>, vector<16xf32>,
        %mul3A_306 = arith.constant 16 : i32
        %mul3A_307 = arith.muli %squeeze3A_237, %mul3A_306 : i32
        %swap3A_308 = arith.index_cast %mul3A_307 : i32 to index
        %swap3A_309 = tpu.vector_load %arg14[%swap3A_308] {strides = array<i32>} : memref<8192xf32, #tpu.memory_space<vmem>>, vector<16xf32>,
        tpu.vector_store %arg14[%swap3A_308], %broadcast_in_dim3A_245 {add = true, strides = array<i32>} : memref<8192xf32, #tpu.memory_space<vmem>>, vector<16xf32>,
        %mul3A_310 = arith.constant 16 : i32
        %mul3A_311 = arith.muli %scan3A_127, %mul3A_310 : i32
        %add3A_312 = arith.constant 2 : i32
        %add3A_313 = arith.addi %mul3A_311, %add3A_312 : i32
        %slice3A_314 = vector.extract_strided_slice %get3A_130 {offsets = [2], sizes = [1], strides = [1]} : vector<16xi32> to vector<1xi32>
        %squeeze3A_315 = vector.extract %slice3A_314[0] : i32 from vector<1xi32>
        %ge3A_316 = arith.cmpi sge, %add3A_313, %sub3A : i32
        %lt3A_317 = arith.cmpi slt, %add3A_313, %sub3A_75 : i32
        %and3A_318 = arith.andi %ge3A_316, %lt3A_317 : i1
        %slice3A_319 = vector.extract_strided_slice %get3A_134 {offsets = [2], sizes = [1], strides = [1]} : vector<16xf32> to vector<1xf32>
        %squeeze3A_320 = vector.extract %slice3A_319[0] : f32 from vector<1xf32>
        %jit3A_321 = arith.constant 0.000000e+00 : f32
        %select_n3A_322 = arith.select %and3A_318, %squeeze3A_320, %jit3A_321 : f32
        %broadcast_in_dim3A_323 = vector.broadcast %select_n3A_322 : f32 to vector<16xf32>
        %mul3A_324 = arith.mulf %broadcast_in_dim3A_323, %get3A_260 : vector<16xf32>
        %mul3A_325 = arith.mulf %broadcast_in_dim3A_323, %get3A_263 : vector<16xf32>
        %mul3A_326 = arith.mulf %broadcast_in_dim3A_323, %get3A_266 : vector<16xf32>
        %mul3A_327 = arith.mulf %broadcast_in_dim3A_323, %get3A_269 : vector<16xf32>
        %mul3A_328 = arith.mulf %broadcast_in_dim3A_323, %get3A_272 : vector<16xf32>
        %mul3A_329 = arith.mulf %broadcast_in_dim3A_323, %get3A_275 : vector<16xf32>
        %mul3A_330 = arith.mulf %broadcast_in_dim3A_323, %get3A_278 : vector<16xf32>
        %mul3A_331 = arith.mulf %broadcast_in_dim3A_323, %get3A_281 : vector<16xf32>
        %mul3A_332 = arith.constant 16 : i32
        %mul3A_333 = arith.muli %scan3A_127, %mul3A_332 : i32
        %add3A_334 = arith.constant 3 : i32
        %add3A_335 = arith.addi %mul3A_333, %add3A_334 : i32
        %get3A_336 = arith.index_cast %add3A_335 : i32 to index
        %get3A_337 = arith.constant 0 : index
        %get3A_338 = tpu.vector_load %arg7[%get3A_336, %get3A_337] {strides = array<i32>} : memref<160x128xf32, #tpu.memory_space<vmem>>, vector<16xf32>,
        %get3A_339 = arith.index_cast %add3A_335 : i32 to index
        %get3A_340 = arith.constant 16 : index
        %get3A_341 = tpu.vector_load %arg7[%get3A_339, %get3A_340] {strides = array<i32>} : memref<160x128xf32, #tpu.memory_space<vmem>>, vector<16xf32>,
        %get3A_342 = arith.index_cast %add3A_335 : i32 to index
        %get3A_343 = arith.constant 32 : index
        %get3A_344 = tpu.vector_load %arg7[%get3A_342, %get3A_343] {strides = array<i32>} : memref<160x128xf32, #tpu.memory_space<vmem>>, vector<16xf32>,
        %get3A_345 = arith.index_cast %add3A_335 : i32 to index
        %get3A_346 = arith.constant 48 : index
        %get3A_347 = tpu.vector_load %arg7[%get3A_345, %get3A_346] {strides = array<i32>} : memref<160x128xf32, #tpu.memory_space<vmem>>, vector<16xf32>,
        %get3A_348 = arith.index_cast %add3A_335 : i32 to index
        %get3A_349 = arith.constant 64 : index
        %get3A_350 = tpu.vector_load %arg7[%get3A_348, %get3A_349] {strides = array<i32>} : memref<160x128xf32, #tpu.memory_space<vmem>>, vector<16xf32>,
        %get3A_351 = arith.index_cast %add3A_335 : i32 to index
        %get3A_352 = arith.constant 80 : index
        %get3A_353 = tpu.vector_load %arg7[%get3A_351, %get3A_352] {strides = array<i32>} : memref<160x128xf32, #tpu.memory_space<vmem>>, vector<16xf32>,
        %get3A_354 = arith.index_cast %add3A_335 : i32 to index
        %get3A_355 = arith.constant 96 : index
        %get3A_356 = tpu.vector_load %arg7[%get3A_354, %get3A_355] {strides = array<i32>} : memref<160x128xf32, #tpu.memory_space<vmem>>, vector<16xf32>,
        %get3A_357 = arith.index_cast %add3A_335 : i32 to index
        %get3A_358 = arith.constant 112 : index
        %get3A_359 = tpu.vector_load %arg7[%get3A_357, %get3A_358] {strides = array<i32>} : memref<160x128xf32, #tpu.memory_space<vmem>>, vector<16xf32>,
        %swap3A_360 = arith.index_cast %squeeze3A_315 : i32 to index
        %swap3A_361 = arith.constant 0 : index
        %swap3A_362 = tpu.vector_load %arg13[%swap3A_360, %swap3A_361] {strides = array<i32>} : memref<512x128xf32, #tpu.memory_space<vmem>>, vector<16xf32>,
        tpu.vector_store %arg13[%swap3A_360, %swap3A_361], %mul3A_324 {add = true, strides = array<i32>} : memref<512x128xf32, #tpu.memory_space<vmem>>, vector<16xf32>,
        %swap3A_363 = arith.index_cast %squeeze3A_315 : i32 to index
        %swap3A_364 = arith.constant 16 : index
        %swap3A_365 = tpu.vector_load %arg13[%swap3A_363, %swap3A_364] {strides = array<i32>} : memref<512x128xf32, #tpu.memory_space<vmem>>, vector<16xf32>,
        tpu.vector_store %arg13[%swap3A_363, %swap3A_364], %mul3A_325 {add = true, strides = array<i32>} : memref<512x128xf32, #tpu.memory_space<vmem>>, vector<16xf32>,
        %swap3A_366 = arith.index_cast %squeeze3A_315 : i32 to index
        %swap3A_367 = arith.constant 32 : index
        %swap3A_368 = tpu.vector_load %arg13[%swap3A_366, %swap3A_367] {strides = array<i32>} : memref<512x128xf32, #tpu.memory_space<vmem>>, vector<16xf32>,
        tpu.vector_store %arg13[%swap3A_366, %swap3A_367], %mul3A_326 {add = true, strides = array<i32>} : memref<512x128xf32, #tpu.memory_space<vmem>>, vector<16xf32>,
        %swap3A_369 = arith.index_cast %squeeze3A_315 : i32 to index
        %swap3A_370 = arith.constant 48 : index
        %swap3A_371 = tpu.vector_load %arg13[%swap3A_369, %swap3A_370] {strides = array<i32>} : memref<512x128xf32, #tpu.memory_space<vmem>>, vector<16xf32>,
        tpu.vector_store %arg13[%swap3A_369, %swap3A_370], %mul3A_327 {add = true, strides = array<i32>} : memref<512x128xf32, #tpu.memory_space<vmem>>, vector<16xf32>,
        %swap3A_372 = arith.index_cast %squeeze3A_315 : i32 to index
        %swap3A_373 = arith.constant 64 : index
        %swap3A_374 = tpu.vector_load %arg13[%swap3A_372, %swap3A_373] {strides = array<i32>} : memref<512x128xf32, #tpu.memory_space<vmem>>, vector<16xf32>,
        tpu.vector_store %arg13[%swap3A_372, %swap3A_373], %mul3A_328 {add = true, strides = array<i32>} : memref<512x128xf32, #tpu.memory_space<vmem>>, vector<16xf32>,
        %swap3A_375 = arith.index_cast %squeeze3A_315 : i32 to index
        %swap3A_376 = arith.constant 80 : index
        %swap3A_377 = tpu.vector_load %arg13[%swap3A_375, %swap3A_376] {strides = array<i32>} : memref<512x128xf32, #tpu.memory_space<vmem>>, vector<16xf32>,
        tpu.vector_store %arg13[%swap3A_375, %swap3A_376], %mul3A_329 {add = true, strides = array<i32>} : memref<512x128xf32, #tpu.memory_space<vmem>>, vector<16xf32>,
        %swap3A_378 = arith.index_cast %squeeze3A_315 : i32 to index
        %swap3A_379 = arith.constant 96 : index
        %swap3A_380 = tpu.vector_load %arg13[%swap3A_378, %swap3A_379] {strides = array<i32>} : memref<512x128xf32, #tpu.memory_space<vmem>>, vector<16xf32>,
        tpu.vector_store %arg13[%swap3A_378, %swap3A_379], %mul3A_330 {add = true, strides = array<i32>} : memref<512x128xf32, #tpu.memory_space<vmem>>, vector<16xf32>,
        %swap3A_381 = arith.index_cast %squeeze3A_315 : i32 to index
        %swap3A_382 = arith.constant 112 : index
        %swap3A_383 = tpu.vector_load %arg13[%swap3A_381, %swap3A_382] {strides = array<i32>} : memref<512x128xf32, #tpu.memory_space<vmem>>, vector<16xf32>,
        tpu.vector_store %arg13[%swap3A_381, %swap3A_382], %mul3A_331 {add = true, strides = array<i32>} : memref<512x128xf32, #tpu.memory_space<vmem>>, vector<16xf32>,
        %mul3A_384 = arith.constant 16 : i32
        %mul3A_385 = arith.muli %squeeze3A_315, %mul3A_384 : i32
        %swap3A_386 = arith.index_cast %mul3A_385 : i32 to index
        %swap3A_387 = tpu.vector_load %arg14[%swap3A_386] {strides = array<i32>} : memref<8192xf32, #tpu.memory_space<vmem>>, vector<16xf32>,
        tpu.vector_store %arg14[%swap3A_386], %broadcast_in_dim3A_323 {add = true, strides = array<i32>} : memref<8192xf32, #tpu.memory_space<vmem>>, vector<16xf32>,
        %mul3A_388 = arith.constant 16 : i32
        %mul3A_389 = arith.muli %scan3A_127, %mul3A_388 : i32
        %add3A_390 = arith.constant 3 : i32
        %add3A_391 = arith.addi %mul3A_389, %add3A_390 : i32
        %slice3A_392 = vector.extract_strided_slice %get3A_130 {offsets = [3], sizes = [1], strides = [1]} : vector<16xi32> to vector<1xi32>
        %squeeze3A_393 = vector.extract %slice3A_392[0] : i32 from vector<1xi32>
        %ge3A_394 = arith.cmpi sge, %add3A_391, %sub3A : i32
        %lt3A_395 = arith.cmpi slt, %add3A_391, %sub3A_75 : i32
        %and3A_396 = arith.andi %ge3A_394, %lt3A_395 : i1
        %slice3A_397 = vector.extract_strided_slice %get3A_134 {offsets = [3], sizes = [1], strides = [1]} : vector<16xf32> to vector<1xf32>
        %squeeze3A_398 = vector.extract %slice3A_397[0] : f32 from vector<1xf32>
        %jit3A_399 = arith.constant 0.000000e+00 : f32
        %select_n3A_400 = arith.select %and3A_396, %squeeze3A_398, %jit3A_399 : f32
        %broadcast_in_dim3A_401 = vector.broadcast %select_n3A_400 : f32 to vector<16xf32>
        %mul3A_402 = arith.mulf %broadcast_in_dim3A_401, %get3A_338 : vector<16xf32>
        %mul3A_403 = arith.mulf %broadcast_in_dim3A_401, %get3A_341 : vector<16xf32>
        %mul3A_404 = arith.mulf %broadcast_in_dim3A_401, %get3A_344 : vector<16xf32>
        %mul3A_405 = arith.mulf %broadcast_in_dim3A_401, %get3A_347 : vector<16xf32>
        %mul3A_406 = arith.mulf %broadcast_in_dim3A_401, %get3A_350 : vector<16xf32>
        %mul3A_407 = arith.mulf %broadcast_in_dim3A_401, %get3A_353 : vector<16xf32>
        %mul3A_408 = arith.mulf %broadcast_in_dim3A_401, %get3A_356 : vector<16xf32>
        %mul3A_409 = arith.mulf %broadcast_in_dim3A_401, %get3A_359 : vector<16xf32>
        %mul3A_410 = arith.constant 16 : i32
        %mul3A_411 = arith.muli %scan3A_127, %mul3A_410 : i32
        %add3A_412 = arith.constant 4 : i32
        %add3A_413 = arith.addi %mul3A_411, %add3A_412 : i32
        %get3A_414 = arith.index_cast %add3A_413 : i32 to index
        %get3A_415 = arith.constant 0 : index
        %get3A_416 = tpu.vector_load %arg7[%get3A_414, %get3A_415] {strides = array<i32>} : memref<160x128xf32, #tpu.memory_space<vmem>>, vector<16xf32>,
        %get3A_417 = arith.index_cast %add3A_413 : i32 to index
        %get3A_418 = arith.constant 16 : index
        %get3A_419 = tpu.vector_load %arg7[%get3A_417, %get3A_418] {strides = array<i32>} : memref<160x128xf32, #tpu.memory_space<vmem>>, vector<16xf32>,
        %get3A_420 = arith.index_cast %add3A_413 : i32 to index
        %get3A_421 = arith.constant 32 : index
        %get3A_422 = tpu.vector_load %arg7[%get3A_420, %get3A_421] {strides = array<i32>} : memref<160x128xf32, #tpu.memory_space<vmem>>, vector<16xf32>,
        %get3A_423 = arith.index_cast %add3A_413 : i32 to index
        %get3A_424 = arith.constant 48 : index
        %get3A_425 = tpu.vector_load %arg7[%get3A_423, %get3A_424] {strides = array<i32>} : memref<160x128xf32, #tpu.memory_space<vmem>>, vector<16xf32>,
        %get3A_426 = arith.index_cast %add3A_413 : i32 to index
        %get3A_427 = arith.constant 64 : index
        %get3A_428 = tpu.vector_load %arg7[%get3A_426, %get3A_427] {strides = array<i32>} : memref<160x128xf32, #tpu.memory_space<vmem>>, vector<16xf32>,
        %get3A_429 = arith.index_cast %add3A_413 : i32 to index
        %get3A_430 = arith.constant 80 : index
        %get3A_431 = tpu.vector_load %arg7[%get3A_429, %get3A_430] {strides = array<i32>} : memref<160x128xf32, #tpu.memory_space<vmem>>, vector<16xf32>,
        %get3A_432 = arith.index_cast %add3A_413 : i32 to index
        %get3A_433 = arith.constant 96 : index
        %get3A_434 = tpu.vector_load %arg7[%get3A_432, %get3A_433] {strides = array<i32>} : memref<160x128xf32, #tpu.memory_space<vmem>>, vector<16xf32>,
        %get3A_435 = arith.index_cast %add3A_413 : i32 to index
        %get3A_436 = arith.constant 112 : index
        %get3A_437 = tpu.vector_load %arg7[%get3A_435, %get3A_436] {strides = array<i32>} : memref<160x128xf32, #tpu.memory_space<vmem>>, vector<16xf32>,
        %swap3A_438 = arith.index_cast %squeeze3A_393 : i32 to index
        %swap3A_439 = arith.constant 0 : index
        %swap3A_440 = tpu.vector_load %arg13[%swap3A_438, %swap3A_439] {strides = array<i32>} : memref<512x128xf32, #tpu.memory_space<vmem>>, vector<16xf32>,
        tpu.vector_store %arg13[%swap3A_438, %swap3A_439], %mul3A_402 {add = true, strides = array<i32>} : memref<512x128xf32, #tpu.memory_space<vmem>>, vector<16xf32>,
        %swap3A_441 = arith.index_cast %squeeze3A_393 : i32 to index
        %swap3A_442 = arith.constant 16 : index
        %swap3A_443 = tpu.vector_load %arg13[%swap3A_441, %swap3A_442] {strides = array<i32>} : memref<512x128xf32, #tpu.memory_space<vmem>>, vector<16xf32>,
        tpu.vector_store %arg13[%swap3A_441, %swap3A_442], %mul3A_403 {add = true, strides = array<i32>} : memref<512x128xf32, #tpu.memory_space<vmem>>, vector<16xf32>,
        %swap3A_444 = arith.index_cast %squeeze3A_393 : i32 to index
        %swap3A_445 = arith.constant 32 : index
        %swap3A_446 = tpu.vector_load %arg13[%swap3A_444, %swap3A_445] {strides = array<i32>} : memref<512x128xf32, #tpu.memory_space<vmem>>, vector<16xf32>,
        tpu.vector_store %arg13[%swap3A_444, %swap3A_445], %mul3A_404 {add = true, strides = array<i32>} : memref<512x128xf32, #tpu.memory_space<vmem>>, vector<16xf32>,
        %swap3A_447 = arith.index_cast %squeeze3A_393 : i32 to index
        %swap3A_448 = arith.constant 48 : index
        %swap3A_449 = tpu.vector_load %arg13[%swap3A_447, %swap3A_448] {strides = array<i32>} : memref<512x128xf32, #tpu.memory_space<vmem>>, vector<16xf32>,
        tpu.vector_store %arg13[%swap3A_447, %swap3A_448], %mul3A_405 {add = true, strides = array<i32>} : memref<512x128xf32, #tpu.memory_space<vmem>>, vector<16xf32>,
        %swap3A_450 = arith.index_cast %squeeze3A_393 : i32 to index
        %swap3A_451 = arith.constant 64 : index
        %swap3A_452 = tpu.vector_load %arg13[%swap3A_450, %swap3A_451] {strides = array<i32>} : memref<512x128xf32, #tpu.memory_space<vmem>>, vector<16xf32>,
        tpu.vector_store %arg13[%swap3A_450, %swap3A_451], %mul3A_406 {add = true, strides = array<i32>} : memref<512x128xf32, #tpu.memory_space<vmem>>, vector<16xf32>,
        %swap3A_453 = arith.index_cast %squeeze3A_393 : i32 to index
        %swap3A_454 = arith.constant 80 : index
        %swap3A_455 = tpu.vector_load %arg13[%swap3A_453, %swap3A_454] {strides = array<i32>} : memref<512x128xf32, #tpu.memory_space<vmem>>, vector<16xf32>,
        tpu.vector_store %arg13[%swap3A_453, %swap3A_454], %mul3A_407 {add = true, strides = array<i32>} : memref<512x128xf32, #tpu.memory_space<vmem>>, vector<16xf32>,
        %swap3A_456 = arith.index_cast %squeeze3A_393 : i32 to index
        %swap3A_457 = arith.constant 96 : index
        %swap3A_458 = tpu.vector_load %arg13[%swap3A_456, %swap3A_457] {strides = array<i32>} : memref<512x128xf32, #tpu.memory_space<vmem>>, vector<16xf32>,
        tpu.vector_store %arg13[%swap3A_456, %swap3A_457], %mul3A_408 {add = true, strides = array<i32>} : memref<512x128xf32, #tpu.memory_space<vmem>>, vector<16xf32>,
        %swap3A_459 = arith.index_cast %squeeze3A_393 : i32 to index
        %swap3A_460 = arith.constant 112 : index
        %swap3A_461 = tpu.vector_load %arg13[%swap3A_459, %swap3A_460] {strides = array<i32>} : memref<512x128xf32, #tpu.memory_space<vmem>>, vector<16xf32>,
        tpu.vector_store %arg13[%swap3A_459, %swap3A_460], %mul3A_409 {add = true, strides = array<i32>} : memref<512x128xf32, #tpu.memory_space<vmem>>, vector<16xf32>,
        %mul3A_462 = arith.constant 16 : i32
        %mul3A_463 = arith.muli %squeeze3A_393, %mul3A_462 : i32
        %swap3A_464 = arith.index_cast %mul3A_463 : i32 to index
        %swap3A_465 = tpu.vector_load %arg14[%swap3A_464] {strides = array<i32>} : memref<8192xf32, #tpu.memory_space<vmem>>, vector<16xf32>,
        tpu.vector_store %arg14[%swap3A_464], %broadcast_in_dim3A_401 {add = true, strides = array<i32>} : memref<8192xf32, #tpu.memory_space<vmem>>, vector<16xf32>,
        %mul3A_466 = arith.constant 16 : i32
        %mul3A_467 = arith.muli %scan3A_127, %mul3A_466 : i32
        %add3A_468 = arith.constant 4 : i32
        %add3A_469 = arith.addi %mul3A_467, %add3A_468 : i32
        %slice3A_470 = vector.extract_strided_slice %get3A_130 {offsets = [4], sizes = [1], strides = [1]} : vector<16xi32> to vector<1xi32>
        %squeeze3A_471 = vector.extract %slice3A_470[0] : i32 from vector<1xi32>
        %ge3A_472 = arith.cmpi sge, %add3A_469, %sub3A : i32
        %lt3A_473 = arith.cmpi slt, %add3A_469, %sub3A_75 : i32
        %and3A_474 = arith.andi %ge3A_472, %lt3A_473 : i1
        %slice3A_475 = vector.extract_strided_slice %get3A_134 {offsets = [4], sizes = [1], strides = [1]} : vector<16xf32> to vector<1xf32>
        %squeeze3A_476 = vector.extract %slice3A_475[0] : f32 from vector<1xf32>
        %jit3A_477 = arith.constant 0.000000e+00 : f32
        %select_n3A_478 = arith.select %and3A_474, %squeeze3A_476, %jit3A_477 : f32
        %broadcast_in_dim3A_479 = vector.broadcast %select_n3A_478 : f32 to vector<16xf32>
        %mul3A_480 = arith.mulf %broadcast_in_dim3A_479, %get3A_416 : vector<16xf32>
        %mul3A_481 = arith.mulf %broadcast_in_dim3A_479, %get3A_419 : vector<16xf32>
        %mul3A_482 = arith.mulf %broadcast_in_dim3A_479, %get3A_422 : vector<16xf32>
        %mul3A_483 = arith.mulf %broadcast_in_dim3A_479, %get3A_425 : vector<16xf32>
        %mul3A_484 = arith.mulf %broadcast_in_dim3A_479, %get3A_428 : vector<16xf32>
        %mul3A_485 = arith.mulf %broadcast_in_dim3A_479, %get3A_431 : vector<16xf32>
        %mul3A_486 = arith.mulf %broadcast_in_dim3A_479, %get3A_434 : vector<16xf32>
        %mul3A_487 = arith.mulf %broadcast_in_dim3A_479, %get3A_437 : vector<16xf32>
        %mul3A_488 = arith.constant 16 : i32
        %mul3A_489 = arith.muli %scan3A_127, %mul3A_488 : i32
        %add3A_490 = arith.constant 5 : i32
        %add3A_491 = arith.addi %mul3A_489, %add3A_490 : i32
        %get3A_492 = arith.index_cast %add3A_491 : i32 to index
        %get3A_493 = arith.constant 0 : index
        %get3A_494 = tpu.vector_load %arg7[%get3A_492, %get3A_493] {strides = array<i32>} : memref<160x128xf32, #tpu.memory_space<vmem>>, vector<16xf32>,
        %get3A_495 = arith.index_cast %add3A_491 : i32 to index
        %get3A_496 = arith.constant 16 : index
        %get3A_497 = tpu.vector_load %arg7[%get3A_495, %get3A_496] {strides = array<i32>} : memref<160x128xf32, #tpu.memory_space<vmem>>, vector<16xf32>,
        %get3A_498 = arith.index_cast %add3A_491 : i32 to index
        %get3A_499 = arith.constant 32 : index
        %get3A_500 = tpu.vector_load %arg7[%get3A_498, %get3A_499] {strides = array<i32>} : memref<160x128xf32, #tpu.memory_space<vmem>>, vector<16xf32>,
        %get3A_501 = arith.index_cast %add3A_491 : i32 to index
        %get3A_502 = arith.constant 48 : index
        %get3A_503 = tpu.vector_load %arg7[%get3A_501, %get3A_502] {strides = array<i32>} : memref<160x128xf32, #tpu.memory_space<vmem>>, vector<16xf32>,
        %get3A_504 = arith.index_cast %add3A_491 : i32 to index
        %get3A_505 = arith.constant 64 : index
        %get3A_506 = tpu.vector_load %arg7[%get3A_504, %get3A_505] {strides = array<i32>} : memref<160x128xf32, #tpu.memory_space<vmem>>, vector<16xf32>,
        %get3A_507 = arith.index_cast %add3A_491 : i32 to index
        %get3A_508 = arith.constant 80 : index
        %get3A_509 = tpu.vector_load %arg7[%get3A_507, %get3A_508] {strides = array<i32>} : memref<160x128xf32, #tpu.memory_space<vmem>>, vector<16xf32>,
        %get3A_510 = arith.index_cast %add3A_491 : i32 to index
        %get3A_511 = arith.constant 96 : index
        %get3A_512 = tpu.vector_load %arg7[%get3A_510, %get3A_511] {strides = array<i32>} : memref<160x128xf32, #tpu.memory_space<vmem>>, vector<16xf32>,
        %get3A_513 = arith.index_cast %add3A_491 : i32 to index
        %get3A_514 = arith.constant 112 : index
        %get3A_515 = tpu.vector_load %arg7[%get3A_513, %get3A_514] {strides = array<i32>} : memref<160x128xf32, #tpu.memory_space<vmem>>, vector<16xf32>,
        %swap3A_516 = arith.index_cast %squeeze3A_471 : i32 to index
        %swap3A_517 = arith.constant 0 : index
        %swap3A_518 = tpu.vector_load %arg13[%swap3A_516, %swap3A_517] {strides = array<i32>} : memref<512x128xf32, #tpu.memory_space<vmem>>, vector<16xf32>,
        tpu.vector_store %arg13[%swap3A_516, %swap3A_517], %mul3A_480 {add = true, strides = array<i32>} : memref<512x128xf32, #tpu.memory_space<vmem>>, vector<16xf32>,
        %swap3A_519 = arith.index_cast %squeeze3A_471 : i32 to index
        %swap3A_520 = arith.constant 16 : index
        %swap3A_521 = tpu.vector_load %arg13[%swap3A_519, %swap3A_520] {strides = array<i32>} : memref<512x128xf32, #tpu.memory_space<vmem>>, vector<16xf32>,
        tpu.vector_store %arg13[%swap3A_519, %swap3A_520], %mul3A_481 {add = true, strides = array<i32>} : memref<512x128xf32, #tpu.memory_space<vmem>>, vector<16xf32>,
        %swap3A_522 = arith.index_cast %squeeze3A_471 : i32 to index
        %swap3A_523 = arith.constant 32 : index
        %swap3A_524 = tpu.vector_load %arg13[%swap3A_522, %swap3A_523] {strides = array<i32>} : memref<512x128xf32, #tpu.memory_space<vmem>>, vector<16xf32>,
        tpu.vector_store %arg13[%swap3A_522, %swap3A_523], %mul3A_482 {add = true, strides = array<i32>} : memref<512x128xf32, #tpu.memory_space<vmem>>, vector<16xf32>,
        %swap3A_525 = arith.index_cast %squeeze3A_471 : i32 to index
        %swap3A_526 = arith.constant 48 : index
        %swap3A_527 = tpu.vector_load %arg13[%swap3A_525, %swap3A_526] {strides = array<i32>} : memref<512x128xf32, #tpu.memory_space<vmem>>, vector<16xf32>,
        tpu.vector_store %arg13[%swap3A_525, %swap3A_526], %mul3A_483 {add = true, strides = array<i32>} : memref<512x128xf32, #tpu.memory_space<vmem>>, vector<16xf32>,
        %swap3A_528 = arith.index_cast %squeeze3A_471 : i32 to index
        %swap3A_529 = arith.constant 64 : index
        %swap3A_530 = tpu.vector_load %arg13[%swap3A_528, %swap3A_529] {strides = array<i32>} : memref<512x128xf32, #tpu.memory_space<vmem>>, vector<16xf32>,
        tpu.vector_store %arg13[%swap3A_528, %swap3A_529], %mul3A_484 {add = true, strides = array<i32>} : memref<512x128xf32, #tpu.memory_space<vmem>>, vector<16xf32>,
        %swap3A_531 = arith.index_cast %squeeze3A_471 : i32 to index
        %swap3A_532 = arith.constant 80 : index
        %swap3A_533 = tpu.vector_load %arg13[%swap3A_531, %swap3A_532] {strides = array<i32>} : memref<512x128xf32, #tpu.memory_space<vmem>>, vector<16xf32>,
        tpu.vector_store %arg13[%swap3A_531, %swap3A_532], %mul3A_485 {add = true, strides = array<i32>} : memref<512x128xf32, #tpu.memory_space<vmem>>, vector<16xf32>,
        %swap3A_534 = arith.index_cast %squeeze3A_471 : i32 to index
        %swap3A_535 = arith.constant 96 : index
        %swap3A_536 = tpu.vector_load %arg13[%swap3A_534, %swap3A_535] {strides = array<i32>} : memref<512x128xf32, #tpu.memory_space<vmem>>, vector<16xf32>,
        tpu.vector_store %arg13[%swap3A_534, %swap3A_535], %mul3A_486 {add = true, strides = array<i32>} : memref<512x128xf32, #tpu.memory_space<vmem>>, vector<16xf32>,
        %swap3A_537 = arith.index_cast %squeeze3A_471 : i32 to index
        %swap3A_538 = arith.constant 112 : index
        %swap3A_539 = tpu.vector_load %arg13[%swap3A_537, %swap3A_538] {strides = array<i32>} : memref<512x128xf32, #tpu.memory_space<vmem>>, vector<16xf32>,
        tpu.vector_store %arg13[%swap3A_537, %swap3A_538], %mul3A_487 {add = true, strides = array<i32>} : memref<512x128xf32, #tpu.memory_space<vmem>>, vector<16xf32>,
        %mul3A_540 = arith.constant 16 : i32
        %mul3A_541 = arith.muli %squeeze3A_471, %mul3A_540 : i32
        %swap3A_542 = arith.index_cast %mul3A_541 : i32 to index
        %swap3A_543 = tpu.vector_load %arg14[%swap3A_542] {strides = array<i32>} : memref<8192xf32, #tpu.memory_space<vmem>>, vector<16xf32>,
        tpu.vector_store %arg14[%swap3A_542], %broadcast_in_dim3A_479 {add = true, strides = array<i32>} : memref<8192xf32, #tpu.memory_space<vmem>>, vector<16xf32>,
        %mul3A_544 = arith.constant 16 : i32
        %mul3A_545 = arith.muli %scan3A_127, %mul3A_544 : i32
        %add3A_546 = arith.constant 5 : i32
        %add3A_547 = arith.addi %mul3A_545, %add3A_546 : i32
        %slice3A_548 = vector.extract_strided_slice %get3A_130 {offsets = [5], sizes = [1], strides = [1]} : vector<16xi32> to vector<1xi32>
        %squeeze3A_549 = vector.extract %slice3A_548[0] : i32 from vector<1xi32>
        %ge3A_550 = arith.cmpi sge, %add3A_547, %sub3A : i32
        %lt3A_551 = arith.cmpi slt, %add3A_547, %sub3A_75 : i32
        %and3A_552 = arith.andi %ge3A_550, %lt3A_551 : i1
        %slice3A_553 = vector.extract_strided_slice %get3A_134 {offsets = [5], sizes = [1], strides = [1]} : vector<16xf32> to vector<1xf32>
        %squeeze3A_554 = vector.extract %slice3A_553[0] : f32 from vector<1xf32>
        %jit3A_555 = arith.constant 0.000000e+00 : f32
        %select_n3A_556 = arith.select %and3A_552, %squeeze3A_554, %jit3A_555 : f32
        %broadcast_in_dim3A_557 = vector.broadcast %select_n3A_556 : f32 to vector<16xf32>
        %mul3A_558 = arith.mulf %broadcast_in_dim3A_557, %get3A_494 : vector<16xf32>
        %mul3A_559 = arith.mulf %broadcast_in_dim3A_557, %get3A_497 : vector<16xf32>
        %mul3A_560 = arith.mulf %broadcast_in_dim3A_557, %get3A_500 : vector<16xf32>
        %mul3A_561 = arith.mulf %broadcast_in_dim3A_557, %get3A_503 : vector<16xf32>
        %mul3A_562 = arith.mulf %broadcast_in_dim3A_557, %get3A_506 : vector<16xf32>
        %mul3A_563 = arith.mulf %broadcast_in_dim3A_557, %get3A_509 : vector<16xf32>
        %mul3A_564 = arith.mulf %broadcast_in_dim3A_557, %get3A_512 : vector<16xf32>
        %mul3A_565 = arith.mulf %broadcast_in_dim3A_557, %get3A_515 : vector<16xf32>
        %mul3A_566 = arith.constant 16 : i32
        %mul3A_567 = arith.muli %scan3A_127, %mul3A_566 : i32
        %add3A_568 = arith.constant 6 : i32
        %add3A_569 = arith.addi %mul3A_567, %add3A_568 : i32
        %get3A_570 = arith.index_cast %add3A_569 : i32 to index
        %get3A_571 = arith.constant 0 : index
        %get3A_572 = tpu.vector_load %arg7[%get3A_570, %get3A_571] {strides = array<i32>} : memref<160x128xf32, #tpu.memory_space<vmem>>, vector<16xf32>,
        %get3A_573 = arith.index_cast %add3A_569 : i32 to index
        %get3A_574 = arith.constant 16 : index
        %get3A_575 = tpu.vector_load %arg7[%get3A_573, %get3A_574] {strides = array<i32>} : memref<160x128xf32, #tpu.memory_space<vmem>>, vector<16xf32>,
        %get3A_576 = arith.index_cast %add3A_569 : i32 to index
        %get3A_577 = arith.constant 32 : index
        %get3A_578 = tpu.vector_load %arg7[%get3A_576, %get3A_577] {strides = array<i32>} : memref<160x128xf32, #tpu.memory_space<vmem>>, vector<16xf32>,
        %get3A_579 = arith.index_cast %add3A_569 : i32 to index
        %get3A_580 = arith.constant 48 : index
        %get3A_581 = tpu.vector_load %arg7[%get3A_579, %get3A_580] {strides = array<i32>} : memref<160x128xf32, #tpu.memory_space<vmem>>, vector<16xf32>,
        %get3A_582 = arith.index_cast %add3A_569 : i32 to index
        %get3A_583 = arith.constant 64 : index
        %get3A_584 = tpu.vector_load %arg7[%get3A_582, %get3A_583] {strides = array<i32>} : memref<160x128xf32, #tpu.memory_space<vmem>>, vector<16xf32>,
        %get3A_585 = arith.index_cast %add3A_569 : i32 to index
        %get3A_586 = arith.constant 80 : index
        %get3A_587 = tpu.vector_load %arg7[%get3A_585, %get3A_586] {strides = array<i32>} : memref<160x128xf32, #tpu.memory_space<vmem>>, vector<16xf32>,
        %get3A_588 = arith.index_cast %add3A_569 : i32 to index
        %get3A_589 = arith.constant 96 : index
        %get3A_590 = tpu.vector_load %arg7[%get3A_588, %get3A_589] {strides = array<i32>} : memref<160x128xf32, #tpu.memory_space<vmem>>, vector<16xf32>,
        %get3A_591 = arith.index_cast %add3A_569 : i32 to index
        %get3A_592 = arith.constant 112 : index
        %get3A_593 = tpu.vector_load %arg7[%get3A_591, %get3A_592] {strides = array<i32>} : memref<160x128xf32, #tpu.memory_space<vmem>>, vector<16xf32>,
        %swap3A_594 = arith.index_cast %squeeze3A_549 : i32 to index
        %swap3A_595 = arith.constant 0 : index
        %swap3A_596 = tpu.vector_load %arg13[%swap3A_594, %swap3A_595] {strides = array<i32>} : memref<512x128xf32, #tpu.memory_space<vmem>>, vector<16xf32>,
        tpu.vector_store %arg13[%swap3A_594, %swap3A_595], %mul3A_558 {add = true, strides = array<i32>} : memref<512x128xf32, #tpu.memory_space<vmem>>, vector<16xf32>,
        %swap3A_597 = arith.index_cast %squeeze3A_549 : i32 to index
        %swap3A_598 = arith.constant 16 : index
        %swap3A_599 = tpu.vector_load %arg13[%swap3A_597, %swap3A_598] {strides = array<i32>} : memref<512x128xf32, #tpu.memory_space<vmem>>, vector<16xf32>,
        tpu.vector_store %arg13[%swap3A_597, %swap3A_598], %mul3A_559 {add = true, strides = array<i32>} : memref<512x128xf32, #tpu.memory_space<vmem>>, vector<16xf32>,
        %swap3A_600 = arith.index_cast %squeeze3A_549 : i32 to index
        %swap3A_601 = arith.constant 32 : index
        %swap3A_602 = tpu.vector_load %arg13[%swap3A_600, %swap3A_601] {strides = array<i32>} : memref<512x128xf32, #tpu.memory_space<vmem>>, vector<16xf32>,
        tpu.vector_store %arg13[%swap3A_600, %swap3A_601], %mul3A_560 {add = true, strides = array<i32>} : memref<512x128xf32, #tpu.memory_space<vmem>>, vector<16xf32>,
        %swap3A_603 = arith.index_cast %squeeze3A_549 : i32 to index
        %swap3A_604 = arith.constant 48 : index
        %swap3A_605 = tpu.vector_load %arg13[%swap3A_603, %swap3A_604] {strides = array<i32>} : memref<512x128xf32, #tpu.memory_space<vmem>>, vector<16xf32>,
        tpu.vector_store %arg13[%swap3A_603, %swap3A_604], %mul3A_561 {add = true, strides = array<i32>} : memref<512x128xf32, #tpu.memory_space<vmem>>, vector<16xf32>,
        %swap3A_606 = arith.index_cast %squeeze3A_549 : i32 to index
        %swap3A_607 = arith.constant 64 : index
        %swap3A_608 = tpu.vector_load %arg13[%swap3A_606, %swap3A_607] {strides = array<i32>} : memref<512x128xf32, #tpu.memory_space<vmem>>, vector<16xf32>,
        tpu.vector_store %arg13[%swap3A_606, %swap3A_607], %mul3A_562 {add = true, strides = array<i32>} : memref<512x128xf32, #tpu.memory_space<vmem>>, vector<16xf32>,
        %swap3A_609 = arith.index_cast %squeeze3A_549 : i32 to index
        %swap3A_610 = arith.constant 80 : index
        %swap3A_611 = tpu.vector_load %arg13[%swap3A_609, %swap3A_610] {strides = array<i32>} : memref<512x128xf32, #tpu.memory_space<vmem>>, vector<16xf32>,
        tpu.vector_store %arg13[%swap3A_609, %swap3A_610], %mul3A_563 {add = true, strides = array<i32>} : memref<512x128xf32, #tpu.memory_space<vmem>>, vector<16xf32>,
        %swap3A_612 = arith.index_cast %squeeze3A_549 : i32 to index
        %swap3A_613 = arith.constant 96 : index
        %swap3A_614 = tpu.vector_load %arg13[%swap3A_612, %swap3A_613] {strides = array<i32>} : memref<512x128xf32, #tpu.memory_space<vmem>>, vector<16xf32>,
        tpu.vector_store %arg13[%swap3A_612, %swap3A_613], %mul3A_564 {add = true, strides = array<i32>} : memref<512x128xf32, #tpu.memory_space<vmem>>, vector<16xf32>,
        %swap3A_615 = arith.index_cast %squeeze3A_549 : i32 to index
        %swap3A_616 = arith.constant 112 : index
        %swap3A_617 = tpu.vector_load %arg13[%swap3A_615, %swap3A_616] {strides = array<i32>} : memref<512x128xf32, #tpu.memory_space<vmem>>, vector<16xf32>,
        tpu.vector_store %arg13[%swap3A_615, %swap3A_616], %mul3A_565 {add = true, strides = array<i32>} : memref<512x128xf32, #tpu.memory_space<vmem>>, vector<16xf32>,
        %mul3A_618 = arith.constant 16 : i32
        %mul3A_619 = arith.muli %squeeze3A_549, %mul3A_618 : i32
        %swap3A_620 = arith.index_cast %mul3A_619 : i32 to index
        %swap3A_621 = tpu.vector_load %arg14[%swap3A_620] {strides = array<i32>} : memref<8192xf32, #tpu.memory_space<vmem>>, vector<16xf32>,
        tpu.vector_store %arg14[%swap3A_620], %broadcast_in_dim3A_557 {add = true, strides = array<i32>} : memref<8192xf32, #tpu.memory_space<vmem>>, vector<16xf32>,
        %mul3A_622 = arith.constant 16 : i32
        %mul3A_623 = arith.muli %scan3A_127, %mul3A_622 : i32
        %add3A_624 = arith.constant 6 : i32
        %add3A_625 = arith.addi %mul3A_623, %add3A_624 : i32
        %slice3A_626 = vector.extract_strided_slice %get3A_130 {offsets = [6], sizes = [1], strides = [1]} : vector<16xi32> to vector<1xi32>
        %squeeze3A_627 = vector.extract %slice3A_626[0] : i32 from vector<1xi32>
        %ge3A_628 = arith.cmpi sge, %add3A_625, %sub3A : i32
        %lt3A_629 = arith.cmpi slt, %add3A_625, %sub3A_75 : i32
        %and3A_630 = arith.andi %ge3A_628, %lt3A_629 : i1
        %slice3A_631 = vector.extract_strided_slice %get3A_134 {offsets = [6], sizes = [1], strides = [1]} : vector<16xf32> to vector<1xf32>
        %squeeze3A_632 = vector.extract %slice3A_631[0] : f32 from vector<1xf32>
        %jit3A_633 = arith.constant 0.000000e+00 : f32
        %select_n3A_634 = arith.select %and3A_630, %squeeze3A_632, %jit3A_633 : f32
        %broadcast_in_dim3A_635 = vector.broadcast %select_n3A_634 : f32 to vector<16xf32>
        %mul3A_636 = arith.mulf %broadcast_in_dim3A_635, %get3A_572 : vector<16xf32>
        %mul3A_637 = arith.mulf %broadcast_in_dim3A_635, %get3A_575 : vector<16xf32>
        %mul3A_638 = arith.mulf %broadcast_in_dim3A_635, %get3A_578 : vector<16xf32>
        %mul3A_639 = arith.mulf %broadcast_in_dim3A_635, %get3A_581 : vector<16xf32>
        %mul3A_640 = arith.mulf %broadcast_in_dim3A_635, %get3A_584 : vector<16xf32>
        %mul3A_641 = arith.mulf %broadcast_in_dim3A_635, %get3A_587 : vector<16xf32>
        %mul3A_642 = arith.mulf %broadcast_in_dim3A_635, %get3A_590 : vector<16xf32>
        %mul3A_643 = arith.mulf %broadcast_in_dim3A_635, %get3A_593 : vector<16xf32>
        %mul3A_644 = arith.constant 16 : i32
        %mul3A_645 = arith.muli %scan3A_127, %mul3A_644 : i32
        %add3A_646 = arith.constant 7 : i32
        %add3A_647 = arith.addi %mul3A_645, %add3A_646 : i32
        %get3A_648 = arith.index_cast %add3A_647 : i32 to index
        %get3A_649 = arith.constant 0 : index
        %get3A_650 = tpu.vector_load %arg7[%get3A_648, %get3A_649] {strides = array<i32>} : memref<160x128xf32, #tpu.memory_space<vmem>>, vector<16xf32>,
        %get3A_651 = arith.index_cast %add3A_647 : i32 to index
        %get3A_652 = arith.constant 16 : index
        %get3A_653 = tpu.vector_load %arg7[%get3A_651, %get3A_652] {strides = array<i32>} : memref<160x128xf32, #tpu.memory_space<vmem>>, vector<16xf32>,
        %get3A_654 = arith.index_cast %add3A_647 : i32 to index
        %get3A_655 = arith.constant 32 : index
        %get3A_656 = tpu.vector_load %arg7[%get3A_654, %get3A_655] {strides = array<i32>} : memref<160x128xf32, #tpu.memory_space<vmem>>, vector<16xf32>,
        %get3A_657 = arith.index_cast %add3A_647 : i32 to index
        %get3A_658 = arith.constant 48 : index
        %get3A_659 = tpu.vector_load %arg7[%get3A_657, %get3A_658] {strides = array<i32>} : memref<160x128xf32, #tpu.memory_space<vmem>>, vector<16xf32>,
        %get3A_660 = arith.index_cast %add3A_647 : i32 to index
        %get3A_661 = arith.constant 64 : index
        %get3A_662 = tpu.vector_load %arg7[%get3A_660, %get3A_661] {strides = array<i32>} : memref<160x128xf32, #tpu.memory_space<vmem>>, vector<16xf32>,
        %get3A_663 = arith.index_cast %add3A_647 : i32 to index
        %get3A_664 = arith.constant 80 : index
        %get3A_665 = tpu.vector_load %arg7[%get3A_663, %get3A_664] {strides = array<i32>} : memref<160x128xf32, #tpu.memory_space<vmem>>, vector<16xf32>,
        %get3A_666 = arith.index_cast %add3A_647 : i32 to index
        %get3A_667 = arith.constant 96 : index
        %get3A_668 = tpu.vector_load %arg7[%get3A_666, %get3A_667] {strides = array<i32>} : memref<160x128xf32, #tpu.memory_space<vmem>>, vector<16xf32>,
        %get3A_669 = arith.index_cast %add3A_647 : i32 to index
        %get3A_670 = arith.constant 112 : index
        %get3A_671 = tpu.vector_load %arg7[%get3A_669, %get3A_670] {strides = array<i32>} : memref<160x128xf32, #tpu.memory_space<vmem>>, vector<16xf32>,
        %swap3A_672 = arith.index_cast %squeeze3A_627 : i32 to index
        %swap3A_673 = arith.constant 0 : index
        %swap3A_674 = tpu.vector_load %arg13[%swap3A_672, %swap3A_673] {strides = array<i32>} : memref<512x128xf32, #tpu.memory_space<vmem>>, vector<16xf32>,
        tpu.vector_store %arg13[%swap3A_672, %swap3A_673], %mul3A_636 {add = true, strides = array<i32>} : memref<512x128xf32, #tpu.memory_space<vmem>>, vector<16xf32>,
        %swap3A_675 = arith.index_cast %squeeze3A_627 : i32 to index
        %swap3A_676 = arith.constant 16 : index
        %swap3A_677 = tpu.vector_load %arg13[%swap3A_675, %swap3A_676] {strides = array<i32>} : memref<512x128xf32, #tpu.memory_space<vmem>>, vector<16xf32>,
        tpu.vector_store %arg13[%swap3A_675, %swap3A_676], %mul3A_637 {add = true, strides = array<i32>} : memref<512x128xf32, #tpu.memory_space<vmem>>, vector<16xf32>,
        %swap3A_678 = arith.index_cast %squeeze3A_627 : i32 to index
        %swap3A_679 = arith.constant 32 : index
        %swap3A_680 = tpu.vector_load %arg13[%swap3A_678, %swap3A_679] {strides = array<i32>} : memref<512x128xf32, #tpu.memory_space<vmem>>, vector<16xf32>,
        tpu.vector_store %arg13[%swap3A_678, %swap3A_679], %mul3A_638 {add = true, strides = array<i32>} : memref<512x128xf32, #tpu.memory_space<vmem>>, vector<16xf32>,
        %swap3A_681 = arith.index_cast %squeeze3A_627 : i32 to index
        %swap3A_682 = arith.constant 48 : index
        %swap3A_683 = tpu.vector_load %arg13[%swap3A_681, %swap3A_682] {strides = array<i32>} : memref<512x128xf32, #tpu.memory_space<vmem>>, vector<16xf32>,
        tpu.vector_store %arg13[%swap3A_681, %swap3A_682], %mul3A_639 {add = true, strides = array<i32>} : memref<512x128xf32, #tpu.memory_space<vmem>>, vector<16xf32>,
        %swap3A_684 = arith.index_cast %squeeze3A_627 : i32 to index
        %swap3A_685 = arith.constant 64 : index
        %swap3A_686 = tpu.vector_load %arg13[%swap3A_684, %swap3A_685] {strides = array<i32>} : memref<512x128xf32, #tpu.memory_space<vmem>>, vector<16xf32>,
        tpu.vector_store %arg13[%swap3A_684, %swap3A_685], %mul3A_640 {add = true, strides = array<i32>} : memref<512x128xf32, #tpu.memory_space<vmem>>, vector<16xf32>,
        %swap3A_687 = arith.index_cast %squeeze3A_627 : i32 to index
        %swap3A_688 = arith.constant 80 : index
        %swap3A_689 = tpu.vector_load %arg13[%swap3A_687, %swap3A_688] {strides = array<i32>} : memref<512x128xf32, #tpu.memory_space<vmem>>, vector<16xf32>,
        tpu.vector_store %arg13[%swap3A_687, %swap3A_688], %mul3A_641 {add = true, strides = array<i32>} : memref<512x128xf32, #tpu.memory_space<vmem>>, vector<16xf32>,
        %swap3A_690 = arith.index_cast %squeeze3A_627 : i32 to index
        %swap3A_691 = arith.constant 96 : index
        %swap3A_692 = tpu.vector_load %arg13[%swap3A_690, %swap3A_691] {strides = array<i32>} : memref<512x128xf32, #tpu.memory_space<vmem>>, vector<16xf32>,
        tpu.vector_store %arg13[%swap3A_690, %swap3A_691], %mul3A_642 {add = true, strides = array<i32>} : memref<512x128xf32, #tpu.memory_space<vmem>>, vector<16xf32>,
        %swap3A_693 = arith.index_cast %squeeze3A_627 : i32 to index
        %swap3A_694 = arith.constant 112 : index
        %swap3A_695 = tpu.vector_load %arg13[%swap3A_693, %swap3A_694] {strides = array<i32>} : memref<512x128xf32, #tpu.memory_space<vmem>>, vector<16xf32>,
        tpu.vector_store %arg13[%swap3A_693, %swap3A_694], %mul3A_643 {add = true, strides = array<i32>} : memref<512x128xf32, #tpu.memory_space<vmem>>, vector<16xf32>,
        %mul3A_696 = arith.constant 16 : i32
        %mul3A_697 = arith.muli %squeeze3A_627, %mul3A_696 : i32
        %swap3A_698 = arith.index_cast %mul3A_697 : i32 to index
        %swap3A_699 = tpu.vector_load %arg14[%swap3A_698] {strides = array<i32>} : memref<8192xf32, #tpu.memory_space<vmem>>, vector<16xf32>,
        tpu.vector_store %arg14[%swap3A_698], %broadcast_in_dim3A_635 {add = true, strides = array<i32>} : memref<8192xf32, #tpu.memory_space<vmem>>, vector<16xf32>,
        %mul3A_700 = arith.constant 16 : i32
        %mul3A_701 = arith.muli %scan3A_127, %mul3A_700 : i32
        %add3A_702 = arith.constant 7 : i32
        %add3A_703 = arith.addi %mul3A_701, %add3A_702 : i32
        %slice3A_704 = vector.extract_strided_slice %get3A_130 {offsets = [7], sizes = [1], strides = [1]} : vector<16xi32> to vector<1xi32>
        %squeeze3A_705 = vector.extract %slice3A_704[0] : i32 from vector<1xi32>
        %ge3A_706 = arith.cmpi sge, %add3A_703, %sub3A : i32
        %lt3A_707 = arith.cmpi slt, %add3A_703, %sub3A_75 : i32
        %and3A_708 = arith.andi %ge3A_706, %lt3A_707 : i1
        %slice3A_709 = vector.extract_strided_slice %get3A_134 {offsets = [7], sizes = [1], strides = [1]} : vector<16xf32> to vector<1xf32>
        %squeeze3A_710 = vector.extract %slice3A_709[0] : f32 from vector<1xf32>
        %jit3A_711 = arith.constant 0.000000e+00 : f32
        %select_n3A_712 = arith.select %and3A_708, %squeeze3A_710, %jit3A_711 : f32
        %broadcast_in_dim3A_713 = vector.broadcast %select_n3A_712 : f32 to vector<16xf32>
        %mul3A_714 = arith.mulf %broadcast_in_dim3A_713, %get3A_650 : vector<16xf32>
        %mul3A_715 = arith.mulf %broadcast_in_dim3A_713, %get3A_653 : vector<16xf32>
        %mul3A_716 = arith.mulf %broadcast_in_dim3A_713, %get3A_656 : vector<16xf32>
        %mul3A_717 = arith.mulf %broadcast_in_dim3A_713, %get3A_659 : vector<16xf32>
        %mul3A_718 = arith.mulf %broadcast_in_dim3A_713, %get3A_662 : vector<16xf32>
        %mul3A_719 = arith.mulf %broadcast_in_dim3A_713, %get3A_665 : vector<16xf32>
        %mul3A_720 = arith.mulf %broadcast_in_dim3A_713, %get3A_668 : vector<16xf32>
        %mul3A_721 = arith.mulf %broadcast_in_dim3A_713, %get3A_671 : vector<16xf32>
        %mul3A_722 = arith.constant 16 : i32
        %mul3A_723 = arith.muli %scan3A_127, %mul3A_722 : i32
        %add3A_724 = arith.constant 8 : i32
        %add3A_725 = arith.addi %mul3A_723, %add3A_724 : i32
        %get3A_726 = arith.index_cast %add3A_725 : i32 to index
        %get3A_727 = arith.constant 0 : index
        %get3A_728 = tpu.vector_load %arg7[%get3A_726, %get3A_727] {strides = array<i32>} : memref<160x128xf32, #tpu.memory_space<vmem>>, vector<16xf32>,
        %get3A_729 = arith.index_cast %add3A_725 : i32 to index
        %get3A_730 = arith.constant 16 : index
        %get3A_731 = tpu.vector_load %arg7[%get3A_729, %get3A_730] {strides = array<i32>} : memref<160x128xf32, #tpu.memory_space<vmem>>, vector<16xf32>,
        %get3A_732 = arith.index_cast %add3A_725 : i32 to index
        %get3A_733 = arith.constant 32 : index
        %get3A_734 = tpu.vector_load %arg7[%get3A_732, %get3A_733] {strides = array<i32>} : memref<160x128xf32, #tpu.memory_space<vmem>>, vector<16xf32>,
        %get3A_735 = arith.index_cast %add3A_725 : i32 to index
        %get3A_736 = arith.constant 48 : index
        %get3A_737 = tpu.vector_load %arg7[%get3A_735, %get3A_736] {strides = array<i32>} : memref<160x128xf32, #tpu.memory_space<vmem>>, vector<16xf32>,
        %get3A_738 = arith.index_cast %add3A_725 : i32 to index
        %get3A_739 = arith.constant 64 : index
        %get3A_740 = tpu.vector_load %arg7[%get3A_738, %get3A_739] {strides = array<i32>} : memref<160x128xf32, #tpu.memory_space<vmem>>, vector<16xf32>,
        %get3A_741 = arith.index_cast %add3A_725 : i32 to index
        %get3A_742 = arith.constant 80 : index
        %get3A_743 = tpu.vector_load %arg7[%get3A_741, %get3A_742] {strides = array<i32>} : memref<160x128xf32, #tpu.memory_space<vmem>>, vector<16xf32>,
        %get3A_744 = arith.index_cast %add3A_725 : i32 to index
        %get3A_745 = arith.constant 96 : index
        %get3A_746 = tpu.vector_load %arg7[%get3A_744, %get3A_745] {strides = array<i32>} : memref<160x128xf32, #tpu.memory_space<vmem>>, vector<16xf32>,
        %get3A_747 = arith.index_cast %add3A_725 : i32 to index
        %get3A_748 = arith.constant 112 : index
        %get3A_749 = tpu.vector_load %arg7[%get3A_747, %get3A_748] {strides = array<i32>} : memref<160x128xf32, #tpu.memory_space<vmem>>, vector<16xf32>,
        %swap3A_750 = arith.index_cast %squeeze3A_705 : i32 to index
        %swap3A_751 = arith.constant 0 : index
        %swap3A_752 = tpu.vector_load %arg13[%swap3A_750, %swap3A_751] {strides = array<i32>} : memref<512x128xf32, #tpu.memory_space<vmem>>, vector<16xf32>,
        tpu.vector_store %arg13[%swap3A_750, %swap3A_751], %mul3A_714 {add = true, strides = array<i32>} : memref<512x128xf32, #tpu.memory_space<vmem>>, vector<16xf32>,
        %swap3A_753 = arith.index_cast %squeeze3A_705 : i32 to index
        %swap3A_754 = arith.constant 16 : index
        %swap3A_755 = tpu.vector_load %arg13[%swap3A_753, %swap3A_754] {strides = array<i32>} : memref<512x128xf32, #tpu.memory_space<vmem>>, vector<16xf32>,
        tpu.vector_store %arg13[%swap3A_753, %swap3A_754], %mul3A_715 {add = true, strides = array<i32>} : memref<512x128xf32, #tpu.memory_space<vmem>>, vector<16xf32>,
        %swap3A_756 = arith.index_cast %squeeze3A_705 : i32 to index
        %swap3A_757 = arith.constant 32 : index
        %swap3A_758 = tpu.vector_load %arg13[%swap3A_756, %swap3A_757] {strides = array<i32>} : memref<512x128xf32, #tpu.memory_space<vmem>>, vector<16xf32>,
        tpu.vector_store %arg13[%swap3A_756, %swap3A_757], %mul3A_716 {add = true, strides = array<i32>} : memref<512x128xf32, #tpu.memory_space<vmem>>, vector<16xf32>,
        %swap3A_759 = arith.index_cast %squeeze3A_705 : i32 to index
        %swap3A_760 = arith.constant 48 : index
        %swap3A_761 = tpu.vector_load %arg13[%swap3A_759, %swap3A_760] {strides = array<i32>} : memref<512x128xf32, #tpu.memory_space<vmem>>, vector<16xf32>,
        tpu.vector_store %arg13[%swap3A_759, %swap3A_760], %mul3A_717 {add = true, strides = array<i32>} : memref<512x128xf32, #tpu.memory_space<vmem>>, vector<16xf32>,
        %swap3A_762 = arith.index_cast %squeeze3A_705 : i32 to index
        %swap3A_763 = arith.constant 64 : index
        %swap3A_764 = tpu.vector_load %arg13[%swap3A_762, %swap3A_763] {strides = array<i32>} : memref<512x128xf32, #tpu.memory_space<vmem>>, vector<16xf32>,
        tpu.vector_store %arg13[%swap3A_762, %swap3A_763], %mul3A_718 {add = true, strides = array<i32>} : memref<512x128xf32, #tpu.memory_space<vmem>>, vector<16xf32>,
        %swap3A_765 = arith.index_cast %squeeze3A_705 : i32 to index
        %swap3A_766 = arith.constant 80 : index
        %swap3A_767 = tpu.vector_load %arg13[%swap3A_765, %swap3A_766] {strides = array<i32>} : memref<512x128xf32, #tpu.memory_space<vmem>>, vector<16xf32>,
        tpu.vector_store %arg13[%swap3A_765, %swap3A_766], %mul3A_719 {add = true, strides = array<i32>} : memref<512x128xf32, #tpu.memory_space<vmem>>, vector<16xf32>,
        %swap3A_768 = arith.index_cast %squeeze3A_705 : i32 to index
        %swap3A_769 = arith.constant 96 : index
        %swap3A_770 = tpu.vector_load %arg13[%swap3A_768, %swap3A_769] {strides = array<i32>} : memref<512x128xf32, #tpu.memory_space<vmem>>, vector<16xf32>,
        tpu.vector_store %arg13[%swap3A_768, %swap3A_769], %mul3A_720 {add = true, strides = array<i32>} : memref<512x128xf32, #tpu.memory_space<vmem>>, vector<16xf32>,
        %swap3A_771 = arith.index_cast %squeeze3A_705 : i32 to index
        %swap3A_772 = arith.constant 112 : index
        %swap3A_773 = tpu.vector_load %arg13[%swap3A_771, %swap3A_772] {strides = array<i32>} : memref<512x128xf32, #tpu.memory_space<vmem>>, vector<16xf32>,
        tpu.vector_store %arg13[%swap3A_771, %swap3A_772], %mul3A_721 {add = true, strides = array<i32>} : memref<512x128xf32, #tpu.memory_space<vmem>>, vector<16xf32>,
        %mul3A_774 = arith.constant 16 : i32
        %mul3A_775 = arith.muli %squeeze3A_705, %mul3A_774 : i32
        %swap3A_776 = arith.index_cast %mul3A_775 : i32 to index
        %swap3A_777 = tpu.vector_load %arg14[%swap3A_776] {strides = array<i32>} : memref<8192xf32, #tpu.memory_space<vmem>>, vector<16xf32>,
        tpu.vector_store %arg14[%swap3A_776], %broadcast_in_dim3A_713 {add = true, strides = array<i32>} : memref<8192xf32, #tpu.memory_space<vmem>>, vector<16xf32>,
        %mul3A_778 = arith.constant 16 : i32
        %mul3A_779 = arith.muli %scan3A_127, %mul3A_778 : i32
        %add3A_780 = arith.constant 8 : i32
        %add3A_781 = arith.addi %mul3A_779, %add3A_780 : i32
        %slice3A_782 = vector.extract_strided_slice %get3A_130 {offsets = [8], sizes = [1], strides = [1]} : vector<16xi32> to vector<1xi32>
        %squeeze3A_783 = vector.extract %slice3A_782[0] : i32 from vector<1xi32>
        %ge3A_784 = arith.cmpi sge, %add3A_781, %sub3A : i32
        %lt3A_785 = arith.cmpi slt, %add3A_781, %sub3A_75 : i32
        %and3A_786 = arith.andi %ge3A_784, %lt3A_785 : i1
        %slice3A_787 = vector.extract_strided_slice %get3A_134 {offsets = [8], sizes = [1], strides = [1]} : vector<16xf32> to vector<1xf32>
        %squeeze3A_788 = vector.extract %slice3A_787[0] : f32 from vector<1xf32>
        %jit3A_789 = arith.constant 0.000000e+00 : f32
        %select_n3A_790 = arith.select %and3A_786, %squeeze3A_788, %jit3A_789 : f32
        %broadcast_in_dim3A_791 = vector.broadcast %select_n3A_790 : f32 to vector<16xf32>
        %mul3A_792 = arith.mulf %broadcast_in_dim3A_791, %get3A_728 : vector<16xf32>
        %mul3A_793 = arith.mulf %broadcast_in_dim3A_791, %get3A_731 : vector<16xf32>
        %mul3A_794 = arith.mulf %broadcast_in_dim3A_791, %get3A_734 : vector<16xf32>
        %mul3A_795 = arith.mulf %broadcast_in_dim3A_791, %get3A_737 : vector<16xf32>
        %mul3A_796 = arith.mulf %broadcast_in_dim3A_791, %get3A_740 : vector<16xf32>
        %mul3A_797 = arith.mulf %broadcast_in_dim3A_791, %get3A_743 : vector<16xf32>
        %mul3A_798 = arith.mulf %broadcast_in_dim3A_791, %get3A_746 : vector<16xf32>
        %mul3A_799 = arith.mulf %broadcast_in_dim3A_791, %get3A_749 : vector<16xf32>
        %mul3A_800 = arith.constant 16 : i32
        %mul3A_801 = arith.muli %scan3A_127, %mul3A_800 : i32
        %add3A_802 = arith.constant 9 : i32
        %add3A_803 = arith.addi %mul3A_801, %add3A_802 : i32
        %get3A_804 = arith.index_cast %add3A_803 : i32 to index
        %get3A_805 = arith.constant 0 : index
        %get3A_806 = tpu.vector_load %arg7[%get3A_804, %get3A_805] {strides = array<i32>} : memref<160x128xf32, #tpu.memory_space<vmem>>, vector<16xf32>,
        %get3A_807 = arith.index_cast %add3A_803 : i32 to index
        %get3A_808 = arith.constant 16 : index
        %get3A_809 = tpu.vector_load %arg7[%get3A_807, %get3A_808] {strides = array<i32>} : memref<160x128xf32, #tpu.memory_space<vmem>>, vector<16xf32>,
        %get3A_810 = arith.index_cast %add3A_803 : i32 to index
        %get3A_811 = arith.constant 32 : index
        %get3A_812 = tpu.vector_load %arg7[%get3A_810, %get3A_811] {strides = array<i32>} : memref<160x128xf32, #tpu.memory_space<vmem>>, vector<16xf32>,
        %get3A_813 = arith.index_cast %add3A_803 : i32 to index
        %get3A_814 = arith.constant 48 : index
        %get3A_815 = tpu.vector_load %arg7[%get3A_813, %get3A_814] {strides = array<i32>} : memref<160x128xf32, #tpu.memory_space<vmem>>, vector<16xf32>,
        %get3A_816 = arith.index_cast %add3A_803 : i32 to index
        %get3A_817 = arith.constant 64 : index
        %get3A_818 = tpu.vector_load %arg7[%get3A_816, %get3A_817] {strides = array<i32>} : memref<160x128xf32, #tpu.memory_space<vmem>>, vector<16xf32>,
        %get3A_819 = arith.index_cast %add3A_803 : i32 to index
        %get3A_820 = arith.constant 80 : index
        %get3A_821 = tpu.vector_load %arg7[%get3A_819, %get3A_820] {strides = array<i32>} : memref<160x128xf32, #tpu.memory_space<vmem>>, vector<16xf32>,
        %get3A_822 = arith.index_cast %add3A_803 : i32 to index
        %get3A_823 = arith.constant 96 : index
        %get3A_824 = tpu.vector_load %arg7[%get3A_822, %get3A_823] {strides = array<i32>} : memref<160x128xf32, #tpu.memory_space<vmem>>, vector<16xf32>,
        %get3A_825 = arith.index_cast %add3A_803 : i32 to index
        %get3A_826 = arith.constant 112 : index
        %get3A_827 = tpu.vector_load %arg7[%get3A_825, %get3A_826] {strides = array<i32>} : memref<160x128xf32, #tpu.memory_space<vmem>>, vector<16xf32>,
        %swap3A_828 = arith.index_cast %squeeze3A_783 : i32 to index
        %swap3A_829 = arith.constant 0 : index
        %swap3A_830 = tpu.vector_load %arg13[%swap3A_828, %swap3A_829] {strides = array<i32>} : memref<512x128xf32, #tpu.memory_space<vmem>>, vector<16xf32>,
        tpu.vector_store %arg13[%swap3A_828, %swap3A_829], %mul3A_792 {add = true, strides = array<i32>} : memref<512x128xf32, #tpu.memory_space<vmem>>, vector<16xf32>,
        %swap3A_831 = arith.index_cast %squeeze3A_783 : i32 to index
        %swap3A_832 = arith.constant 16 : index
        %swap3A_833 = tpu.vector_load %arg13[%swap3A_831, %swap3A_832] {strides = array<i32>} : memref<512x128xf32, #tpu.memory_space<vmem>>, vector<16xf32>,
        tpu.vector_store %arg13[%swap3A_831, %swap3A_832], %mul3A_793 {add = true, strides = array<i32>} : memref<512x128xf32, #tpu.memory_space<vmem>>, vector<16xf32>,
        %swap3A_834 = arith.index_cast %squeeze3A_783 : i32 to index
        %swap3A_835 = arith.constant 32 : index
        %swap3A_836 = tpu.vector_load %arg13[%swap3A_834, %swap3A_835] {strides = array<i32>} : memref<512x128xf32, #tpu.memory_space<vmem>>, vector<16xf32>,
        tpu.vector_store %arg13[%swap3A_834, %swap3A_835], %mul3A_794 {add = true, strides = array<i32>} : memref<512x128xf32, #tpu.memory_space<vmem>>, vector<16xf32>,
        %swap3A_837 = arith.index_cast %squeeze3A_783 : i32 to index
        %swap3A_838 = arith.constant 48 : index
        %swap3A_839 = tpu.vector_load %arg13[%swap3A_837, %swap3A_838] {strides = array<i32>} : memref<512x128xf32, #tpu.memory_space<vmem>>, vector<16xf32>,
        tpu.vector_store %arg13[%swap3A_837, %swap3A_838], %mul3A_795 {add = true, strides = array<i32>} : memref<512x128xf32, #tpu.memory_space<vmem>>, vector<16xf32>,
        %swap3A_840 = arith.index_cast %squeeze3A_783 : i32 to index
        %swap3A_841 = arith.constant 64 : index
        %swap3A_842 = tpu.vector_load %arg13[%swap3A_840, %swap3A_841] {strides = array<i32>} : memref<512x128xf32, #tpu.memory_space<vmem>>, vector<16xf32>,
        tpu.vector_store %arg13[%swap3A_840, %swap3A_841], %mul3A_796 {add = true, strides = array<i32>} : memref<512x128xf32, #tpu.memory_space<vmem>>, vector<16xf32>,
        %swap3A_843 = arith.index_cast %squeeze3A_783 : i32 to index
        %swap3A_844 = arith.constant 80 : index
        %swap3A_845 = tpu.vector_load %arg13[%swap3A_843, %swap3A_844] {strides = array<i32>} : memref<512x128xf32, #tpu.memory_space<vmem>>, vector<16xf32>,
        tpu.vector_store %arg13[%swap3A_843, %swap3A_844], %mul3A_797 {add = true, strides = array<i32>} : memref<512x128xf32, #tpu.memory_space<vmem>>, vector<16xf32>,
        %swap3A_846 = arith.index_cast %squeeze3A_783 : i32 to index
        %swap3A_847 = arith.constant 96 : index
        %swap3A_848 = tpu.vector_load %arg13[%swap3A_846, %swap3A_847] {strides = array<i32>} : memref<512x128xf32, #tpu.memory_space<vmem>>, vector<16xf32>,
        tpu.vector_store %arg13[%swap3A_846, %swap3A_847], %mul3A_798 {add = true, strides = array<i32>} : memref<512x128xf32, #tpu.memory_space<vmem>>, vector<16xf32>,
        %swap3A_849 = arith.index_cast %squeeze3A_783 : i32 to index
        %swap3A_850 = arith.constant 112 : index
        %swap3A_851 = tpu.vector_load %arg13[%swap3A_849, %swap3A_850] {strides = array<i32>} : memref<512x128xf32, #tpu.memory_space<vmem>>, vector<16xf32>,
        tpu.vector_store %arg13[%swap3A_849, %swap3A_850], %mul3A_799 {add = true, strides = array<i32>} : memref<512x128xf32, #tpu.memory_space<vmem>>, vector<16xf32>,
        %mul3A_852 = arith.constant 16 : i32
        %mul3A_853 = arith.muli %squeeze3A_783, %mul3A_852 : i32
        %swap3A_854 = arith.index_cast %mul3A_853 : i32 to index
        %swap3A_855 = tpu.vector_load %arg14[%swap3A_854] {strides = array<i32>} : memref<8192xf32, #tpu.memory_space<vmem>>, vector<16xf32>,
        tpu.vector_store %arg14[%swap3A_854], %broadcast_in_dim3A_791 {add = true, strides = array<i32>} : memref<8192xf32, #tpu.memory_space<vmem>>, vector<16xf32>,
        %mul3A_856 = arith.constant 16 : i32
        %mul3A_857 = arith.muli %scan3A_127, %mul3A_856 : i32
        %add3A_858 = arith.constant 9 : i32
        %add3A_859 = arith.addi %mul3A_857, %add3A_858 : i32
        %slice3A_860 = vector.extract_strided_slice %get3A_130 {offsets = [9], sizes = [1], strides = [1]} : vector<16xi32> to vector<1xi32>
        %squeeze3A_861 = vector.extract %slice3A_860[0] : i32 from vector<1xi32>
        %ge3A_862 = arith.cmpi sge, %add3A_859, %sub3A : i32
        %lt3A_863 = arith.cmpi slt, %add3A_859, %sub3A_75 : i32
        %and3A_864 = arith.andi %ge3A_862, %lt3A_863 : i1
        %slice3A_865 = vector.extract_strided_slice %get3A_134 {offsets = [9], sizes = [1], strides = [1]} : vector<16xf32> to vector<1xf32>
        %squeeze3A_866 = vector.extract %slice3A_865[0] : f32 from vector<1xf32>
        %jit3A_867 = arith.constant 0.000000e+00 : f32
        %select_n3A_868 = arith.select %and3A_864, %squeeze3A_866, %jit3A_867 : f32
        %broadcast_in_dim3A_869 = vector.broadcast %select_n3A_868 : f32 to vector<16xf32>
        %mul3A_870 = arith.mulf %broadcast_in_dim3A_869, %get3A_806 : vector<16xf32>
        %mul3A_871 = arith.mulf %broadcast_in_dim3A_869, %get3A_809 : vector<16xf32>
        %mul3A_872 = arith.mulf %broadcast_in_dim3A_869, %get3A_812 : vector<16xf32>
        %mul3A_873 = arith.mulf %broadcast_in_dim3A_869, %get3A_815 : vector<16xf32>
        %mul3A_874 = arith.mulf %broadcast_in_dim3A_869, %get3A_818 : vector<16xf32>
        %mul3A_875 = arith.mulf %broadcast_in_dim3A_869, %get3A_821 : vector<16xf32>
        %mul3A_876 = arith.mulf %broadcast_in_dim3A_869, %get3A_824 : vector<16xf32>
        %mul3A_877 = arith.mulf %broadcast_in_dim3A_869, %get3A_827 : vector<16xf32>
        %mul3A_878 = arith.constant 16 : i32
        %mul3A_879 = arith.muli %scan3A_127, %mul3A_878 : i32
        %add3A_880 = arith.constant 10 : i32
        %add3A_881 = arith.addi %mul3A_879, %add3A_880 : i32
        %get3A_882 = arith.index_cast %add3A_881 : i32 to index
        %get3A_883 = arith.constant 0 : index
        %get3A_884 = tpu.vector_load %arg7[%get3A_882, %get3A_883] {strides = array<i32>} : memref<160x128xf32, #tpu.memory_space<vmem>>, vector<16xf32>,
        %get3A_885 = arith.index_cast %add3A_881 : i32 to index
        %get3A_886 = arith.constant 16 : index
        %get3A_887 = tpu.vector_load %arg7[%get3A_885, %get3A_886] {strides = array<i32>} : memref<160x128xf32, #tpu.memory_space<vmem>>, vector<16xf32>,
        %get3A_888 = arith.index_cast %add3A_881 : i32 to index
        %get3A_889 = arith.constant 32 : index
        %get3A_890 = tpu.vector_load %arg7[%get3A_888, %get3A_889] {strides = array<i32>} : memref<160x128xf32, #tpu.memory_space<vmem>>, vector<16xf32>,
        %get3A_891 = arith.index_cast %add3A_881 : i32 to index
        %get3A_892 = arith.constant 48 : index
        %get3A_893 = tpu.vector_load %arg7[%get3A_891, %get3A_892] {strides = array<i32>} : memref<160x128xf32, #tpu.memory_space<vmem>>, vector<16xf32>,
        %get3A_894 = arith.index_cast %add3A_881 : i32 to index
        %get3A_895 = arith.constant 64 : index
        %get3A_896 = tpu.vector_load %arg7[%get3A_894, %get3A_895] {strides = array<i32>} : memref<160x128xf32, #tpu.memory_space<vmem>>, vector<16xf32>,
        %get3A_897 = arith.index_cast %add3A_881 : i32 to index
        %get3A_898 = arith.constant 80 : index
        %get3A_899 = tpu.vector_load %arg7[%get3A_897, %get3A_898] {strides = array<i32>} : memref<160x128xf32, #tpu.memory_space<vmem>>, vector<16xf32>,
        %get3A_900 = arith.index_cast %add3A_881 : i32 to index
        %get3A_901 = arith.constant 96 : index
        %get3A_902 = tpu.vector_load %arg7[%get3A_900, %get3A_901] {strides = array<i32>} : memref<160x128xf32, #tpu.memory_space<vmem>>, vector<16xf32>,
        %get3A_903 = arith.index_cast %add3A_881 : i32 to index
        %get3A_904 = arith.constant 112 : index
        %get3A_905 = tpu.vector_load %arg7[%get3A_903, %get3A_904] {strides = array<i32>} : memref<160x128xf32, #tpu.memory_space<vmem>>, vector<16xf32>,
        %swap3A_906 = arith.index_cast %squeeze3A_861 : i32 to index
        %swap3A_907 = arith.constant 0 : index
        %swap3A_908 = tpu.vector_load %arg13[%swap3A_906, %swap3A_907] {strides = array<i32>} : memref<512x128xf32, #tpu.memory_space<vmem>>, vector<16xf32>,
        tpu.vector_store %arg13[%swap3A_906, %swap3A_907], %mul3A_870 {add = true, strides = array<i32>} : memref<512x128xf32, #tpu.memory_space<vmem>>, vector<16xf32>,
        %swap3A_909 = arith.index_cast %squeeze3A_861 : i32 to index
        %swap3A_910 = arith.constant 16 : index
        %swap3A_911 = tpu.vector_load %arg13[%swap3A_909, %swap3A_910] {strides = array<i32>} : memref<512x128xf32, #tpu.memory_space<vmem>>, vector<16xf32>,
        tpu.vector_store %arg13[%swap3A_909, %swap3A_910], %mul3A_871 {add = true, strides = array<i32>} : memref<512x128xf32, #tpu.memory_space<vmem>>, vector<16xf32>,
        %swap3A_912 = arith.index_cast %squeeze3A_861 : i32 to index
        %swap3A_913 = arith.constant 32 : index
        %swap3A_914 = tpu.vector_load %arg13[%swap3A_912, %swap3A_913] {strides = array<i32>} : memref<512x128xf32, #tpu.memory_space<vmem>>, vector<16xf32>,
        tpu.vector_store %arg13[%swap3A_912, %swap3A_913], %mul3A_872 {add = true, strides = array<i32>} : memref<512x128xf32, #tpu.memory_space<vmem>>, vector<16xf32>,
        %swap3A_915 = arith.index_cast %squeeze3A_861 : i32 to index
        %swap3A_916 = arith.constant 48 : index
        %swap3A_917 = tpu.vector_load %arg13[%swap3A_915, %swap3A_916] {strides = array<i32>} : memref<512x128xf32, #tpu.memory_space<vmem>>, vector<16xf32>,
        tpu.vector_store %arg13[%swap3A_915, %swap3A_916], %mul3A_873 {add = true, strides = array<i32>} : memref<512x128xf32, #tpu.memory_space<vmem>>, vector<16xf32>,
        %swap3A_918 = arith.index_cast %squeeze3A_861 : i32 to index
        %swap3A_919 = arith.constant 64 : index
        %swap3A_920 = tpu.vector_load %arg13[%swap3A_918, %swap3A_919] {strides = array<i32>} : memref<512x128xf32, #tpu.memory_space<vmem>>, vector<16xf32>,
        tpu.vector_store %arg13[%swap3A_918, %swap3A_919], %mul3A_874 {add = true, strides = array<i32>} : memref<512x128xf32, #tpu.memory_space<vmem>>, vector<16xf32>,
        %swap3A_921 = arith.index_cast %squeeze3A_861 : i32 to index
        %swap3A_922 = arith.constant 80 : index
        %swap3A_923 = tpu.vector_load %arg13[%swap3A_921, %swap3A_922] {strides = array<i32>} : memref<512x128xf32, #tpu.memory_space<vmem>>, vector<16xf32>,
        tpu.vector_store %arg13[%swap3A_921, %swap3A_922], %mul3A_875 {add = true, strides = array<i32>} : memref<512x128xf32, #tpu.memory_space<vmem>>, vector<16xf32>,
        %swap3A_924 = arith.index_cast %squeeze3A_861 : i32 to index
        %swap3A_925 = arith.constant 96 : index
        %swap3A_926 = tpu.vector_load %arg13[%swap3A_924, %swap3A_925] {strides = array<i32>} : memref<512x128xf32, #tpu.memory_space<vmem>>, vector<16xf32>,
        tpu.vector_store %arg13[%swap3A_924, %swap3A_925], %mul3A_876 {add = true, strides = array<i32>} : memref<512x128xf32, #tpu.memory_space<vmem>>, vector<16xf32>,
        %swap3A_927 = arith.index_cast %squeeze3A_861 : i32 to index
        %swap3A_928 = arith.constant 112 : index
        %swap3A_929 = tpu.vector_load %arg13[%swap3A_927, %swap3A_928] {strides = array<i32>} : memref<512x128xf32, #tpu.memory_space<vmem>>, vector<16xf32>,
        tpu.vector_store %arg13[%swap3A_927, %swap3A_928], %mul3A_877 {add = true, strides = array<i32>} : memref<512x128xf32, #tpu.memory_space<vmem>>, vector<16xf32>,
        %mul3A_930 = arith.constant 16 : i32
        %mul3A_931 = arith.muli %squeeze3A_861, %mul3A_930 : i32
        %swap3A_932 = arith.index_cast %mul3A_931 : i32 to index
        %swap3A_933 = tpu.vector_load %arg14[%swap3A_932] {strides = array<i32>} : memref<8192xf32, #tpu.memory_space<vmem>>, vector<16xf32>,
        tpu.vector_store %arg14[%swap3A_932], %broadcast_in_dim3A_869 {add = true, strides = array<i32>} : memref<8192xf32, #tpu.memory_space<vmem>>, vector<16xf32>,
        %mul3A_934 = arith.constant 16 : i32
        %mul3A_935 = arith.muli %scan3A_127, %mul3A_934 : i32
        %add3A_936 = arith.constant 10 : i32
        %add3A_937 = arith.addi %mul3A_935, %add3A_936 : i32
        %slice3A_938 = vector.extract_strided_slice %get3A_130 {offsets = [10], sizes = [1], strides = [1]} : vector<16xi32> to vector<1xi32>
        %squeeze3A_939 = vector.extract %slice3A_938[0] : i32 from vector<1xi32>
        %ge3A_940 = arith.cmpi sge, %add3A_937, %sub3A : i32
        %lt3A_941 = arith.cmpi slt, %add3A_937, %sub3A_75 : i32
        %and3A_942 = arith.andi %ge3A_940, %lt3A_941 : i1
        %slice3A_943 = vector.extract_strided_slice %get3A_134 {offsets = [10], sizes = [1], strides = [1]} : vector<16xf32> to vector<1xf32>
        %squeeze3A_944 = vector.extract %slice3A_943[0] : f32 from vector<1xf32>
        %jit3A_945 = arith.constant 0.000000e+00 : f32
        %select_n3A_946 = arith.select %and3A_942, %squeeze3A_944, %jit3A_945 : f32
        %broadcast_in_dim3A_947 = vector.broadcast %select_n3A_946 : f32 to vector<16xf32>
        %mul3A_948 = arith.mulf %broadcast_in_dim3A_947, %get3A_884 : vector<16xf32>
        %mul3A_949 = arith.mulf %broadcast_in_dim3A_947, %get3A_887 : vector<16xf32>
        %mul3A_950 = arith.mulf %broadcast_in_dim3A_947, %get3A_890 : vector<16xf32>
        %mul3A_951 = arith.mulf %broadcast_in_dim3A_947, %get3A_893 : vector<16xf32>
        %mul3A_952 = arith.mulf %broadcast_in_dim3A_947, %get3A_896 : vector<16xf32>
        %mul3A_953 = arith.mulf %broadcast_in_dim3A_947, %get3A_899 : vector<16xf32>
        %mul3A_954 = arith.mulf %broadcast_in_dim3A_947, %get3A_902 : vector<16xf32>
        %mul3A_955 = arith.mulf %broadcast_in_dim3A_947, %get3A_905 : vector<16xf32>
        %mul3A_956 = arith.constant 16 : i32
        %mul3A_957 = arith.muli %scan3A_127, %mul3A_956 : i32
        %add3A_958 = arith.constant 11 : i32
        %add3A_959 = arith.addi %mul3A_957, %add3A_958 : i32
        %get3A_960 = arith.index_cast %add3A_959 : i32 to index
        %get3A_961 = arith.constant 0 : index
        %get3A_962 = tpu.vector_load %arg7[%get3A_960, %get3A_961] {strides = array<i32>} : memref<160x128xf32, #tpu.memory_space<vmem>>, vector<16xf32>,
        %get3A_963 = arith.index_cast %add3A_959 : i32 to index
        %get3A_964 = arith.constant 16 : index
        %get3A_965 = tpu.vector_load %arg7[%get3A_963, %get3A_964] {strides = array<i32>} : memref<160x128xf32, #tpu.memory_space<vmem>>, vector<16xf32>,
        %get3A_966 = arith.index_cast %add3A_959 : i32 to index
        %get3A_967 = arith.constant 32 : index
        %get3A_968 = tpu.vector_load %arg7[%get3A_966, %get3A_967] {strides = array<i32>} : memref<160x128xf32, #tpu.memory_space<vmem>>, vector<16xf32>,
        %get3A_969 = arith.index_cast %add3A_959 : i32 to index
        %get3A_970 = arith.constant 48 : index
        %get3A_971 = tpu.vector_load %arg7[%get3A_969, %get3A_970] {strides = array<i32>} : memref<160x128xf32, #tpu.memory_space<vmem>>, vector<16xf32>,
        %get3A_972 = arith.index_cast %add3A_959 : i32 to index
        %get3A_973 = arith.constant 64 : index
        %get3A_974 = tpu.vector_load %arg7[%get3A_972, %get3A_973] {strides = array<i32>} : memref<160x128xf32, #tpu.memory_space<vmem>>, vector<16xf32>,
        %get3A_975 = arith.index_cast %add3A_959 : i32 to index
        %get3A_976 = arith.constant 80 : index
        %get3A_977 = tpu.vector_load %arg7[%get3A_975, %get3A_976] {strides = array<i32>} : memref<160x128xf32, #tpu.memory_space<vmem>>, vector<16xf32>,
        %get3A_978 = arith.index_cast %add3A_959 : i32 to index
        %get3A_979 = arith.constant 96 : index
        %get3A_980 = tpu.vector_load %arg7[%get3A_978, %get3A_979] {strides = array<i32>} : memref<160x128xf32, #tpu.memory_space<vmem>>, vector<16xf32>,
        %get3A_981 = arith.index_cast %add3A_959 : i32 to index
        %get3A_982 = arith.constant 112 : index
        %get3A_983 = tpu.vector_load %arg7[%get3A_981, %get3A_982] {strides = array<i32>} : memref<160x128xf32, #tpu.memory_space<vmem>>, vector<16xf32>,
        %swap3A_984 = arith.index_cast %squeeze3A_939 : i32 to index
        %swap3A_985 = arith.constant 0 : index
        %swap3A_986 = tpu.vector_load %arg13[%swap3A_984, %swap3A_985] {strides = array<i32>} : memref<512x128xf32, #tpu.memory_space<vmem>>, vector<16xf32>,
        tpu.vector_store %arg13[%swap3A_984, %swap3A_985], %mul3A_948 {add = true, strides = array<i32>} : memref<512x128xf32, #tpu.memory_space<vmem>>, vector<16xf32>,
        %swap3A_987 = arith.index_cast %squeeze3A_939 : i32 to index
        %swap3A_988 = arith.constant 16 : index
        %swap3A_989 = tpu.vector_load %arg13[%swap3A_987, %swap3A_988] {strides = array<i32>} : memref<512x128xf32, #tpu.memory_space<vmem>>, vector<16xf32>,
        tpu.vector_store %arg13[%swap3A_987, %swap3A_988], %mul3A_949 {add = true, strides = array<i32>} : memref<512x128xf32, #tpu.memory_space<vmem>>, vector<16xf32>,
        %swap3A_990 = arith.index_cast %squeeze3A_939 : i32 to index
        %swap3A_991 = arith.constant 32 : index
        %swap3A_992 = tpu.vector_load %arg13[%swap3A_990, %swap3A_991] {strides = array<i32>} : memref<512x128xf32, #tpu.memory_space<vmem>>, vector<16xf32>,
        tpu.vector_store %arg13[%swap3A_990, %swap3A_991], %mul3A_950 {add = true, strides = array<i32>} : memref<512x128xf32, #tpu.memory_space<vmem>>, vector<16xf32>,
        %swap3A_993 = arith.index_cast %squeeze3A_939 : i32 to index
        %swap3A_994 = arith.constant 48 : index
        %swap3A_995 = tpu.vector_load %arg13[%swap3A_993, %swap3A_994] {strides = array<i32>} : memref<512x128xf32, #tpu.memory_space<vmem>>, vector<16xf32>,
        tpu.vector_store %arg13[%swap3A_993, %swap3A_994], %mul3A_951 {add = true, strides = array<i32>} : memref<512x128xf32, #tpu.memory_space<vmem>>, vector<16xf32>,
        %swap3A_996 = arith.index_cast %squeeze3A_939 : i32 to index
        %swap3A_997 = arith.constant 64 : index
        %swap3A_998 = tpu.vector_load %arg13[%swap3A_996, %swap3A_997] {strides = array<i32>} : memref<512x128xf32, #tpu.memory_space<vmem>>, vector<16xf32>,
        tpu.vector_store %arg13[%swap3A_996, %swap3A_997], %mul3A_952 {add = true, strides = array<i32>} : memref<512x128xf32, #tpu.memory_space<vmem>>, vector<16xf32>,
        %swap3A_999 = arith.index_cast %squeeze3A_939 : i32 to index
        %swap3A_1000 = arith.constant 80 : index
        %swap3A_1001 = tpu.vector_load %arg13[%swap3A_999, %swap3A_1000] {strides = array<i32>} : memref<512x128xf32, #tpu.memory_space<vmem>>, vector<16xf32>,
        tpu.vector_store %arg13[%swap3A_999, %swap3A_1000], %mul3A_953 {add = true, strides = array<i32>} : memref<512x128xf32, #tpu.memory_space<vmem>>, vector<16xf32>,
        %swap3A_1002 = arith.index_cast %squeeze3A_939 : i32 to index
        %swap3A_1003 = arith.constant 96 : index
        %swap3A_1004 = tpu.vector_load %arg13[%swap3A_1002, %swap3A_1003] {strides = array<i32>} : memref<512x128xf32, #tpu.memory_space<vmem>>, vector<16xf32>,
        tpu.vector_store %arg13[%swap3A_1002, %swap3A_1003], %mul3A_954 {add = true, strides = array<i32>} : memref<512x128xf32, #tpu.memory_space<vmem>>, vector<16xf32>,
        %swap3A_1005 = arith.index_cast %squeeze3A_939 : i32 to index
        %swap3A_1006 = arith.constant 112 : index
        %swap3A_1007 = tpu.vector_load %arg13[%swap3A_1005, %swap3A_1006] {strides = array<i32>} : memref<512x128xf32, #tpu.memory_space<vmem>>, vector<16xf32>,
        tpu.vector_store %arg13[%swap3A_1005, %swap3A_1006], %mul3A_955 {add = true, strides = array<i32>} : memref<512x128xf32, #tpu.memory_space<vmem>>, vector<16xf32>,
        %mul3A_1008 = arith.constant 16 : i32
        %mul3A_1009 = arith.muli %squeeze3A_939, %mul3A_1008 : i32
        %swap3A_1010 = arith.index_cast %mul3A_1009 : i32 to index
        %swap3A_1011 = tpu.vector_load %arg14[%swap3A_1010] {strides = array<i32>} : memref<8192xf32, #tpu.memory_space<vmem>>, vector<16xf32>,
        tpu.vector_store %arg14[%swap3A_1010], %broadcast_in_dim3A_947 {add = true, strides = array<i32>} : memref<8192xf32, #tpu.memory_space<vmem>>, vector<16xf32>,
        %mul3A_1012 = arith.constant 16 : i32
        %mul3A_1013 = arith.muli %scan3A_127, %mul3A_1012 : i32
        %add3A_1014 = arith.constant 11 : i32
        %add3A_1015 = arith.addi %mul3A_1013, %add3A_1014 : i32
        %slice3A_1016 = vector.extract_strided_slice %get3A_130 {offsets = [11], sizes = [1], strides = [1]} : vector<16xi32> to vector<1xi32>
        %squeeze3A_1017 = vector.extract %slice3A_1016[0] : i32 from vector<1xi32>
        %ge3A_1018 = arith.cmpi sge, %add3A_1015, %sub3A : i32
        %lt3A_1019 = arith.cmpi slt, %add3A_1015, %sub3A_75 : i32
        %and3A_1020 = arith.andi %ge3A_1018, %lt3A_1019 : i1
        %slice3A_1021 = vector.extract_strided_slice %get3A_134 {offsets = [11], sizes = [1], strides = [1]} : vector<16xf32> to vector<1xf32>
        %squeeze3A_1022 = vector.extract %slice3A_1021[0] : f32 from vector<1xf32>
        %jit3A_1023 = arith.constant 0.000000e+00 : f32
        %select_n3A_1024 = arith.select %and3A_1020, %squeeze3A_1022, %jit3A_1023 : f32
        %broadcast_in_dim3A_1025 = vector.broadcast %select_n3A_1024 : f32 to vector<16xf32>
        %mul3A_1026 = arith.mulf %broadcast_in_dim3A_1025, %get3A_962 : vector<16xf32>
        %mul3A_1027 = arith.mulf %broadcast_in_dim3A_1025, %get3A_965 : vector<16xf32>
        %mul3A_1028 = arith.mulf %broadcast_in_dim3A_1025, %get3A_968 : vector<16xf32>
        %mul3A_1029 = arith.mulf %broadcast_in_dim3A_1025, %get3A_971 : vector<16xf32>
        %mul3A_1030 = arith.mulf %broadcast_in_dim3A_1025, %get3A_974 : vector<16xf32>
        %mul3A_1031 = arith.mulf %broadcast_in_dim3A_1025, %get3A_977 : vector<16xf32>
        %mul3A_1032 = arith.mulf %broadcast_in_dim3A_1025, %get3A_980 : vector<16xf32>
        %mul3A_1033 = arith.mulf %broadcast_in_dim3A_1025, %get3A_983 : vector<16xf32>
        %mul3A_1034 = arith.constant 16 : i32
        %mul3A_1035 = arith.muli %scan3A_127, %mul3A_1034 : i32
        %add3A_1036 = arith.constant 12 : i32
        %add3A_1037 = arith.addi %mul3A_1035, %add3A_1036 : i32
        %get3A_1038 = arith.index_cast %add3A_1037 : i32 to index
        %get3A_1039 = arith.constant 0 : index
        %get3A_1040 = tpu.vector_load %arg7[%get3A_1038, %get3A_1039] {strides = array<i32>} : memref<160x128xf32, #tpu.memory_space<vmem>>, vector<16xf32>,
        %get3A_1041 = arith.index_cast %add3A_1037 : i32 to index
        %get3A_1042 = arith.constant 16 : index
        %get3A_1043 = tpu.vector_load %arg7[%get3A_1041, %get3A_1042] {strides = array<i32>} : memref<160x128xf32, #tpu.memory_space<vmem>>, vector<16xf32>,
        %get3A_1044 = arith.index_cast %add3A_1037 : i32 to index
        %get3A_1045 = arith.constant 32 : index
        %get3A_1046 = tpu.vector_load %arg7[%get3A_1044, %get3A_1045] {strides = array<i32>} : memref<160x128xf32, #tpu.memory_space<vmem>>, vector<16xf32>,
        %get3A_1047 = arith.index_cast %add3A_1037 : i32 to index
        %get3A_1048 = arith.constant 48 : index
        %get3A_1049 = tpu.vector_load %arg7[%get3A_1047, %get3A_1048] {strides = array<i32>} : memref<160x128xf32, #tpu.memory_space<vmem>>, vector<16xf32>,
        %get3A_1050 = arith.index_cast %add3A_1037 : i32 to index
        %get3A_1051 = arith.constant 64 : index
        %get3A_1052 = tpu.vector_load %arg7[%get3A_1050, %get3A_1051] {strides = array<i32>} : memref<160x128xf32, #tpu.memory_space<vmem>>, vector<16xf32>,
        %get3A_1053 = arith.index_cast %add3A_1037 : i32 to index
        %get3A_1054 = arith.constant 80 : index
        %get3A_1055 = tpu.vector_load %arg7[%get3A_1053, %get3A_1054] {strides = array<i32>} : memref<160x128xf32, #tpu.memory_space<vmem>>, vector<16xf32>,
        %get3A_1056 = arith.index_cast %add3A_1037 : i32 to index
        %get3A_1057 = arith.constant 96 : index
        %get3A_1058 = tpu.vector_load %arg7[%get3A_1056, %get3A_1057] {strides = array<i32>} : memref<160x128xf32, #tpu.memory_space<vmem>>, vector<16xf32>,
        %get3A_1059 = arith.index_cast %add3A_1037 : i32 to index
        %get3A_1060 = arith.constant 112 : index
        %get3A_1061 = tpu.vector_load %arg7[%get3A_1059, %get3A_1060] {strides = array<i32>} : memref<160x128xf32, #tpu.memory_space<vmem>>, vector<16xf32>,
        %swap3A_1062 = arith.index_cast %squeeze3A_1017 : i32 to index
        %swap3A_1063 = arith.constant 0 : index
        %swap3A_1064 = tpu.vector_load %arg13[%swap3A_1062, %swap3A_1063] {strides = array<i32>} : memref<512x128xf32, #tpu.memory_space<vmem>>, vector<16xf32>,
        tpu.vector_store %arg13[%swap3A_1062, %swap3A_1063], %mul3A_1026 {add = true, strides = array<i32>} : memref<512x128xf32, #tpu.memory_space<vmem>>, vector<16xf32>,
        %swap3A_1065 = arith.index_cast %squeeze3A_1017 : i32 to index
        %swap3A_1066 = arith.constant 16 : index
        %swap3A_1067 = tpu.vector_load %arg13[%swap3A_1065, %swap3A_1066] {strides = array<i32>} : memref<512x128xf32, #tpu.memory_space<vmem>>, vector<16xf32>,
        tpu.vector_store %arg13[%swap3A_1065, %swap3A_1066], %mul3A_1027 {add = true, strides = array<i32>} : memref<512x128xf32, #tpu.memory_space<vmem>>, vector<16xf32>,
        %swap3A_1068 = arith.index_cast %squeeze3A_1017 : i32 to index
        %swap3A_1069 = arith.constant 32 : index
        %swap3A_1070 = tpu.vector_load %arg13[%swap3A_1068, %swap3A_1069] {strides = array<i32>} : memref<512x128xf32, #tpu.memory_space<vmem>>, vector<16xf32>,
        tpu.vector_store %arg13[%swap3A_1068, %swap3A_1069], %mul3A_1028 {add = true, strides = array<i32>} : memref<512x128xf32, #tpu.memory_space<vmem>>, vector<16xf32>,
        %swap3A_1071 = arith.index_cast %squeeze3A_1017 : i32 to index
        %swap3A_1072 = arith.constant 48 : index
        %swap3A_1073 = tpu.vector_load %arg13[%swap3A_1071, %swap3A_1072] {strides = array<i32>} : memref<512x128xf32, #tpu.memory_space<vmem>>, vector<16xf32>,
        tpu.vector_store %arg13[%swap3A_1071, %swap3A_1072], %mul3A_1029 {add = true, strides = array<i32>} : memref<512x128xf32, #tpu.memory_space<vmem>>, vector<16xf32>,
        %swap3A_1074 = arith.index_cast %squeeze3A_1017 : i32 to index
        %swap3A_1075 = arith.constant 64 : index
        %swap3A_1076 = tpu.vector_load %arg13[%swap3A_1074, %swap3A_1075] {strides = array<i32>} : memref<512x128xf32, #tpu.memory_space<vmem>>, vector<16xf32>,
        tpu.vector_store %arg13[%swap3A_1074, %swap3A_1075], %mul3A_1030 {add = true, strides = array<i32>} : memref<512x128xf32, #tpu.memory_space<vmem>>, vector<16xf32>,
        %swap3A_1077 = arith.index_cast %squeeze3A_1017 : i32 to index
        %swap3A_1078 = arith.constant 80 : index
        %swap3A_1079 = tpu.vector_load %arg13[%swap3A_1077, %swap3A_1078] {strides = array<i32>} : memref<512x128xf32, #tpu.memory_space<vmem>>, vector<16xf32>,
        tpu.vector_store %arg13[%swap3A_1077, %swap3A_1078], %mul3A_1031 {add = true, strides = array<i32>} : memref<512x128xf32, #tpu.memory_space<vmem>>, vector<16xf32>,
        %swap3A_1080 = arith.index_cast %squeeze3A_1017 : i32 to index
        %swap3A_1081 = arith.constant 96 : index
        %swap3A_1082 = tpu.vector_load %arg13[%swap3A_1080, %swap3A_1081] {strides = array<i32>} : memref<512x128xf32, #tpu.memory_space<vmem>>, vector<16xf32>,
        tpu.vector_store %arg13[%swap3A_1080, %swap3A_1081], %mul3A_1032 {add = true, strides = array<i32>} : memref<512x128xf32, #tpu.memory_space<vmem>>, vector<16xf32>,
        %swap3A_1083 = arith.index_cast %squeeze3A_1017 : i32 to index
        %swap3A_1084 = arith.constant 112 : index
        %swap3A_1085 = tpu.vector_load %arg13[%swap3A_1083, %swap3A_1084] {strides = array<i32>} : memref<512x128xf32, #tpu.memory_space<vmem>>, vector<16xf32>,
        tpu.vector_store %arg13[%swap3A_1083, %swap3A_1084], %mul3A_1033 {add = true, strides = array<i32>} : memref<512x128xf32, #tpu.memory_space<vmem>>, vector<16xf32>,
        %mul3A_1086 = arith.constant 16 : i32
        %mul3A_1087 = arith.muli %squeeze3A_1017, %mul3A_1086 : i32
        %swap3A_1088 = arith.index_cast %mul3A_1087 : i32 to index
        %swap3A_1089 = tpu.vector_load %arg14[%swap3A_1088] {strides = array<i32>} : memref<8192xf32, #tpu.memory_space<vmem>>, vector<16xf32>,
        tpu.vector_store %arg14[%swap3A_1088], %broadcast_in_dim3A_1025 {add = true, strides = array<i32>} : memref<8192xf32, #tpu.memory_space<vmem>>, vector<16xf32>,
        %mul3A_1090 = arith.constant 16 : i32
        %mul3A_1091 = arith.muli %scan3A_127, %mul3A_1090 : i32
        %add3A_1092 = arith.constant 12 : i32
        %add3A_1093 = arith.addi %mul3A_1091, %add3A_1092 : i32
        %slice3A_1094 = vector.extract_strided_slice %get3A_130 {offsets = [12], sizes = [1], strides = [1]} : vector<16xi32> to vector<1xi32>
        %squeeze3A_1095 = vector.extract %slice3A_1094[0] : i32 from vector<1xi32>
        %ge3A_1096 = arith.cmpi sge, %add3A_1093, %sub3A : i32
        %lt3A_1097 = arith.cmpi slt, %add3A_1093, %sub3A_75 : i32
        %and3A_1098 = arith.andi %ge3A_1096, %lt3A_1097 : i1
        %slice3A_1099 = vector.extract_strided_slice %get3A_134 {offsets = [12], sizes = [1], strides = [1]} : vector<16xf32> to vector<1xf32>
        %squeeze3A_1100 = vector.extract %slice3A_1099[0] : f32 from vector<1xf32>
        %jit3A_1101 = arith.constant 0.000000e+00 : f32
        %select_n3A_1102 = arith.select %and3A_1098, %squeeze3A_1100, %jit3A_1101 : f32
        %broadcast_in_dim3A_1103 = vector.broadcast %select_n3A_1102 : f32 to vector<16xf32>
        %mul3A_1104 = arith.mulf %broadcast_in_dim3A_1103, %get3A_1040 : vector<16xf32>
        %mul3A_1105 = arith.mulf %broadcast_in_dim3A_1103, %get3A_1043 : vector<16xf32>
        %mul3A_1106 = arith.mulf %broadcast_in_dim3A_1103, %get3A_1046 : vector<16xf32>
        %mul3A_1107 = arith.mulf %broadcast_in_dim3A_1103, %get3A_1049 : vector<16xf32>
        %mul3A_1108 = arith.mulf %broadcast_in_dim3A_1103, %get3A_1052 : vector<16xf32>
        %mul3A_1109 = arith.mulf %broadcast_in_dim3A_1103, %get3A_1055 : vector<16xf32>
        %mul3A_1110 = arith.mulf %broadcast_in_dim3A_1103, %get3A_1058 : vector<16xf32>
        %mul3A_1111 = arith.mulf %broadcast_in_dim3A_1103, %get3A_1061 : vector<16xf32>
        %mul3A_1112 = arith.constant 16 : i32
        %mul3A_1113 = arith.muli %scan3A_127, %mul3A_1112 : i32
        %add3A_1114 = arith.constant 13 : i32
        %add3A_1115 = arith.addi %mul3A_1113, %add3A_1114 : i32
        %get3A_1116 = arith.index_cast %add3A_1115 : i32 to index
        %get3A_1117 = arith.constant 0 : index
        %get3A_1118 = tpu.vector_load %arg7[%get3A_1116, %get3A_1117] {strides = array<i32>} : memref<160x128xf32, #tpu.memory_space<vmem>>, vector<16xf32>,
        %get3A_1119 = arith.index_cast %add3A_1115 : i32 to index
        %get3A_1120 = arith.constant 16 : index
        %get3A_1121 = tpu.vector_load %arg7[%get3A_1119, %get3A_1120] {strides = array<i32>} : memref<160x128xf32, #tpu.memory_space<vmem>>, vector<16xf32>,
        %get3A_1122 = arith.index_cast %add3A_1115 : i32 to index
        %get3A_1123 = arith.constant 32 : index
        %get3A_1124 = tpu.vector_load %arg7[%get3A_1122, %get3A_1123] {strides = array<i32>} : memref<160x128xf32, #tpu.memory_space<vmem>>, vector<16xf32>,
        %get3A_1125 = arith.index_cast %add3A_1115 : i32 to index
        %get3A_1126 = arith.constant 48 : index
        %get3A_1127 = tpu.vector_load %arg7[%get3A_1125, %get3A_1126] {strides = array<i32>} : memref<160x128xf32, #tpu.memory_space<vmem>>, vector<16xf32>,
        %get3A_1128 = arith.index_cast %add3A_1115 : i32 to index
        %get3A_1129 = arith.constant 64 : index
        %get3A_1130 = tpu.vector_load %arg7[%get3A_1128, %get3A_1129] {strides = array<i32>} : memref<160x128xf32, #tpu.memory_space<vmem>>, vector<16xf32>,
        %get3A_1131 = arith.index_cast %add3A_1115 : i32 to index
        %get3A_1132 = arith.constant 80 : index
        %get3A_1133 = tpu.vector_load %arg7[%get3A_1131, %get3A_1132] {strides = array<i32>} : memref<160x128xf32, #tpu.memory_space<vmem>>, vector<16xf32>,
        %get3A_1134 = arith.index_cast %add3A_1115 : i32 to index
        %get3A_1135 = arith.constant 96 : index
        %get3A_1136 = tpu.vector_load %arg7[%get3A_1134, %get3A_1135] {strides = array<i32>} : memref<160x128xf32, #tpu.memory_space<vmem>>, vector<16xf32>,
        %get3A_1137 = arith.index_cast %add3A_1115 : i32 to index
        %get3A_1138 = arith.constant 112 : index
        %get3A_1139 = tpu.vector_load %arg7[%get3A_1137, %get3A_1138] {strides = array<i32>} : memref<160x128xf32, #tpu.memory_space<vmem>>, vector<16xf32>,
        %swap3A_1140 = arith.index_cast %squeeze3A_1095 : i32 to index
        %swap3A_1141 = arith.constant 0 : index
        %swap3A_1142 = tpu.vector_load %arg13[%swap3A_1140, %swap3A_1141] {strides = array<i32>} : memref<512x128xf32, #tpu.memory_space<vmem>>, vector<16xf32>,
        tpu.vector_store %arg13[%swap3A_1140, %swap3A_1141], %mul3A_1104 {add = true, strides = array<i32>} : memref<512x128xf32, #tpu.memory_space<vmem>>, vector<16xf32>,
        %swap3A_1143 = arith.index_cast %squeeze3A_1095 : i32 to index
        %swap3A_1144 = arith.constant 16 : index
        %swap3A_1145 = tpu.vector_load %arg13[%swap3A_1143, %swap3A_1144] {strides = array<i32>} : memref<512x128xf32, #tpu.memory_space<vmem>>, vector<16xf32>,
        tpu.vector_store %arg13[%swap3A_1143, %swap3A_1144], %mul3A_1105 {add = true, strides = array<i32>} : memref<512x128xf32, #tpu.memory_space<vmem>>, vector<16xf32>,
        %swap3A_1146 = arith.index_cast %squeeze3A_1095 : i32 to index
        %swap3A_1147 = arith.constant 32 : index
        %swap3A_1148 = tpu.vector_load %arg13[%swap3A_1146, %swap3A_1147] {strides = array<i32>} : memref<512x128xf32, #tpu.memory_space<vmem>>, vector<16xf32>,
        tpu.vector_store %arg13[%swap3A_1146, %swap3A_1147], %mul3A_1106 {add = true, strides = array<i32>} : memref<512x128xf32, #tpu.memory_space<vmem>>, vector<16xf32>,
        %swap3A_1149 = arith.index_cast %squeeze3A_1095 : i32 to index
        %swap3A_1150 = arith.constant 48 : index
        %swap3A_1151 = tpu.vector_load %arg13[%swap3A_1149, %swap3A_1150] {strides = array<i32>} : memref<512x128xf32, #tpu.memory_space<vmem>>, vector<16xf32>,
        tpu.vector_store %arg13[%swap3A_1149, %swap3A_1150], %mul3A_1107 {add = true, strides = array<i32>} : memref<512x128xf32, #tpu.memory_space<vmem>>, vector<16xf32>,
        %swap3A_1152 = arith.index_cast %squeeze3A_1095 : i32 to index
        %swap3A_1153 = arith.constant 64 : index
        %swap3A_1154 = tpu.vector_load %arg13[%swap3A_1152, %swap3A_1153] {strides = array<i32>} : memref<512x128xf32, #tpu.memory_space<vmem>>, vector<16xf32>,
        tpu.vector_store %arg13[%swap3A_1152, %swap3A_1153], %mul3A_1108 {add = true, strides = array<i32>} : memref<512x128xf32, #tpu.memory_space<vmem>>, vector<16xf32>,
        %swap3A_1155 = arith.index_cast %squeeze3A_1095 : i32 to index
        %swap3A_1156 = arith.constant 80 : index
        %swap3A_1157 = tpu.vector_load %arg13[%swap3A_1155, %swap3A_1156] {strides = array<i32>} : memref<512x128xf32, #tpu.memory_space<vmem>>, vector<16xf32>,
        tpu.vector_store %arg13[%swap3A_1155, %swap3A_1156], %mul3A_1109 {add = true, strides = array<i32>} : memref<512x128xf32, #tpu.memory_space<vmem>>, vector<16xf32>,
        %swap3A_1158 = arith.index_cast %squeeze3A_1095 : i32 to index
        %swap3A_1159 = arith.constant 96 : index
        %swap3A_1160 = tpu.vector_load %arg13[%swap3A_1158, %swap3A_1159] {strides = array<i32>} : memref<512x128xf32, #tpu.memory_space<vmem>>, vector<16xf32>,
        tpu.vector_store %arg13[%swap3A_1158, %swap3A_1159], %mul3A_1110 {add = true, strides = array<i32>} : memref<512x128xf32, #tpu.memory_space<vmem>>, vector<16xf32>,
        %swap3A_1161 = arith.index_cast %squeeze3A_1095 : i32 to index
        %swap3A_1162 = arith.constant 112 : index
        %swap3A_1163 = tpu.vector_load %arg13[%swap3A_1161, %swap3A_1162] {strides = array<i32>} : memref<512x128xf32, #tpu.memory_space<vmem>>, vector<16xf32>,
        tpu.vector_store %arg13[%swap3A_1161, %swap3A_1162], %mul3A_1111 {add = true, strides = array<i32>} : memref<512x128xf32, #tpu.memory_space<vmem>>, vector<16xf32>,
        %mul3A_1164 = arith.constant 16 : i32
        %mul3A_1165 = arith.muli %squeeze3A_1095, %mul3A_1164 : i32
        %swap3A_1166 = arith.index_cast %mul3A_1165 : i32 to index
        %swap3A_1167 = tpu.vector_load %arg14[%swap3A_1166] {strides = array<i32>} : memref<8192xf32, #tpu.memory_space<vmem>>, vector<16xf32>,
        tpu.vector_store %arg14[%swap3A_1166], %broadcast_in_dim3A_1103 {add = true, strides = array<i32>} : memref<8192xf32, #tpu.memory_space<vmem>>, vector<16xf32>,
        %mul3A_1168 = arith.constant 16 : i32
        %mul3A_1169 = arith.muli %scan3A_127, %mul3A_1168 : i32
        %add3A_1170 = arith.constant 13 : i32
        %add3A_1171 = arith.addi %mul3A_1169, %add3A_1170 : i32
        %slice3A_1172 = vector.extract_strided_slice %get3A_130 {offsets = [13], sizes = [1], strides = [1]} : vector<16xi32> to vector<1xi32>
        %squeeze3A_1173 = vector.extract %slice3A_1172[0] : i32 from vector<1xi32>
        %ge3A_1174 = arith.cmpi sge, %add3A_1171, %sub3A : i32
        %lt3A_1175 = arith.cmpi slt, %add3A_1171, %sub3A_75 : i32
        %and3A_1176 = arith.andi %ge3A_1174, %lt3A_1175 : i1
        %slice3A_1177 = vector.extract_strided_slice %get3A_134 {offsets = [13], sizes = [1], strides = [1]} : vector<16xf32> to vector<1xf32>
        %squeeze3A_1178 = vector.extract %slice3A_1177[0] : f32 from vector<1xf32>
        %jit3A_1179 = arith.constant 0.000000e+00 : f32
        %select_n3A_1180 = arith.select %and3A_1176, %squeeze3A_1178, %jit3A_1179 : f32
        %broadcast_in_dim3A_1181 = vector.broadcast %select_n3A_1180 : f32 to vector<16xf32>
        %mul3A_1182 = arith.mulf %broadcast_in_dim3A_1181, %get3A_1118 : vector<16xf32>
        %mul3A_1183 = arith.mulf %broadcast_in_dim3A_1181, %get3A_1121 : vector<16xf32>
        %mul3A_1184 = arith.mulf %broadcast_in_dim3A_1181, %get3A_1124 : vector<16xf32>
        %mul3A_1185 = arith.mulf %broadcast_in_dim3A_1181, %get3A_1127 : vector<16xf32>
        %mul3A_1186 = arith.mulf %broadcast_in_dim3A_1181, %get3A_1130 : vector<16xf32>
        %mul3A_1187 = arith.mulf %broadcast_in_dim3A_1181, %get3A_1133 : vector<16xf32>
        %mul3A_1188 = arith.mulf %broadcast_in_dim3A_1181, %get3A_1136 : vector<16xf32>
        %mul3A_1189 = arith.mulf %broadcast_in_dim3A_1181, %get3A_1139 : vector<16xf32>
        %mul3A_1190 = arith.constant 16 : i32
        %mul3A_1191 = arith.muli %scan3A_127, %mul3A_1190 : i32
        %add3A_1192 = arith.constant 14 : i32
        %add3A_1193 = arith.addi %mul3A_1191, %add3A_1192 : i32
        %get3A_1194 = arith.index_cast %add3A_1193 : i32 to index
        %get3A_1195 = arith.constant 0 : index
        %get3A_1196 = tpu.vector_load %arg7[%get3A_1194, %get3A_1195] {strides = array<i32>} : memref<160x128xf32, #tpu.memory_space<vmem>>, vector<16xf32>,
        %get3A_1197 = arith.index_cast %add3A_1193 : i32 to index
        %get3A_1198 = arith.constant 16 : index
        %get3A_1199 = tpu.vector_load %arg7[%get3A_1197, %get3A_1198] {strides = array<i32>} : memref<160x128xf32, #tpu.memory_space<vmem>>, vector<16xf32>,
        %get3A_1200 = arith.index_cast %add3A_1193 : i32 to index
        %get3A_1201 = arith.constant 32 : index
        %get3A_1202 = tpu.vector_load %arg7[%get3A_1200, %get3A_1201] {strides = array<i32>} : memref<160x128xf32, #tpu.memory_space<vmem>>, vector<16xf32>,
        %get3A_1203 = arith.index_cast %add3A_1193 : i32 to index
        %get3A_1204 = arith.constant 48 : index
        %get3A_1205 = tpu.vector_load %arg7[%get3A_1203, %get3A_1204] {strides = array<i32>} : memref<160x128xf32, #tpu.memory_space<vmem>>, vector<16xf32>,
        %get3A_1206 = arith.index_cast %add3A_1193 : i32 to index
        %get3A_1207 = arith.constant 64 : index
        %get3A_1208 = tpu.vector_load %arg7[%get3A_1206, %get3A_1207] {strides = array<i32>} : memref<160x128xf32, #tpu.memory_space<vmem>>, vector<16xf32>,
        %get3A_1209 = arith.index_cast %add3A_1193 : i32 to index
        %get3A_1210 = arith.constant 80 : index
        %get3A_1211 = tpu.vector_load %arg7[%get3A_1209, %get3A_1210] {strides = array<i32>} : memref<160x128xf32, #tpu.memory_space<vmem>>, vector<16xf32>,
        %get3A_1212 = arith.index_cast %add3A_1193 : i32 to index
        %get3A_1213 = arith.constant 96 : index
        %get3A_1214 = tpu.vector_load %arg7[%get3A_1212, %get3A_1213] {strides = array<i32>} : memref<160x128xf32, #tpu.memory_space<vmem>>, vector<16xf32>,
        %get3A_1215 = arith.index_cast %add3A_1193 : i32 to index
        %get3A_1216 = arith.constant 112 : index
        %get3A_1217 = tpu.vector_load %arg7[%get3A_1215, %get3A_1216] {strides = array<i32>} : memref<160x128xf32, #tpu.memory_space<vmem>>, vector<16xf32>,
        %swap3A_1218 = arith.index_cast %squeeze3A_1173 : i32 to index
        %swap3A_1219 = arith.constant 0 : index
        %swap3A_1220 = tpu.vector_load %arg13[%swap3A_1218, %swap3A_1219] {strides = array<i32>} : memref<512x128xf32, #tpu.memory_space<vmem>>, vector<16xf32>,
        tpu.vector_store %arg13[%swap3A_1218, %swap3A_1219], %mul3A_1182 {add = true, strides = array<i32>} : memref<512x128xf32, #tpu.memory_space<vmem>>, vector<16xf32>,
        %swap3A_1221 = arith.index_cast %squeeze3A_1173 : i32 to index
        %swap3A_1222 = arith.constant 16 : index
        %swap3A_1223 = tpu.vector_load %arg13[%swap3A_1221, %swap3A_1222] {strides = array<i32>} : memref<512x128xf32, #tpu.memory_space<vmem>>, vector<16xf32>,
        tpu.vector_store %arg13[%swap3A_1221, %swap3A_1222], %mul3A_1183 {add = true, strides = array<i32>} : memref<512x128xf32, #tpu.memory_space<vmem>>, vector<16xf32>,
        %swap3A_1224 = arith.index_cast %squeeze3A_1173 : i32 to index
        %swap3A_1225 = arith.constant 32 : index
        %swap3A_1226 = tpu.vector_load %arg13[%swap3A_1224, %swap3A_1225] {strides = array<i32>} : memref<512x128xf32, #tpu.memory_space<vmem>>, vector<16xf32>,
        tpu.vector_store %arg13[%swap3A_1224, %swap3A_1225], %mul3A_1184 {add = true, strides = array<i32>} : memref<512x128xf32, #tpu.memory_space<vmem>>, vector<16xf32>,
        %swap3A_1227 = arith.index_cast %squeeze3A_1173 : i32 to index
        %swap3A_1228 = arith.constant 48 : index
        %swap3A_1229 = tpu.vector_load %arg13[%swap3A_1227, %swap3A_1228] {strides = array<i32>} : memref<512x128xf32, #tpu.memory_space<vmem>>, vector<16xf32>,
        tpu.vector_store %arg13[%swap3A_1227, %swap3A_1228], %mul3A_1185 {add = true, strides = array<i32>} : memref<512x128xf32, #tpu.memory_space<vmem>>, vector<16xf32>,
        %swap3A_1230 = arith.index_cast %squeeze3A_1173 : i32 to index
        %swap3A_1231 = arith.constant 64 : index
        %swap3A_1232 = tpu.vector_load %arg13[%swap3A_1230, %swap3A_1231] {strides = array<i32>} : memref<512x128xf32, #tpu.memory_space<vmem>>, vector<16xf32>,
        tpu.vector_store %arg13[%swap3A_1230, %swap3A_1231], %mul3A_1186 {add = true, strides = array<i32>} : memref<512x128xf32, #tpu.memory_space<vmem>>, vector<16xf32>,
        %swap3A_1233 = arith.index_cast %squeeze3A_1173 : i32 to index
        %swap3A_1234 = arith.constant 80 : index
        %swap3A_1235 = tpu.vector_load %arg13[%swap3A_1233, %swap3A_1234] {strides = array<i32>} : memref<512x128xf32, #tpu.memory_space<vmem>>, vector<16xf32>,
        tpu.vector_store %arg13[%swap3A_1233, %swap3A_1234], %mul3A_1187 {add = true, strides = array<i32>} : memref<512x128xf32, #tpu.memory_space<vmem>>, vector<16xf32>,
        %swap3A_1236 = arith.index_cast %squeeze3A_1173 : i32 to index
        %swap3A_1237 = arith.constant 96 : index
        %swap3A_1238 = tpu.vector_load %arg13[%swap3A_1236, %swap3A_1237] {strides = array<i32>} : memref<512x128xf32, #tpu.memory_space<vmem>>, vector<16xf32>,
        tpu.vector_store %arg13[%swap3A_1236, %swap3A_1237], %mul3A_1188 {add = true, strides = array<i32>} : memref<512x128xf32, #tpu.memory_space<vmem>>, vector<16xf32>,
        %swap3A_1239 = arith.index_cast %squeeze3A_1173 : i32 to index
        %swap3A_1240 = arith.constant 112 : index
        %swap3A_1241 = tpu.vector_load %arg13[%swap3A_1239, %swap3A_1240] {strides = array<i32>} : memref<512x128xf32, #tpu.memory_space<vmem>>, vector<16xf32>,
        tpu.vector_store %arg13[%swap3A_1239, %swap3A_1240], %mul3A_1189 {add = true, strides = array<i32>} : memref<512x128xf32, #tpu.memory_space<vmem>>, vector<16xf32>,
        %mul3A_1242 = arith.constant 16 : i32
        %mul3A_1243 = arith.muli %squeeze3A_1173, %mul3A_1242 : i32
        %swap3A_1244 = arith.index_cast %mul3A_1243 : i32 to index
        %swap3A_1245 = tpu.vector_load %arg14[%swap3A_1244] {strides = array<i32>} : memref<8192xf32, #tpu.memory_space<vmem>>, vector<16xf32>,
        tpu.vector_store %arg14[%swap3A_1244], %broadcast_in_dim3A_1181 {add = true, strides = array<i32>} : memref<8192xf32, #tpu.memory_space<vmem>>, vector<16xf32>,
        %mul3A_1246 = arith.constant 16 : i32
        %mul3A_1247 = arith.muli %scan3A_127, %mul3A_1246 : i32
        %add3A_1248 = arith.constant 14 : i32
        %add3A_1249 = arith.addi %mul3A_1247, %add3A_1248 : i32
        %slice3A_1250 = vector.extract_strided_slice %get3A_130 {offsets = [14], sizes = [1], strides = [1]} : vector<16xi32> to vector<1xi32>
        %squeeze3A_1251 = vector.extract %slice3A_1250[0] : i32 from vector<1xi32>
        %ge3A_1252 = arith.cmpi sge, %add3A_1249, %sub3A : i32
        %lt3A_1253 = arith.cmpi slt, %add3A_1249, %sub3A_75 : i32
        %and3A_1254 = arith.andi %ge3A_1252, %lt3A_1253 : i1
        %slice3A_1255 = vector.extract_strided_slice %get3A_134 {offsets = [14], sizes = [1], strides = [1]} : vector<16xf32> to vector<1xf32>
        %squeeze3A_1256 = vector.extract %slice3A_1255[0] : f32 from vector<1xf32>
        %jit3A_1257 = arith.constant 0.000000e+00 : f32
        %select_n3A_1258 = arith.select %and3A_1254, %squeeze3A_1256, %jit3A_1257 : f32
        %broadcast_in_dim3A_1259 = vector.broadcast %select_n3A_1258 : f32 to vector<16xf32>
        %mul3A_1260 = arith.mulf %broadcast_in_dim3A_1259, %get3A_1196 : vector<16xf32>
        %mul3A_1261 = arith.mulf %broadcast_in_dim3A_1259, %get3A_1199 : vector<16xf32>
        %mul3A_1262 = arith.mulf %broadcast_in_dim3A_1259, %get3A_1202 : vector<16xf32>
        %mul3A_1263 = arith.mulf %broadcast_in_dim3A_1259, %get3A_1205 : vector<16xf32>
        %mul3A_1264 = arith.mulf %broadcast_in_dim3A_1259, %get3A_1208 : vector<16xf32>
        %mul3A_1265 = arith.mulf %broadcast_in_dim3A_1259, %get3A_1211 : vector<16xf32>
        %mul3A_1266 = arith.mulf %broadcast_in_dim3A_1259, %get3A_1214 : vector<16xf32>
        %mul3A_1267 = arith.mulf %broadcast_in_dim3A_1259, %get3A_1217 : vector<16xf32>
        %mul3A_1268 = arith.constant 16 : i32
        %mul3A_1269 = arith.muli %scan3A_127, %mul3A_1268 : i32
        %add3A_1270 = arith.constant 15 : i32
        %add3A_1271 = arith.addi %mul3A_1269, %add3A_1270 : i32
        %get3A_1272 = arith.index_cast %add3A_1271 : i32 to index
        %get3A_1273 = arith.constant 0 : index
        %get3A_1274 = tpu.vector_load %arg7[%get3A_1272, %get3A_1273] {strides = array<i32>} : memref<160x128xf32, #tpu.memory_space<vmem>>, vector<16xf32>,
        %get3A_1275 = arith.index_cast %add3A_1271 : i32 to index
        %get3A_1276 = arith.constant 16 : index
        %get3A_1277 = tpu.vector_load %arg7[%get3A_1275, %get3A_1276] {strides = array<i32>} : memref<160x128xf32, #tpu.memory_space<vmem>>, vector<16xf32>,
        %get3A_1278 = arith.index_cast %add3A_1271 : i32 to index
        %get3A_1279 = arith.constant 32 : index
        %get3A_1280 = tpu.vector_load %arg7[%get3A_1278, %get3A_1279] {strides = array<i32>} : memref<160x128xf32, #tpu.memory_space<vmem>>, vector<16xf32>,
        %get3A_1281 = arith.index_cast %add3A_1271 : i32 to index
        %get3A_1282 = arith.constant 48 : index
        %get3A_1283 = tpu.vector_load %arg7[%get3A_1281, %get3A_1282] {strides = array<i32>} : memref<160x128xf32, #tpu.memory_space<vmem>>, vector<16xf32>,
        %get3A_1284 = arith.index_cast %add3A_1271 : i32 to index
        %get3A_1285 = arith.constant 64 : index
        %get3A_1286 = tpu.vector_load %arg7[%get3A_1284, %get3A_1285] {strides = array<i32>} : memref<160x128xf32, #tpu.memory_space<vmem>>, vector<16xf32>,
        %get3A_1287 = arith.index_cast %add3A_1271 : i32 to index
        %get3A_1288 = arith.constant 80 : index
        %get3A_1289 = tpu.vector_load %arg7[%get3A_1287, %get3A_1288] {strides = array<i32>} : memref<160x128xf32, #tpu.memory_space<vmem>>, vector<16xf32>,
        %get3A_1290 = arith.index_cast %add3A_1271 : i32 to index
        %get3A_1291 = arith.constant 96 : index
        %get3A_1292 = tpu.vector_load %arg7[%get3A_1290, %get3A_1291] {strides = array<i32>} : memref<160x128xf32, #tpu.memory_space<vmem>>, vector<16xf32>,
        %get3A_1293 = arith.index_cast %add3A_1271 : i32 to index
        %get3A_1294 = arith.constant 112 : index
        %get3A_1295 = tpu.vector_load %arg7[%get3A_1293, %get3A_1294] {strides = array<i32>} : memref<160x128xf32, #tpu.memory_space<vmem>>, vector<16xf32>,
        %swap3A_1296 = arith.index_cast %squeeze3A_1251 : i32 to index
        %swap3A_1297 = arith.constant 0 : index
        %swap3A_1298 = tpu.vector_load %arg13[%swap3A_1296, %swap3A_1297] {strides = array<i32>} : memref<512x128xf32, #tpu.memory_space<vmem>>, vector<16xf32>,
        tpu.vector_store %arg13[%swap3A_1296, %swap3A_1297], %mul3A_1260 {add = true, strides = array<i32>} : memref<512x128xf32, #tpu.memory_space<vmem>>, vector<16xf32>,
        %swap3A_1299 = arith.index_cast %squeeze3A_1251 : i32 to index
        %swap3A_1300 = arith.constant 16 : index
        %swap3A_1301 = tpu.vector_load %arg13[%swap3A_1299, %swap3A_1300] {strides = array<i32>} : memref<512x128xf32, #tpu.memory_space<vmem>>, vector<16xf32>,
        tpu.vector_store %arg13[%swap3A_1299, %swap3A_1300], %mul3A_1261 {add = true, strides = array<i32>} : memref<512x128xf32, #tpu.memory_space<vmem>>, vector<16xf32>,
        %swap3A_1302 = arith.index_cast %squeeze3A_1251 : i32 to index
        %swap3A_1303 = arith.constant 32 : index
        %swap3A_1304 = tpu.vector_load %arg13[%swap3A_1302, %swap3A_1303] {strides = array<i32>} : memref<512x128xf32, #tpu.memory_space<vmem>>, vector<16xf32>,
        tpu.vector_store %arg13[%swap3A_1302, %swap3A_1303], %mul3A_1262 {add = true, strides = array<i32>} : memref<512x128xf32, #tpu.memory_space<vmem>>, vector<16xf32>,
        %swap3A_1305 = arith.index_cast %squeeze3A_1251 : i32 to index
        %swap3A_1306 = arith.constant 48 : index
        %swap3A_1307 = tpu.vector_load %arg13[%swap3A_1305, %swap3A_1306] {strides = array<i32>} : memref<512x128xf32, #tpu.memory_space<vmem>>, vector<16xf32>,
        tpu.vector_store %arg13[%swap3A_1305, %swap3A_1306], %mul3A_1263 {add = true, strides = array<i32>} : memref<512x128xf32, #tpu.memory_space<vmem>>, vector<16xf32>,
        %swap3A_1308 = arith.index_cast %squeeze3A_1251 : i32 to index
        %swap3A_1309 = arith.constant 64 : index
        %swap3A_1310 = tpu.vector_load %arg13[%swap3A_1308, %swap3A_1309] {strides = array<i32>} : memref<512x128xf32, #tpu.memory_space<vmem>>, vector<16xf32>,
        tpu.vector_store %arg13[%swap3A_1308, %swap3A_1309], %mul3A_1264 {add = true, strides = array<i32>} : memref<512x128xf32, #tpu.memory_space<vmem>>, vector<16xf32>,
        %swap3A_1311 = arith.index_cast %squeeze3A_1251 : i32 to index
        %swap3A_1312 = arith.constant 80 : index
        %swap3A_1313 = tpu.vector_load %arg13[%swap3A_1311, %swap3A_1312] {strides = array<i32>} : memref<512x128xf32, #tpu.memory_space<vmem>>, vector<16xf32>,
        tpu.vector_store %arg13[%swap3A_1311, %swap3A_1312], %mul3A_1265 {add = true, strides = array<i32>} : memref<512x128xf32, #tpu.memory_space<vmem>>, vector<16xf32>,
        %swap3A_1314 = arith.index_cast %squeeze3A_1251 : i32 to index
        %swap3A_1315 = arith.constant 96 : index
        %swap3A_1316 = tpu.vector_load %arg13[%swap3A_1314, %swap3A_1315] {strides = array<i32>} : memref<512x128xf32, #tpu.memory_space<vmem>>, vector<16xf32>,
        tpu.vector_store %arg13[%swap3A_1314, %swap3A_1315], %mul3A_1266 {add = true, strides = array<i32>} : memref<512x128xf32, #tpu.memory_space<vmem>>, vector<16xf32>,
        %swap3A_1317 = arith.index_cast %squeeze3A_1251 : i32 to index
        %swap3A_1318 = arith.constant 112 : index
        %swap3A_1319 = tpu.vector_load %arg13[%swap3A_1317, %swap3A_1318] {strides = array<i32>} : memref<512x128xf32, #tpu.memory_space<vmem>>, vector<16xf32>,
        tpu.vector_store %arg13[%swap3A_1317, %swap3A_1318], %mul3A_1267 {add = true, strides = array<i32>} : memref<512x128xf32, #tpu.memory_space<vmem>>, vector<16xf32>,
        %mul3A_1320 = arith.constant 16 : i32
        %mul3A_1321 = arith.muli %squeeze3A_1251, %mul3A_1320 : i32
        %swap3A_1322 = arith.index_cast %mul3A_1321 : i32 to index
        %swap3A_1323 = tpu.vector_load %arg14[%swap3A_1322] {strides = array<i32>} : memref<8192xf32, #tpu.memory_space<vmem>>, vector<16xf32>,
        tpu.vector_store %arg14[%swap3A_1322], %broadcast_in_dim3A_1259 {add = true, strides = array<i32>} : memref<8192xf32, #tpu.memory_space<vmem>>, vector<16xf32>,
        %mul3A_1324 = arith.constant 16 : i32
        %mul3A_1325 = arith.muli %scan3A_127, %mul3A_1324 : i32
        %add3A_1326 = arith.constant 15 : i32
        %add3A_1327 = arith.addi %mul3A_1325, %add3A_1326 : i32
        %slice3A_1328 = vector.extract_strided_slice %get3A_130 {offsets = [15], sizes = [1], strides = [1]} : vector<16xi32> to vector<1xi32>
        %squeeze3A_1329 = vector.extract %slice3A_1328[0] : i32 from vector<1xi32>
        %ge3A_1330 = arith.cmpi sge, %add3A_1327, %sub3A : i32
        %lt3A_1331 = arith.cmpi slt, %add3A_1327, %sub3A_75 : i32
        %and3A_1332 = arith.andi %ge3A_1330, %lt3A_1331 : i1
        %slice3A_1333 = vector.extract_strided_slice %get3A_134 {offsets = [15], sizes = [1], strides = [1]} : vector<16xf32> to vector<1xf32>
        %squeeze3A_1334 = vector.extract %slice3A_1333[0] : f32 from vector<1xf32>
        %jit3A_1335 = arith.constant 0.000000e+00 : f32
        %select_n3A_1336 = arith.select %and3A_1332, %squeeze3A_1334, %jit3A_1335 : f32
        %broadcast_in_dim3A_1337 = vector.broadcast %select_n3A_1336 : f32 to vector<16xf32>
        %mul3A_1338 = arith.mulf %broadcast_in_dim3A_1337, %get3A_1274 : vector<16xf32>
        %mul3A_1339 = arith.mulf %broadcast_in_dim3A_1337, %get3A_1277 : vector<16xf32>
        %mul3A_1340 = arith.mulf %broadcast_in_dim3A_1337, %get3A_1280 : vector<16xf32>
        %mul3A_1341 = arith.mulf %broadcast_in_dim3A_1337, %get3A_1283 : vector<16xf32>
        %mul3A_1342 = arith.mulf %broadcast_in_dim3A_1337, %get3A_1286 : vector<16xf32>
        %mul3A_1343 = arith.mulf %broadcast_in_dim3A_1337, %get3A_1289 : vector<16xf32>
        %mul3A_1344 = arith.mulf %broadcast_in_dim3A_1337, %get3A_1292 : vector<16xf32>
        %mul3A_1345 = arith.mulf %broadcast_in_dim3A_1337, %get3A_1295 : vector<16xf32>
        %swap3A_1346 = arith.index_cast %squeeze3A_1329 : i32 to index
        %swap3A_1347 = arith.constant 0 : index
        %swap3A_1348 = tpu.vector_load %arg13[%swap3A_1346, %swap3A_1347] {strides = array<i32>} : memref<512x128xf32, #tpu.memory_space<vmem>>, vector<16xf32>,
        tpu.vector_store %arg13[%swap3A_1346, %swap3A_1347], %mul3A_1338 {add = true, strides = array<i32>} : memref<512x128xf32, #tpu.memory_space<vmem>>, vector<16xf32>,
        %swap3A_1349 = arith.index_cast %squeeze3A_1329 : i32 to index
        %swap3A_1350 = arith.constant 16 : index
        %swap3A_1351 = tpu.vector_load %arg13[%swap3A_1349, %swap3A_1350] {strides = array<i32>} : memref<512x128xf32, #tpu.memory_space<vmem>>, vector<16xf32>,
        tpu.vector_store %arg13[%swap3A_1349, %swap3A_1350], %mul3A_1339 {add = true, strides = array<i32>} : memref<512x128xf32, #tpu.memory_space<vmem>>, vector<16xf32>,
        %swap3A_1352 = arith.index_cast %squeeze3A_1329 : i32 to index
        %swap3A_1353 = arith.constant 32 : index
        %swap3A_1354 = tpu.vector_load %arg13[%swap3A_1352, %swap3A_1353] {strides = array<i32>} : memref<512x128xf32, #tpu.memory_space<vmem>>, vector<16xf32>,
        tpu.vector_store %arg13[%swap3A_1352, %swap3A_1353], %mul3A_1340 {add = true, strides = array<i32>} : memref<512x128xf32, #tpu.memory_space<vmem>>, vector<16xf32>,
        %swap3A_1355 = arith.index_cast %squeeze3A_1329 : i32 to index
        %swap3A_1356 = arith.constant 48 : index
        %swap3A_1357 = tpu.vector_load %arg13[%swap3A_1355, %swap3A_1356] {strides = array<i32>} : memref<512x128xf32, #tpu.memory_space<vmem>>, vector<16xf32>,
        tpu.vector_store %arg13[%swap3A_1355, %swap3A_1356], %mul3A_1341 {add = true, strides = array<i32>} : memref<512x128xf32, #tpu.memory_space<vmem>>, vector<16xf32>,
        %swap3A_1358 = arith.index_cast %squeeze3A_1329 : i32 to index
        %swap3A_1359 = arith.constant 64 : index
        %swap3A_1360 = tpu.vector_load %arg13[%swap3A_1358, %swap3A_1359] {strides = array<i32>} : memref<512x128xf32, #tpu.memory_space<vmem>>, vector<16xf32>,
        tpu.vector_store %arg13[%swap3A_1358, %swap3A_1359], %mul3A_1342 {add = true, strides = array<i32>} : memref<512x128xf32, #tpu.memory_space<vmem>>, vector<16xf32>,
        %swap3A_1361 = arith.index_cast %squeeze3A_1329 : i32 to index
        %swap3A_1362 = arith.constant 80 : index
        %swap3A_1363 = tpu.vector_load %arg13[%swap3A_1361, %swap3A_1362] {strides = array<i32>} : memref<512x128xf32, #tpu.memory_space<vmem>>, vector<16xf32>,
        tpu.vector_store %arg13[%swap3A_1361, %swap3A_1362], %mul3A_1343 {add = true, strides = array<i32>} : memref<512x128xf32, #tpu.memory_space<vmem>>, vector<16xf32>,
        %swap3A_1364 = arith.index_cast %squeeze3A_1329 : i32 to index
        %swap3A_1365 = arith.constant 96 : index
        %swap3A_1366 = tpu.vector_load %arg13[%swap3A_1364, %swap3A_1365] {strides = array<i32>} : memref<512x128xf32, #tpu.memory_space<vmem>>, vector<16xf32>,
        tpu.vector_store %arg13[%swap3A_1364, %swap3A_1365], %mul3A_1344 {add = true, strides = array<i32>} : memref<512x128xf32, #tpu.memory_space<vmem>>, vector<16xf32>,
        %swap3A_1367 = arith.index_cast %squeeze3A_1329 : i32 to index
        %swap3A_1368 = arith.constant 112 : index
        %swap3A_1369 = tpu.vector_load %arg13[%swap3A_1367, %swap3A_1368] {strides = array<i32>} : memref<512x128xf32, #tpu.memory_space<vmem>>, vector<16xf32>,
        tpu.vector_store %arg13[%swap3A_1367, %swap3A_1368], %mul3A_1345 {add = true, strides = array<i32>} : memref<512x128xf32, #tpu.memory_space<vmem>>, vector<16xf32>,
        %mul3A_1370 = arith.constant 16 : i32
        %mul3A_1371 = arith.muli %squeeze3A_1329, %mul3A_1370 : i32
        %swap3A_1372 = arith.index_cast %mul3A_1371 : i32 to index
        %swap3A_1373 = tpu.vector_load %arg14[%swap3A_1372] {strides = array<i32>} : memref<8192xf32, #tpu.memory_space<vmem>>, vector<16xf32>,
        tpu.vector_store %arg14[%swap3A_1372], %broadcast_in_dim3A_1337 {add = true, strides = array<i32>} : memref<8192xf32, #tpu.memory_space<vmem>>, vector<16xf32>,
      }
      %scan3A_80 = arith.constant 10 : i32
      %mul3A_81 = arith.constant 160 : i32
      %mul3A_82 = arith.muli %add3A_39, %mul3A_81 : i32
      %add3A_83 = arith.addi %mul3A_2, %mul3A_82 : i32
      %min3A_84 = arith.constant 99840 : i32
      %min3A_85 = arith.minsi %add3A_83, %min3A_84 : i32
      %dma_wait3A_86 = arith.constant 0 : i32
      %dma_wait3A_87 = tpu.memref_slice %arg2[%min3A_85, %dma_wait3A_86] : memref<100000x128xf32, #tpu.memory_space<hbm>> -> memref<160x128xf32, #tpu.memory_space<hbm>>
      %dma_wait3A_88 = arith.constant 0 : i32
      %dma_wait3A_89 = tpu.memref_slice %arg2[%min3A_85, %dma_wait3A_88] : memref<100000x128xf32, #tpu.memory_space<hbm>> -> memref<160x128xf32, #tpu.memory_space<hbm>>
      tpu.wait_dma2 semaphore(%arg16 : memref<!tpu.dma_semaphore, #tpu.memory_space<semaphore_mem>>) src(%dma_wait3A_89 : memref<160x128xf32, #tpu.memory_space<hbm>>) dst(%arg8 : memref<160x128xf32, #tpu.memory_space<vmem>>)
      %dma_wait3A_90 = tpu.memref_slice %arg3[%min3A_85] : memref<100000xi32, #tpu.memory_space<hbm>> -> memref<160xi32, #tpu.memory_space<hbm>>
      %dma_wait3A_91 = tpu.memref_slice %arg3[%min3A_85] : memref<100000xi32, #tpu.memory_space<hbm>> -> memref<160xi32, #tpu.memory_space<hbm>>
      tpu.wait_dma2 semaphore(%arg18 : memref<!tpu.dma_semaphore, #tpu.memory_space<semaphore_mem>>) src(%dma_wait3A_91 : memref<160xi32, #tpu.memory_space<hbm>>) dst(%arg10 : memref<160xi32, #tpu.memory_space<vmem>>)
      %dma_wait3A_92 = tpu.memref_slice %arg4[%min3A_85] : memref<102400xf32, #tpu.memory_space<hbm>> -> memref<160xf32, #tpu.memory_space<hbm>>
      %dma_wait3A_93 = tpu.memref_slice %arg4[%min3A_85] : memref<102400xf32, #tpu.memory_space<hbm>> -> memref<160xf32, #tpu.memory_space<hbm>>
      tpu.wait_dma2 semaphore(%arg20 : memref<!tpu.dma_semaphore, #tpu.memory_space<semaphore_mem>>) src(%dma_wait3A_93 : memref<160xf32, #tpu.memory_space<hbm>>) dst(%arg12 : memref<160xf32, #tpu.memory_space<vmem>>)
      %add3A_94 = arith.constant 1 : i32
      %add3A_95 = arith.addi %add3A_39, %add3A_94 : i32
      %min3A_96 = arith.constant 19 : i32
      %min3A_97 = arith.minsi %add3A_95, %min3A_96 : i32
      %mul3A_98 = arith.constant 160 : i32
      %mul3A_99 = arith.muli %min3A_97, %mul3A_98 : i32
      %add3A_100 = arith.addi %mul3A_2, %mul3A_99 : i32
      %min3A_101 = arith.constant 99840 : i32
      %min3A_102 = arith.minsi %add3A_100, %min3A_101 : i32
      %dma_start3A_103 = arith.constant 0 : i32
      %dma_start3A_104 = tpu.memref_slice %arg2[%min3A_102, %dma_start3A_103] : memref<100000x128xf32, #tpu.memory_space<hbm>> -> memref<160x128xf32, #tpu.memory_space<hbm>>
      %dma_start3A_105 = arith.constant 0 : i32
      %dma_start3A_106 = tpu.memref_slice %arg2[%min3A_102, %dma_start3A_105] : memref<100000x128xf32, #tpu.memory_space<hbm>> -> memref<160x128xf32, #tpu.memory_space<hbm>>
      tpu.enqueue_dma source(%dma_start3A_106 : memref<160x128xf32, #tpu.memory_space<hbm>>) target(%arg7 : memref<160x128xf32, #tpu.memory_space<vmem>>) target_semaphore(%arg15 : memref<!tpu.dma_semaphore, #tpu.memory_space<semaphore_mem>>)
      %dma_start3A_107 = tpu.memref_slice %arg3[%min3A_102] : memref<100000xi32, #tpu.memory_space<hbm>> -> memref<160xi32, #tpu.memory_space<hbm>>
      %dma_start3A_108 = tpu.memref_slice %arg3[%min3A_102] : memref<100000xi32, #tpu.memory_space<hbm>> -> memref<160xi32, #tpu.memory_space<hbm>>
      tpu.enqueue_dma source(%dma_start3A_108 : memref<160xi32, #tpu.memory_space<hbm>>) target(%arg9 : memref<160xi32, #tpu.memory_space<vmem>>) target_semaphore(%arg17 : memref<!tpu.dma_semaphore, #tpu.memory_space<semaphore_mem>>)
      %dma_start3A_109 = tpu.memref_slice %arg4[%min3A_102] : memref<102400xf32, #tpu.memory_space<hbm>> -> memref<160xf32, #tpu.memory_space<hbm>>
      %dma_start3A_110 = tpu.memref_slice %arg4[%min3A_102] : memref<102400xf32, #tpu.memory_space<hbm>> -> memref<160xf32, #tpu.memory_space<hbm>>
      tpu.enqueue_dma source(%dma_start3A_110 : memref<160xf32, #tpu.memory_space<hbm>>) target(%arg11 : memref<160xf32, #tpu.memory_space<vmem>>) target_semaphore(%arg19 : memref<!tpu.dma_semaphore, #tpu.memory_space<semaphore_mem>>)
      %mul3A_111 = arith.constant 160 : i32
      %mul3A_112 = arith.muli %add3A_39, %mul3A_111 : i32
      %add3A_113 = arith.addi %mul3A_2, %mul3A_112 : i32
      %min3A_114 = arith.constant 99840 : i32
      %min3A_115 = arith.minsi %add3A_113, %min3A_114 : i32
      %sub3A_116 = arith.subi %add3A_113, %min3A_115 : i32
      %add3A_117 = arith.constant 160 : i32
      %add3A_118 = arith.addi %add3A_113, %add3A_117 : i32
      %min3A_119 = arith.constant 100000 : i32
      %min3A_120 = arith.minsi %add3A_118, %min3A_119 : i32
      %sub3A_121 = arith.subi %min3A_120, %min3A_115 : i32
      %scan3A_122 = arith.constant 0 : i32
      %scan3A_123 = arith.constant 10 : i32
      %scan3A_124 = arith.addi %scan3A_122, %scan3A_123 : i32
      %scan3A_125 = arith.constant 1 : i32
      scf.for %scan3A_127 = %scan3A_122 to %scan3A_124 step %scan3A_125  : i32 {
        %mul3A_128 = arith.constant 16 : i32
        %mul3A_129 = arith.muli %scan3A_127, %mul3A_128 : i32
        %get3A = arith.index_cast %mul3A_129 : i32 to index
        %get3A_130 = tpu.vector_load %arg10[%get3A] {strides = array<i32>} : memref<160xi32, #tpu.memory_space<vmem>>, vector<16xi32>,
        %mul3A_131 = arith.constant 16 : i32
        %mul3A_132 = arith.muli %scan3A_127, %mul3A_131 : i32
        %get3A_133 = arith.index_cast %mul3A_132 : i32 to index
        %get3A_134 = tpu.vector_load %arg12[%get3A_133] {strides = array<i32>} : memref<160xf32, #tpu.memory_space<vmem>>, vector<16xf32>,
        %mul3A_135 = arith.constant 16 : i32
        %mul3A_136 = arith.muli %scan3A_127, %mul3A_135 : i32
        %add3A_137 = arith.constant 0 : i32
        %add3A_138 = arith.addi %mul3A_136, %add3A_137 : i32
        %get3A_139 = arith.index_cast %add3A_138 : i32 to index
        %get3A_140 = arith.constant 0 : index
        %get3A_141 = tpu.vector_load %arg8[%get3A_139, %get3A_140] {strides = array<i32>} : memref<160x128xf32, #tpu.memory_space<vmem>>, vector<16xf32>,
        %get3A_142 = arith.index_cast %add3A_138 : i32 to index
        %get3A_143 = arith.constant 16 : index
        %get3A_144 = tpu.vector_load %arg8[%get3A_142, %get3A_143] {strides = array<i32>} : memref<160x128xf32, #tpu.memory_space<vmem>>, vector<16xf32>,
        %get3A_145 = arith.index_cast %add3A_138 : i32 to index
        %get3A_146 = arith.constant 32 : index
        %get3A_147 = tpu.vector_load %arg8[%get3A_145, %get3A_146] {strides = array<i32>} : memref<160x128xf32, #tpu.memory_space<vmem>>, vector<16xf32>,
        %get3A_148 = arith.index_cast %add3A_138 : i32 to index
        %get3A_149 = arith.constant 48 : index
        %get3A_150 = tpu.vector_load %arg8[%get3A_148, %get3A_149] {strides = array<i32>} : memref<160x128xf32, #tpu.memory_space<vmem>>, vector<16xf32>,
        %get3A_151 = arith.index_cast %add3A_138 : i32 to index
        %get3A_152 = arith.constant 64 : index
        %get3A_153 = tpu.vector_load %arg8[%get3A_151, %get3A_152] {strides = array<i32>} : memref<160x128xf32, #tpu.memory_space<vmem>>, vector<16xf32>,
        %get3A_154 = arith.index_cast %add3A_138 : i32 to index
        %get3A_155 = arith.constant 80 : index
        %get3A_156 = tpu.vector_load %arg8[%get3A_154, %get3A_155] {strides = array<i32>} : memref<160x128xf32, #tpu.memory_space<vmem>>, vector<16xf32>,
        %get3A_157 = arith.index_cast %add3A_138 : i32 to index
        %get3A_158 = arith.constant 96 : index
        %get3A_159 = tpu.vector_load %arg8[%get3A_157, %get3A_158] {strides = array<i32>} : memref<160x128xf32, #tpu.memory_space<vmem>>, vector<16xf32>,
        %get3A_160 = arith.index_cast %add3A_138 : i32 to index
        %get3A_161 = arith.constant 112 : index
        %get3A_162 = tpu.vector_load %arg8[%get3A_160, %get3A_161] {strides = array<i32>} : memref<160x128xf32, #tpu.memory_space<vmem>>, vector<16xf32>,
        %mul3A_163 = arith.constant 16 : i32
        %mul3A_164 = arith.muli %scan3A_127, %mul3A_163 : i32
        %add3A_165 = arith.constant 0 : i32
        %add3A_166 = arith.addi %mul3A_164, %add3A_165 : i32
        %slice3A = vector.extract_strided_slice %get3A_130 {offsets = [0], sizes = [1], strides = [1]} : vector<16xi32> to vector<1xi32>
        %squeeze3A = vector.extract %slice3A[0] : i32 from vector<1xi32>
        %ge3A = arith.cmpi sge, %add3A_166, %sub3A_116 : i32
        %lt3A = arith.cmpi slt, %add3A_166, %sub3A_121 : i32
        %and3A = arith.andi %ge3A, %lt3A : i1
        %slice3A_167 = vector.extract_strided_slice %get3A_134 {offsets = [0], sizes = [1], strides = [1]} : vector<16xf32> to vector<1xf32>
        %squeeze3A_168 = vector.extract %slice3A_167[0] : f32 from vector<1xf32>
        %jit3A = arith.constant 0.000000e+00 : f32
        %select_n3A = arith.select %and3A, %squeeze3A_168, %jit3A : f32
        %broadcast_in_dim3A = vector.broadcast %select_n3A : f32 to vector<16xf32>
        %mul3A_169 = arith.mulf %broadcast_in_dim3A, %get3A_141 : vector<16xf32>
        %mul3A_170 = arith.mulf %broadcast_in_dim3A, %get3A_144 : vector<16xf32>
        %mul3A_171 = arith.mulf %broadcast_in_dim3A, %get3A_147 : vector<16xf32>
        %mul3A_172 = arith.mulf %broadcast_in_dim3A, %get3A_150 : vector<16xf32>
        %mul3A_173 = arith.mulf %broadcast_in_dim3A, %get3A_153 : vector<16xf32>
        %mul3A_174 = arith.mulf %broadcast_in_dim3A, %get3A_156 : vector<16xf32>
        %mul3A_175 = arith.mulf %broadcast_in_dim3A, %get3A_159 : vector<16xf32>
        %mul3A_176 = arith.mulf %broadcast_in_dim3A, %get3A_162 : vector<16xf32>
        %mul3A_177 = arith.constant 16 : i32
        %mul3A_178 = arith.muli %scan3A_127, %mul3A_177 : i32
        %add3A_179 = arith.constant 1 : i32
        %add3A_180 = arith.addi %mul3A_178, %add3A_179 : i32
        %get3A_181 = arith.index_cast %add3A_180 : i32 to index
        %get3A_182 = arith.constant 0 : index
        %get3A_183 = tpu.vector_load %arg8[%get3A_181, %get3A_182] {strides = array<i32>} : memref<160x128xf32, #tpu.memory_space<vmem>>, vector<16xf32>,
        %get3A_184 = arith.index_cast %add3A_180 : i32 to index
        %get3A_185 = arith.constant 16 : index
        %get3A_186 = tpu.vector_load %arg8[%get3A_184, %get3A_185] {strides = array<i32>} : memref<160x128xf32, #tpu.memory_space<vmem>>, vector<16xf32>,
        %get3A_187 = arith.index_cast %add3A_180 : i32 to index
        %get3A_188 = arith.constant 32 : index
        %get3A_189 = tpu.vector_load %arg8[%get3A_187, %get3A_188] {strides = array<i32>} : memref<160x128xf32, #tpu.memory_space<vmem>>, vector<16xf32>,
        %get3A_190 = arith.index_cast %add3A_180 : i32 to index
        %get3A_191 = arith.constant 48 : index
        %get3A_192 = tpu.vector_load %arg8[%get3A_190, %get3A_191] {strides = array<i32>} : memref<160x128xf32, #tpu.memory_space<vmem>>, vector<16xf32>,
        %get3A_193 = arith.index_cast %add3A_180 : i32 to index
        %get3A_194 = arith.constant 64 : index
        %get3A_195 = tpu.vector_load %arg8[%get3A_193, %get3A_194] {strides = array<i32>} : memref<160x128xf32, #tpu.memory_space<vmem>>, vector<16xf32>,
        %get3A_196 = arith.index_cast %add3A_180 : i32 to index
        %get3A_197 = arith.constant 80 : index
        %get3A_198 = tpu.vector_load %arg8[%get3A_196, %get3A_197] {strides = array<i32>} : memref<160x128xf32, #tpu.memory_space<vmem>>, vector<16xf32>,
        %get3A_199 = arith.index_cast %add3A_180 : i32 to index
        %get3A_200 = arith.constant 96 : index
        %get3A_201 = tpu.vector_load %arg8[%get3A_199, %get3A_200] {strides = array<i32>} : memref<160x128xf32, #tpu.memory_space<vmem>>, vector<16xf32>,
        %get3A_202 = arith.index_cast %add3A_180 : i32 to index
        %get3A_203 = arith.constant 112 : index
        %get3A_204 = tpu.vector_load %arg8[%get3A_202, %get3A_203] {strides = array<i32>} : memref<160x128xf32, #tpu.memory_space<vmem>>, vector<16xf32>,
        %swap3A = arith.index_cast %squeeze3A : i32 to index
        %swap3A_205 = arith.constant 0 : index
        %swap3A_206 = tpu.vector_load %arg13[%swap3A, %swap3A_205] {strides = array<i32>} : memref<512x128xf32, #tpu.memory_space<vmem>>, vector<16xf32>,
        tpu.vector_store %arg13[%swap3A, %swap3A_205], %mul3A_169 {add = true, strides = array<i32>} : memref<512x128xf32, #tpu.memory_space<vmem>>, vector<16xf32>,
        %swap3A_207 = arith.index_cast %squeeze3A : i32 to index
        %swap3A_208 = arith.constant 16 : index
        %swap3A_209 = tpu.vector_load %arg13[%swap3A_207, %swap3A_208] {strides = array<i32>} : memref<512x128xf32, #tpu.memory_space<vmem>>, vector<16xf32>,
        tpu.vector_store %arg13[%swap3A_207, %swap3A_208], %mul3A_170 {add = true, strides = array<i32>} : memref<512x128xf32, #tpu.memory_space<vmem>>, vector<16xf32>,
        %swap3A_210 = arith.index_cast %squeeze3A : i32 to index
        %swap3A_211 = arith.constant 32 : index
        %swap3A_212 = tpu.vector_load %arg13[%swap3A_210, %swap3A_211] {strides = array<i32>} : memref<512x128xf32, #tpu.memory_space<vmem>>, vector<16xf32>,
        tpu.vector_store %arg13[%swap3A_210, %swap3A_211], %mul3A_171 {add = true, strides = array<i32>} : memref<512x128xf32, #tpu.memory_space<vmem>>, vector<16xf32>,
        %swap3A_213 = arith.index_cast %squeeze3A : i32 to index
        %swap3A_214 = arith.constant 48 : index
        %swap3A_215 = tpu.vector_load %arg13[%swap3A_213, %swap3A_214] {strides = array<i32>} : memref<512x128xf32, #tpu.memory_space<vmem>>, vector<16xf32>,
        tpu.vector_store %arg13[%swap3A_213, %swap3A_214], %mul3A_172 {add = true, strides = array<i32>} : memref<512x128xf32, #tpu.memory_space<vmem>>, vector<16xf32>,
        %swap3A_216 = arith.index_cast %squeeze3A : i32 to index
        %swap3A_217 = arith.constant 64 : index
        %swap3A_218 = tpu.vector_load %arg13[%swap3A_216, %swap3A_217] {strides = array<i32>} : memref<512x128xf32, #tpu.memory_space<vmem>>, vector<16xf32>,
        tpu.vector_store %arg13[%swap3A_216, %swap3A_217], %mul3A_173 {add = true, strides = array<i32>} : memref<512x128xf32, #tpu.memory_space<vmem>>, vector<16xf32>,
        %swap3A_219 = arith.index_cast %squeeze3A : i32 to index
        %swap3A_220 = arith.constant 80 : index
        %swap3A_221 = tpu.vector_load %arg13[%swap3A_219, %swap3A_220] {strides = array<i32>} : memref<512x128xf32, #tpu.memory_space<vmem>>, vector<16xf32>,
        tpu.vector_store %arg13[%swap3A_219, %swap3A_220], %mul3A_174 {add = true, strides = array<i32>} : memref<512x128xf32, #tpu.memory_space<vmem>>, vector<16xf32>,
        %swap3A_222 = arith.index_cast %squeeze3A : i32 to index
        %swap3A_223 = arith.constant 96 : index
        %swap3A_224 = tpu.vector_load %arg13[%swap3A_222, %swap3A_223] {strides = array<i32>} : memref<512x128xf32, #tpu.memory_space<vmem>>, vector<16xf32>,
        tpu.vector_store %arg13[%swap3A_222, %swap3A_223], %mul3A_175 {add = true, strides = array<i32>} : memref<512x128xf32, #tpu.memory_space<vmem>>, vector<16xf32>,
        %swap3A_225 = arith.index_cast %squeeze3A : i32 to index
        %swap3A_226 = arith.constant 112 : index
        %swap3A_227 = tpu.vector_load %arg13[%swap3A_225, %swap3A_226] {strides = array<i32>} : memref<512x128xf32, #tpu.memory_space<vmem>>, vector<16xf32>,
        tpu.vector_store %arg13[%swap3A_225, %swap3A_226], %mul3A_176 {add = true, strides = array<i32>} : memref<512x128xf32, #tpu.memory_space<vmem>>, vector<16xf32>,
        %mul3A_228 = arith.constant 16 : i32
        %mul3A_229 = arith.muli %squeeze3A, %mul3A_228 : i32
        %swap3A_230 = arith.index_cast %mul3A_229 : i32 to index
        %swap3A_231 = tpu.vector_load %arg14[%swap3A_230] {strides = array<i32>} : memref<8192xf32, #tpu.memory_space<vmem>>, vector<16xf32>,
        tpu.vector_store %arg14[%swap3A_230], %broadcast_in_dim3A {add = true, strides = array<i32>} : memref<8192xf32, #tpu.memory_space<vmem>>, vector<16xf32>,
        %mul3A_232 = arith.constant 16 : i32
        %mul3A_233 = arith.muli %scan3A_127, %mul3A_232 : i32
        %add3A_234 = arith.constant 1 : i32
        %add3A_235 = arith.addi %mul3A_233, %add3A_234 : i32
        %slice3A_236 = vector.extract_strided_slice %get3A_130 {offsets = [1], sizes = [1], strides = [1]} : vector<16xi32> to vector<1xi32>
        %squeeze3A_237 = vector.extract %slice3A_236[0] : i32 from vector<1xi32>
        %ge3A_238 = arith.cmpi sge, %add3A_235, %sub3A_116 : i32
        %lt3A_239 = arith.cmpi slt, %add3A_235, %sub3A_121 : i32
        %and3A_240 = arith.andi %ge3A_238, %lt3A_239 : i1
        %slice3A_241 = vector.extract_strided_slice %get3A_134 {offsets = [1], sizes = [1], strides = [1]} : vector<16xf32> to vector<1xf32>
        %squeeze3A_242 = vector.extract %slice3A_241[0] : f32 from vector<1xf32>
        %jit3A_243 = arith.constant 0.000000e+00 : f32
        %select_n3A_244 = arith.select %and3A_240, %squeeze3A_242, %jit3A_243 : f32
        %broadcast_in_dim3A_245 = vector.broadcast %select_n3A_244 : f32 to vector<16xf32>
        %mul3A_246 = arith.mulf %broadcast_in_dim3A_245, %get3A_183 : vector<16xf32>
        %mul3A_247 = arith.mulf %broadcast_in_dim3A_245, %get3A_186 : vector<16xf32>
        %mul3A_248 = arith.mulf %broadcast_in_dim3A_245, %get3A_189 : vector<16xf32>
        %mul3A_249 = arith.mulf %broadcast_in_dim3A_245, %get3A_192 : vector<16xf32>
        %mul3A_250 = arith.mulf %broadcast_in_dim3A_245, %get3A_195 : vector<16xf32>
        %mul3A_251 = arith.mulf %broadcast_in_dim3A_245, %get3A_198 : vector<16xf32>
        %mul3A_252 = arith.mulf %broadcast_in_dim3A_245, %get3A_201 : vector<16xf32>
        %mul3A_253 = arith.mulf %broadcast_in_dim3A_245, %get3A_204 : vector<16xf32>
        %mul3A_254 = arith.constant 16 : i32
        %mul3A_255 = arith.muli %scan3A_127, %mul3A_254 : i32
        %add3A_256 = arith.constant 2 : i32
        %add3A_257 = arith.addi %mul3A_255, %add3A_256 : i32
        %get3A_258 = arith.index_cast %add3A_257 : i32 to index
        %get3A_259 = arith.constant 0 : index
        %get3A_260 = tpu.vector_load %arg8[%get3A_258, %get3A_259] {strides = array<i32>} : memref<160x128xf32, #tpu.memory_space<vmem>>, vector<16xf32>,
        %get3A_261 = arith.index_cast %add3A_257 : i32 to index
        %get3A_262 = arith.constant 16 : index
        %get3A_263 = tpu.vector_load %arg8[%get3A_261, %get3A_262] {strides = array<i32>} : memref<160x128xf32, #tpu.memory_space<vmem>>, vector<16xf32>,
        %get3A_264 = arith.index_cast %add3A_257 : i32 to index
        %get3A_265 = arith.constant 32 : index
        %get3A_266 = tpu.vector_load %arg8[%get3A_264, %get3A_265] {strides = array<i32>} : memref<160x128xf32, #tpu.memory_space<vmem>>, vector<16xf32>,
        %get3A_267 = arith.index_cast %add3A_257 : i32 to index
        %get3A_268 = arith.constant 48 : index
        %get3A_269 = tpu.vector_load %arg8[%get3A_267, %get3A_268] {strides = array<i32>} : memref<160x128xf32, #tpu.memory_space<vmem>>, vector<16xf32>,
        %get3A_270 = arith.index_cast %add3A_257 : i32 to index
        %get3A_271 = arith.constant 64 : index
        %get3A_272 = tpu.vector_load %arg8[%get3A_270, %get3A_271] {strides = array<i32>} : memref<160x128xf32, #tpu.memory_space<vmem>>, vector<16xf32>,
        %get3A_273 = arith.index_cast %add3A_257 : i32 to index
        %get3A_274 = arith.constant 80 : index
        %get3A_275 = tpu.vector_load %arg8[%get3A_273, %get3A_274] {strides = array<i32>} : memref<160x128xf32, #tpu.memory_space<vmem>>, vector<16xf32>,
        %get3A_276 = arith.index_cast %add3A_257 : i32 to index
        %get3A_277 = arith.constant 96 : index
        %get3A_278 = tpu.vector_load %arg8[%get3A_276, %get3A_277] {strides = array<i32>} : memref<160x128xf32, #tpu.memory_space<vmem>>, vector<16xf32>,
        %get3A_279 = arith.index_cast %add3A_257 : i32 to index
        %get3A_280 = arith.constant 112 : index
        %get3A_281 = tpu.vector_load %arg8[%get3A_279, %get3A_280] {strides = array<i32>} : memref<160x128xf32, #tpu.memory_space<vmem>>, vector<16xf32>,
        %swap3A_282 = arith.index_cast %squeeze3A_237 : i32 to index
        %swap3A_283 = arith.constant 0 : index
        %swap3A_284 = tpu.vector_load %arg13[%swap3A_282, %swap3A_283] {strides = array<i32>} : memref<512x128xf32, #tpu.memory_space<vmem>>, vector<16xf32>,
        tpu.vector_store %arg13[%swap3A_282, %swap3A_283], %mul3A_246 {add = true, strides = array<i32>} : memref<512x128xf32, #tpu.memory_space<vmem>>, vector<16xf32>,
        %swap3A_285 = arith.index_cast %squeeze3A_237 : i32 to index
        %swap3A_286 = arith.constant 16 : index
        %swap3A_287 = tpu.vector_load %arg13[%swap3A_285, %swap3A_286] {strides = array<i32>} : memref<512x128xf32, #tpu.memory_space<vmem>>, vector<16xf32>,
        tpu.vector_store %arg13[%swap3A_285, %swap3A_286], %mul3A_247 {add = true, strides = array<i32>} : memref<512x128xf32, #tpu.memory_space<vmem>>, vector<16xf32>,
        %swap3A_288 = arith.index_cast %squeeze3A_237 : i32 to index
        %swap3A_289 = arith.constant 32 : index
        %swap3A_290 = tpu.vector_load %arg13[%swap3A_288, %swap3A_289] {strides = array<i32>} : memref<512x128xf32, #tpu.memory_space<vmem>>, vector<16xf32>,
        tpu.vector_store %arg13[%swap3A_288, %swap3A_289], %mul3A_248 {add = true, strides = array<i32>} : memref<512x128xf32, #tpu.memory_space<vmem>>, vector<16xf32>,
        %swap3A_291 = arith.index_cast %squeeze3A_237 : i32 to index
        %swap3A_292 = arith.constant 48 : index
        %swap3A_293 = tpu.vector_load %arg13[%swap3A_291, %swap3A_292] {strides = array<i32>} : memref<512x128xf32, #tpu.memory_space<vmem>>, vector<16xf32>,
        tpu.vector_store %arg13[%swap3A_291, %swap3A_292], %mul3A_249 {add = true, strides = array<i32>} : memref<512x128xf32, #tpu.memory_space<vmem>>, vector<16xf32>,
        %swap3A_294 = arith.index_cast %squeeze3A_237 : i32 to index
        %swap3A_295 = arith.constant 64 : index
        %swap3A_296 = tpu.vector_load %arg13[%swap3A_294, %swap3A_295] {strides = array<i32>} : memref<512x128xf32, #tpu.memory_space<vmem>>, vector<16xf32>,
        tpu.vector_store %arg13[%swap3A_294, %swap3A_295], %mul3A_250 {add = true, strides = array<i32>} : memref<512x128xf32, #tpu.memory_space<vmem>>, vector<16xf32>,
        %swap3A_297 = arith.index_cast %squeeze3A_237 : i32 to index
        %swap3A_298 = arith.constant 80 : index
        %swap3A_299 = tpu.vector_load %arg13[%swap3A_297, %swap3A_298] {strides = array<i32>} : memref<512x128xf32, #tpu.memory_space<vmem>>, vector<16xf32>,
        tpu.vector_store %arg13[%swap3A_297, %swap3A_298], %mul3A_251 {add = true, strides = array<i32>} : memref<512x128xf32, #tpu.memory_space<vmem>>, vector<16xf32>,
        %swap3A_300 = arith.index_cast %squeeze3A_237 : i32 to index
        %swap3A_301 = arith.constant 96 : index
        %swap3A_302 = tpu.vector_load %arg13[%swap3A_300, %swap3A_301] {strides = array<i32>} : memref<512x128xf32, #tpu.memory_space<vmem>>, vector<16xf32>,
        tpu.vector_store %arg13[%swap3A_300, %swap3A_301], %mul3A_252 {add = true, strides = array<i32>} : memref<512x128xf32, #tpu.memory_space<vmem>>, vector<16xf32>,
        %swap3A_303 = arith.index_cast %squeeze3A_237 : i32 to index
        %swap3A_304 = arith.constant 112 : index
        %swap3A_305 = tpu.vector_load %arg13[%swap3A_303, %swap3A_304] {strides = array<i32>} : memref<512x128xf32, #tpu.memory_space<vmem>>, vector<16xf32>,
        tpu.vector_store %arg13[%swap3A_303, %swap3A_304], %mul3A_253 {add = true, strides = array<i32>} : memref<512x128xf32, #tpu.memory_space<vmem>>, vector<16xf32>,
        %mul3A_306 = arith.constant 16 : i32
        %mul3A_307 = arith.muli %squeeze3A_237, %mul3A_306 : i32
        %swap3A_308 = arith.index_cast %mul3A_307 : i32 to index
        %swap3A_309 = tpu.vector_load %arg14[%swap3A_308] {strides = array<i32>} : memref<8192xf32, #tpu.memory_space<vmem>>, vector<16xf32>,
        tpu.vector_store %arg14[%swap3A_308], %broadcast_in_dim3A_245 {add = true, strides = array<i32>} : memref<8192xf32, #tpu.memory_space<vmem>>, vector<16xf32>,
        %mul3A_310 = arith.constant 16 : i32
        %mul3A_311 = arith.muli %scan3A_127, %mul3A_310 : i32
        %add3A_312 = arith.constant 2 : i32
        %add3A_313 = arith.addi %mul3A_311, %add3A_312 : i32
        %slice3A_314 = vector.extract_strided_slice %get3A_130 {offsets = [2], sizes = [1], strides = [1]} : vector<16xi32> to vector<1xi32>
        %squeeze3A_315 = vector.extract %slice3A_314[0] : i32 from vector<1xi32>
        %ge3A_316 = arith.cmpi sge, %add3A_313, %sub3A_116 : i32
        %lt3A_317 = arith.cmpi slt, %add3A_313, %sub3A_121 : i32
        %and3A_318 = arith.andi %ge3A_316, %lt3A_317 : i1
        %slice3A_319 = vector.extract_strided_slice %get3A_134 {offsets = [2], sizes = [1], strides = [1]} : vector<16xf32> to vector<1xf32>
        %squeeze3A_320 = vector.extract %slice3A_319[0] : f32 from vector<1xf32>
        %jit3A_321 = arith.constant 0.000000e+00 : f32
        %select_n3A_322 = arith.select %and3A_318, %squeeze3A_320, %jit3A_321 : f32
        %broadcast_in_dim3A_323 = vector.broadcast %select_n3A_322 : f32 to vector<16xf32>
        %mul3A_324 = arith.mulf %broadcast_in_dim3A_323, %get3A_260 : vector<16xf32>
        %mul3A_325 = arith.mulf %broadcast_in_dim3A_323, %get3A_263 : vector<16xf32>
        %mul3A_326 = arith.mulf %broadcast_in_dim3A_323, %get3A_266 : vector<16xf32>
        %mul3A_327 = arith.mulf %broadcast_in_dim3A_323, %get3A_269 : vector<16xf32>
        %mul3A_328 = arith.mulf %broadcast_in_dim3A_323, %get3A_272 : vector<16xf32>
        %mul3A_329 = arith.mulf %broadcast_in_dim3A_323, %get3A_275 : vector<16xf32>
        %mul3A_330 = arith.mulf %broadcast_in_dim3A_323, %get3A_278 : vector<16xf32>
        %mul3A_331 = arith.mulf %broadcast_in_dim3A_323, %get3A_281 : vector<16xf32>
        %mul3A_332 = arith.constant 16 : i32
        %mul3A_333 = arith.muli %scan3A_127, %mul3A_332 : i32
        %add3A_334 = arith.constant 3 : i32
        %add3A_335 = arith.addi %mul3A_333, %add3A_334 : i32
        %get3A_336 = arith.index_cast %add3A_335 : i32 to index
        %get3A_337 = arith.constant 0 : index
        %get3A_338 = tpu.vector_load %arg8[%get3A_336, %get3A_337] {strides = array<i32>} : memref<160x128xf32, #tpu.memory_space<vmem>>, vector<16xf32>,
        %get3A_339 = arith.index_cast %add3A_335 : i32 to index
        %get3A_340 = arith.constant 16 : index
        %get3A_341 = tpu.vector_load %arg8[%get3A_339, %get3A_340] {strides = array<i32>} : memref<160x128xf32, #tpu.memory_space<vmem>>, vector<16xf32>,
        %get3A_342 = arith.index_cast %add3A_335 : i32 to index
        %get3A_343 = arith.constant 32 : index
        %get3A_344 = tpu.vector_load %arg8[%get3A_342, %get3A_343] {strides = array<i32>} : memref<160x128xf32, #tpu.memory_space<vmem>>, vector<16xf32>,
        %get3A_345 = arith.index_cast %add3A_335 : i32 to index
        %get3A_346 = arith.constant 48 : index
        %get3A_347 = tpu.vector_load %arg8[%get3A_345, %get3A_346] {strides = array<i32>} : memref<160x128xf32, #tpu.memory_space<vmem>>, vector<16xf32>,
        %get3A_348 = arith.index_cast %add3A_335 : i32 to index
        %get3A_349 = arith.constant 64 : index
        %get3A_350 = tpu.vector_load %arg8[%get3A_348, %get3A_349] {strides = array<i32>} : memref<160x128xf32, #tpu.memory_space<vmem>>, vector<16xf32>,
        %get3A_351 = arith.index_cast %add3A_335 : i32 to index
        %get3A_352 = arith.constant 80 : index
        %get3A_353 = tpu.vector_load %arg8[%get3A_351, %get3A_352] {strides = array<i32>} : memref<160x128xf32, #tpu.memory_space<vmem>>, vector<16xf32>,
        %get3A_354 = arith.index_cast %add3A_335 : i32 to index
        %get3A_355 = arith.constant 96 : index
        %get3A_356 = tpu.vector_load %arg8[%get3A_354, %get3A_355] {strides = array<i32>} : memref<160x128xf32, #tpu.memory_space<vmem>>, vector<16xf32>,
        %get3A_357 = arith.index_cast %add3A_335 : i32 to index
        %get3A_358 = arith.constant 112 : index
        %get3A_359 = tpu.vector_load %arg8[%get3A_357, %get3A_358] {strides = array<i32>} : memref<160x128xf32, #tpu.memory_space<vmem>>, vector<16xf32>,
        %swap3A_360 = arith.index_cast %squeeze3A_315 : i32 to index
        %swap3A_361 = arith.constant 0 : index
        %swap3A_362 = tpu.vector_load %arg13[%swap3A_360, %swap3A_361] {strides = array<i32>} : memref<512x128xf32, #tpu.memory_space<vmem>>, vector<16xf32>,
        tpu.vector_store %arg13[%swap3A_360, %swap3A_361], %mul3A_324 {add = true, strides = array<i32>} : memref<512x128xf32, #tpu.memory_space<vmem>>, vector<16xf32>,
        %swap3A_363 = arith.index_cast %squeeze3A_315 : i32 to index
        %swap3A_364 = arith.constant 16 : index
        %swap3A_365 = tpu.vector_load %arg13[%swap3A_363, %swap3A_364] {strides = array<i32>} : memref<512x128xf32, #tpu.memory_space<vmem>>, vector<16xf32>,
        tpu.vector_store %arg13[%swap3A_363, %swap3A_364], %mul3A_325 {add = true, strides = array<i32>} : memref<512x128xf32, #tpu.memory_space<vmem>>, vector<16xf32>,
        %swap3A_366 = arith.index_cast %squeeze3A_315 : i32 to index
        %swap3A_367 = arith.constant 32 : index
        %swap3A_368 = tpu.vector_load %arg13[%swap3A_366, %swap3A_367] {strides = array<i32>} : memref<512x128xf32, #tpu.memory_space<vmem>>, vector<16xf32>,
        tpu.vector_store %arg13[%swap3A_366, %swap3A_367], %mul3A_326 {add = true, strides = array<i32>} : memref<512x128xf32, #tpu.memory_space<vmem>>, vector<16xf32>,
        %swap3A_369 = arith.index_cast %squeeze3A_315 : i32 to index
        %swap3A_370 = arith.constant 48 : index
        %swap3A_371 = tpu.vector_load %arg13[%swap3A_369, %swap3A_370] {strides = array<i32>} : memref<512x128xf32, #tpu.memory_space<vmem>>, vector<16xf32>,
        tpu.vector_store %arg13[%swap3A_369, %swap3A_370], %mul3A_327 {add = true, strides = array<i32>} : memref<512x128xf32, #tpu.memory_space<vmem>>, vector<16xf32>,
        %swap3A_372 = arith.index_cast %squeeze3A_315 : i32 to index
        %swap3A_373 = arith.constant 64 : index
        %swap3A_374 = tpu.vector_load %arg13[%swap3A_372, %swap3A_373] {strides = array<i32>} : memref<512x128xf32, #tpu.memory_space<vmem>>, vector<16xf32>,
        tpu.vector_store %arg13[%swap3A_372, %swap3A_373], %mul3A_328 {add = true, strides = array<i32>} : memref<512x128xf32, #tpu.memory_space<vmem>>, vector<16xf32>,
        %swap3A_375 = arith.index_cast %squeeze3A_315 : i32 to index
        %swap3A_376 = arith.constant 80 : index
        %swap3A_377 = tpu.vector_load %arg13[%swap3A_375, %swap3A_376] {strides = array<i32>} : memref<512x128xf32, #tpu.memory_space<vmem>>, vector<16xf32>,
        tpu.vector_store %arg13[%swap3A_375, %swap3A_376], %mul3A_329 {add = true, strides = array<i32>} : memref<512x128xf32, #tpu.memory_space<vmem>>, vector<16xf32>,
        %swap3A_378 = arith.index_cast %squeeze3A_315 : i32 to index
        %swap3A_379 = arith.constant 96 : index
        %swap3A_380 = tpu.vector_load %arg13[%swap3A_378, %swap3A_379] {strides = array<i32>} : memref<512x128xf32, #tpu.memory_space<vmem>>, vector<16xf32>,
        tpu.vector_store %arg13[%swap3A_378, %swap3A_379], %mul3A_330 {add = true, strides = array<i32>} : memref<512x128xf32, #tpu.memory_space<vmem>>, vector<16xf32>,
        %swap3A_381 = arith.index_cast %squeeze3A_315 : i32 to index
        %swap3A_382 = arith.constant 112 : index
        %swap3A_383 = tpu.vector_load %arg13[%swap3A_381, %swap3A_382] {strides = array<i32>} : memref<512x128xf32, #tpu.memory_space<vmem>>, vector<16xf32>,
        tpu.vector_store %arg13[%swap3A_381, %swap3A_382], %mul3A_331 {add = true, strides = array<i32>} : memref<512x128xf32, #tpu.memory_space<vmem>>, vector<16xf32>,
        %mul3A_384 = arith.constant 16 : i32
        %mul3A_385 = arith.muli %squeeze3A_315, %mul3A_384 : i32
        %swap3A_386 = arith.index_cast %mul3A_385 : i32 to index
        %swap3A_387 = tpu.vector_load %arg14[%swap3A_386] {strides = array<i32>} : memref<8192xf32, #tpu.memory_space<vmem>>, vector<16xf32>,
        tpu.vector_store %arg14[%swap3A_386], %broadcast_in_dim3A_323 {add = true, strides = array<i32>} : memref<8192xf32, #tpu.memory_space<vmem>>, vector<16xf32>,
        %mul3A_388 = arith.constant 16 : i32
        %mul3A_389 = arith.muli %scan3A_127, %mul3A_388 : i32
        %add3A_390 = arith.constant 3 : i32
        %add3A_391 = arith.addi %mul3A_389, %add3A_390 : i32
        %slice3A_392 = vector.extract_strided_slice %get3A_130 {offsets = [3], sizes = [1], strides = [1]} : vector<16xi32> to vector<1xi32>
        %squeeze3A_393 = vector.extract %slice3A_392[0] : i32 from vector<1xi32>
        %ge3A_394 = arith.cmpi sge, %add3A_391, %sub3A_116 : i32
        %lt3A_395 = arith.cmpi slt, %add3A_391, %sub3A_121 : i32
        %and3A_396 = arith.andi %ge3A_394, %lt3A_395 : i1
        %slice3A_397 = vector.extract_strided_slice %get3A_134 {offsets = [3], sizes = [1], strides = [1]} : vector<16xf32> to vector<1xf32>
        %squeeze3A_398 = vector.extract %slice3A_397[0] : f32 from vector<1xf32>
        %jit3A_399 = arith.constant 0.000000e+00 : f32
        %select_n3A_400 = arith.select %and3A_396, %squeeze3A_398, %jit3A_399 : f32
        %broadcast_in_dim3A_401 = vector.broadcast %select_n3A_400 : f32 to vector<16xf32>
        %mul3A_402 = arith.mulf %broadcast_in_dim3A_401, %get3A_338 : vector<16xf32>
        %mul3A_403 = arith.mulf %broadcast_in_dim3A_401, %get3A_341 : vector<16xf32>
        %mul3A_404 = arith.mulf %broadcast_in_dim3A_401, %get3A_344 : vector<16xf32>
        %mul3A_405 = arith.mulf %broadcast_in_dim3A_401, %get3A_347 : vector<16xf32>
        %mul3A_406 = arith.mulf %broadcast_in_dim3A_401, %get3A_350 : vector<16xf32>
        %mul3A_407 = arith.mulf %broadcast_in_dim3A_401, %get3A_353 : vector<16xf32>
        %mul3A_408 = arith.mulf %broadcast_in_dim3A_401, %get3A_356 : vector<16xf32>
        %mul3A_409 = arith.mulf %broadcast_in_dim3A_401, %get3A_359 : vector<16xf32>
        %mul3A_410 = arith.constant 16 : i32
        %mul3A_411 = arith.muli %scan3A_127, %mul3A_410 : i32
        %add3A_412 = arith.constant 4 : i32
        %add3A_413 = arith.addi %mul3A_411, %add3A_412 : i32
        %get3A_414 = arith.index_cast %add3A_413 : i32 to index
        %get3A_415 = arith.constant 0 : index
        %get3A_416 = tpu.vector_load %arg8[%get3A_414, %get3A_415] {strides = array<i32>} : memref<160x128xf32, #tpu.memory_space<vmem>>, vector<16xf32>,
        %get3A_417 = arith.index_cast %add3A_413 : i32 to index
        %get3A_418 = arith.constant 16 : index
        %get3A_419 = tpu.vector_load %arg8[%get3A_417, %get3A_418] {strides = array<i32>} : memref<160x128xf32, #tpu.memory_space<vmem>>, vector<16xf32>,
        %get3A_420 = arith.index_cast %add3A_413 : i32 to index
        %get3A_421 = arith.constant 32 : index
        %get3A_422 = tpu.vector_load %arg8[%get3A_420, %get3A_421] {strides = array<i32>} : memref<160x128xf32, #tpu.memory_space<vmem>>, vector<16xf32>,
        %get3A_423 = arith.index_cast %add3A_413 : i32 to index
        %get3A_424 = arith.constant 48 : index
        %get3A_425 = tpu.vector_load %arg8[%get3A_423, %get3A_424] {strides = array<i32>} : memref<160x128xf32, #tpu.memory_space<vmem>>, vector<16xf32>,
        %get3A_426 = arith.index_cast %add3A_413 : i32 to index
        %get3A_427 = arith.constant 64 : index
        %get3A_428 = tpu.vector_load %arg8[%get3A_426, %get3A_427] {strides = array<i32>} : memref<160x128xf32, #tpu.memory_space<vmem>>, vector<16xf32>,
        %get3A_429 = arith.index_cast %add3A_413 : i32 to index
        %get3A_430 = arith.constant 80 : index
        %get3A_431 = tpu.vector_load %arg8[%get3A_429, %get3A_430] {strides = array<i32>} : memref<160x128xf32, #tpu.memory_space<vmem>>, vector<16xf32>,
        %get3A_432 = arith.index_cast %add3A_413 : i32 to index
        %get3A_433 = arith.constant 96 : index
        %get3A_434 = tpu.vector_load %arg8[%get3A_432, %get3A_433] {strides = array<i32>} : memref<160x128xf32, #tpu.memory_space<vmem>>, vector<16xf32>,
        %get3A_435 = arith.index_cast %add3A_413 : i32 to index
        %get3A_436 = arith.constant 112 : index
        %get3A_437 = tpu.vector_load %arg8[%get3A_435, %get3A_436] {strides = array<i32>} : memref<160x128xf32, #tpu.memory_space<vmem>>, vector<16xf32>,
        %swap3A_438 = arith.index_cast %squeeze3A_393 : i32 to index
        %swap3A_439 = arith.constant 0 : index
        %swap3A_440 = tpu.vector_load %arg13[%swap3A_438, %swap3A_439] {strides = array<i32>} : memref<512x128xf32, #tpu.memory_space<vmem>>, vector<16xf32>,
        tpu.vector_store %arg13[%swap3A_438, %swap3A_439], %mul3A_402 {add = true, strides = array<i32>} : memref<512x128xf32, #tpu.memory_space<vmem>>, vector<16xf32>,
        %swap3A_441 = arith.index_cast %squeeze3A_393 : i32 to index
        %swap3A_442 = arith.constant 16 : index
        %swap3A_443 = tpu.vector_load %arg13[%swap3A_441, %swap3A_442] {strides = array<i32>} : memref<512x128xf32, #tpu.memory_space<vmem>>, vector<16xf32>,
        tpu.vector_store %arg13[%swap3A_441, %swap3A_442], %mul3A_403 {add = true, strides = array<i32>} : memref<512x128xf32, #tpu.memory_space<vmem>>, vector<16xf32>,
        %swap3A_444 = arith.index_cast %squeeze3A_393 : i32 to index
        %swap3A_445 = arith.constant 32 : index
        %swap3A_446 = tpu.vector_load %arg13[%swap3A_444, %swap3A_445] {strides = array<i32>} : memref<512x128xf32, #tpu.memory_space<vmem>>, vector<16xf32>,
        tpu.vector_store %arg13[%swap3A_444, %swap3A_445], %mul3A_404 {add = true, strides = array<i32>} : memref<512x128xf32, #tpu.memory_space<vmem>>, vector<16xf32>,
        %swap3A_447 = arith.index_cast %squeeze3A_393 : i32 to index
        %swap3A_448 = arith.constant 48 : index
        %swap3A_449 = tpu.vector_load %arg13[%swap3A_447, %swap3A_448] {strides = array<i32>} : memref<512x128xf32, #tpu.memory_space<vmem>>, vector<16xf32>,
        tpu.vector_store %arg13[%swap3A_447, %swap3A_448], %mul3A_405 {add = true, strides = array<i32>} : memref<512x128xf32, #tpu.memory_space<vmem>>, vector<16xf32>,
        %swap3A_450 = arith.index_cast %squeeze3A_393 : i32 to index
        %swap3A_451 = arith.constant 64 : index
        %swap3A_452 = tpu.vector_load %arg13[%swap3A_450, %swap3A_451] {strides = array<i32>} : memref<512x128xf32, #tpu.memory_space<vmem>>, vector<16xf32>,
        tpu.vector_store %arg13[%swap3A_450, %swap3A_451], %mul3A_406 {add = true, strides = array<i32>} : memref<512x128xf32, #tpu.memory_space<vmem>>, vector<16xf32>,
        %swap3A_453 = arith.index_cast %squeeze3A_393 : i32 to index
        %swap3A_454 = arith.constant 80 : index
        %swap3A_455 = tpu.vector_load %arg13[%swap3A_453, %swap3A_454] {strides = array<i32>} : memref<512x128xf32, #tpu.memory_space<vmem>>, vector<16xf32>,
        tpu.vector_store %arg13[%swap3A_453, %swap3A_454], %mul3A_407 {add = true, strides = array<i32>} : memref<512x128xf32, #tpu.memory_space<vmem>>, vector<16xf32>,
        %swap3A_456 = arith.index_cast %squeeze3A_393 : i32 to index
        %swap3A_457 = arith.constant 96 : index
        %swap3A_458 = tpu.vector_load %arg13[%swap3A_456, %swap3A_457] {strides = array<i32>} : memref<512x128xf32, #tpu.memory_space<vmem>>, vector<16xf32>,
        tpu.vector_store %arg13[%swap3A_456, %swap3A_457], %mul3A_408 {add = true, strides = array<i32>} : memref<512x128xf32, #tpu.memory_space<vmem>>, vector<16xf32>,
        %swap3A_459 = arith.index_cast %squeeze3A_393 : i32 to index
        %swap3A_460 = arith.constant 112 : index
        %swap3A_461 = tpu.vector_load %arg13[%swap3A_459, %swap3A_460] {strides = array<i32>} : memref<512x128xf32, #tpu.memory_space<vmem>>, vector<16xf32>,
        tpu.vector_store %arg13[%swap3A_459, %swap3A_460], %mul3A_409 {add = true, strides = array<i32>} : memref<512x128xf32, #tpu.memory_space<vmem>>, vector<16xf32>,
        %mul3A_462 = arith.constant 16 : i32
        %mul3A_463 = arith.muli %squeeze3A_393, %mul3A_462 : i32
        %swap3A_464 = arith.index_cast %mul3A_463 : i32 to index
        %swap3A_465 = tpu.vector_load %arg14[%swap3A_464] {strides = array<i32>} : memref<8192xf32, #tpu.memory_space<vmem>>, vector<16xf32>,
        tpu.vector_store %arg14[%swap3A_464], %broadcast_in_dim3A_401 {add = true, strides = array<i32>} : memref<8192xf32, #tpu.memory_space<vmem>>, vector<16xf32>,
        %mul3A_466 = arith.constant 16 : i32
        %mul3A_467 = arith.muli %scan3A_127, %mul3A_466 : i32
        %add3A_468 = arith.constant 4 : i32
        %add3A_469 = arith.addi %mul3A_467, %add3A_468 : i32
        %slice3A_470 = vector.extract_strided_slice %get3A_130 {offsets = [4], sizes = [1], strides = [1]} : vector<16xi32> to vector<1xi32>
        %squeeze3A_471 = vector.extract %slice3A_470[0] : i32 from vector<1xi32>
        %ge3A_472 = arith.cmpi sge, %add3A_469, %sub3A_116 : i32
        %lt3A_473 = arith.cmpi slt, %add3A_469, %sub3A_121 : i32
        %and3A_474 = arith.andi %ge3A_472, %lt3A_473 : i1
        %slice3A_475 = vector.extract_strided_slice %get3A_134 {offsets = [4], sizes = [1], strides = [1]} : vector<16xf32> to vector<1xf32>
        %squeeze3A_476 = vector.extract %slice3A_475[0] : f32 from vector<1xf32>
        %jit3A_477 = arith.constant 0.000000e+00 : f32
        %select_n3A_478 = arith.select %and3A_474, %squeeze3A_476, %jit3A_477 : f32
        %broadcast_in_dim3A_479 = vector.broadcast %select_n3A_478 : f32 to vector<16xf32>
        %mul3A_480 = arith.mulf %broadcast_in_dim3A_479, %get3A_416 : vector<16xf32>
        %mul3A_481 = arith.mulf %broadcast_in_dim3A_479, %get3A_419 : vector<16xf32>
        %mul3A_482 = arith.mulf %broadcast_in_dim3A_479, %get3A_422 : vector<16xf32>
        %mul3A_483 = arith.mulf %broadcast_in_dim3A_479, %get3A_425 : vector<16xf32>
        %mul3A_484 = arith.mulf %broadcast_in_dim3A_479, %get3A_428 : vector<16xf32>
        %mul3A_485 = arith.mulf %broadcast_in_dim3A_479, %get3A_431 : vector<16xf32>
        %mul3A_486 = arith.mulf %broadcast_in_dim3A_479, %get3A_434 : vector<16xf32>
        %mul3A_487 = arith.mulf %broadcast_in_dim3A_479, %get3A_437 : vector<16xf32>
        %mul3A_488 = arith.constant 16 : i32
        %mul3A_489 = arith.muli %scan3A_127, %mul3A_488 : i32
        %add3A_490 = arith.constant 5 : i32
        %add3A_491 = arith.addi %mul3A_489, %add3A_490 : i32
        %get3A_492 = arith.index_cast %add3A_491 : i32 to index
        %get3A_493 = arith.constant 0 : index
        %get3A_494 = tpu.vector_load %arg8[%get3A_492, %get3A_493] {strides = array<i32>} : memref<160x128xf32, #tpu.memory_space<vmem>>, vector<16xf32>,
        %get3A_495 = arith.index_cast %add3A_491 : i32 to index
        %get3A_496 = arith.constant 16 : index
        %get3A_497 = tpu.vector_load %arg8[%get3A_495, %get3A_496] {strides = array<i32>} : memref<160x128xf32, #tpu.memory_space<vmem>>, vector<16xf32>,
        %get3A_498 = arith.index_cast %add3A_491 : i32 to index
        %get3A_499 = arith.constant 32 : index
        %get3A_500 = tpu.vector_load %arg8[%get3A_498, %get3A_499] {strides = array<i32>} : memref<160x128xf32, #tpu.memory_space<vmem>>, vector<16xf32>,
        %get3A_501 = arith.index_cast %add3A_491 : i32 to index
        %get3A_502 = arith.constant 48 : index
        %get3A_503 = tpu.vector_load %arg8[%get3A_501, %get3A_502] {strides = array<i32>} : memref<160x128xf32, #tpu.memory_space<vmem>>, vector<16xf32>,
        %get3A_504 = arith.index_cast %add3A_491 : i32 to index
        %get3A_505 = arith.constant 64 : index
        %get3A_506 = tpu.vector_load %arg8[%get3A_504, %get3A_505] {strides = array<i32>} : memref<160x128xf32, #tpu.memory_space<vmem>>, vector<16xf32>,
        %get3A_507 = arith.index_cast %add3A_491 : i32 to index
        %get3A_508 = arith.constant 80 : index
        %get3A_509 = tpu.vector_load %arg8[%get3A_507, %get3A_508] {strides = array<i32>} : memref<160x128xf32, #tpu.memory_space<vmem>>, vector<16xf32>,
        %get3A_510 = arith.index_cast %add3A_491 : i32 to index
        %get3A_511 = arith.constant 96 : index
        %get3A_512 = tpu.vector_load %arg8[%get3A_510, %get3A_511] {strides = array<i32>} : memref<160x128xf32, #tpu.memory_space<vmem>>, vector<16xf32>,
        %get3A_513 = arith.index_cast %add3A_491 : i32 to index
        %get3A_514 = arith.constant 112 : index
        %get3A_515 = tpu.vector_load %arg8[%get3A_513, %get3A_514] {strides = array<i32>} : memref<160x128xf32, #tpu.memory_space<vmem>>, vector<16xf32>,
        %swap3A_516 = arith.index_cast %squeeze3A_471 : i32 to index
        %swap3A_517 = arith.constant 0 : index
        %swap3A_518 = tpu.vector_load %arg13[%swap3A_516, %swap3A_517] {strides = array<i32>} : memref<512x128xf32, #tpu.memory_space<vmem>>, vector<16xf32>,
        tpu.vector_store %arg13[%swap3A_516, %swap3A_517], %mul3A_480 {add = true, strides = array<i32>} : memref<512x128xf32, #tpu.memory_space<vmem>>, vector<16xf32>,
        %swap3A_519 = arith.index_cast %squeeze3A_471 : i32 to index
        %swap3A_520 = arith.constant 16 : index
        %swap3A_521 = tpu.vector_load %arg13[%swap3A_519, %swap3A_520] {strides = array<i32>} : memref<512x128xf32, #tpu.memory_space<vmem>>, vector<16xf32>,
        tpu.vector_store %arg13[%swap3A_519, %swap3A_520], %mul3A_481 {add = true, strides = array<i32>} : memref<512x128xf32, #tpu.memory_space<vmem>>, vector<16xf32>,
        %swap3A_522 = arith.index_cast %squeeze3A_471 : i32 to index
        %swap3A_523 = arith.constant 32 : index
        %swap3A_524 = tpu.vector_load %arg13[%swap3A_522, %swap3A_523] {strides = array<i32>} : memref<512x128xf32, #tpu.memory_space<vmem>>, vector<16xf32>,
        tpu.vector_store %arg13[%swap3A_522, %swap3A_523], %mul3A_482 {add = true, strides = array<i32>} : memref<512x128xf32, #tpu.memory_space<vmem>>, vector<16xf32>,
        %swap3A_525 = arith.index_cast %squeeze3A_471 : i32 to index
        %swap3A_526 = arith.constant 48 : index
        %swap3A_527 = tpu.vector_load %arg13[%swap3A_525, %swap3A_526] {strides = array<i32>} : memref<512x128xf32, #tpu.memory_space<vmem>>, vector<16xf32>,
        tpu.vector_store %arg13[%swap3A_525, %swap3A_526], %mul3A_483 {add = true, strides = array<i32>} : memref<512x128xf32, #tpu.memory_space<vmem>>, vector<16xf32>,
        %swap3A_528 = arith.index_cast %squeeze3A_471 : i32 to index
        %swap3A_529 = arith.constant 64 : index
        %swap3A_530 = tpu.vector_load %arg13[%swap3A_528, %swap3A_529] {strides = array<i32>} : memref<512x128xf32, #tpu.memory_space<vmem>>, vector<16xf32>,
        tpu.vector_store %arg13[%swap3A_528, %swap3A_529], %mul3A_484 {add = true, strides = array<i32>} : memref<512x128xf32, #tpu.memory_space<vmem>>, vector<16xf32>,
        %swap3A_531 = arith.index_cast %squeeze3A_471 : i32 to index
        %swap3A_532 = arith.constant 80 : index
        %swap3A_533 = tpu.vector_load %arg13[%swap3A_531, %swap3A_532] {strides = array<i32>} : memref<512x128xf32, #tpu.memory_space<vmem>>, vector<16xf32>,
        tpu.vector_store %arg13[%swap3A_531, %swap3A_532], %mul3A_485 {add = true, strides = array<i32>} : memref<512x128xf32, #tpu.memory_space<vmem>>, vector<16xf32>,
        %swap3A_534 = arith.index_cast %squeeze3A_471 : i32 to index
        %swap3A_535 = arith.constant 96 : index
        %swap3A_536 = tpu.vector_load %arg13[%swap3A_534, %swap3A_535] {strides = array<i32>} : memref<512x128xf32, #tpu.memory_space<vmem>>, vector<16xf32>,
        tpu.vector_store %arg13[%swap3A_534, %swap3A_535], %mul3A_486 {add = true, strides = array<i32>} : memref<512x128xf32, #tpu.memory_space<vmem>>, vector<16xf32>,
        %swap3A_537 = arith.index_cast %squeeze3A_471 : i32 to index
        %swap3A_538 = arith.constant 112 : index
        %swap3A_539 = tpu.vector_load %arg13[%swap3A_537, %swap3A_538] {strides = array<i32>} : memref<512x128xf32, #tpu.memory_space<vmem>>, vector<16xf32>,
        tpu.vector_store %arg13[%swap3A_537, %swap3A_538], %mul3A_487 {add = true, strides = array<i32>} : memref<512x128xf32, #tpu.memory_space<vmem>>, vector<16xf32>,
        %mul3A_540 = arith.constant 16 : i32
        %mul3A_541 = arith.muli %squeeze3A_471, %mul3A_540 : i32
        %swap3A_542 = arith.index_cast %mul3A_541 : i32 to index
        %swap3A_543 = tpu.vector_load %arg14[%swap3A_542] {strides = array<i32>} : memref<8192xf32, #tpu.memory_space<vmem>>, vector<16xf32>,
        tpu.vector_store %arg14[%swap3A_542], %broadcast_in_dim3A_479 {add = true, strides = array<i32>} : memref<8192xf32, #tpu.memory_space<vmem>>, vector<16xf32>,
        %mul3A_544 = arith.constant 16 : i32
        %mul3A_545 = arith.muli %scan3A_127, %mul3A_544 : i32
        %add3A_546 = arith.constant 5 : i32
        %add3A_547 = arith.addi %mul3A_545, %add3A_546 : i32
        %slice3A_548 = vector.extract_strided_slice %get3A_130 {offsets = [5], sizes = [1], strides = [1]} : vector<16xi32> to vector<1xi32>
        %squeeze3A_549 = vector.extract %slice3A_548[0] : i32 from vector<1xi32>
        %ge3A_550 = arith.cmpi sge, %add3A_547, %sub3A_116 : i32
        %lt3A_551 = arith.cmpi slt, %add3A_547, %sub3A_121 : i32
        %and3A_552 = arith.andi %ge3A_550, %lt3A_551 : i1
        %slice3A_553 = vector.extract_strided_slice %get3A_134 {offsets = [5], sizes = [1], strides = [1]} : vector<16xf32> to vector<1xf32>
        %squeeze3A_554 = vector.extract %slice3A_553[0] : f32 from vector<1xf32>
        %jit3A_555 = arith.constant 0.000000e+00 : f32
        %select_n3A_556 = arith.select %and3A_552, %squeeze3A_554, %jit3A_555 : f32
        %broadcast_in_dim3A_557 = vector.broadcast %select_n3A_556 : f32 to vector<16xf32>
        %mul3A_558 = arith.mulf %broadcast_in_dim3A_557, %get3A_494 : vector<16xf32>
        %mul3A_559 = arith.mulf %broadcast_in_dim3A_557, %get3A_497 : vector<16xf32>
        %mul3A_560 = arith.mulf %broadcast_in_dim3A_557, %get3A_500 : vector<16xf32>
        %mul3A_561 = arith.mulf %broadcast_in_dim3A_557, %get3A_503 : vector<16xf32>
        %mul3A_562 = arith.mulf %broadcast_in_dim3A_557, %get3A_506 : vector<16xf32>
        %mul3A_563 = arith.mulf %broadcast_in_dim3A_557, %get3A_509 : vector<16xf32>
        %mul3A_564 = arith.mulf %broadcast_in_dim3A_557, %get3A_512 : vector<16xf32>
        %mul3A_565 = arith.mulf %broadcast_in_dim3A_557, %get3A_515 : vector<16xf32>
        %mul3A_566 = arith.constant 16 : i32
        %mul3A_567 = arith.muli %scan3A_127, %mul3A_566 : i32
        %add3A_568 = arith.constant 6 : i32
        %add3A_569 = arith.addi %mul3A_567, %add3A_568 : i32
        %get3A_570 = arith.index_cast %add3A_569 : i32 to index
        %get3A_571 = arith.constant 0 : index
        %get3A_572 = tpu.vector_load %arg8[%get3A_570, %get3A_571] {strides = array<i32>} : memref<160x128xf32, #tpu.memory_space<vmem>>, vector<16xf32>,
        %get3A_573 = arith.index_cast %add3A_569 : i32 to index
        %get3A_574 = arith.constant 16 : index
        %get3A_575 = tpu.vector_load %arg8[%get3A_573, %get3A_574] {strides = array<i32>} : memref<160x128xf32, #tpu.memory_space<vmem>>, vector<16xf32>,
        %get3A_576 = arith.index_cast %add3A_569 : i32 to index
        %get3A_577 = arith.constant 32 : index
        %get3A_578 = tpu.vector_load %arg8[%get3A_576, %get3A_577] {strides = array<i32>} : memref<160x128xf32, #tpu.memory_space<vmem>>, vector<16xf32>,
        %get3A_579 = arith.index_cast %add3A_569 : i32 to index
        %get3A_580 = arith.constant 48 : index
        %get3A_581 = tpu.vector_load %arg8[%get3A_579, %get3A_580] {strides = array<i32>} : memref<160x128xf32, #tpu.memory_space<vmem>>, vector<16xf32>,
        %get3A_582 = arith.index_cast %add3A_569 : i32 to index
        %get3A_583 = arith.constant 64 : index
        %get3A_584 = tpu.vector_load %arg8[%get3A_582, %get3A_583] {strides = array<i32>} : memref<160x128xf32, #tpu.memory_space<vmem>>, vector<16xf32>,
        %get3A_585 = arith.index_cast %add3A_569 : i32 to index
        %get3A_586 = arith.constant 80 : index
        %get3A_587 = tpu.vector_load %arg8[%get3A_585, %get3A_586] {strides = array<i32>} : memref<160x128xf32, #tpu.memory_space<vmem>>, vector<16xf32>,
        %get3A_588 = arith.index_cast %add3A_569 : i32 to index
        %get3A_589 = arith.constant 96 : index
        %get3A_590 = tpu.vector_load %arg8[%get3A_588, %get3A_589] {strides = array<i32>} : memref<160x128xf32, #tpu.memory_space<vmem>>, vector<16xf32>,
        %get3A_591 = arith.index_cast %add3A_569 : i32 to index
        %get3A_592 = arith.constant 112 : index
        %get3A_593 = tpu.vector_load %arg8[%get3A_591, %get3A_592] {strides = array<i32>} : memref<160x128xf32, #tpu.memory_space<vmem>>, vector<16xf32>,
        %swap3A_594 = arith.index_cast %squeeze3A_549 : i32 to index
        %swap3A_595 = arith.constant 0 : index
        %swap3A_596 = tpu.vector_load %arg13[%swap3A_594, %swap3A_595] {strides = array<i32>} : memref<512x128xf32, #tpu.memory_space<vmem>>, vector<16xf32>,
        tpu.vector_store %arg13[%swap3A_594, %swap3A_595], %mul3A_558 {add = true, strides = array<i32>} : memref<512x128xf32, #tpu.memory_space<vmem>>, vector<16xf32>,
        %swap3A_597 = arith.index_cast %squeeze3A_549 : i32 to index
        %swap3A_598 = arith.constant 16 : index
        %swap3A_599 = tpu.vector_load %arg13[%swap3A_597, %swap3A_598] {strides = array<i32>} : memref<512x128xf32, #tpu.memory_space<vmem>>, vector<16xf32>,
        tpu.vector_store %arg13[%swap3A_597, %swap3A_598], %mul3A_559 {add = true, strides = array<i32>} : memref<512x128xf32, #tpu.memory_space<vmem>>, vector<16xf32>,
        %swap3A_600 = arith.index_cast %squeeze3A_549 : i32 to index
        %swap3A_601 = arith.constant 32 : index
        %swap3A_602 = tpu.vector_load %arg13[%swap3A_600, %swap3A_601] {strides = array<i32>} : memref<512x128xf32, #tpu.memory_space<vmem>>, vector<16xf32>,
        tpu.vector_store %arg13[%swap3A_600, %swap3A_601], %mul3A_560 {add = true, strides = array<i32>} : memref<512x128xf32, #tpu.memory_space<vmem>>, vector<16xf32>,
        %swap3A_603 = arith.index_cast %squeeze3A_549 : i32 to index
        %swap3A_604 = arith.constant 48 : index
        %swap3A_605 = tpu.vector_load %arg13[%swap3A_603, %swap3A_604] {strides = array<i32>} : memref<512x128xf32, #tpu.memory_space<vmem>>, vector<16xf32>,
        tpu.vector_store %arg13[%swap3A_603, %swap3A_604], %mul3A_561 {add = true, strides = array<i32>} : memref<512x128xf32, #tpu.memory_space<vmem>>, vector<16xf32>,
        %swap3A_606 = arith.index_cast %squeeze3A_549 : i32 to index
        %swap3A_607 = arith.constant 64 : index
        %swap3A_608 = tpu.vector_load %arg13[%swap3A_606, %swap3A_607] {strides = array<i32>} : memref<512x128xf32, #tpu.memory_space<vmem>>, vector<16xf32>,
        tpu.vector_store %arg13[%swap3A_606, %swap3A_607], %mul3A_562 {add = true, strides = array<i32>} : memref<512x128xf32, #tpu.memory_space<vmem>>, vector<16xf32>,
        %swap3A_609 = arith.index_cast %squeeze3A_549 : i32 to index
        %swap3A_610 = arith.constant 80 : index
        %swap3A_611 = tpu.vector_load %arg13[%swap3A_609, %swap3A_610] {strides = array<i32>} : memref<512x128xf32, #tpu.memory_space<vmem>>, vector<16xf32>,
        tpu.vector_store %arg13[%swap3A_609, %swap3A_610], %mul3A_563 {add = true, strides = array<i32>} : memref<512x128xf32, #tpu.memory_space<vmem>>, vector<16xf32>,
        %swap3A_612 = arith.index_cast %squeeze3A_549 : i32 to index
        %swap3A_613 = arith.constant 96 : index
        %swap3A_614 = tpu.vector_load %arg13[%swap3A_612, %swap3A_613] {strides = array<i32>} : memref<512x128xf32, #tpu.memory_space<vmem>>, vector<16xf32>,
        tpu.vector_store %arg13[%swap3A_612, %swap3A_613], %mul3A_564 {add = true, strides = array<i32>} : memref<512x128xf32, #tpu.memory_space<vmem>>, vector<16xf32>,
        %swap3A_615 = arith.index_cast %squeeze3A_549 : i32 to index
        %swap3A_616 = arith.constant 112 : index
        %swap3A_617 = tpu.vector_load %arg13[%swap3A_615, %swap3A_616] {strides = array<i32>} : memref<512x128xf32, #tpu.memory_space<vmem>>, vector<16xf32>,
        tpu.vector_store %arg13[%swap3A_615, %swap3A_616], %mul3A_565 {add = true, strides = array<i32>} : memref<512x128xf32, #tpu.memory_space<vmem>>, vector<16xf32>,
        %mul3A_618 = arith.constant 16 : i32
        %mul3A_619 = arith.muli %squeeze3A_549, %mul3A_618 : i32
        %swap3A_620 = arith.index_cast %mul3A_619 : i32 to index
        %swap3A_621 = tpu.vector_load %arg14[%swap3A_620] {strides = array<i32>} : memref<8192xf32, #tpu.memory_space<vmem>>, vector<16xf32>,
        tpu.vector_store %arg14[%swap3A_620], %broadcast_in_dim3A_557 {add = true, strides = array<i32>} : memref<8192xf32, #tpu.memory_space<vmem>>, vector<16xf32>,
        %mul3A_622 = arith.constant 16 : i32
        %mul3A_623 = arith.muli %scan3A_127, %mul3A_622 : i32
        %add3A_624 = arith.constant 6 : i32
        %add3A_625 = arith.addi %mul3A_623, %add3A_624 : i32
        %slice3A_626 = vector.extract_strided_slice %get3A_130 {offsets = [6], sizes = [1], strides = [1]} : vector<16xi32> to vector<1xi32>
        %squeeze3A_627 = vector.extract %slice3A_626[0] : i32 from vector<1xi32>
        %ge3A_628 = arith.cmpi sge, %add3A_625, %sub3A_116 : i32
        %lt3A_629 = arith.cmpi slt, %add3A_625, %sub3A_121 : i32
        %and3A_630 = arith.andi %ge3A_628, %lt3A_629 : i1
        %slice3A_631 = vector.extract_strided_slice %get3A_134 {offsets = [6], sizes = [1], strides = [1]} : vector<16xf32> to vector<1xf32>
        %squeeze3A_632 = vector.extract %slice3A_631[0] : f32 from vector<1xf32>
        %jit3A_633 = arith.constant 0.000000e+00 : f32
        %select_n3A_634 = arith.select %and3A_630, %squeeze3A_632, %jit3A_633 : f32
        %broadcast_in_dim3A_635 = vector.broadcast %select_n3A_634 : f32 to vector<16xf32>
        %mul3A_636 = arith.mulf %broadcast_in_dim3A_635, %get3A_572 : vector<16xf32>
        %mul3A_637 = arith.mulf %broadcast_in_dim3A_635, %get3A_575 : vector<16xf32>
        %mul3A_638 = arith.mulf %broadcast_in_dim3A_635, %get3A_578 : vector<16xf32>
        %mul3A_639 = arith.mulf %broadcast_in_dim3A_635, %get3A_581 : vector<16xf32>
        %mul3A_640 = arith.mulf %broadcast_in_dim3A_635, %get3A_584 : vector<16xf32>
        %mul3A_641 = arith.mulf %broadcast_in_dim3A_635, %get3A_587 : vector<16xf32>
        %mul3A_642 = arith.mulf %broadcast_in_dim3A_635, %get3A_590 : vector<16xf32>
        %mul3A_643 = arith.mulf %broadcast_in_dim3A_635, %get3A_593 : vector<16xf32>
        %mul3A_644 = arith.constant 16 : i32
        %mul3A_645 = arith.muli %scan3A_127, %mul3A_644 : i32
        %add3A_646 = arith.constant 7 : i32
        %add3A_647 = arith.addi %mul3A_645, %add3A_646 : i32
        %get3A_648 = arith.index_cast %add3A_647 : i32 to index
        %get3A_649 = arith.constant 0 : index
        %get3A_650 = tpu.vector_load %arg8[%get3A_648, %get3A_649] {strides = array<i32>} : memref<160x128xf32, #tpu.memory_space<vmem>>, vector<16xf32>,
        %get3A_651 = arith.index_cast %add3A_647 : i32 to index
        %get3A_652 = arith.constant 16 : index
        %get3A_653 = tpu.vector_load %arg8[%get3A_651, %get3A_652] {strides = array<i32>} : memref<160x128xf32, #tpu.memory_space<vmem>>, vector<16xf32>,
        %get3A_654 = arith.index_cast %add3A_647 : i32 to index
        %get3A_655 = arith.constant 32 : index
        %get3A_656 = tpu.vector_load %arg8[%get3A_654, %get3A_655] {strides = array<i32>} : memref<160x128xf32, #tpu.memory_space<vmem>>, vector<16xf32>,
        %get3A_657 = arith.index_cast %add3A_647 : i32 to index
        %get3A_658 = arith.constant 48 : index
        %get3A_659 = tpu.vector_load %arg8[%get3A_657, %get3A_658] {strides = array<i32>} : memref<160x128xf32, #tpu.memory_space<vmem>>, vector<16xf32>,
        %get3A_660 = arith.index_cast %add3A_647 : i32 to index
        %get3A_661 = arith.constant 64 : index
        %get3A_662 = tpu.vector_load %arg8[%get3A_660, %get3A_661] {strides = array<i32>} : memref<160x128xf32, #tpu.memory_space<vmem>>, vector<16xf32>,
        %get3A_663 = arith.index_cast %add3A_647 : i32 to index
        %get3A_664 = arith.constant 80 : index
        %get3A_665 = tpu.vector_load %arg8[%get3A_663, %get3A_664] {strides = array<i32>} : memref<160x128xf32, #tpu.memory_space<vmem>>, vector<16xf32>,
        %get3A_666 = arith.index_cast %add3A_647 : i32 to index
        %get3A_667 = arith.constant 96 : index
        %get3A_668 = tpu.vector_load %arg8[%get3A_666, %get3A_667] {strides = array<i32>} : memref<160x128xf32, #tpu.memory_space<vmem>>, vector<16xf32>,
        %get3A_669 = arith.index_cast %add3A_647 : i32 to index
        %get3A_670 = arith.constant 112 : index
        %get3A_671 = tpu.vector_load %arg8[%get3A_669, %get3A_670] {strides = array<i32>} : memref<160x128xf32, #tpu.memory_space<vmem>>, vector<16xf32>,
        %swap3A_672 = arith.index_cast %squeeze3A_627 : i32 to index
        %swap3A_673 = arith.constant 0 : index
        %swap3A_674 = tpu.vector_load %arg13[%swap3A_672, %swap3A_673] {strides = array<i32>} : memref<512x128xf32, #tpu.memory_space<vmem>>, vector<16xf32>,
        tpu.vector_store %arg13[%swap3A_672, %swap3A_673], %mul3A_636 {add = true, strides = array<i32>} : memref<512x128xf32, #tpu.memory_space<vmem>>, vector<16xf32>,
        %swap3A_675 = arith.index_cast %squeeze3A_627 : i32 to index
        %swap3A_676 = arith.constant 16 : index
        %swap3A_677 = tpu.vector_load %arg13[%swap3A_675, %swap3A_676] {strides = array<i32>} : memref<512x128xf32, #tpu.memory_space<vmem>>, vector<16xf32>,
        tpu.vector_store %arg13[%swap3A_675, %swap3A_676], %mul3A_637 {add = true, strides = array<i32>} : memref<512x128xf32, #tpu.memory_space<vmem>>, vector<16xf32>,
        %swap3A_678 = arith.index_cast %squeeze3A_627 : i32 to index
        %swap3A_679 = arith.constant 32 : index
        %swap3A_680 = tpu.vector_load %arg13[%swap3A_678, %swap3A_679] {strides = array<i32>} : memref<512x128xf32, #tpu.memory_space<vmem>>, vector<16xf32>,
        tpu.vector_store %arg13[%swap3A_678, %swap3A_679], %mul3A_638 {add = true, strides = array<i32>} : memref<512x128xf32, #tpu.memory_space<vmem>>, vector<16xf32>,
        %swap3A_681 = arith.index_cast %squeeze3A_627 : i32 to index
        %swap3A_682 = arith.constant 48 : index
        %swap3A_683 = tpu.vector_load %arg13[%swap3A_681, %swap3A_682] {strides = array<i32>} : memref<512x128xf32, #tpu.memory_space<vmem>>, vector<16xf32>,
        tpu.vector_store %arg13[%swap3A_681, %swap3A_682], %mul3A_639 {add = true, strides = array<i32>} : memref<512x128xf32, #tpu.memory_space<vmem>>, vector<16xf32>,
        %swap3A_684 = arith.index_cast %squeeze3A_627 : i32 to index
        %swap3A_685 = arith.constant 64 : index
        %swap3A_686 = tpu.vector_load %arg13[%swap3A_684, %swap3A_685] {strides = array<i32>} : memref<512x128xf32, #tpu.memory_space<vmem>>, vector<16xf32>,
        tpu.vector_store %arg13[%swap3A_684, %swap3A_685], %mul3A_640 {add = true, strides = array<i32>} : memref<512x128xf32, #tpu.memory_space<vmem>>, vector<16xf32>,
        %swap3A_687 = arith.index_cast %squeeze3A_627 : i32 to index
        %swap3A_688 = arith.constant 80 : index
        %swap3A_689 = tpu.vector_load %arg13[%swap3A_687, %swap3A_688] {strides = array<i32>} : memref<512x128xf32, #tpu.memory_space<vmem>>, vector<16xf32>,
        tpu.vector_store %arg13[%swap3A_687, %swap3A_688], %mul3A_641 {add = true, strides = array<i32>} : memref<512x128xf32, #tpu.memory_space<vmem>>, vector<16xf32>,
        %swap3A_690 = arith.index_cast %squeeze3A_627 : i32 to index
        %swap3A_691 = arith.constant 96 : index
        %swap3A_692 = tpu.vector_load %arg13[%swap3A_690, %swap3A_691] {strides = array<i32>} : memref<512x128xf32, #tpu.memory_space<vmem>>, vector<16xf32>,
        tpu.vector_store %arg13[%swap3A_690, %swap3A_691], %mul3A_642 {add = true, strides = array<i32>} : memref<512x128xf32, #tpu.memory_space<vmem>>, vector<16xf32>,
        %swap3A_693 = arith.index_cast %squeeze3A_627 : i32 to index
        %swap3A_694 = arith.constant 112 : index
        %swap3A_695 = tpu.vector_load %arg13[%swap3A_693, %swap3A_694] {strides = array<i32>} : memref<512x128xf32, #tpu.memory_space<vmem>>, vector<16xf32>,
        tpu.vector_store %arg13[%swap3A_693, %swap3A_694], %mul3A_643 {add = true, strides = array<i32>} : memref<512x128xf32, #tpu.memory_space<vmem>>, vector<16xf32>,
        %mul3A_696 = arith.constant 16 : i32
        %mul3A_697 = arith.muli %squeeze3A_627, %mul3A_696 : i32
        %swap3A_698 = arith.index_cast %mul3A_697 : i32 to index
        %swap3A_699 = tpu.vector_load %arg14[%swap3A_698] {strides = array<i32>} : memref<8192xf32, #tpu.memory_space<vmem>>, vector<16xf32>,
        tpu.vector_store %arg14[%swap3A_698], %broadcast_in_dim3A_635 {add = true, strides = array<i32>} : memref<8192xf32, #tpu.memory_space<vmem>>, vector<16xf32>,
        %mul3A_700 = arith.constant 16 : i32
        %mul3A_701 = arith.muli %scan3A_127, %mul3A_700 : i32
        %add3A_702 = arith.constant 7 : i32
        %add3A_703 = arith.addi %mul3A_701, %add3A_702 : i32
        %slice3A_704 = vector.extract_strided_slice %get3A_130 {offsets = [7], sizes = [1], strides = [1]} : vector<16xi32> to vector<1xi32>
        %squeeze3A_705 = vector.extract %slice3A_704[0] : i32 from vector<1xi32>
        %ge3A_706 = arith.cmpi sge, %add3A_703, %sub3A_116 : i32
        %lt3A_707 = arith.cmpi slt, %add3A_703, %sub3A_121 : i32
        %and3A_708 = arith.andi %ge3A_706, %lt3A_707 : i1
        %slice3A_709 = vector.extract_strided_slice %get3A_134 {offsets = [7], sizes = [1], strides = [1]} : vector<16xf32> to vector<1xf32>
        %squeeze3A_710 = vector.extract %slice3A_709[0] : f32 from vector<1xf32>
        %jit3A_711 = arith.constant 0.000000e+00 : f32
        %select_n3A_712 = arith.select %and3A_708, %squeeze3A_710, %jit3A_711 : f32
        %broadcast_in_dim3A_713 = vector.broadcast %select_n3A_712 : f32 to vector<16xf32>
        %mul3A_714 = arith.mulf %broadcast_in_dim3A_713, %get3A_650 : vector<16xf32>
        %mul3A_715 = arith.mulf %broadcast_in_dim3A_713, %get3A_653 : vector<16xf32>
        %mul3A_716 = arith.mulf %broadcast_in_dim3A_713, %get3A_656 : vector<16xf32>
        %mul3A_717 = arith.mulf %broadcast_in_dim3A_713, %get3A_659 : vector<16xf32>
        %mul3A_718 = arith.mulf %broadcast_in_dim3A_713, %get3A_662 : vector<16xf32>
        %mul3A_719 = arith.mulf %broadcast_in_dim3A_713, %get3A_665 : vector<16xf32>
        %mul3A_720 = arith.mulf %broadcast_in_dim3A_713, %get3A_668 : vector<16xf32>
        %mul3A_721 = arith.mulf %broadcast_in_dim3A_713, %get3A_671 : vector<16xf32>
        %mul3A_722 = arith.constant 16 : i32
        %mul3A_723 = arith.muli %scan3A_127, %mul3A_722 : i32
        %add3A_724 = arith.constant 8 : i32
        %add3A_725 = arith.addi %mul3A_723, %add3A_724 : i32
        %get3A_726 = arith.index_cast %add3A_725 : i32 to index
        %get3A_727 = arith.constant 0 : index
        %get3A_728 = tpu.vector_load %arg8[%get3A_726, %get3A_727] {strides = array<i32>} : memref<160x128xf32, #tpu.memory_space<vmem>>, vector<16xf32>,
        %get3A_729 = arith.index_cast %add3A_725 : i32 to index
        %get3A_730 = arith.constant 16 : index
        %get3A_731 = tpu.vector_load %arg8[%get3A_729, %get3A_730] {strides = array<i32>} : memref<160x128xf32, #tpu.memory_space<vmem>>, vector<16xf32>,
        %get3A_732 = arith.index_cast %add3A_725 : i32 to index
        %get3A_733 = arith.constant 32 : index
        %get3A_734 = tpu.vector_load %arg8[%get3A_732, %get3A_733] {strides = array<i32>} : memref<160x128xf32, #tpu.memory_space<vmem>>, vector<16xf32>,
        %get3A_735 = arith.index_cast %add3A_725 : i32 to index
        %get3A_736 = arith.constant 48 : index
        %get3A_737 = tpu.vector_load %arg8[%get3A_735, %get3A_736] {strides = array<i32>} : memref<160x128xf32, #tpu.memory_space<vmem>>, vector<16xf32>,
        %get3A_738 = arith.index_cast %add3A_725 : i32 to index
        %get3A_739 = arith.constant 64 : index
        %get3A_740 = tpu.vector_load %arg8[%get3A_738, %get3A_739] {strides = array<i32>} : memref<160x128xf32, #tpu.memory_space<vmem>>, vector<16xf32>,
        %get3A_741 = arith.index_cast %add3A_725 : i32 to index
        %get3A_742 = arith.constant 80 : index
        %get3A_743 = tpu.vector_load %arg8[%get3A_741, %get3A_742] {strides = array<i32>} : memref<160x128xf32, #tpu.memory_space<vmem>>, vector<16xf32>,
        %get3A_744 = arith.index_cast %add3A_725 : i32 to index
        %get3A_745 = arith.constant 96 : index
        %get3A_746 = tpu.vector_load %arg8[%get3A_744, %get3A_745] {strides = array<i32>} : memref<160x128xf32, #tpu.memory_space<vmem>>, vector<16xf32>,
        %get3A_747 = arith.index_cast %add3A_725 : i32 to index
        %get3A_748 = arith.constant 112 : index
        %get3A_749 = tpu.vector_load %arg8[%get3A_747, %get3A_748] {strides = array<i32>} : memref<160x128xf32, #tpu.memory_space<vmem>>, vector<16xf32>,
        %swap3A_750 = arith.index_cast %squeeze3A_705 : i32 to index
        %swap3A_751 = arith.constant 0 : index
        %swap3A_752 = tpu.vector_load %arg13[%swap3A_750, %swap3A_751] {strides = array<i32>} : memref<512x128xf32, #tpu.memory_space<vmem>>, vector<16xf32>,
        tpu.vector_store %arg13[%swap3A_750, %swap3A_751], %mul3A_714 {add = true, strides = array<i32>} : memref<512x128xf32, #tpu.memory_space<vmem>>, vector<16xf32>,
        %swap3A_753 = arith.index_cast %squeeze3A_705 : i32 to index
        %swap3A_754 = arith.constant 16 : index
        %swap3A_755 = tpu.vector_load %arg13[%swap3A_753, %swap3A_754] {strides = array<i32>} : memref<512x128xf32, #tpu.memory_space<vmem>>, vector<16xf32>,
        tpu.vector_store %arg13[%swap3A_753, %swap3A_754], %mul3A_715 {add = true, strides = array<i32>} : memref<512x128xf32, #tpu.memory_space<vmem>>, vector<16xf32>,
        %swap3A_756 = arith.index_cast %squeeze3A_705 : i32 to index
        %swap3A_757 = arith.constant 32 : index
        %swap3A_758 = tpu.vector_load %arg13[%swap3A_756, %swap3A_757] {strides = array<i32>} : memref<512x128xf32, #tpu.memory_space<vmem>>, vector<16xf32>,
        tpu.vector_store %arg13[%swap3A_756, %swap3A_757], %mul3A_716 {add = true, strides = array<i32>} : memref<512x128xf32, #tpu.memory_space<vmem>>, vector<16xf32>,
        %swap3A_759 = arith.index_cast %squeeze3A_705 : i32 to index
        %swap3A_760 = arith.constant 48 : index
        %swap3A_761 = tpu.vector_load %arg13[%swap3A_759, %swap3A_760] {strides = array<i32>} : memref<512x128xf32, #tpu.memory_space<vmem>>, vector<16xf32>,
        tpu.vector_store %arg13[%swap3A_759, %swap3A_760], %mul3A_717 {add = true, strides = array<i32>} : memref<512x128xf32, #tpu.memory_space<vmem>>, vector<16xf32>,
        %swap3A_762 = arith.index_cast %squeeze3A_705 : i32 to index
        %swap3A_763 = arith.constant 64 : index
        %swap3A_764 = tpu.vector_load %arg13[%swap3A_762, %swap3A_763] {strides = array<i32>} : memref<512x128xf32, #tpu.memory_space<vmem>>, vector<16xf32>,
        tpu.vector_store %arg13[%swap3A_762, %swap3A_763], %mul3A_718 {add = true, strides = array<i32>} : memref<512x128xf32, #tpu.memory_space<vmem>>, vector<16xf32>,
        %swap3A_765 = arith.index_cast %squeeze3A_705 : i32 to index
        %swap3A_766 = arith.constant 80 : index
        %swap3A_767 = tpu.vector_load %arg13[%swap3A_765, %swap3A_766] {strides = array<i32>} : memref<512x128xf32, #tpu.memory_space<vmem>>, vector<16xf32>,
        tpu.vector_store %arg13[%swap3A_765, %swap3A_766], %mul3A_719 {add = true, strides = array<i32>} : memref<512x128xf32, #tpu.memory_space<vmem>>, vector<16xf32>,
        %swap3A_768 = arith.index_cast %squeeze3A_705 : i32 to index
        %swap3A_769 = arith.constant 96 : index
        %swap3A_770 = tpu.vector_load %arg13[%swap3A_768, %swap3A_769] {strides = array<i32>} : memref<512x128xf32, #tpu.memory_space<vmem>>, vector<16xf32>,
        tpu.vector_store %arg13[%swap3A_768, %swap3A_769], %mul3A_720 {add = true, strides = array<i32>} : memref<512x128xf32, #tpu.memory_space<vmem>>, vector<16xf32>,
        %swap3A_771 = arith.index_cast %squeeze3A_705 : i32 to index
        %swap3A_772 = arith.constant 112 : index
        %swap3A_773 = tpu.vector_load %arg13[%swap3A_771, %swap3A_772] {strides = array<i32>} : memref<512x128xf32, #tpu.memory_space<vmem>>, vector<16xf32>,
        tpu.vector_store %arg13[%swap3A_771, %swap3A_772], %mul3A_721 {add = true, strides = array<i32>} : memref<512x128xf32, #tpu.memory_space<vmem>>, vector<16xf32>,
        %mul3A_774 = arith.constant 16 : i32
        %mul3A_775 = arith.muli %squeeze3A_705, %mul3A_774 : i32
        %swap3A_776 = arith.index_cast %mul3A_775 : i32 to index
        %swap3A_777 = tpu.vector_load %arg14[%swap3A_776] {strides = array<i32>} : memref<8192xf32, #tpu.memory_space<vmem>>, vector<16xf32>,
        tpu.vector_store %arg14[%swap3A_776], %broadcast_in_dim3A_713 {add = true, strides = array<i32>} : memref<8192xf32, #tpu.memory_space<vmem>>, vector<16xf32>,
        %mul3A_778 = arith.constant 16 : i32
        %mul3A_779 = arith.muli %scan3A_127, %mul3A_778 : i32
        %add3A_780 = arith.constant 8 : i32
        %add3A_781 = arith.addi %mul3A_779, %add3A_780 : i32
        %slice3A_782 = vector.extract_strided_slice %get3A_130 {offsets = [8], sizes = [1], strides = [1]} : vector<16xi32> to vector<1xi32>
        %squeeze3A_783 = vector.extract %slice3A_782[0] : i32 from vector<1xi32>
        %ge3A_784 = arith.cmpi sge, %add3A_781, %sub3A_116 : i32
        %lt3A_785 = arith.cmpi slt, %add3A_781, %sub3A_121 : i32
        %and3A_786 = arith.andi %ge3A_784, %lt3A_785 : i1
        %slice3A_787 = vector.extract_strided_slice %get3A_134 {offsets = [8], sizes = [1], strides = [1]} : vector<16xf32> to vector<1xf32>
        %squeeze3A_788 = vector.extract %slice3A_787[0] : f32 from vector<1xf32>
        %jit3A_789 = arith.constant 0.000000e+00 : f32
        %select_n3A_790 = arith.select %and3A_786, %squeeze3A_788, %jit3A_789 : f32
        %broadcast_in_dim3A_791 = vector.broadcast %select_n3A_790 : f32 to vector<16xf32>
        %mul3A_792 = arith.mulf %broadcast_in_dim3A_791, %get3A_728 : vector<16xf32>
        %mul3A_793 = arith.mulf %broadcast_in_dim3A_791, %get3A_731 : vector<16xf32>
        %mul3A_794 = arith.mulf %broadcast_in_dim3A_791, %get3A_734 : vector<16xf32>
        %mul3A_795 = arith.mulf %broadcast_in_dim3A_791, %get3A_737 : vector<16xf32>
        %mul3A_796 = arith.mulf %broadcast_in_dim3A_791, %get3A_740 : vector<16xf32>
        %mul3A_797 = arith.mulf %broadcast_in_dim3A_791, %get3A_743 : vector<16xf32>
        %mul3A_798 = arith.mulf %broadcast_in_dim3A_791, %get3A_746 : vector<16xf32>
        %mul3A_799 = arith.mulf %broadcast_in_dim3A_791, %get3A_749 : vector<16xf32>
        %mul3A_800 = arith.constant 16 : i32
        %mul3A_801 = arith.muli %scan3A_127, %mul3A_800 : i32
        %add3A_802 = arith.constant 9 : i32
        %add3A_803 = arith.addi %mul3A_801, %add3A_802 : i32
        %get3A_804 = arith.index_cast %add3A_803 : i32 to index
        %get3A_805 = arith.constant 0 : index
        %get3A_806 = tpu.vector_load %arg8[%get3A_804, %get3A_805] {strides = array<i32>} : memref<160x128xf32, #tpu.memory_space<vmem>>, vector<16xf32>,
        %get3A_807 = arith.index_cast %add3A_803 : i32 to index
        %get3A_808 = arith.constant 16 : index
        %get3A_809 = tpu.vector_load %arg8[%get3A_807, %get3A_808] {strides = array<i32>} : memref<160x128xf32, #tpu.memory_space<vmem>>, vector<16xf32>,
        %get3A_810 = arith.index_cast %add3A_803 : i32 to index
        %get3A_811 = arith.constant 32 : index
        %get3A_812 = tpu.vector_load %arg8[%get3A_810, %get3A_811] {strides = array<i32>} : memref<160x128xf32, #tpu.memory_space<vmem>>, vector<16xf32>,
        %get3A_813 = arith.index_cast %add3A_803 : i32 to index
        %get3A_814 = arith.constant 48 : index
        %get3A_815 = tpu.vector_load %arg8[%get3A_813, %get3A_814] {strides = array<i32>} : memref<160x128xf32, #tpu.memory_space<vmem>>, vector<16xf32>,
        %get3A_816 = arith.index_cast %add3A_803 : i32 to index
        %get3A_817 = arith.constant 64 : index
        %get3A_818 = tpu.vector_load %arg8[%get3A_816, %get3A_817] {strides = array<i32>} : memref<160x128xf32, #tpu.memory_space<vmem>>, vector<16xf32>,
        %get3A_819 = arith.index_cast %add3A_803 : i32 to index
        %get3A_820 = arith.constant 80 : index
        %get3A_821 = tpu.vector_load %arg8[%get3A_819, %get3A_820] {strides = array<i32>} : memref<160x128xf32, #tpu.memory_space<vmem>>, vector<16xf32>,
        %get3A_822 = arith.index_cast %add3A_803 : i32 to index
        %get3A_823 = arith.constant 96 : index
        %get3A_824 = tpu.vector_load %arg8[%get3A_822, %get3A_823] {strides = array<i32>} : memref<160x128xf32, #tpu.memory_space<vmem>>, vector<16xf32>,
        %get3A_825 = arith.index_cast %add3A_803 : i32 to index
        %get3A_826 = arith.constant 112 : index
        %get3A_827 = tpu.vector_load %arg8[%get3A_825, %get3A_826] {strides = array<i32>} : memref<160x128xf32, #tpu.memory_space<vmem>>, vector<16xf32>,
        %swap3A_828 = arith.index_cast %squeeze3A_783 : i32 to index
        %swap3A_829 = arith.constant 0 : index
        %swap3A_830 = tpu.vector_load %arg13[%swap3A_828, %swap3A_829] {strides = array<i32>} : memref<512x128xf32, #tpu.memory_space<vmem>>, vector<16xf32>,
        tpu.vector_store %arg13[%swap3A_828, %swap3A_829], %mul3A_792 {add = true, strides = array<i32>} : memref<512x128xf32, #tpu.memory_space<vmem>>, vector<16xf32>,
        %swap3A_831 = arith.index_cast %squeeze3A_783 : i32 to index
        %swap3A_832 = arith.constant 16 : index
        %swap3A_833 = tpu.vector_load %arg13[%swap3A_831, %swap3A_832] {strides = array<i32>} : memref<512x128xf32, #tpu.memory_space<vmem>>, vector<16xf32>,
        tpu.vector_store %arg13[%swap3A_831, %swap3A_832], %mul3A_793 {add = true, strides = array<i32>} : memref<512x128xf32, #tpu.memory_space<vmem>>, vector<16xf32>,
        %swap3A_834 = arith.index_cast %squeeze3A_783 : i32 to index
        %swap3A_835 = arith.constant 32 : index
        %swap3A_836 = tpu.vector_load %arg13[%swap3A_834, %swap3A_835] {strides = array<i32>} : memref<512x128xf32, #tpu.memory_space<vmem>>, vector<16xf32>,
        tpu.vector_store %arg13[%swap3A_834, %swap3A_835], %mul3A_794 {add = true, strides = array<i32>} : memref<512x128xf32, #tpu.memory_space<vmem>>, vector<16xf32>,
        %swap3A_837 = arith.index_cast %squeeze3A_783 : i32 to index
        %swap3A_838 = arith.constant 48 : index
        %swap3A_839 = tpu.vector_load %arg13[%swap3A_837, %swap3A_838] {strides = array<i32>} : memref<512x128xf32, #tpu.memory_space<vmem>>, vector<16xf32>,
        tpu.vector_store %arg13[%swap3A_837, %swap3A_838], %mul3A_795 {add = true, strides = array<i32>} : memref<512x128xf32, #tpu.memory_space<vmem>>, vector<16xf32>,
        %swap3A_840 = arith.index_cast %squeeze3A_783 : i32 to index
        %swap3A_841 = arith.constant 64 : index
        %swap3A_842 = tpu.vector_load %arg13[%swap3A_840, %swap3A_841] {strides = array<i32>} : memref<512x128xf32, #tpu.memory_space<vmem>>, vector<16xf32>,
        tpu.vector_store %arg13[%swap3A_840, %swap3A_841], %mul3A_796 {add = true, strides = array<i32>} : memref<512x128xf32, #tpu.memory_space<vmem>>, vector<16xf32>,
        %swap3A_843 = arith.index_cast %squeeze3A_783 : i32 to index
        %swap3A_844 = arith.constant 80 : index
        %swap3A_845 = tpu.vector_load %arg13[%swap3A_843, %swap3A_844] {strides = array<i32>} : memref<512x128xf32, #tpu.memory_space<vmem>>, vector<16xf32>,
        tpu.vector_store %arg13[%swap3A_843, %swap3A_844], %mul3A_797 {add = true, strides = array<i32>} : memref<512x128xf32, #tpu.memory_space<vmem>>, vector<16xf32>,
        %swap3A_846 = arith.index_cast %squeeze3A_783 : i32 to index
        %swap3A_847 = arith.constant 96 : index
        %swap3A_848 = tpu.vector_load %arg13[%swap3A_846, %swap3A_847] {strides = array<i32>} : memref<512x128xf32, #tpu.memory_space<vmem>>, vector<16xf32>,
        tpu.vector_store %arg13[%swap3A_846, %swap3A_847], %mul3A_798 {add = true, strides = array<i32>} : memref<512x128xf32, #tpu.memory_space<vmem>>, vector<16xf32>,
        %swap3A_849 = arith.index_cast %squeeze3A_783 : i32 to index
        %swap3A_850 = arith.constant 112 : index
        %swap3A_851 = tpu.vector_load %arg13[%swap3A_849, %swap3A_850] {strides = array<i32>} : memref<512x128xf32, #tpu.memory_space<vmem>>, vector<16xf32>,
        tpu.vector_store %arg13[%swap3A_849, %swap3A_850], %mul3A_799 {add = true, strides = array<i32>} : memref<512x128xf32, #tpu.memory_space<vmem>>, vector<16xf32>,
        %mul3A_852 = arith.constant 16 : i32
        %mul3A_853 = arith.muli %squeeze3A_783, %mul3A_852 : i32
        %swap3A_854 = arith.index_cast %mul3A_853 : i32 to index
        %swap3A_855 = tpu.vector_load %arg14[%swap3A_854] {strides = array<i32>} : memref<8192xf32, #tpu.memory_space<vmem>>, vector<16xf32>,
        tpu.vector_store %arg14[%swap3A_854], %broadcast_in_dim3A_791 {add = true, strides = array<i32>} : memref<8192xf32, #tpu.memory_space<vmem>>, vector<16xf32>,
        %mul3A_856 = arith.constant 16 : i32
        %mul3A_857 = arith.muli %scan3A_127, %mul3A_856 : i32
        %add3A_858 = arith.constant 9 : i32
        %add3A_859 = arith.addi %mul3A_857, %add3A_858 : i32
        %slice3A_860 = vector.extract_strided_slice %get3A_130 {offsets = [9], sizes = [1], strides = [1]} : vector<16xi32> to vector<1xi32>
        %squeeze3A_861 = vector.extract %slice3A_860[0] : i32 from vector<1xi32>
        %ge3A_862 = arith.cmpi sge, %add3A_859, %sub3A_116 : i32
        %lt3A_863 = arith.cmpi slt, %add3A_859, %sub3A_121 : i32
        %and3A_864 = arith.andi %ge3A_862, %lt3A_863 : i1
        %slice3A_865 = vector.extract_strided_slice %get3A_134 {offsets = [9], sizes = [1], strides = [1]} : vector<16xf32> to vector<1xf32>
        %squeeze3A_866 = vector.extract %slice3A_865[0] : f32 from vector<1xf32>
        %jit3A_867 = arith.constant 0.000000e+00 : f32
        %select_n3A_868 = arith.select %and3A_864, %squeeze3A_866, %jit3A_867 : f32
        %broadcast_in_dim3A_869 = vector.broadcast %select_n3A_868 : f32 to vector<16xf32>
        %mul3A_870 = arith.mulf %broadcast_in_dim3A_869, %get3A_806 : vector<16xf32>
        %mul3A_871 = arith.mulf %broadcast_in_dim3A_869, %get3A_809 : vector<16xf32>
        %mul3A_872 = arith.mulf %broadcast_in_dim3A_869, %get3A_812 : vector<16xf32>
        %mul3A_873 = arith.mulf %broadcast_in_dim3A_869, %get3A_815 : vector<16xf32>
        %mul3A_874 = arith.mulf %broadcast_in_dim3A_869, %get3A_818 : vector<16xf32>
        %mul3A_875 = arith.mulf %broadcast_in_dim3A_869, %get3A_821 : vector<16xf32>
        %mul3A_876 = arith.mulf %broadcast_in_dim3A_869, %get3A_824 : vector<16xf32>
        %mul3A_877 = arith.mulf %broadcast_in_dim3A_869, %get3A_827 : vector<16xf32>
        %mul3A_878 = arith.constant 16 : i32
        %mul3A_879 = arith.muli %scan3A_127, %mul3A_878 : i32
        %add3A_880 = arith.constant 10 : i32
        %add3A_881 = arith.addi %mul3A_879, %add3A_880 : i32
        %get3A_882 = arith.index_cast %add3A_881 : i32 to index
        %get3A_883 = arith.constant 0 : index
        %get3A_884 = tpu.vector_load %arg8[%get3A_882, %get3A_883] {strides = array<i32>} : memref<160x128xf32, #tpu.memory_space<vmem>>, vector<16xf32>,
        %get3A_885 = arith.index_cast %add3A_881 : i32 to index
        %get3A_886 = arith.constant 16 : index
        %get3A_887 = tpu.vector_load %arg8[%get3A_885, %get3A_886] {strides = array<i32>} : memref<160x128xf32, #tpu.memory_space<vmem>>, vector<16xf32>,
        %get3A_888 = arith.index_cast %add3A_881 : i32 to index
        %get3A_889 = arith.constant 32 : index
        %get3A_890 = tpu.vector_load %arg8[%get3A_888, %get3A_889] {strides = array<i32>} : memref<160x128xf32, #tpu.memory_space<vmem>>, vector<16xf32>,
        %get3A_891 = arith.index_cast %add3A_881 : i32 to index
        %get3A_892 = arith.constant 48 : index
        %get3A_893 = tpu.vector_load %arg8[%get3A_891, %get3A_892] {strides = array<i32>} : memref<160x128xf32, #tpu.memory_space<vmem>>, vector<16xf32>,
        %get3A_894 = arith.index_cast %add3A_881 : i32 to index
        %get3A_895 = arith.constant 64 : index
        %get3A_896 = tpu.vector_load %arg8[%get3A_894, %get3A_895] {strides = array<i32>} : memref<160x128xf32, #tpu.memory_space<vmem>>, vector<16xf32>,
        %get3A_897 = arith.index_cast %add3A_881 : i32 to index
        %get3A_898 = arith.constant 80 : index
        %get3A_899 = tpu.vector_load %arg8[%get3A_897, %get3A_898] {strides = array<i32>} : memref<160x128xf32, #tpu.memory_space<vmem>>, vector<16xf32>,
        %get3A_900 = arith.index_cast %add3A_881 : i32 to index
        %get3A_901 = arith.constant 96 : index
        %get3A_902 = tpu.vector_load %arg8[%get3A_900, %get3A_901] {strides = array<i32>} : memref<160x128xf32, #tpu.memory_space<vmem>>, vector<16xf32>,
        %get3A_903 = arith.index_cast %add3A_881 : i32 to index
        %get3A_904 = arith.constant 112 : index
        %get3A_905 = tpu.vector_load %arg8[%get3A_903, %get3A_904] {strides = array<i32>} : memref<160x128xf32, #tpu.memory_space<vmem>>, vector<16xf32>,
        %swap3A_906 = arith.index_cast %squeeze3A_861 : i32 to index
        %swap3A_907 = arith.constant 0 : index
        %swap3A_908 = tpu.vector_load %arg13[%swap3A_906, %swap3A_907] {strides = array<i32>} : memref<512x128xf32, #tpu.memory_space<vmem>>, vector<16xf32>,
        tpu.vector_store %arg13[%swap3A_906, %swap3A_907], %mul3A_870 {add = true, strides = array<i32>} : memref<512x128xf32, #tpu.memory_space<vmem>>, vector<16xf32>,
        %swap3A_909 = arith.index_cast %squeeze3A_861 : i32 to index
        %swap3A_910 = arith.constant 16 : index
        %swap3A_911 = tpu.vector_load %arg13[%swap3A_909, %swap3A_910] {strides = array<i32>} : memref<512x128xf32, #tpu.memory_space<vmem>>, vector<16xf32>,
        tpu.vector_store %arg13[%swap3A_909, %swap3A_910], %mul3A_871 {add = true, strides = array<i32>} : memref<512x128xf32, #tpu.memory_space<vmem>>, vector<16xf32>,
        %swap3A_912 = arith.index_cast %squeeze3A_861 : i32 to index
        %swap3A_913 = arith.constant 32 : index
        %swap3A_914 = tpu.vector_load %arg13[%swap3A_912, %swap3A_913] {strides = array<i32>} : memref<512x128xf32, #tpu.memory_space<vmem>>, vector<16xf32>,
        tpu.vector_store %arg13[%swap3A_912, %swap3A_913], %mul3A_872 {add = true, strides = array<i32>} : memref<512x128xf32, #tpu.memory_space<vmem>>, vector<16xf32>,
        %swap3A_915 = arith.index_cast %squeeze3A_861 : i32 to index
        %swap3A_916 = arith.constant 48 : index
        %swap3A_917 = tpu.vector_load %arg13[%swap3A_915, %swap3A_916] {strides = array<i32>} : memref<512x128xf32, #tpu.memory_space<vmem>>, vector<16xf32>,
        tpu.vector_store %arg13[%swap3A_915, %swap3A_916], %mul3A_873 {add = true, strides = array<i32>} : memref<512x128xf32, #tpu.memory_space<vmem>>, vector<16xf32>,
        %swap3A_918 = arith.index_cast %squeeze3A_861 : i32 to index
        %swap3A_919 = arith.constant 64 : index
        %swap3A_920 = tpu.vector_load %arg13[%swap3A_918, %swap3A_919] {strides = array<i32>} : memref<512x128xf32, #tpu.memory_space<vmem>>, vector<16xf32>,
        tpu.vector_store %arg13[%swap3A_918, %swap3A_919], %mul3A_874 {add = true, strides = array<i32>} : memref<512x128xf32, #tpu.memory_space<vmem>>, vector<16xf32>,
        %swap3A_921 = arith.index_cast %squeeze3A_861 : i32 to index
        %swap3A_922 = arith.constant 80 : index
        %swap3A_923 = tpu.vector_load %arg13[%swap3A_921, %swap3A_922] {strides = array<i32>} : memref<512x128xf32, #tpu.memory_space<vmem>>, vector<16xf32>,
        tpu.vector_store %arg13[%swap3A_921, %swap3A_922], %mul3A_875 {add = true, strides = array<i32>} : memref<512x128xf32, #tpu.memory_space<vmem>>, vector<16xf32>,
        %swap3A_924 = arith.index_cast %squeeze3A_861 : i32 to index
        %swap3A_925 = arith.constant 96 : index
        %swap3A_926 = tpu.vector_load %arg13[%swap3A_924, %swap3A_925] {strides = array<i32>} : memref<512x128xf32, #tpu.memory_space<vmem>>, vector<16xf32>,
        tpu.vector_store %arg13[%swap3A_924, %swap3A_925], %mul3A_876 {add = true, strides = array<i32>} : memref<512x128xf32, #tpu.memory_space<vmem>>, vector<16xf32>,
        %swap3A_927 = arith.index_cast %squeeze3A_861 : i32 to index
        %swap3A_928 = arith.constant 112 : index
        %swap3A_929 = tpu.vector_load %arg13[%swap3A_927, %swap3A_928] {strides = array<i32>} : memref<512x128xf32, #tpu.memory_space<vmem>>, vector<16xf32>,
        tpu.vector_store %arg13[%swap3A_927, %swap3A_928], %mul3A_877 {add = true, strides = array<i32>} : memref<512x128xf32, #tpu.memory_space<vmem>>, vector<16xf32>,
        %mul3A_930 = arith.constant 16 : i32
        %mul3A_931 = arith.muli %squeeze3A_861, %mul3A_930 : i32
        %swap3A_932 = arith.index_cast %mul3A_931 : i32 to index
        %swap3A_933 = tpu.vector_load %arg14[%swap3A_932] {strides = array<i32>} : memref<8192xf32, #tpu.memory_space<vmem>>, vector<16xf32>,
        tpu.vector_store %arg14[%swap3A_932], %broadcast_in_dim3A_869 {add = true, strides = array<i32>} : memref<8192xf32, #tpu.memory_space<vmem>>, vector<16xf32>,
        %mul3A_934 = arith.constant 16 : i32
        %mul3A_935 = arith.muli %scan3A_127, %mul3A_934 : i32
        %add3A_936 = arith.constant 10 : i32
        %add3A_937 = arith.addi %mul3A_935, %add3A_936 : i32
        %slice3A_938 = vector.extract_strided_slice %get3A_130 {offsets = [10], sizes = [1], strides = [1]} : vector<16xi32> to vector<1xi32>
        %squeeze3A_939 = vector.extract %slice3A_938[0] : i32 from vector<1xi32>
        %ge3A_940 = arith.cmpi sge, %add3A_937, %sub3A_116 : i32
        %lt3A_941 = arith.cmpi slt, %add3A_937, %sub3A_121 : i32
        %and3A_942 = arith.andi %ge3A_940, %lt3A_941 : i1
        %slice3A_943 = vector.extract_strided_slice %get3A_134 {offsets = [10], sizes = [1], strides = [1]} : vector<16xf32> to vector<1xf32>
        %squeeze3A_944 = vector.extract %slice3A_943[0] : f32 from vector<1xf32>
        %jit3A_945 = arith.constant 0.000000e+00 : f32
        %select_n3A_946 = arith.select %and3A_942, %squeeze3A_944, %jit3A_945 : f32
        %broadcast_in_dim3A_947 = vector.broadcast %select_n3A_946 : f32 to vector<16xf32>
        %mul3A_948 = arith.mulf %broadcast_in_dim3A_947, %get3A_884 : vector<16xf32>
        %mul3A_949 = arith.mulf %broadcast_in_dim3A_947, %get3A_887 : vector<16xf32>
        %mul3A_950 = arith.mulf %broadcast_in_dim3A_947, %get3A_890 : vector<16xf32>
        %mul3A_951 = arith.mulf %broadcast_in_dim3A_947, %get3A_893 : vector<16xf32>
        %mul3A_952 = arith.mulf %broadcast_in_dim3A_947, %get3A_896 : vector<16xf32>
        %mul3A_953 = arith.mulf %broadcast_in_dim3A_947, %get3A_899 : vector<16xf32>
        %mul3A_954 = arith.mulf %broadcast_in_dim3A_947, %get3A_902 : vector<16xf32>
        %mul3A_955 = arith.mulf %broadcast_in_dim3A_947, %get3A_905 : vector<16xf32>
        %mul3A_956 = arith.constant 16 : i32
        %mul3A_957 = arith.muli %scan3A_127, %mul3A_956 : i32
        %add3A_958 = arith.constant 11 : i32
        %add3A_959 = arith.addi %mul3A_957, %add3A_958 : i32
        %get3A_960 = arith.index_cast %add3A_959 : i32 to index
        %get3A_961 = arith.constant 0 : index
        %get3A_962 = tpu.vector_load %arg8[%get3A_960, %get3A_961] {strides = array<i32>} : memref<160x128xf32, #tpu.memory_space<vmem>>, vector<16xf32>,
        %get3A_963 = arith.index_cast %add3A_959 : i32 to index
        %get3A_964 = arith.constant 16 : index
        %get3A_965 = tpu.vector_load %arg8[%get3A_963, %get3A_964] {strides = array<i32>} : memref<160x128xf32, #tpu.memory_space<vmem>>, vector<16xf32>,
        %get3A_966 = arith.index_cast %add3A_959 : i32 to index
        %get3A_967 = arith.constant 32 : index
        %get3A_968 = tpu.vector_load %arg8[%get3A_966, %get3A_967] {strides = array<i32>} : memref<160x128xf32, #tpu.memory_space<vmem>>, vector<16xf32>,
        %get3A_969 = arith.index_cast %add3A_959 : i32 to index
        %get3A_970 = arith.constant 48 : index
        %get3A_971 = tpu.vector_load %arg8[%get3A_969, %get3A_970] {strides = array<i32>} : memref<160x128xf32, #tpu.memory_space<vmem>>, vector<16xf32>,
        %get3A_972 = arith.index_cast %add3A_959 : i32 to index
        %get3A_973 = arith.constant 64 : index
        %get3A_974 = tpu.vector_load %arg8[%get3A_972, %get3A_973] {strides = array<i32>} : memref<160x128xf32, #tpu.memory_space<vmem>>, vector<16xf32>,
        %get3A_975 = arith.index_cast %add3A_959 : i32 to index
        %get3A_976 = arith.constant 80 : index
        %get3A_977 = tpu.vector_load %arg8[%get3A_975, %get3A_976] {strides = array<i32>} : memref<160x128xf32, #tpu.memory_space<vmem>>, vector<16xf32>,
        %get3A_978 = arith.index_cast %add3A_959 : i32 to index
        %get3A_979 = arith.constant 96 : index
        %get3A_980 = tpu.vector_load %arg8[%get3A_978, %get3A_979] {strides = array<i32>} : memref<160x128xf32, #tpu.memory_space<vmem>>, vector<16xf32>,
        %get3A_981 = arith.index_cast %add3A_959 : i32 to index
        %get3A_982 = arith.constant 112 : index
        %get3A_983 = tpu.vector_load %arg8[%get3A_981, %get3A_982] {strides = array<i32>} : memref<160x128xf32, #tpu.memory_space<vmem>>, vector<16xf32>,
        %swap3A_984 = arith.index_cast %squeeze3A_939 : i32 to index
        %swap3A_985 = arith.constant 0 : index
        %swap3A_986 = tpu.vector_load %arg13[%swap3A_984, %swap3A_985] {strides = array<i32>} : memref<512x128xf32, #tpu.memory_space<vmem>>, vector<16xf32>,
        tpu.vector_store %arg13[%swap3A_984, %swap3A_985], %mul3A_948 {add = true, strides = array<i32>} : memref<512x128xf32, #tpu.memory_space<vmem>>, vector<16xf32>,
        %swap3A_987 = arith.index_cast %squeeze3A_939 : i32 to index
        %swap3A_988 = arith.constant 16 : index
        %swap3A_989 = tpu.vector_load %arg13[%swap3A_987, %swap3A_988] {strides = array<i32>} : memref<512x128xf32, #tpu.memory_space<vmem>>, vector<16xf32>,
        tpu.vector_store %arg13[%swap3A_987, %swap3A_988], %mul3A_949 {add = true, strides = array<i32>} : memref<512x128xf32, #tpu.memory_space<vmem>>, vector<16xf32>,
        %swap3A_990 = arith.index_cast %squeeze3A_939 : i32 to index
        %swap3A_991 = arith.constant 32 : index
        %swap3A_992 = tpu.vector_load %arg13[%swap3A_990, %swap3A_991] {strides = array<i32>} : memref<512x128xf32, #tpu.memory_space<vmem>>, vector<16xf32>,
        tpu.vector_store %arg13[%swap3A_990, %swap3A_991], %mul3A_950 {add = true, strides = array<i32>} : memref<512x128xf32, #tpu.memory_space<vmem>>, vector<16xf32>,
        %swap3A_993 = arith.index_cast %squeeze3A_939 : i32 to index
        %swap3A_994 = arith.constant 48 : index
        %swap3A_995 = tpu.vector_load %arg13[%swap3A_993, %swap3A_994] {strides = array<i32>} : memref<512x128xf32, #tpu.memory_space<vmem>>, vector<16xf32>,
        tpu.vector_store %arg13[%swap3A_993, %swap3A_994], %mul3A_951 {add = true, strides = array<i32>} : memref<512x128xf32, #tpu.memory_space<vmem>>, vector<16xf32>,
        %swap3A_996 = arith.index_cast %squeeze3A_939 : i32 to index
        %swap3A_997 = arith.constant 64 : index
        %swap3A_998 = tpu.vector_load %arg13[%swap3A_996, %swap3A_997] {strides = array<i32>} : memref<512x128xf32, #tpu.memory_space<vmem>>, vector<16xf32>,
        tpu.vector_store %arg13[%swap3A_996, %swap3A_997], %mul3A_952 {add = true, strides = array<i32>} : memref<512x128xf32, #tpu.memory_space<vmem>>, vector<16xf32>,
        %swap3A_999 = arith.index_cast %squeeze3A_939 : i32 to index
        %swap3A_1000 = arith.constant 80 : index
        %swap3A_1001 = tpu.vector_load %arg13[%swap3A_999, %swap3A_1000] {strides = array<i32>} : memref<512x128xf32, #tpu.memory_space<vmem>>, vector<16xf32>,
        tpu.vector_store %arg13[%swap3A_999, %swap3A_1000], %mul3A_953 {add = true, strides = array<i32>} : memref<512x128xf32, #tpu.memory_space<vmem>>, vector<16xf32>,
        %swap3A_1002 = arith.index_cast %squeeze3A_939 : i32 to index
        %swap3A_1003 = arith.constant 96 : index
        %swap3A_1004 = tpu.vector_load %arg13[%swap3A_1002, %swap3A_1003] {strides = array<i32>} : memref<512x128xf32, #tpu.memory_space<vmem>>, vector<16xf32>,
        tpu.vector_store %arg13[%swap3A_1002, %swap3A_1003], %mul3A_954 {add = true, strides = array<i32>} : memref<512x128xf32, #tpu.memory_space<vmem>>, vector<16xf32>,
        %swap3A_1005 = arith.index_cast %squeeze3A_939 : i32 to index
        %swap3A_1006 = arith.constant 112 : index
        %swap3A_1007 = tpu.vector_load %arg13[%swap3A_1005, %swap3A_1006] {strides = array<i32>} : memref<512x128xf32, #tpu.memory_space<vmem>>, vector<16xf32>,
        tpu.vector_store %arg13[%swap3A_1005, %swap3A_1006], %mul3A_955 {add = true, strides = array<i32>} : memref<512x128xf32, #tpu.memory_space<vmem>>, vector<16xf32>,
        %mul3A_1008 = arith.constant 16 : i32
        %mul3A_1009 = arith.muli %squeeze3A_939, %mul3A_1008 : i32
        %swap3A_1010 = arith.index_cast %mul3A_1009 : i32 to index
        %swap3A_1011 = tpu.vector_load %arg14[%swap3A_1010] {strides = array<i32>} : memref<8192xf32, #tpu.memory_space<vmem>>, vector<16xf32>,
        tpu.vector_store %arg14[%swap3A_1010], %broadcast_in_dim3A_947 {add = true, strides = array<i32>} : memref<8192xf32, #tpu.memory_space<vmem>>, vector<16xf32>,
        %mul3A_1012 = arith.constant 16 : i32
        %mul3A_1013 = arith.muli %scan3A_127, %mul3A_1012 : i32
        %add3A_1014 = arith.constant 11 : i32
        %add3A_1015 = arith.addi %mul3A_1013, %add3A_1014 : i32
        %slice3A_1016 = vector.extract_strided_slice %get3A_130 {offsets = [11], sizes = [1], strides = [1]} : vector<16xi32> to vector<1xi32>
        %squeeze3A_1017 = vector.extract %slice3A_1016[0] : i32 from vector<1xi32>
        %ge3A_1018 = arith.cmpi sge, %add3A_1015, %sub3A_116 : i32
        %lt3A_1019 = arith.cmpi slt, %add3A_1015, %sub3A_121 : i32
        %and3A_1020 = arith.andi %ge3A_1018, %lt3A_1019 : i1
        %slice3A_1021 = vector.extract_strided_slice %get3A_134 {offsets = [11], sizes = [1], strides = [1]} : vector<16xf32> to vector<1xf32>
        %squeeze3A_1022 = vector.extract %slice3A_1021[0] : f32 from vector<1xf32>
        %jit3A_1023 = arith.constant 0.000000e+00 : f32
        %select_n3A_1024 = arith.select %and3A_1020, %squeeze3A_1022, %jit3A_1023 : f32
        %broadcast_in_dim3A_1025 = vector.broadcast %select_n3A_1024 : f32 to vector<16xf32>
        %mul3A_1026 = arith.mulf %broadcast_in_dim3A_1025, %get3A_962 : vector<16xf32>
        %mul3A_1027 = arith.mulf %broadcast_in_dim3A_1025, %get3A_965 : vector<16xf32>
        %mul3A_1028 = arith.mulf %broadcast_in_dim3A_1025, %get3A_968 : vector<16xf32>
        %mul3A_1029 = arith.mulf %broadcast_in_dim3A_1025, %get3A_971 : vector<16xf32>
        %mul3A_1030 = arith.mulf %broadcast_in_dim3A_1025, %get3A_974 : vector<16xf32>
        %mul3A_1031 = arith.mulf %broadcast_in_dim3A_1025, %get3A_977 : vector<16xf32>
        %mul3A_1032 = arith.mulf %broadcast_in_dim3A_1025, %get3A_980 : vector<16xf32>
        %mul3A_1033 = arith.mulf %broadcast_in_dim3A_1025, %get3A_983 : vector<16xf32>
        %mul3A_1034 = arith.constant 16 : i32
        %mul3A_1035 = arith.muli %scan3A_127, %mul3A_1034 : i32
        %add3A_1036 = arith.constant 12 : i32
        %add3A_1037 = arith.addi %mul3A_1035, %add3A_1036 : i32
        %get3A_1038 = arith.index_cast %add3A_1037 : i32 to index
        %get3A_1039 = arith.constant 0 : index
        %get3A_1040 = tpu.vector_load %arg8[%get3A_1038, %get3A_1039] {strides = array<i32>} : memref<160x128xf32, #tpu.memory_space<vmem>>, vector<16xf32>,
        %get3A_1041 = arith.index_cast %add3A_1037 : i32 to index
        %get3A_1042 = arith.constant 16 : index
        %get3A_1043 = tpu.vector_load %arg8[%get3A_1041, %get3A_1042] {strides = array<i32>} : memref<160x128xf32, #tpu.memory_space<vmem>>, vector<16xf32>,
        %get3A_1044 = arith.index_cast %add3A_1037 : i32 to index
        %get3A_1045 = arith.constant 32 : index
        %get3A_1046 = tpu.vector_load %arg8[%get3A_1044, %get3A_1045] {strides = array<i32>} : memref<160x128xf32, #tpu.memory_space<vmem>>, vector<16xf32>,
        %get3A_1047 = arith.index_cast %add3A_1037 : i32 to index
        %get3A_1048 = arith.constant 48 : index
        %get3A_1049 = tpu.vector_load %arg8[%get3A_1047, %get3A_1048] {strides = array<i32>} : memref<160x128xf32, #tpu.memory_space<vmem>>, vector<16xf32>,
        %get3A_1050 = arith.index_cast %add3A_1037 : i32 to index
        %get3A_1051 = arith.constant 64 : index
        %get3A_1052 = tpu.vector_load %arg8[%get3A_1050, %get3A_1051] {strides = array<i32>} : memref<160x128xf32, #tpu.memory_space<vmem>>, vector<16xf32>,
        %get3A_1053 = arith.index_cast %add3A_1037 : i32 to index
        %get3A_1054 = arith.constant 80 : index
        %get3A_1055 = tpu.vector_load %arg8[%get3A_1053, %get3A_1054] {strides = array<i32>} : memref<160x128xf32, #tpu.memory_space<vmem>>, vector<16xf32>,
        %get3A_1056 = arith.index_cast %add3A_1037 : i32 to index
        %get3A_1057 = arith.constant 96 : index
        %get3A_1058 = tpu.vector_load %arg8[%get3A_1056, %get3A_1057] {strides = array<i32>} : memref<160x128xf32, #tpu.memory_space<vmem>>, vector<16xf32>,
        %get3A_1059 = arith.index_cast %add3A_1037 : i32 to index
        %get3A_1060 = arith.constant 112 : index
        %get3A_1061 = tpu.vector_load %arg8[%get3A_1059, %get3A_1060] {strides = array<i32>} : memref<160x128xf32, #tpu.memory_space<vmem>>, vector<16xf32>,
        %swap3A_1062 = arith.index_cast %squeeze3A_1017 : i32 to index
        %swap3A_1063 = arith.constant 0 : index
        %swap3A_1064 = tpu.vector_load %arg13[%swap3A_1062, %swap3A_1063] {strides = array<i32>} : memref<512x128xf32, #tpu.memory_space<vmem>>, vector<16xf32>,
        tpu.vector_store %arg13[%swap3A_1062, %swap3A_1063], %mul3A_1026 {add = true, strides = array<i32>} : memref<512x128xf32, #tpu.memory_space<vmem>>, vector<16xf32>,
        %swap3A_1065 = arith.index_cast %squeeze3A_1017 : i32 to index
        %swap3A_1066 = arith.constant 16 : index
        %swap3A_1067 = tpu.vector_load %arg13[%swap3A_1065, %swap3A_1066] {strides = array<i32>} : memref<512x128xf32, #tpu.memory_space<vmem>>, vector<16xf32>,
        tpu.vector_store %arg13[%swap3A_1065, %swap3A_1066], %mul3A_1027 {add = true, strides = array<i32>} : memref<512x128xf32, #tpu.memory_space<vmem>>, vector<16xf32>,
        %swap3A_1068 = arith.index_cast %squeeze3A_1017 : i32 to index
        %swap3A_1069 = arith.constant 32 : index
        %swap3A_1070 = tpu.vector_load %arg13[%swap3A_1068, %swap3A_1069] {strides = array<i32>} : memref<512x128xf32, #tpu.memory_space<vmem>>, vector<16xf32>,
        tpu.vector_store %arg13[%swap3A_1068, %swap3A_1069], %mul3A_1028 {add = true, strides = array<i32>} : memref<512x128xf32, #tpu.memory_space<vmem>>, vector<16xf32>,
        %swap3A_1071 = arith.index_cast %squeeze3A_1017 : i32 to index
        %swap3A_1072 = arith.constant 48 : index
        %swap3A_1073 = tpu.vector_load %arg13[%swap3A_1071, %swap3A_1072] {strides = array<i32>} : memref<512x128xf32, #tpu.memory_space<vmem>>, vector<16xf32>,
        tpu.vector_store %arg13[%swap3A_1071, %swap3A_1072], %mul3A_1029 {add = true, strides = array<i32>} : memref<512x128xf32, #tpu.memory_space<vmem>>, vector<16xf32>,
        %swap3A_1074 = arith.index_cast %squeeze3A_1017 : i32 to index
        %swap3A_1075 = arith.constant 64 : index
        %swap3A_1076 = tpu.vector_load %arg13[%swap3A_1074, %swap3A_1075] {strides = array<i32>} : memref<512x128xf32, #tpu.memory_space<vmem>>, vector<16xf32>,
        tpu.vector_store %arg13[%swap3A_1074, %swap3A_1075], %mul3A_1030 {add = true, strides = array<i32>} : memref<512x128xf32, #tpu.memory_space<vmem>>, vector<16xf32>,
        %swap3A_1077 = arith.index_cast %squeeze3A_1017 : i32 to index
        %swap3A_1078 = arith.constant 80 : index
        %swap3A_1079 = tpu.vector_load %arg13[%swap3A_1077, %swap3A_1078] {strides = array<i32>} : memref<512x128xf32, #tpu.memory_space<vmem>>, vector<16xf32>,
        tpu.vector_store %arg13[%swap3A_1077, %swap3A_1078], %mul3A_1031 {add = true, strides = array<i32>} : memref<512x128xf32, #tpu.memory_space<vmem>>, vector<16xf32>,
        %swap3A_1080 = arith.index_cast %squeeze3A_1017 : i32 to index
        %swap3A_1081 = arith.constant 96 : index
        %swap3A_1082 = tpu.vector_load %arg13[%swap3A_1080, %swap3A_1081] {strides = array<i32>} : memref<512x128xf32, #tpu.memory_space<vmem>>, vector<16xf32>,
        tpu.vector_store %arg13[%swap3A_1080, %swap3A_1081], %mul3A_1032 {add = true, strides = array<i32>} : memref<512x128xf32, #tpu.memory_space<vmem>>, vector<16xf32>,
        %swap3A_1083 = arith.index_cast %squeeze3A_1017 : i32 to index
        %swap3A_1084 = arith.constant 112 : index
        %swap3A_1085 = tpu.vector_load %arg13[%swap3A_1083, %swap3A_1084] {strides = array<i32>} : memref<512x128xf32, #tpu.memory_space<vmem>>, vector<16xf32>,
        tpu.vector_store %arg13[%swap3A_1083, %swap3A_1084], %mul3A_1033 {add = true, strides = array<i32>} : memref<512x128xf32, #tpu.memory_space<vmem>>, vector<16xf32>,
        %mul3A_1086 = arith.constant 16 : i32
        %mul3A_1087 = arith.muli %squeeze3A_1017, %mul3A_1086 : i32
        %swap3A_1088 = arith.index_cast %mul3A_1087 : i32 to index
        %swap3A_1089 = tpu.vector_load %arg14[%swap3A_1088] {strides = array<i32>} : memref<8192xf32, #tpu.memory_space<vmem>>, vector<16xf32>,
        tpu.vector_store %arg14[%swap3A_1088], %broadcast_in_dim3A_1025 {add = true, strides = array<i32>} : memref<8192xf32, #tpu.memory_space<vmem>>, vector<16xf32>,
        %mul3A_1090 = arith.constant 16 : i32
        %mul3A_1091 = arith.muli %scan3A_127, %mul3A_1090 : i32
        %add3A_1092 = arith.constant 12 : i32
        %add3A_1093 = arith.addi %mul3A_1091, %add3A_1092 : i32
        %slice3A_1094 = vector.extract_strided_slice %get3A_130 {offsets = [12], sizes = [1], strides = [1]} : vector<16xi32> to vector<1xi32>
        %squeeze3A_1095 = vector.extract %slice3A_1094[0] : i32 from vector<1xi32>
        %ge3A_1096 = arith.cmpi sge, %add3A_1093, %sub3A_116 : i32
        %lt3A_1097 = arith.cmpi slt, %add3A_1093, %sub3A_121 : i32
        %and3A_1098 = arith.andi %ge3A_1096, %lt3A_1097 : i1
        %slice3A_1099 = vector.extract_strided_slice %get3A_134 {offsets = [12], sizes = [1], strides = [1]} : vector<16xf32> to vector<1xf32>
        %squeeze3A_1100 = vector.extract %slice3A_1099[0] : f32 from vector<1xf32>
        %jit3A_1101 = arith.constant 0.000000e+00 : f32
        %select_n3A_1102 = arith.select %and3A_1098, %squeeze3A_1100, %jit3A_1101 : f32
        %broadcast_in_dim3A_1103 = vector.broadcast %select_n3A_1102 : f32 to vector<16xf32>
        %mul3A_1104 = arith.mulf %broadcast_in_dim3A_1103, %get3A_1040 : vector<16xf32>
        %mul3A_1105 = arith.mulf %broadcast_in_dim3A_1103, %get3A_1043 : vector<16xf32>
        %mul3A_1106 = arith.mulf %broadcast_in_dim3A_1103, %get3A_1046 : vector<16xf32>
        %mul3A_1107 = arith.mulf %broadcast_in_dim3A_1103, %get3A_1049 : vector<16xf32>
        %mul3A_1108 = arith.mulf %broadcast_in_dim3A_1103, %get3A_1052 : vector<16xf32>
        %mul3A_1109 = arith.mulf %broadcast_in_dim3A_1103, %get3A_1055 : vector<16xf32>
        %mul3A_1110 = arith.mulf %broadcast_in_dim3A_1103, %get3A_1058 : vector<16xf32>
        %mul3A_1111 = arith.mulf %broadcast_in_dim3A_1103, %get3A_1061 : vector<16xf32>
        %mul3A_1112 = arith.constant 16 : i32
        %mul3A_1113 = arith.muli %scan3A_127, %mul3A_1112 : i32
        %add3A_1114 = arith.constant 13 : i32
        %add3A_1115 = arith.addi %mul3A_1113, %add3A_1114 : i32
        %get3A_1116 = arith.index_cast %add3A_1115 : i32 to index
        %get3A_1117 = arith.constant 0 : index
        %get3A_1118 = tpu.vector_load %arg8[%get3A_1116, %get3A_1117] {strides = array<i32>} : memref<160x128xf32, #tpu.memory_space<vmem>>, vector<16xf32>,
        %get3A_1119 = arith.index_cast %add3A_1115 : i32 to index
        %get3A_1120 = arith.constant 16 : index
        %get3A_1121 = tpu.vector_load %arg8[%get3A_1119, %get3A_1120] {strides = array<i32>} : memref<160x128xf32, #tpu.memory_space<vmem>>, vector<16xf32>,
        %get3A_1122 = arith.index_cast %add3A_1115 : i32 to index
        %get3A_1123 = arith.constant 32 : index
        %get3A_1124 = tpu.vector_load %arg8[%get3A_1122, %get3A_1123] {strides = array<i32>} : memref<160x128xf32, #tpu.memory_space<vmem>>, vector<16xf32>,
        %get3A_1125 = arith.index_cast %add3A_1115 : i32 to index
        %get3A_1126 = arith.constant 48 : index
        %get3A_1127 = tpu.vector_load %arg8[%get3A_1125, %get3A_1126] {strides = array<i32>} : memref<160x128xf32, #tpu.memory_space<vmem>>, vector<16xf32>,
        %get3A_1128 = arith.index_cast %add3A_1115 : i32 to index
        %get3A_1129 = arith.constant 64 : index
        %get3A_1130 = tpu.vector_load %arg8[%get3A_1128, %get3A_1129] {strides = array<i32>} : memref<160x128xf32, #tpu.memory_space<vmem>>, vector<16xf32>,
        %get3A_1131 = arith.index_cast %add3A_1115 : i32 to index
        %get3A_1132 = arith.constant 80 : index
        %get3A_1133 = tpu.vector_load %arg8[%get3A_1131, %get3A_1132] {strides = array<i32>} : memref<160x128xf32, #tpu.memory_space<vmem>>, vector<16xf32>,
        %get3A_1134 = arith.index_cast %add3A_1115 : i32 to index
        %get3A_1135 = arith.constant 96 : index
        %get3A_1136 = tpu.vector_load %arg8[%get3A_1134, %get3A_1135] {strides = array<i32>} : memref<160x128xf32, #tpu.memory_space<vmem>>, vector<16xf32>,
        %get3A_1137 = arith.index_cast %add3A_1115 : i32 to index
        %get3A_1138 = arith.constant 112 : index
        %get3A_1139 = tpu.vector_load %arg8[%get3A_1137, %get3A_1138] {strides = array<i32>} : memref<160x128xf32, #tpu.memory_space<vmem>>, vector<16xf32>,
        %swap3A_1140 = arith.index_cast %squeeze3A_1095 : i32 to index
        %swap3A_1141 = arith.constant 0 : index
        %swap3A_1142 = tpu.vector_load %arg13[%swap3A_1140, %swap3A_1141] {strides = array<i32>} : memref<512x128xf32, #tpu.memory_space<vmem>>, vector<16xf32>,
        tpu.vector_store %arg13[%swap3A_1140, %swap3A_1141], %mul3A_1104 {add = true, strides = array<i32>} : memref<512x128xf32, #tpu.memory_space<vmem>>, vector<16xf32>,
        %swap3A_1143 = arith.index_cast %squeeze3A_1095 : i32 to index
        %swap3A_1144 = arith.constant 16 : index
        %swap3A_1145 = tpu.vector_load %arg13[%swap3A_1143, %swap3A_1144] {strides = array<i32>} : memref<512x128xf32, #tpu.memory_space<vmem>>, vector<16xf32>,
        tpu.vector_store %arg13[%swap3A_1143, %swap3A_1144], %mul3A_1105 {add = true, strides = array<i32>} : memref<512x128xf32, #tpu.memory_space<vmem>>, vector<16xf32>,
        %swap3A_1146 = arith.index_cast %squeeze3A_1095 : i32 to index
        %swap3A_1147 = arith.constant 32 : index
        %swap3A_1148 = tpu.vector_load %arg13[%swap3A_1146, %swap3A_1147] {strides = array<i32>} : memref<512x128xf32, #tpu.memory_space<vmem>>, vector<16xf32>,
        tpu.vector_store %arg13[%swap3A_1146, %swap3A_1147], %mul3A_1106 {add = true, strides = array<i32>} : memref<512x128xf32, #tpu.memory_space<vmem>>, vector<16xf32>,
        %swap3A_1149 = arith.index_cast %squeeze3A_1095 : i32 to index
        %swap3A_1150 = arith.constant 48 : index
        %swap3A_1151 = tpu.vector_load %arg13[%swap3A_1149, %swap3A_1150] {strides = array<i32>} : memref<512x128xf32, #tpu.memory_space<vmem>>, vector<16xf32>,
        tpu.vector_store %arg13[%swap3A_1149, %swap3A_1150], %mul3A_1107 {add = true, strides = array<i32>} : memref<512x128xf32, #tpu.memory_space<vmem>>, vector<16xf32>,
        %swap3A_1152 = arith.index_cast %squeeze3A_1095 : i32 to index
        %swap3A_1153 = arith.constant 64 : index
        %swap3A_1154 = tpu.vector_load %arg13[%swap3A_1152, %swap3A_1153] {strides = array<i32>} : memref<512x128xf32, #tpu.memory_space<vmem>>, vector<16xf32>,
        tpu.vector_store %arg13[%swap3A_1152, %swap3A_1153], %mul3A_1108 {add = true, strides = array<i32>} : memref<512x128xf32, #tpu.memory_space<vmem>>, vector<16xf32>,
        %swap3A_1155 = arith.index_cast %squeeze3A_1095 : i32 to index
        %swap3A_1156 = arith.constant 80 : index
        %swap3A_1157 = tpu.vector_load %arg13[%swap3A_1155, %swap3A_1156] {strides = array<i32>} : memref<512x128xf32, #tpu.memory_space<vmem>>, vector<16xf32>,
        tpu.vector_store %arg13[%swap3A_1155, %swap3A_1156], %mul3A_1109 {add = true, strides = array<i32>} : memref<512x128xf32, #tpu.memory_space<vmem>>, vector<16xf32>,
        %swap3A_1158 = arith.index_cast %squeeze3A_1095 : i32 to index
        %swap3A_1159 = arith.constant 96 : index
        %swap3A_1160 = tpu.vector_load %arg13[%swap3A_1158, %swap3A_1159] {strides = array<i32>} : memref<512x128xf32, #tpu.memory_space<vmem>>, vector<16xf32>,
        tpu.vector_store %arg13[%swap3A_1158, %swap3A_1159], %mul3A_1110 {add = true, strides = array<i32>} : memref<512x128xf32, #tpu.memory_space<vmem>>, vector<16xf32>,
        %swap3A_1161 = arith.index_cast %squeeze3A_1095 : i32 to index
        %swap3A_1162 = arith.constant 112 : index
        %swap3A_1163 = tpu.vector_load %arg13[%swap3A_1161, %swap3A_1162] {strides = array<i32>} : memref<512x128xf32, #tpu.memory_space<vmem>>, vector<16xf32>,
        tpu.vector_store %arg13[%swap3A_1161, %swap3A_1162], %mul3A_1111 {add = true, strides = array<i32>} : memref<512x128xf32, #tpu.memory_space<vmem>>, vector<16xf32>,
        %mul3A_1164 = arith.constant 16 : i32
        %mul3A_1165 = arith.muli %squeeze3A_1095, %mul3A_1164 : i32
        %swap3A_1166 = arith.index_cast %mul3A_1165 : i32 to index
        %swap3A_1167 = tpu.vector_load %arg14[%swap3A_1166] {strides = array<i32>} : memref<8192xf32, #tpu.memory_space<vmem>>, vector<16xf32>,
        tpu.vector_store %arg14[%swap3A_1166], %broadcast_in_dim3A_1103 {add = true, strides = array<i32>} : memref<8192xf32, #tpu.memory_space<vmem>>, vector<16xf32>,
        %mul3A_1168 = arith.constant 16 : i32
        %mul3A_1169 = arith.muli %scan3A_127, %mul3A_1168 : i32
        %add3A_1170 = arith.constant 13 : i32
        %add3A_1171 = arith.addi %mul3A_1169, %add3A_1170 : i32
        %slice3A_1172 = vector.extract_strided_slice %get3A_130 {offsets = [13], sizes = [1], strides = [1]} : vector<16xi32> to vector<1xi32>
        %squeeze3A_1173 = vector.extract %slice3A_1172[0] : i32 from vector<1xi32>
        %ge3A_1174 = arith.cmpi sge, %add3A_1171, %sub3A_116 : i32
        %lt3A_1175 = arith.cmpi slt, %add3A_1171, %sub3A_121 : i32
        %and3A_1176 = arith.andi %ge3A_1174, %lt3A_1175 : i1
        %slice3A_1177 = vector.extract_strided_slice %get3A_134 {offsets = [13], sizes = [1], strides = [1]} : vector<16xf32> to vector<1xf32>
        %squeeze3A_1178 = vector.extract %slice3A_1177[0] : f32 from vector<1xf32>
        %jit3A_1179 = arith.constant 0.000000e+00 : f32
        %select_n3A_1180 = arith.select %and3A_1176, %squeeze3A_1178, %jit3A_1179 : f32
        %broadcast_in_dim3A_1181 = vector.broadcast %select_n3A_1180 : f32 to vector<16xf32>
        %mul3A_1182 = arith.mulf %broadcast_in_dim3A_1181, %get3A_1118 : vector<16xf32>
        %mul3A_1183 = arith.mulf %broadcast_in_dim3A_1181, %get3A_1121 : vector<16xf32>
        %mul3A_1184 = arith.mulf %broadcast_in_dim3A_1181, %get3A_1124 : vector<16xf32>
        %mul3A_1185 = arith.mulf %broadcast_in_dim3A_1181, %get3A_1127 : vector<16xf32>
        %mul3A_1186 = arith.mulf %broadcast_in_dim3A_1181, %get3A_1130 : vector<16xf32>
        %mul3A_1187 = arith.mulf %broadcast_in_dim3A_1181, %get3A_1133 : vector<16xf32>
        %mul3A_1188 = arith.mulf %broadcast_in_dim3A_1181, %get3A_1136 : vector<16xf32>
        %mul3A_1189 = arith.mulf %broadcast_in_dim3A_1181, %get3A_1139 : vector<16xf32>
        %mul3A_1190 = arith.constant 16 : i32
        %mul3A_1191 = arith.muli %scan3A_127, %mul3A_1190 : i32
        %add3A_1192 = arith.constant 14 : i32
        %add3A_1193 = arith.addi %mul3A_1191, %add3A_1192 : i32
        %get3A_1194 = arith.index_cast %add3A_1193 : i32 to index
        %get3A_1195 = arith.constant 0 : index
        %get3A_1196 = tpu.vector_load %arg8[%get3A_1194, %get3A_1195] {strides = array<i32>} : memref<160x128xf32, #tpu.memory_space<vmem>>, vector<16xf32>,
        %get3A_1197 = arith.index_cast %add3A_1193 : i32 to index
        %get3A_1198 = arith.constant 16 : index
        %get3A_1199 = tpu.vector_load %arg8[%get3A_1197, %get3A_1198] {strides = array<i32>} : memref<160x128xf32, #tpu.memory_space<vmem>>, vector<16xf32>,
        %get3A_1200 = arith.index_cast %add3A_1193 : i32 to index
        %get3A_1201 = arith.constant 32 : index
        %get3A_1202 = tpu.vector_load %arg8[%get3A_1200, %get3A_1201] {strides = array<i32>} : memref<160x128xf32, #tpu.memory_space<vmem>>, vector<16xf32>,
        %get3A_1203 = arith.index_cast %add3A_1193 : i32 to index
        %get3A_1204 = arith.constant 48 : index
        %get3A_1205 = tpu.vector_load %arg8[%get3A_1203, %get3A_1204] {strides = array<i32>} : memref<160x128xf32, #tpu.memory_space<vmem>>, vector<16xf32>,
        %get3A_1206 = arith.index_cast %add3A_1193 : i32 to index
        %get3A_1207 = arith.constant 64 : index
        %get3A_1208 = tpu.vector_load %arg8[%get3A_1206, %get3A_1207] {strides = array<i32>} : memref<160x128xf32, #tpu.memory_space<vmem>>, vector<16xf32>,
        %get3A_1209 = arith.index_cast %add3A_1193 : i32 to index
        %get3A_1210 = arith.constant 80 : index
        %get3A_1211 = tpu.vector_load %arg8[%get3A_1209, %get3A_1210] {strides = array<i32>} : memref<160x128xf32, #tpu.memory_space<vmem>>, vector<16xf32>,
        %get3A_1212 = arith.index_cast %add3A_1193 : i32 to index
        %get3A_1213 = arith.constant 96 : index
        %get3A_1214 = tpu.vector_load %arg8[%get3A_1212, %get3A_1213] {strides = array<i32>} : memref<160x128xf32, #tpu.memory_space<vmem>>, vector<16xf32>,
        %get3A_1215 = arith.index_cast %add3A_1193 : i32 to index
        %get3A_1216 = arith.constant 112 : index
        %get3A_1217 = tpu.vector_load %arg8[%get3A_1215, %get3A_1216] {strides = array<i32>} : memref<160x128xf32, #tpu.memory_space<vmem>>, vector<16xf32>,
        %swap3A_1218 = arith.index_cast %squeeze3A_1173 : i32 to index
        %swap3A_1219 = arith.constant 0 : index
        %swap3A_1220 = tpu.vector_load %arg13[%swap3A_1218, %swap3A_1219] {strides = array<i32>} : memref<512x128xf32, #tpu.memory_space<vmem>>, vector<16xf32>,
        tpu.vector_store %arg13[%swap3A_1218, %swap3A_1219], %mul3A_1182 {add = true, strides = array<i32>} : memref<512x128xf32, #tpu.memory_space<vmem>>, vector<16xf32>,
        %swap3A_1221 = arith.index_cast %squeeze3A_1173 : i32 to index
        %swap3A_1222 = arith.constant 16 : index
        %swap3A_1223 = tpu.vector_load %arg13[%swap3A_1221, %swap3A_1222] {strides = array<i32>} : memref<512x128xf32, #tpu.memory_space<vmem>>, vector<16xf32>,
        tpu.vector_store %arg13[%swap3A_1221, %swap3A_1222], %mul3A_1183 {add = true, strides = array<i32>} : memref<512x128xf32, #tpu.memory_space<vmem>>, vector<16xf32>,
        %swap3A_1224 = arith.index_cast %squeeze3A_1173 : i32 to index
        %swap3A_1225 = arith.constant 32 : index
        %swap3A_1226 = tpu.vector_load %arg13[%swap3A_1224, %swap3A_1225] {strides = array<i32>} : memref<512x128xf32, #tpu.memory_space<vmem>>, vector<16xf32>,
        tpu.vector_store %arg13[%swap3A_1224, %swap3A_1225], %mul3A_1184 {add = true, strides = array<i32>} : memref<512x128xf32, #tpu.memory_space<vmem>>, vector<16xf32>,
        %swap3A_1227 = arith.index_cast %squeeze3A_1173 : i32 to index
        %swap3A_1228 = arith.constant 48 : index
        %swap3A_1229 = tpu.vector_load %arg13[%swap3A_1227, %swap3A_1228] {strides = array<i32>} : memref<512x128xf32, #tpu.memory_space<vmem>>, vector<16xf32>,
        tpu.vector_store %arg13[%swap3A_1227, %swap3A_1228], %mul3A_1185 {add = true, strides = array<i32>} : memref<512x128xf32, #tpu.memory_space<vmem>>, vector<16xf32>,
        %swap3A_1230 = arith.index_cast %squeeze3A_1173 : i32 to index
        %swap3A_1231 = arith.constant 64 : index
        %swap3A_1232 = tpu.vector_load %arg13[%swap3A_1230, %swap3A_1231] {strides = array<i32>} : memref<512x128xf32, #tpu.memory_space<vmem>>, vector<16xf32>,
        tpu.vector_store %arg13[%swap3A_1230, %swap3A_1231], %mul3A_1186 {add = true, strides = array<i32>} : memref<512x128xf32, #tpu.memory_space<vmem>>, vector<16xf32>,
        %swap3A_1233 = arith.index_cast %squeeze3A_1173 : i32 to index
        %swap3A_1234 = arith.constant 80 : index
        %swap3A_1235 = tpu.vector_load %arg13[%swap3A_1233, %swap3A_1234] {strides = array<i32>} : memref<512x128xf32, #tpu.memory_space<vmem>>, vector<16xf32>,
        tpu.vector_store %arg13[%swap3A_1233, %swap3A_1234], %mul3A_1187 {add = true, strides = array<i32>} : memref<512x128xf32, #tpu.memory_space<vmem>>, vector<16xf32>,
        %swap3A_1236 = arith.index_cast %squeeze3A_1173 : i32 to index
        %swap3A_1237 = arith.constant 96 : index
        %swap3A_1238 = tpu.vector_load %arg13[%swap3A_1236, %swap3A_1237] {strides = array<i32>} : memref<512x128xf32, #tpu.memory_space<vmem>>, vector<16xf32>,
        tpu.vector_store %arg13[%swap3A_1236, %swap3A_1237], %mul3A_1188 {add = true, strides = array<i32>} : memref<512x128xf32, #tpu.memory_space<vmem>>, vector<16xf32>,
        %swap3A_1239 = arith.index_cast %squeeze3A_1173 : i32 to index
        %swap3A_1240 = arith.constant 112 : index
        %swap3A_1241 = tpu.vector_load %arg13[%swap3A_1239, %swap3A_1240] {strides = array<i32>} : memref<512x128xf32, #tpu.memory_space<vmem>>, vector<16xf32>,
        tpu.vector_store %arg13[%swap3A_1239, %swap3A_1240], %mul3A_1189 {add = true, strides = array<i32>} : memref<512x128xf32, #tpu.memory_space<vmem>>, vector<16xf32>,
        %mul3A_1242 = arith.constant 16 : i32
        %mul3A_1243 = arith.muli %squeeze3A_1173, %mul3A_1242 : i32
        %swap3A_1244 = arith.index_cast %mul3A_1243 : i32 to index
        %swap3A_1245 = tpu.vector_load %arg14[%swap3A_1244] {strides = array<i32>} : memref<8192xf32, #tpu.memory_space<vmem>>, vector<16xf32>,
        tpu.vector_store %arg14[%swap3A_1244], %broadcast_in_dim3A_1181 {add = true, strides = array<i32>} : memref<8192xf32, #tpu.memory_space<vmem>>, vector<16xf32>,
        %mul3A_1246 = arith.constant 16 : i32
        %mul3A_1247 = arith.muli %scan3A_127, %mul3A_1246 : i32
        %add3A_1248 = arith.constant 14 : i32
        %add3A_1249 = arith.addi %mul3A_1247, %add3A_1248 : i32
        %slice3A_1250 = vector.extract_strided_slice %get3A_130 {offsets = [14], sizes = [1], strides = [1]} : vector<16xi32> to vector<1xi32>
        %squeeze3A_1251 = vector.extract %slice3A_1250[0] : i32 from vector<1xi32>
        %ge3A_1252 = arith.cmpi sge, %add3A_1249, %sub3A_116 : i32
        %lt3A_1253 = arith.cmpi slt, %add3A_1249, %sub3A_121 : i32
        %and3A_1254 = arith.andi %ge3A_1252, %lt3A_1253 : i1
        %slice3A_1255 = vector.extract_strided_slice %get3A_134 {offsets = [14], sizes = [1], strides = [1]} : vector<16xf32> to vector<1xf32>
        %squeeze3A_1256 = vector.extract %slice3A_1255[0] : f32 from vector<1xf32>
        %jit3A_1257 = arith.constant 0.000000e+00 : f32
        %select_n3A_1258 = arith.select %and3A_1254, %squeeze3A_1256, %jit3A_1257 : f32
        %broadcast_in_dim3A_1259 = vector.broadcast %select_n3A_1258 : f32 to vector<16xf32>
        %mul3A_1260 = arith.mulf %broadcast_in_dim3A_1259, %get3A_1196 : vector<16xf32>
        %mul3A_1261 = arith.mulf %broadcast_in_dim3A_1259, %get3A_1199 : vector<16xf32>
        %mul3A_1262 = arith.mulf %broadcast_in_dim3A_1259, %get3A_1202 : vector<16xf32>
        %mul3A_1263 = arith.mulf %broadcast_in_dim3A_1259, %get3A_1205 : vector<16xf32>
        %mul3A_1264 = arith.mulf %broadcast_in_dim3A_1259, %get3A_1208 : vector<16xf32>
        %mul3A_1265 = arith.mulf %broadcast_in_dim3A_1259, %get3A_1211 : vector<16xf32>
        %mul3A_1266 = arith.mulf %broadcast_in_dim3A_1259, %get3A_1214 : vector<16xf32>
        %mul3A_1267 = arith.mulf %broadcast_in_dim3A_1259, %get3A_1217 : vector<16xf32>
        %mul3A_1268 = arith.constant 16 : i32
        %mul3A_1269 = arith.muli %scan3A_127, %mul3A_1268 : i32
        %add3A_1270 = arith.constant 15 : i32
        %add3A_1271 = arith.addi %mul3A_1269, %add3A_1270 : i32
        %get3A_1272 = arith.index_cast %add3A_1271 : i32 to index
        %get3A_1273 = arith.constant 0 : index
        %get3A_1274 = tpu.vector_load %arg8[%get3A_1272, %get3A_1273] {strides = array<i32>} : memref<160x128xf32, #tpu.memory_space<vmem>>, vector<16xf32>,
        %get3A_1275 = arith.index_cast %add3A_1271 : i32 to index
        %get3A_1276 = arith.constant 16 : index
        %get3A_1277 = tpu.vector_load %arg8[%get3A_1275, %get3A_1276] {strides = array<i32>} : memref<160x128xf32, #tpu.memory_space<vmem>>, vector<16xf32>,
        %get3A_1278 = arith.index_cast %add3A_1271 : i32 to index
        %get3A_1279 = arith.constant 32 : index
        %get3A_1280 = tpu.vector_load %arg8[%get3A_1278, %get3A_1279] {strides = array<i32>} : memref<160x128xf32, #tpu.memory_space<vmem>>, vector<16xf32>,
        %get3A_1281 = arith.index_cast %add3A_1271 : i32 to index
        %get3A_1282 = arith.constant 48 : index
        %get3A_1283 = tpu.vector_load %arg8[%get3A_1281, %get3A_1282] {strides = array<i32>} : memref<160x128xf32, #tpu.memory_space<vmem>>, vector<16xf32>,
        %get3A_1284 = arith.index_cast %add3A_1271 : i32 to index
        %get3A_1285 = arith.constant 64 : index
        %get3A_1286 = tpu.vector_load %arg8[%get3A_1284, %get3A_1285] {strides = array<i32>} : memref<160x128xf32, #tpu.memory_space<vmem>>, vector<16xf32>,
        %get3A_1287 = arith.index_cast %add3A_1271 : i32 to index
        %get3A_1288 = arith.constant 80 : index
        %get3A_1289 = tpu.vector_load %arg8[%get3A_1287, %get3A_1288] {strides = array<i32>} : memref<160x128xf32, #tpu.memory_space<vmem>>, vector<16xf32>,
        %get3A_1290 = arith.index_cast %add3A_1271 : i32 to index
        %get3A_1291 = arith.constant 96 : index
        %get3A_1292 = tpu.vector_load %arg8[%get3A_1290, %get3A_1291] {strides = array<i32>} : memref<160x128xf32, #tpu.memory_space<vmem>>, vector<16xf32>,
        %get3A_1293 = arith.index_cast %add3A_1271 : i32 to index
        %get3A_1294 = arith.constant 112 : index
        %get3A_1295 = tpu.vector_load %arg8[%get3A_1293, %get3A_1294] {strides = array<i32>} : memref<160x128xf32, #tpu.memory_space<vmem>>, vector<16xf32>,
        %swap3A_1296 = arith.index_cast %squeeze3A_1251 : i32 to index
        %swap3A_1297 = arith.constant 0 : index
        %swap3A_1298 = tpu.vector_load %arg13[%swap3A_1296, %swap3A_1297] {strides = array<i32>} : memref<512x128xf32, #tpu.memory_space<vmem>>, vector<16xf32>,
        tpu.vector_store %arg13[%swap3A_1296, %swap3A_1297], %mul3A_1260 {add = true, strides = array<i32>} : memref<512x128xf32, #tpu.memory_space<vmem>>, vector<16xf32>,
        %swap3A_1299 = arith.index_cast %squeeze3A_1251 : i32 to index
        %swap3A_1300 = arith.constant 16 : index
        %swap3A_1301 = tpu.vector_load %arg13[%swap3A_1299, %swap3A_1300] {strides = array<i32>} : memref<512x128xf32, #tpu.memory_space<vmem>>, vector<16xf32>,
        tpu.vector_store %arg13[%swap3A_1299, %swap3A_1300], %mul3A_1261 {add = true, strides = array<i32>} : memref<512x128xf32, #tpu.memory_space<vmem>>, vector<16xf32>,
        %swap3A_1302 = arith.index_cast %squeeze3A_1251 : i32 to index
        %swap3A_1303 = arith.constant 32 : index
        %swap3A_1304 = tpu.vector_load %arg13[%swap3A_1302, %swap3A_1303] {strides = array<i32>} : memref<512x128xf32, #tpu.memory_space<vmem>>, vector<16xf32>,
        tpu.vector_store %arg13[%swap3A_1302, %swap3A_1303], %mul3A_1262 {add = true, strides = array<i32>} : memref<512x128xf32, #tpu.memory_space<vmem>>, vector<16xf32>,
        %swap3A_1305 = arith.index_cast %squeeze3A_1251 : i32 to index
        %swap3A_1306 = arith.constant 48 : index
        %swap3A_1307 = tpu.vector_load %arg13[%swap3A_1305, %swap3A_1306] {strides = array<i32>} : memref<512x128xf32, #tpu.memory_space<vmem>>, vector<16xf32>,
        tpu.vector_store %arg13[%swap3A_1305, %swap3A_1306], %mul3A_1263 {add = true, strides = array<i32>} : memref<512x128xf32, #tpu.memory_space<vmem>>, vector<16xf32>,
        %swap3A_1308 = arith.index_cast %squeeze3A_1251 : i32 to index
        %swap3A_1309 = arith.constant 64 : index
        %swap3A_1310 = tpu.vector_load %arg13[%swap3A_1308, %swap3A_1309] {strides = array<i32>} : memref<512x128xf32, #tpu.memory_space<vmem>>, vector<16xf32>,
        tpu.vector_store %arg13[%swap3A_1308, %swap3A_1309], %mul3A_1264 {add = true, strides = array<i32>} : memref<512x128xf32, #tpu.memory_space<vmem>>, vector<16xf32>,
        %swap3A_1311 = arith.index_cast %squeeze3A_1251 : i32 to index
        %swap3A_1312 = arith.constant 80 : index
        %swap3A_1313 = tpu.vector_load %arg13[%swap3A_1311, %swap3A_1312] {strides = array<i32>} : memref<512x128xf32, #tpu.memory_space<vmem>>, vector<16xf32>,
        tpu.vector_store %arg13[%swap3A_1311, %swap3A_1312], %mul3A_1265 {add = true, strides = array<i32>} : memref<512x128xf32, #tpu.memory_space<vmem>>, vector<16xf32>,
        %swap3A_1314 = arith.index_cast %squeeze3A_1251 : i32 to index
        %swap3A_1315 = arith.constant 96 : index
        %swap3A_1316 = tpu.vector_load %arg13[%swap3A_1314, %swap3A_1315] {strides = array<i32>} : memref<512x128xf32, #tpu.memory_space<vmem>>, vector<16xf32>,
        tpu.vector_store %arg13[%swap3A_1314, %swap3A_1315], %mul3A_1266 {add = true, strides = array<i32>} : memref<512x128xf32, #tpu.memory_space<vmem>>, vector<16xf32>,
        %swap3A_1317 = arith.index_cast %squeeze3A_1251 : i32 to index
        %swap3A_1318 = arith.constant 112 : index
        %swap3A_1319 = tpu.vector_load %arg13[%swap3A_1317, %swap3A_1318] {strides = array<i32>} : memref<512x128xf32, #tpu.memory_space<vmem>>, vector<16xf32>,
        tpu.vector_store %arg13[%swap3A_1317, %swap3A_1318], %mul3A_1267 {add = true, strides = array<i32>} : memref<512x128xf32, #tpu.memory_space<vmem>>, vector<16xf32>,
        %mul3A_1320 = arith.constant 16 : i32
        %mul3A_1321 = arith.muli %squeeze3A_1251, %mul3A_1320 : i32
        %swap3A_1322 = arith.index_cast %mul3A_1321 : i32 to index
        %swap3A_1323 = tpu.vector_load %arg14[%swap3A_1322] {strides = array<i32>} : memref<8192xf32, #tpu.memory_space<vmem>>, vector<16xf32>,
        tpu.vector_store %arg14[%swap3A_1322], %broadcast_in_dim3A_1259 {add = true, strides = array<i32>} : memref<8192xf32, #tpu.memory_space<vmem>>, vector<16xf32>,
        %mul3A_1324 = arith.constant 16 : i32
        %mul3A_1325 = arith.muli %scan3A_127, %mul3A_1324 : i32
        %add3A_1326 = arith.constant 15 : i32
        %add3A_1327 = arith.addi %mul3A_1325, %add3A_1326 : i32
        %slice3A_1328 = vector.extract_strided_slice %get3A_130 {offsets = [15], sizes = [1], strides = [1]} : vector<16xi32> to vector<1xi32>
        %squeeze3A_1329 = vector.extract %slice3A_1328[0] : i32 from vector<1xi32>
        %ge3A_1330 = arith.cmpi sge, %add3A_1327, %sub3A_116 : i32
        %lt3A_1331 = arith.cmpi slt, %add3A_1327, %sub3A_121 : i32
        %and3A_1332 = arith.andi %ge3A_1330, %lt3A_1331 : i1
        %slice3A_1333 = vector.extract_strided_slice %get3A_134 {offsets = [15], sizes = [1], strides = [1]} : vector<16xf32> to vector<1xf32>
        %squeeze3A_1334 = vector.extract %slice3A_1333[0] : f32 from vector<1xf32>
        %jit3A_1335 = arith.constant 0.000000e+00 : f32
        %select_n3A_1336 = arith.select %and3A_1332, %squeeze3A_1334, %jit3A_1335 : f32
        %broadcast_in_dim3A_1337 = vector.broadcast %select_n3A_1336 : f32 to vector<16xf32>
        %mul3A_1338 = arith.mulf %broadcast_in_dim3A_1337, %get3A_1274 : vector<16xf32>
        %mul3A_1339 = arith.mulf %broadcast_in_dim3A_1337, %get3A_1277 : vector<16xf32>
        %mul3A_1340 = arith.mulf %broadcast_in_dim3A_1337, %get3A_1280 : vector<16xf32>
        %mul3A_1341 = arith.mulf %broadcast_in_dim3A_1337, %get3A_1283 : vector<16xf32>
        %mul3A_1342 = arith.mulf %broadcast_in_dim3A_1337, %get3A_1286 : vector<16xf32>
        %mul3A_1343 = arith.mulf %broadcast_in_dim3A_1337, %get3A_1289 : vector<16xf32>
        %mul3A_1344 = arith.mulf %broadcast_in_dim3A_1337, %get3A_1292 : vector<16xf32>
        %mul3A_1345 = arith.mulf %broadcast_in_dim3A_1337, %get3A_1295 : vector<16xf32>
        %swap3A_1346 = arith.index_cast %squeeze3A_1329 : i32 to index
        %swap3A_1347 = arith.constant 0 : index
        %swap3A_1348 = tpu.vector_load %arg13[%swap3A_1346, %swap3A_1347] {strides = array<i32>} : memref<512x128xf32, #tpu.memory_space<vmem>>, vector<16xf32>,
        tpu.vector_store %arg13[%swap3A_1346, %swap3A_1347], %mul3A_1338 {add = true, strides = array<i32>} : memref<512x128xf32, #tpu.memory_space<vmem>>, vector<16xf32>,
        %swap3A_1349 = arith.index_cast %squeeze3A_1329 : i32 to index
        %swap3A_1350 = arith.constant 16 : index
        %swap3A_1351 = tpu.vector_load %arg13[%swap3A_1349, %swap3A_1350] {strides = array<i32>} : memref<512x128xf32, #tpu.memory_space<vmem>>, vector<16xf32>,
        tpu.vector_store %arg13[%swap3A_1349, %swap3A_1350], %mul3A_1339 {add = true, strides = array<i32>} : memref<512x128xf32, #tpu.memory_space<vmem>>, vector<16xf32>,
        %swap3A_1352 = arith.index_cast %squeeze3A_1329 : i32 to index
        %swap3A_1353 = arith.constant 32 : index
        %swap3A_1354 = tpu.vector_load %arg13[%swap3A_1352, %swap3A_1353] {strides = array<i32>} : memref<512x128xf32, #tpu.memory_space<vmem>>, vector<16xf32>,
        tpu.vector_store %arg13[%swap3A_1352, %swap3A_1353], %mul3A_1340 {add = true, strides = array<i32>} : memref<512x128xf32, #tpu.memory_space<vmem>>, vector<16xf32>,
        %swap3A_1355 = arith.index_cast %squeeze3A_1329 : i32 to index
        %swap3A_1356 = arith.constant 48 : index
        %swap3A_1357 = tpu.vector_load %arg13[%swap3A_1355, %swap3A_1356] {strides = array<i32>} : memref<512x128xf32, #tpu.memory_space<vmem>>, vector<16xf32>,
        tpu.vector_store %arg13[%swap3A_1355, %swap3A_1356], %mul3A_1341 {add = true, strides = array<i32>} : memref<512x128xf32, #tpu.memory_space<vmem>>, vector<16xf32>,
        %swap3A_1358 = arith.index_cast %squeeze3A_1329 : i32 to index
        %swap3A_1359 = arith.constant 64 : index
        %swap3A_1360 = tpu.vector_load %arg13[%swap3A_1358, %swap3A_1359] {strides = array<i32>} : memref<512x128xf32, #tpu.memory_space<vmem>>, vector<16xf32>,
        tpu.vector_store %arg13[%swap3A_1358, %swap3A_1359], %mul3A_1342 {add = true, strides = array<i32>} : memref<512x128xf32, #tpu.memory_space<vmem>>, vector<16xf32>,
        %swap3A_1361 = arith.index_cast %squeeze3A_1329 : i32 to index
        %swap3A_1362 = arith.constant 80 : index
        %swap3A_1363 = tpu.vector_load %arg13[%swap3A_1361, %swap3A_1362] {strides = array<i32>} : memref<512x128xf32, #tpu.memory_space<vmem>>, vector<16xf32>,
        tpu.vector_store %arg13[%swap3A_1361, %swap3A_1362], %mul3A_1343 {add = true, strides = array<i32>} : memref<512x128xf32, #tpu.memory_space<vmem>>, vector<16xf32>,
        %swap3A_1364 = arith.index_cast %squeeze3A_1329 : i32 to index
        %swap3A_1365 = arith.constant 96 : index
        %swap3A_1366 = tpu.vector_load %arg13[%swap3A_1364, %swap3A_1365] {strides = array<i32>} : memref<512x128xf32, #tpu.memory_space<vmem>>, vector<16xf32>,
        tpu.vector_store %arg13[%swap3A_1364, %swap3A_1365], %mul3A_1344 {add = true, strides = array<i32>} : memref<512x128xf32, #tpu.memory_space<vmem>>, vector<16xf32>,
        %swap3A_1367 = arith.index_cast %squeeze3A_1329 : i32 to index
        %swap3A_1368 = arith.constant 112 : index
        %swap3A_1369 = tpu.vector_load %arg13[%swap3A_1367, %swap3A_1368] {strides = array<i32>} : memref<512x128xf32, #tpu.memory_space<vmem>>, vector<16xf32>,
        tpu.vector_store %arg13[%swap3A_1367, %swap3A_1368], %mul3A_1345 {add = true, strides = array<i32>} : memref<512x128xf32, #tpu.memory_space<vmem>>, vector<16xf32>,
        %mul3A_1370 = arith.constant 16 : i32
        %mul3A_1371 = arith.muli %squeeze3A_1329, %mul3A_1370 : i32
        %swap3A_1372 = arith.index_cast %mul3A_1371 : i32 to index
        %swap3A_1373 = tpu.vector_load %arg14[%swap3A_1372] {strides = array<i32>} : memref<8192xf32, #tpu.memory_space<vmem>>, vector<16xf32>,
        tpu.vector_store %arg14[%swap3A_1372], %broadcast_in_dim3A_1337 {add = true, strides = array<i32>} : memref<8192xf32, #tpu.memory_space<vmem>>, vector<16xf32>,
      }
      %scan3A_126 = arith.constant 10 : i32
    }
    %scan3A_21 = arith.constant 10 : i32
    %add3A_22 = arith.constant 3040 : i32
    %add3A_23 = arith.addi %mul3A_2, %add3A_22 : i32
    %min3A_24 = arith.constant 99840 : i32
    %min3A_25 = arith.minsi %add3A_23, %min3A_24 : i32
    %dma_wait3A = arith.constant 0 : i32
    %dma_wait3A_26 = tpu.memref_slice %arg2[%min3A_25, %dma_wait3A] : memref<100000x128xf32, #tpu.memory_space<hbm>> -> memref<160x128xf32, #tpu.memory_space<hbm>>
    %dma_wait3A_27 = arith.constant 0 : i32
    %dma_wait3A_28 = tpu.memref_slice %arg2[%min3A_25, %dma_wait3A_27] : memref<100000x128xf32, #tpu.memory_space<hbm>> -> memref<160x128xf32, #tpu.memory_space<hbm>>
    tpu.wait_dma2 semaphore(%arg15 : memref<!tpu.dma_semaphore, #tpu.memory_space<semaphore_mem>>) src(%dma_wait3A_28 : memref<160x128xf32, #tpu.memory_space<hbm>>) dst(%arg7 : memref<160x128xf32, #tpu.memory_space<vmem>>)
    %dma_wait3A_29 = tpu.memref_slice %arg3[%min3A_25] : memref<100000xi32, #tpu.memory_space<hbm>> -> memref<160xi32, #tpu.memory_space<hbm>>
    %dma_wait3A_30 = tpu.memref_slice %arg3[%min3A_25] : memref<100000xi32, #tpu.memory_space<hbm>> -> memref<160xi32, #tpu.memory_space<hbm>>
    tpu.wait_dma2 semaphore(%arg17 : memref<!tpu.dma_semaphore, #tpu.memory_space<semaphore_mem>>) src(%dma_wait3A_30 : memref<160xi32, #tpu.memory_space<hbm>>) dst(%arg9 : memref<160xi32, #tpu.memory_space<vmem>>)
    %dma_wait3A_31 = tpu.memref_slice %arg4[%min3A_25] : memref<102400xf32, #tpu.memory_space<hbm>> -> memref<160xf32, #tpu.memory_space<hbm>>
    %dma_wait3A_32 = tpu.memref_slice %arg4[%min3A_25] : memref<102400xf32, #tpu.memory_space<hbm>> -> memref<160xf32, #tpu.memory_space<hbm>>
    tpu.wait_dma2 semaphore(%arg19 : memref<!tpu.dma_semaphore, #tpu.memory_space<semaphore_mem>>) src(%dma_wait3A_32 : memref<160xf32, #tpu.memory_space<hbm>>) dst(%arg11 : memref<160xf32, #tpu.memory_space<vmem>>)
    "tpu.region"() ({
      %run_scoped3A = tpu.sem_alloc : memref<!tpu.dma_semaphore, #tpu.memory_space<semaphore_mem>>
      %dma_start3A_33 = arith.constant 0 : i32
      %dma_start3A_34 = arith.constant 0 : i32
      %dma_start3A_35 = tpu.memref_slice %arg5[%add3A, %dma_start3A_33, %dma_start3A_34] : memref<32x512x128xf32, #tpu.memory_space<hbm>> -> memref<1x512x128xf32, #tpu.memory_space<hbm>>
      %dma_start3A_36 = tpu.memref_squeeze %dma_start3A_35 : memref<1x512x128xf32, #tpu.memory_space<hbm>> -> memref<512x128xf32, #tpu.memory_space<hbm>>
      %dma_start3A_37 = arith.constant 0 : i32
      %dma_start3A_38 = arith.constant 0 : i32
      %dma_start3A_39 = tpu.memref_slice %arg5[%add3A, %dma_start3A_37, %dma_start3A_38] : memref<32x512x128xf32, #tpu.memory_space<hbm>> -> memref<1x512x128xf32, #tpu.memory_space<hbm>>
      %dma_start3A_40 = tpu.memref_squeeze %dma_start3A_39 : memref<1x512x128xf32, #tpu.memory_space<hbm>> -> memref<512x128xf32, #tpu.memory_space<hbm>>
      tpu.enqueue_dma source(%arg13 : memref<512x128xf32, #tpu.memory_space<vmem>>) target(%dma_start3A_40 : memref<512x128xf32, #tpu.memory_space<hbm>>) target_semaphore(%run_scoped3A : memref<!tpu.dma_semaphore, #tpu.memory_space<semaphore_mem>>)
      %dma_wait3A_41 = arith.constant 0 : i32
      %dma_wait3A_42 = arith.constant 0 : i32
      %dma_wait3A_43 = tpu.memref_slice %arg5[%add3A, %dma_wait3A_41, %dma_wait3A_42] : memref<32x512x128xf32, #tpu.memory_space<hbm>> -> memref<1x512x128xf32, #tpu.memory_space<hbm>>
      %dma_wait3A_44 = tpu.memref_squeeze %dma_wait3A_43 : memref<1x512x128xf32, #tpu.memory_space<hbm>> -> memref<512x128xf32, #tpu.memory_space<hbm>>
      %dma_wait3A_45 = arith.constant 0 : i32
      %dma_wait3A_46 = arith.constant 0 : i32
      %dma_wait3A_47 = tpu.memref_slice %arg5[%add3A, %dma_wait3A_45, %dma_wait3A_46] : memref<32x512x128xf32, #tpu.memory_space<hbm>> -> memref<1x512x128xf32, #tpu.memory_space<hbm>>
      %dma_wait3A_48 = tpu.memref_squeeze %dma_wait3A_47 : memref<1x512x128xf32, #tpu.memory_space<hbm>> -> memref<512x128xf32, #tpu.memory_space<hbm>>
      tpu.wait_dma2 semaphore(%run_scoped3A : memref<!tpu.dma_semaphore, #tpu.memory_space<semaphore_mem>>) src(%arg13 : memref<512x128xf32, #tpu.memory_space<vmem>>) dst(%dma_wait3A_48 : memref<512x128xf32, #tpu.memory_space<hbm>>)
      tpu.yield
    }) : () -> ()
    "tpu.region"() ({
      %run_scoped3A = tpu.sem_alloc : memref<!tpu.dma_semaphore, #tpu.memory_space<semaphore_mem>>
      %dma_start3A_33 = arith.constant 0 : i32
      %dma_start3A_34 = tpu.memref_slice %arg6[%add3A, %dma_start3A_33] : memref<32x8192xf32, #tpu.memory_space<hbm>> -> memref<1x8192xf32, #tpu.memory_space<hbm>>
      %dma_start3A_35 = tpu.memref_squeeze %dma_start3A_34 : memref<1x8192xf32, #tpu.memory_space<hbm>> -> memref<8192xf32, #tpu.memory_space<hbm>>
      %dma_start3A_36 = arith.constant 0 : i32
      %dma_start3A_37 = tpu.memref_slice %arg6[%add3A, %dma_start3A_36] : memref<32x8192xf32, #tpu.memory_space<hbm>> -> memref<1x8192xf32, #tpu.memory_space<hbm>>
      %dma_start3A_38 = tpu.memref_squeeze %dma_start3A_37 : memref<1x8192xf32, #tpu.memory_space<hbm>> -> memref<8192xf32, #tpu.memory_space<hbm>>
      tpu.enqueue_dma source(%arg14 : memref<8192xf32, #tpu.memory_space<vmem>>) target(%dma_start3A_38 : memref<8192xf32, #tpu.memory_space<hbm>>) target_semaphore(%run_scoped3A : memref<!tpu.dma_semaphore, #tpu.memory_space<semaphore_mem>>)
      %dma_wait3A_39 = arith.constant 0 : i32
      %dma_wait3A_40 = tpu.memref_slice %arg6[%add3A, %dma_wait3A_39] : memref<32x8192xf32, #tpu.memory_space<hbm>> -> memref<1x8192xf32, #tpu.memory_space<hbm>>
      %dma_wait3A_41 = tpu.memref_squeeze %dma_wait3A_40 : memref<1x8192xf32, #tpu.memory_space<hbm>> -> memref<8192xf32, #tpu.memory_space<hbm>>
      %dma_wait3A_42 = arith.constant 0 : i32
      %dma_wait3A_43 = tpu.memref_slice %arg6[%add3A, %dma_wait3A_42] : memref<32x8192xf32, #tpu.memory_space<hbm>> -> memref<1x8192xf32, #tpu.memory_space<hbm>>
      %dma_wait3A_44 = tpu.memref_squeeze %dma_wait3A_43 : memref<1x8192xf32, #tpu.memory_space<hbm>> -> memref<8192xf32, #tpu.memory_space<hbm>>
      tpu.wait_dma2 semaphore(%run_scoped3A : memref<!tpu.dma_semaphore, #tpu.memory_space<semaphore_mem>>) src(%arg14 : memref<8192xf32, #tpu.memory_space<vmem>>) dst(%dma_wait3A_44 : memref<8192xf32, #tpu.memory_space<hbm>>)
      tpu.yield
    }) : () -> ()
    return
  }
}

module attributes {stable_mosaic.version = 14 : i64} {
  func.func @_tc_att(%arg0: i32, %arg1: memref<4096x128xf32, #tpu.memory_space<vmem>>, %arg2: memref<8x128xf32, #tpu.memory_space<vmem>>, %arg3: memref<1x1xf32, #tpu.memory_space<vmem>>, %arg4: memref<4096xf32, #tpu.memory_space<vmem>>) attributes {dimension_semantics = [#tpu.dimension_semantics<arbitrary>], iteration_bounds = array<i64: 25>, scalar_prefetch = 0 : i64, scratch_operands = 0 : i64, tpu.core_type = #tpu.core_type<tc>, window_params = [{transform_indices = @transform_0, window_bounds = array<i64: 4096, 128>}, {pipeline_mode = #tpu.pipeline_mode<synchronous>, transform_indices = @transform_1, window_bounds = array<i64: 8, 128>}, {pipeline_mode = #tpu.pipeline_mode<synchronous>, transform_indices = @transform_2, window_bounds = array<i64: 1, 1>}, {transform_indices = @transform_3, window_bounds = array<i64: 4096>}]} {
    %get3A = arith.constant 0 : index
    %get3A_0 = arith.constant 0 : index
    %get3A_1 = vector.load %arg2[%get3A, %get3A_0] : memref<8x128xf32, #tpu.memory_space<vmem>>, vector<8x128xf32>
    %get3A_2 = arith.constant 0 : index
    %get3A_3 = arith.constant 0 : index
    %get3A_4 = vector.load %arg1[%get3A_2, %get3A_3] : memref<4096x128xf32, #tpu.memory_space<vmem>>, vector<4096x128xf32>
    %dot_general3A = arith.constant dense<0.000000e+00> : vector<8x4096xf32>
    %dot_general3A_5 = tpu.matmul %get3A_1, %get3A_4, %dot_general3A {dimension_numbers = #tpu.dot_dimension_numbers<[1], [1], [0], [0], [0, 0, 1, 0], [], []>, transpose_lhs_hint = false} : vector<8x128xf32>, vector<4096x128xf32>, vector<8x4096xf32> -> vector<8x4096xf32>
    %slice3A = vector.extract_strided_slice %dot_general3A_5 {offsets = [0, 0], sizes = [1, 4096], strides = [1, 1]} : vector<8x4096xf32> to vector<1x4096xf32>
    %get3A_6 = arith.constant 0 : index
    %get3A_7 = arith.constant 0 : index
    %get3A_8 = vector.load %arg3[%get3A_6, %get3A_7] : memref<1x1xf32, #tpu.memory_space<vmem>>, vector<1x1xf32>
    %get3A_9 = vector.extract %get3A_8[0, 0] : f32 from vector<1x1xf32>
    %add3A = vector.broadcast %get3A_9 : f32 to vector<1x4096xf32>
    %add3A_10 = arith.addf %slice3A, %add3A : vector<1x4096xf32>
    %ge3A = arith.constant 0.000000e+00 : f32
    %ge3A_11 = vector.broadcast %ge3A : f32 to vector<1x4096xf32>
    %ge3A_12 = arith.cmpf oge, %add3A_10, %ge3A_11 : vector<1x4096xf32>
    %mul3A = arith.constant 0.00999999977 : f32
    %mul3A_13 = vector.broadcast %mul3A : f32 to vector<1x4096xf32>
    %mul3A_14 = arith.mulf %mul3A_13, %add3A_10 : vector<1x4096xf32>
    %select_n3A = arith.select %ge3A_12, %add3A_10, %mul3A_14 : vector<1x4096xi1>, vector<1x4096xf32>
    %exp3A = math.exp %select_n3A : vector<1x4096xf32>
    %reshape3A = vector.shape_cast %exp3A : vector<1x4096xf32> to vector<4096xf32>
    %swap3A = arith.constant 0 : index
    %swap3A_15 = vector.load %arg4[%swap3A] : memref<4096xf32, #tpu.memory_space<vmem>>, vector<4096xf32>
    tpu.vector_store %arg4[%swap3A], %reshape3A {strides = array<i32>} : memref<4096xf32, #tpu.memory_space<vmem>>, vector<4096xf32>,
    return
  }
  func.func @transform_0(%arg0: i32) -> (i32, i32) {
    %c0_i32 = arith.constant 0 : i32
    %c0_i32_0 = arith.constant 0 : i32
    return %arg0, %c0_i32 : i32, i32
  }
  func.func @transform_1(%arg0: i32) -> (i32, i32) {
    %c0_i32 = arith.constant 0 : i32
    %c0_i32_0 = arith.constant 0 : i32
    %c0_i32_1 = arith.constant 0 : i32
    return %c0_i32, %c0_i32_0 : i32, i32
  }
  func.func @transform_2(%arg0: i32) -> (i32, i32) {
    %c0_i32 = arith.constant 0 : i32
    %c0_i32_0 = arith.constant 0 : i32
    %c0_i32_1 = arith.constant 0 : i32
    return %c0_i32, %c0_i32_0 : i32, i32
  }
  func.func @transform_3(%arg0: i32) -> i32 {
    %c0_i32 = arith.constant 0 : i32
    return %arg0 : i32
  }
}

module attributes {stable_mosaic.version = 14 : i64} {
  func.func @_tc_merge(%arg0: i32, %arg1: memref<32x64x128xf32, #tpu.memory_space<vmem>>, %arg2: memref<32x8x128xf32, #tpu.memory_space<vmem>>, %arg3: memref<64x128xf32, #tpu.memory_space<vmem>>) attributes {dimension_semantics = [#tpu.dimension_semantics<arbitrary>], iteration_bounds = array<i64: 8>, scalar_prefetch = 0 : i64, scratch_operands = 0 : i64, tpu.core_type = #tpu.core_type<tc>, window_params = [{transform_indices = @transform_0, window_bounds = array<i64: 32, 64, 128>}, {transform_indices = @transform_1, window_bounds = array<i64: 32, 8, 128>}, {transform_indices = @transform_2, window_bounds = array<i64: 64, 128>}]} {
    %get3A = arith.constant 0 : index
    %get3A_0 = arith.constant 0 : index
    %get3A_1 = arith.constant 0 : index
    %get3A_2 = vector.load %arg1[%get3A, %get3A_0, %get3A_1] : memref<32x64x128xf32, #tpu.memory_space<vmem>>, vector<32x64x128xf32>
    %reduce_sum3A = arith.constant dense<0.000000e+00> : vector<64x128xf32>
    %reduce_sum3A_3 = vector.multi_reduction <add>, %get3A_2, %reduce_sum3A [0] : vector<32x64x128xf32> to vector<64x128xf32>
    %get3A_4 = arith.constant 0 : index
    %get3A_5 = arith.constant 0 : index
    %get3A_6 = arith.constant 0 : index
    %get3A_7 = vector.load %arg2[%get3A_4, %get3A_5, %get3A_6] : memref<32x8x128xf32, #tpu.memory_space<vmem>>, vector<32x8x128xf32>
    %reduce_sum3A_8 = arith.constant dense<0.000000e+00> : vector<8x128xf32>
    %reduce_sum3A_9 = vector.multi_reduction <add>, %get3A_7, %reduce_sum3A_8 [0] : vector<32x8x128xf32> to vector<8x128xf32>
    %broadcast_in_dim3A = vector.shape_cast %reduce_sum3A_9 : vector<8x128xf32> to vector<8x1x128xf32>
    %broadcast_in_dim3A_10 = vector.shape_cast %broadcast_in_dim3A : vector<8x1x128xf32> to vector<8x1x128xf32>
    %broadcast_in_dim3A_11 = vector.broadcast %broadcast_in_dim3A_10 : vector<8x1x128xf32> to vector<8x8x128xf32>
    %reshape3A = vector.shape_cast %broadcast_in_dim3A_11 : vector<8x8x128xf32> to vector<64x128xf32>
    %iota3A = tpu.iota {dimensions = array<i32: 0>} : vector<64x128xi32>
    %iota3A_12 = tpu.iota {dimensions = array<i32: 1>} : vector<64x128xi32>
    %jit3A = arith.constant 8 : i32
    %eq3A = arith.constant 0 : i32
    %eq3A_13 = arith.cmpi eq, %jit3A, %eq3A : i32
    %jit3A_14 = arith.constant 1 : i32
    %select_n3A = arith.select %eq3A_13, %jit3A_14, %jit3A : i32
    %rem3A = vector.broadcast %select_n3A : i32 to vector<64x128xi32>
    %rem3A_15 = arith.remsi %iota3A, %rem3A : vector<64x128xi32>
    %ne3A = arith.constant 0 : i32
    %ne3A_16 = vector.broadcast %ne3A : i32 to vector<64x128xi32>
    %ne3A_17 = arith.cmpi ne, %rem3A_15, %ne3A_16 : vector<64x128xi32>
    %lt3A = arith.constant 0 : i32
    %lt3A_18 = vector.broadcast %lt3A : i32 to vector<64x128xi32>
    %lt3A_19 = arith.cmpi slt, %rem3A_15, %lt3A_18 : vector<64x128xi32>
    %lt3A_20 = arith.constant 0 : i32
    %lt3A_21 = arith.cmpi slt, %select_n3A, %lt3A_20 : i32
    %ne3A_22 = vector.broadcast %lt3A_21 : i1 to vector<64x128xi1>
    %ne3A_23 = vector.broadcast %ne3A_22 : vector<64x128xi1> to vector<64x128xi1>
    %ne3A_24 = arith.xori %lt3A_19, %ne3A_23 : vector<64x128xi1>
    %and3A = arith.andi %ne3A_24, %ne3A_17 : vector<64x128xi1>
    %add3A = vector.broadcast %select_n3A : i32 to vector<64x128xi32>
    %add3A_25 = arith.addi %rem3A_15, %add3A : vector<64x128xi32>
    %select_n3A_26 = arith.select %and3A, %add3A_25, %rem3A_15 : vector<64x128xi1>, vector<64x128xi32>
    %mul3A = arith.constant 16 : i32
    %mul3A_27 = vector.broadcast %mul3A : i32 to vector<64x128xi32>
    %mul3A_28 = arith.muli %select_n3A_26, %mul3A_27 : vector<64x128xi32>
    %eq3A_29 = arith.cmpi eq, %iota3A_12, %mul3A_28 : vector<64x128xi32>
    %jit3A_30 = arith.constant 0.000000e+00 : f32
    %broadcast_in_dim3A_31 = vector.broadcast %jit3A_30 : f32 to vector<64x128xf32>
    %select_n3A_32 = arith.select %eq3A_29, %reshape3A, %broadcast_in_dim3A_31 : vector<64x128xi1>, vector<64x128xf32>
    %reduce_sum3A_33 = arith.constant dense<0.000000e+00> : vector<64xf32>
    %reduce_sum3A_34 = vector.multi_reduction <add>, %select_n3A_32, %reduce_sum3A_33 [1] : vector<64x128xf32> to vector<64xf32>
    %broadcast_in_dim3A_35 = vector.shape_cast %reduce_sum3A_34 : vector<64xf32> to vector<64x1xf32>
    %max3A = arith.constant 9.99999971E-10 : f32
    %max3A_36 = vector.broadcast %max3A : f32 to vector<64x1xf32>
    %max3A_37 = arith.maximumf %broadcast_in_dim3A_35, %max3A_36 : vector<64x1xf32>
    %div3A = vector.broadcast %max3A_37 : vector<64x1xf32> to vector<64x128xf32>
    %div3A_38 = arith.divf %reduce_sum3A_3, %div3A : vector<64x128xf32>
    %swap3A = arith.constant 0 : index
    %swap3A_39 = arith.constant 0 : index
    %swap3A_40 = vector.load %arg3[%swap3A, %swap3A_39] : memref<64x128xf32, #tpu.memory_space<vmem>>, vector<64x128xf32>
    tpu.vector_store %arg3[%swap3A, %swap3A_39], %div3A_38 {strides = array<i32>} : memref<64x128xf32, #tpu.memory_space<vmem>>, vector<64x128xf32>,
    return
  }
  func.func @transform_0(%arg0: i32) -> (i32, i32, i32) {
    %c0_i32 = arith.constant 0 : i32
    %c0_i32_0 = arith.constant 0 : i32
    %c0_i32_1 = arith.constant 0 : i32
    return %c0_i32, %arg0, %c0_i32_0 : i32, i32, i32
  }
  func.func @transform_1(%arg0: i32) -> (i32, i32, i32) {
    %c0_i32 = arith.constant 0 : i32
    %c0_i32_0 = arith.constant 0 : i32
    %c0_i32_1 = arith.constant 0 : i32
    return %c0_i32, %arg0, %c0_i32_0 : i32, i32, i32
  }
  func.func @transform_2(%arg0: i32) -> (i32, i32) {
    %c0_i32 = arith.constant 0 : i32
    %c0_i32_0 = arith.constant 0 : i32
    return %arg0, %c0_i32 : i32, i32
  }
}

</mosaic_0001>

<sc_bundles>
// kernel: kernel.5.cloned.1.call-start
scs
__scs_entry_jumppad:
0x0: {  	(pc) =	sbr.rel $0x88, $3  }
0x1: {  	(tag) =	ssettag $0x0;
	lr =	simm.s32 $0x1  }
0x2: {  	[smem:$0x3F9D] =	sst lr;
	_ =	strace $0xD0000000  }
0x3: {  	_ = 	snop  }
0x4: {  	_ = 	snop  }
0x5: {  	_ = 	snop  }
0x6: {  	_ = 	snop  }
0x7: {  	_ = 	snop  }
__scs_overlays_trampoline_lowered:
0x8: {  	[smem:$0x3FAC] =	sst s0  }
0x9: {  	[smem:$0x3FAD] =	sst s1  }
0xa: {  	[smem:$0x3FAE] =	sst s2  }
0xb: {  	[smem:$0x3FAF] =	sst s3  }
0xc: {  	[smem:$0x3FB0] =	sst s4  }
0xd: {  	[smem:$0x3FB1] =	sst s5  }
0xe: {  	[smem:$0x3FB2] =	sst s6  }
0xf: {  	[smem:$0x3FB3] =	sst s7  }
0x10: {  	[smem:$0x3FB4] =	sst s8  }
0x11: {  	[smem:$0x3FB5] =	sst s9;
	s0 =	simm.s32 @!p0 $0x0  }
0x12: {  	s1 =	sld [smem:$0x3F9B];
	s0 =	simm.s32 @p0 $0x1  }
0x13: {  	[smem:$0x3FB6] =	sst s0;
	s0 =	simm.s32 @!p1 $0x0  }
0x14: {  	s2 =	sld [smem:$0x3F9A];
	s0 =	simm.s32 @p1 $0x1  }
0x15: {  	[smem:$0x3FB7] =	sst s0;
	s0 =	simm.s32 @!p2 $0x0  }
0x16: {  	s3 =	sld [smem:$0x3FDB];
	s0 =	simm.s32 @p2 $0x1  }
0x17: {  	s4 =	simm.s32 $0x1BF5;
	[smem:$0x3FB9] =	sst s0  }
0x18: {  	s0 =	sld [smem:$0x3F9C];
	_ =	swait.ge [sflag:s4], $0x0  }
0x19: {  	s7 =	sld [smem:$0x3F9D]  }
0x1a: {  	s8 =	sadd.s32 $0xFFFFE003, lr  }
0x1b: {  	s9 =	sadd.s32 $0xFFFFFEF7, lr;
	s5 =	simm.s32 $0xFFFFFFFF;
	p2 =	slt.u32 s8, $0xFFFFF086  }
0x1c: {  	p1 =	slt.u32 s9, $0xF7A;
	s5 =	simm.s32 @!p2 $0x0  }
0x1d: {  	s5 =	simm.s32 @p1 $0x1;
	p0 =	seq.s32 s7, s2  }
0x1e: {  	s7 =	smul.u32 @!p0 $0xF7A, s2;
	p2 =	seq.s32 @!p0 s5, $0x0  }
0x1f: {  	s9 =	smul.u32 $0xF7A, s1;
	s8 =	simm.s32 @!p0 $0x1BF5;
	p2 =	por !p2, p0  }
0x20: {  	[sflag:s8] =	ssyncset.s32 @!p0 $0xFFFFF086;
	s6 =	sadd.s32 @!p0 s3, s7;
	s7 =	simm.s32 @!p0 $0x108  }
0x21: {  	s3 =	sadd.s32 s3, s9;
	s6 =	sadd.s32 @!p0 $0x88, s6;
	s7 =	simm.s32 @p2 $0x1082  }
0x22: {  	[simem:s7], [sflag:s8] =	dma.local @!p0 [hbm:s6], $0xF7A  }
0x23: {  	s9 =	sor.u32 $0xD0000000, s2;
	s6 =	simm.s32 $0x108;
	_ =	swait.ge @!p0 [sflag:s8], $0x0  }
0x24: {  	s3 =	sadd.s32 $0x88, s3;
	s6 =	simm.s32 @!p1 $0x1082;
	[sflag:s4] =	ssyncset.s32 $0xFFFFF086  }
0x25: {  	[simem:s6], [sflag:s4] =	dma.local [hbm:s3], $0xF7A  }
0x26: {  	[smem:$0x3F9D] =	sst s1;
	(tag) =	ssettag s2;
	_ =	strace s9  }
0x27: {  	s1 =	sld [smem:$0x3FAD]  }
0x28: {  	s2 =	sld [smem:$0x3FAE]  }
0x29: {  	s4 =	sld [smem:$0x3FB0]  }
0x2a: {  	p0 =	seq.s32 s5, $0x0;
	s5 =	sld [smem:$0x3FB1]  }
0x2b: {  	s6 =	sld [smem:$0x3FB2]  }
0x2c: {  	s7 =	sld [smem:$0x3FB3]  }
0x2d: {  	s3 =	simm.s32 $0x108;
	s8 =	sld [smem:$0x3FB4]  }
0x2e: {  	s3 =	simm.s32 @!p0 $0x1082;
	s9 =	sld [smem:$0x3FB5]  }
0x2f: {  	lr =	sadd.s32 s0, s3;
	s0 =	sld [smem:$0x3FAC]  }
0x30: {  	s3 =	sld [smem:$0x3FAF]  }
0x31: {  	[smem:$0x3FB8] =	sst s10  }
0x32: {  	s10 =	sld [smem:$0x3FB6];
	_ =	sdelay $0x3  }
0x33: {  	p0 =	seq.s32 s10, $0x1;
	s10 =	sld [smem:$0x3FB8];
	_ =	sdelay $0x3  }
0x34: {  	[smem:$0x3FB8] =	sst s10  }
0x35: {  	s10 =	sld [smem:$0x3FB7];
	_ =	sdelay $0x3  }
0x36: {  	p1 =	seq.s32 s10, $0x1;
	s10 =	sld [smem:$0x3FB8];
	_ =	sdelay $0x3  }
0x37: {  	[smem:$0x3FB8] =	sst s10  }
0x38: {  	s10 =	sld [smem:$0x3FB9]  }
0x39: {  	_ = 	snop;
	(pc) =	sbr.ind lr, $3  }
0x3a: {  	_ = 	snop  }
0x3b: {  	_ = 	snop  }
0x3c: {  	p2 =	seq.s32 s10, $0x1;
	s10 =	sld [smem:$0x3FB8]  }
0x3d: {  	_ =	shalt  }
0x3e: {  	_ =	shalt  }
0x3f: {  	_ =	shalt  }
0x40: {  	_ =	shalt  }
0x41: {  	_ =	shalt  }
0x42: {  	_ =	shalt  }
0x43: {  	_ =	shalt  }
0x44: {  	_ =	shalt  }
0x45: {  	_ =	shalt  }
0x46: {  	_ =	shalt  }
0x47: {  	_ =	shalt  }
0x48: {  	_ =	shalt  }
0x49: {  	_ =	shalt  }
0x4a: {  	_ =	shalt  }
0x4b: {  	_ =	shalt  }
0x4c: {  	_ =	shalt  }
0x4d: {  	_ =	shalt  }
0x4e: {  	_ =	shalt  }
0x4f: {  	_ =	shalt  }
0x50: {  	_ =	shalt  }
0x51: {  	_ =	shalt  }
0x52: {  	_ =	shalt  }
0x53: {  	_ =	shalt  }
0x54: {  	_ =	shalt  }
0x55: {  	_ =	shalt  }
0x56: {  	_ =	shalt  }
0x57: {  	_ =	shalt  }
0x58: {  	_ =	shalt  }
0x59: {  	_ =	shalt  }
0x5a: {  	_ =	shalt  }
0x5b: {  	_ =	shalt  }
0x5c: {  	_ =	shalt  }
0x5d: {  	_ =	shalt  }
0x5e: {  	_ =	shalt  }
0x5f: {  	_ =	shalt  }
0x60: {  	_ =	shalt  }
0x61: {  	_ =	shalt  }
0x62: {  	_ =	shalt  }
0x63: {  	_ =	shalt  }
0x64: {  	_ =	shalt  }
0x65: {  	_ =	shalt  }
0x66: {  	_ =	shalt  }
0x67: {  	_ =	shalt  }
0x68: {  	_ =	shalt  }
0x69: {  	_ =	shalt  }
0x6a: {  	_ =	shalt  }
0x6b: {  	_ =	shalt  }
0x6c: {  	_ =	shalt  }
0x6d: {  	_ =	shalt  }
0x6e: {  	_ =	shalt  }
0x6f: {  	_ =	shalt  }
0x70: {  	_ =	shalt  }
0x71: {  	_ =	shalt  }
0x72: {  	_ =	shalt  }
0x73: {  	_ =	shalt  }
0x74: {  	_ =	shalt  }
0x75: {  	_ =	shalt  }
0x76: {  	_ =	shalt  }
0x77: {  	_ =	shalt  }
0x78: {  	_ =	shalt  }
0x79: {  	_ =	shalt  }
0x7a: {  	_ =	shalt  }
0x7b: {  	_ =	shalt  }
0x7c: {  	_ =	shalt  }
0x7d: {  	_ =	shalt  }
0x7e: {  	_ =	shalt  }
0x7f: {  	_ =	shalt  }
0x80: {  	_ =	shalt  }
0x81: {  	_ =	shalt  }
0x82: {  	_ =	shalt  }
0x83: {  	_ =	shalt  }
0x84: {  	_ =	shalt  }
0x85: {  	_ =	shalt  }
0x86: {  	_ =	shalt  }
0x87: {  	_ =	shalt  }
.Lfunc_end0:
.L_simem_size_0:
called_computation_lowered:
.L_overlay_start_0:
0x88: {  	s2 =	sld [smem:$0x3FD9]  }
0x89: {  	s3 =	sld [smem:$0x3FFE];
	_ =	sdelay $0x1  }
0x8a: {  	s1 =	srdreg.scid  }
0x8b: {  	s0 =	sand.u32 $0x1, s1  }
0x8c: {  	s17 =	sshll.u32 s0, $0xA;
	s2 =	sadd.s32 s3, s2  }
0x8d: {  	s2 =	sadd.s32 s2, s17  }
0x8e: {  	[smem:$0x3FC4] =	sst s2  }
0x8f: {  	_ = 	snop  }
0x90: {  	s2 =	sld [smem:$0x3FC9]  }
0x91: {  	s18 =	sld [smem:$0x3FC8];
	(tm) =	ssettm $0x1  }
0x92: {  	s4 =	sld [smem:$0x3FFB];
	_ =	sdelay $0x3  }
0x93: {  	_ =	strace s4  }
0x94: {  	s4 =	sld [smem:$0x3FFC];
	_ =	sdelay $0x3  }
0x95: {  	_ =	strace s4  }
0x96: {  	s4 =	sld [smem:$0x3FFD];
	_ =	sdelay $0x3  }
0x97: {  	_ =	strace s4  }
0x98: {  	_ =	strace $0x8FFFFFFF  }
0x99: {  	s19 =	sld [smem:$0x3FDB];
	_ =	sdelay $0x1  }
0x9a: {  	s5 =	simm.s32 $_scs_section_size  }
0x9b: {  	s6 =	simm.s32 $_size__tile_overlayer_lowered;
	s7 =	simm.s32 $_tile_overlayer_lowered  }
0x9c: {  	s22 =	simm.s32 $0x1BFF;
	s21 =	sshll.u32 s7, $0x1;
	s4 =	sadd.s32 s5, s19  }
0x9d: {  	s8 =	simm.s32 $0x0;
	s20 =	sshll.u32 s6, $0x1;
	s6 =	sadd.s32 s21, s4  }
0x9e: {  	[timem:s8], [sflag:s22] =	dma.local [hbm:s6], s20  }
0x9f: {  	_ =	swait.ge [sflag:s22], s20  }
0xa0: {  	s5 =	ssub.s32 $0x0, s20;
	[sflag:s22] =	ssyncset.done $0x0  }
0xa1: {  	[sflag:s22] =	ssyncadd.s32 s5;
	_ =	sdelay $0x1  }
0xa2: {  	s23 =	simm.s32 $0x1B8B  }
0xa3: {  	_ =	swait.ge [sflag:s23], $0x1  }
0xa4: {  	[sflag:s23] =	ssyncset.done $0x0  }
0xa5: {  	s25 =	simm.s32 $0x1B8E;
	s24 =	sld [smem:$0x3FFE];
	[sflag:s23] =	ssyncadd.s32 $0xFFFFFFFF  }
0xa6: {  	s26 =	simm.s32 $execute0_lowered;
	[smem:$0x3FD2] =	sst s25  }
0xa7: {  	s6 =	sshll.u32 s26, $0x1;
	_ =	strace $0x80000046;
	[dreg:$0x1] =	wrdreg $0xFFFFFFFF  }
0xa8: {  	s28 =	simm.s32 $_size_execute0_lowered;
	s4 =	sadd.s32 s4, s6;
	[dreg:$0x0] =	wrdreg $0x0  }
0xa9: {  	s6 =	sshll.u32 s28, $0x1;
	[dreg:$0x2] =	wrdreg s4  }
0xaa: {  	[dreg:$0x3] =	wrdreg s6  }
0xab: {  	[dreg:$0x4] =	wrdreg $0xC0  }
0xac: {  	_ =	task [dreg:s8], $0x5FFFF  }
0xad: {  	[dreg:$0x1] =	wrdreg $0xFFFFFFFF  }
0xae: {  	[dreg:$0x0] =	wrdreg $0x60  }
0xaf: {  	[dreg:$0x2] =	wrdreg s2  }
0xb0: {  	[dreg:$0x3] =	wrdreg s18  }
0xb1: {  	[dreg:$0x4] =	wrdreg s24  }
0xb2: {  	[dreg:$0x5] =	wrdreg $0x9  }
0xb3: {  	_ =	task.clear_ibuf [dreg:s8], $0x6FFFF;
	_ =	strace $0x90000046  }
0xb4: {  	s29 =	simm.s32 $0x9;
	_ =	strace $0x80000048  }
0xb5: {  	_ =	swait.ge [sflag:s29], $0x1  }
0xb6: {  	[sflag:s29] =	ssyncadd.s32 $0xFFFFFFFF  }
0xb7: {  	_ =	strace $0x90000048  }
0xb8: {  	_ =	sfence  }
0xb9: {  	s30 =	sld [smem:$0x0];
	_ =	sdelay $0x2  }
0xba: {  	s31 =	sshll.u32 s1, $0xD;
	s1 =	sshrl.u32 s1, $0x2  }
0xbb: {  	s3 =	sand.u32 $0x4000, s31;
	s1 =	sadd.s32 s1, s30  }
0xbc: {  	s0 =	sor.u32 s3, s0;
	s1 =	sshll.u32 s1, $0x11  }
0xbd: {  	s0 =	sor.u32 s1, s0  }
0xbe: {  	s0 =	sadd.s32 $0x8F2B, s0  }
0xbf: {  	[sflag:s0] =	ssyncadd.remote.s32 $0x1  }
0xc0: {  	_ =	sfence.sel $0xFFFF  }
0xc1: {  	[dreg:$0x0] =	wrdreg $0xFFFFFFFF;
	(pc) =	sbr.abs _section_cstart, $3  }
0xc2: {  	[dreg:$0x1] =	wrdreg $0xFFFFFFFF  }
0xc3: {  	_ =	task.clear_ibuf [dreg:s8], $0x2FFFF;
	_ =	strace $0x9FFFFFFF  }
0xc4: {  	(tm) =	ssettm $0x7FFFFFFF  }
0xc5: {  	_ =	shalt  }
tec
execute0_lowered:
.L_overlay_start_1:
0x0: {  	(tag) =	ssettag $0x1  }
0x1: {  	s0 =	rddreg [dreg:$0x0]  }
0x2: {  	s1 =	srdreg.scid;
	s3 =	rddreg [dreg:$0x1]  }
0x3: {  	s2 =	rddreg [dreg:$0x2];
	s6 =	stileid.u32;
	s4 =	simm.s32 $0x0  }
0x4: {  	s15 =	simm.s32 $0xA000;
	s16 =	simm.s32 $0xA200;
	s17 =	simm.s32 $0x1  }
0x5: {  	s18 =	simm.s32 $0x3;
	s19 =	simm.s32 $0x5;
	s20 =	simm.s32 $0x5000  }
0x6: {  	s21 =	simm.s32 $0xA100;
	s22 =	simm.s32 $0xA300;
	s1 =	sand.u32 $0x1, s1  }
0x7: {  	s23 =	simm.s32 $0x2;
	s24 =	simm.s32 $0x4;
	s5 =	sshll.u32 s1, $0x4  }
0x8: {  	s25 =	simm.s32 $0x6;
	[smem:$0x7FF] =	sst s4;
	s7 =	sor.u32 s6, s5  }
0x9: {  	s26 =	sshll.u32 s6, $0x7;
	s1 =	ssub.s32 $0x2, s1;
	s8 =	sshll.u32 s7, $0xD  }
0xa: {  	_ =	strace $0x80000047;
	s28 =	sshrl.u32 s1, $0x1;
	s6 =	sor.u32 s26, s8  }
0xb: {  	s1 =	ssub.s32 s1, s28;
	s9 =	sand.u32 $0x30380, s6;
	s6 =	smul.u32 $0xC80, s7  }
0xc: {  	s8 =	sadd.s32 s8, s2;
	s1 =	smax.u32 s1, $0x1;
	s7 =	smul.u32 $0xC800, s7  }
0xd: {  	s5 =	sadd.s32 $0xC00, s2;
	s31 =	sadd.s32 $0xBE00, s8;
	[dreg:$0x9] =	wrdreg s1  }
0xe: {  	[dreg:$0x7] =	wrdreg s31;
	s7 =	sadd.s32 s0, s7;
	s29 =	sshrl.u32 s6, $0x3  }
0xf: {  	s9 =	sshrl.u32 s9, $0x3;
	[dreg:$0x4] =	wrdreg s7;
	s30 =	sadd.s32 s3, s29  }
0x10: {  	s2 =	sadd.s32 s9, s2;
	s7 =	sadd.s32 s5, s29;
	[dreg:$0x5] =	wrdreg s30  }
0x11: {  	s10 =	sadd.s32 $0xA0, s6;
	s2 =	sadd.s32 $0x3E00, s2;
	[dreg:$0x6] =	wrdreg s7  }
0x12: {  	v0 =	vimm.f32 $0.0e+00;
	s11 =	sadd.s32 $0x140, s6;
	[dreg:$0x8] =	wrdreg s2;
	s7 =	simm.s32 $0x0  }
.LBB2_1:
0x13: {  	s1 =	rddreg [dreg:$0x4]  }
0x14: {  	[tilespmem:s4], [sflag:$0x1] =	stream.linear.gather [hbm4b:s1+s4], $0x5000, $0x38;
	[tilespmem:$0x1C400] =	vst v63  }
0x15: {  	s30 =	rddreg [dreg:$0x5]  }
0x16: {  	[tilespmem:s15], [sflag:$0x3] =	stream.linear.gather [hbm4b:s30+s4], $0xA0, $0x38;
	[tilespmem:$0x1C400] =	vst v63  }
0x17: {  	s31 =	rddreg [dreg:$0x6];
	s2 =	simm.s32 $0xA440  }
0x18: {  	[tilespmem:s16], [sflag:$0x5] =	stream.linear.gather [hbm4b:s31+s4], $0xA0, $0x38;
	[tilespmem:$0x1C400] =	vst v63  }
0x19: {  	[tilespmem:s2+$0xFFFFFFD0] =	vst v0  }
0x1a: {  	[tilespmem:s2+$0xFFFFFFE0] =	vst v0  }
0x1b: {  	[tilespmem:s2+$0xFFFFFFF0] =	vst v0  }
0x1c: {  	[tilespmem:s2+$0x0] =	vst v0  }
0x1d: {  	[tilespmem:s2+$0x10] =	vst v0  }
0x1e: {  	[tilespmem:s2+$0x20] =	vst v0  }
0x1f: {  	[tilespmem:s2+$0x30] =	vst v0  }
0x20: {  	[dreg:$0xa] =	wrdreg s7;
	s8 =	simm.s32 $0x0;
	s7 =	simm.s32 $0x40;
	[tilespmem:s2+$0xFFFFFFC0] =	vst v0  }
.LBB2_2:
0x21: {  	p0 =	sne.s32 s7, $0x7FC0;
	[tilespmem:s8+$0x1A400] =	vst v0;
	s2 =	sadd.s32 $0x80, s2  }
0x22: {  	[tilespmem:s2+$0xFFFFFFD0] =	vst v0  }
0x23: {  	[tilespmem:s2+$0xFFFFFFE0] =	vst v0  }
0x24: {  	[tilespmem:s2+$0xFFFFFFF0] =	vst v0  }
.Ltmp0:
0x25: {  	[tilespmem:s2+$0x0] =	vst v0;
	(pc) =	sbr.rel @p0 .LBB2_2-.Ltmp0, $4  }
0x26: {  	[tilespmem:s2+$0x10] =	vst v0  }
0x27: {  	[tilespmem:s2+$0x20] =	vst v0  }
0x28: {  	[tilespmem:s2+$0x30] =	vst v0  }
0x29: {  	s8 =	sshra.s32 s7, $0x2;
	s7 =	sadd.s32 $0x40, s7;
	[tilespmem:s2+$0xFFFFFFC0] =	vst v0  }
0x2a: {  	[tilespmem:s8+$0x1A400] =	vst v0;
	s2 =	simm.s32 $0x0  }
.LBB2_4:
0x2b: {  	_ =	swait.ge [sflag:s17], $0x5000  }
0x2c: {  	[sflag:s17] =	ssyncset.done $0x0  }
0x2d: {  	s7 =	smul.u32 $0x140, s2;
	[sflag:s17] =	ssyncadd.s32 $0xFFFFB000  }
0x2e: {  	_ =	swait.ge [sflag:s18], $0xA0  }
0x2f: {  	s29 =	sadd.s32 s7, s10;
	s7 =	sadd.s32 s6, s7;
	[sflag:s18] =	ssyncset.done $0x0  }
0x30: {  	p0 =	slt.s32 s29, $0x18600;
	s26 =	smov.u32 s29;
	[sflag:s18] =	ssyncadd.s32 $0xFFFFFF60  }
0x31: {  	s30 =	smov.u32 s7;
	s26 =	simm.s32 @!p0 $0x18600;
	_ =	swait.ge [sflag:s19], $0xA0  }
0x32: {  	p0 =	slt.s32 s7, $0x18600;
	s8 =	sshll.u32 s26, $0x4;
	[sflag:s19] =	ssyncset.done $0x0  }
0x33: {  	s28 =	sshrl.u32 s26, $0x3;
	s8 =	sadd.s32 s0, s8;
	[sflag:s19] =	ssyncadd.s32 $0xFFFFFF60  }
0x34: {  	[tilespmem:s20], [sflag:$0x2] =	stream.linear.gather [hbm4b:s8+s4], $0x5000, $0x38;
	[tilespmem:$0x1C400] =	vst v63  }
0x35: {  	s30 =	simm.s32 @!p0 $0x18600;
	s9 =	sadd.s32 s3, s28  }
0x36: {  	[tilespmem:s21], [sflag:$0x4] =	stream.linear.gather [hbm4b:s9+s4], $0xA0, $0x38;
	[tilespmem:$0x1C400] =	vst v63  }
0x37: {  	s31 =	simm.s32 $0xF;
	s30 =	ssub.s32 s7, s30;
	s8 =	sadd.s32 s5, s28  }
0x38: {  	[tilespmem:s22], [sflag:$0x6] =	stream.linear.gather [hbm4b:s8+s4], $0xA0, $0x38;
	[tilespmem:$0x1C400] =	vst v63  }
0x39: {  	s7 =	simm.s32 $0xA200;
	s9 =	simm.s32 $0x400;
	s8 =	simm.s32 $0xA000  }
.LBB2_5:
0x3a: {  	v2 =	vld [tilespmem:s8+$0x0]  }
0x3b: {  	v1 =	vld [tilespmem:s7+$0x0];
	_ =	sdelay $0x3  }
0x3c: {  	(v2sf) =	vpush v2, $0x0  }
0x3d: {  	(v2sf) =	vpush v1, $0x0;
	_ =	sdelay $0x2  }
0x3e: {  	v3 =	vld [tilespmem:s9+$0xFFFFFC00]  }
0x3f: {  	v4 =	vld [tilespmem:s9+$0xFFFFFC10]  }
0x40: {  	v5 =	vld [tilespmem:s9+$0xFFFFFC20]  }
0x41: {  	v6 =	vld [tilespmem:s9+$0xFFFFFC30]  }
0x42: {  	v7 =	vld [tilespmem:s9+$0xFFFFFC40]  }
0x43: {  	v8 =	vld [tilespmem:s9+$0xFFFFFC50]  }
0x44: {  	v9 =	vld [tilespmem:s9+$0xFFFFFC60]  }
0x45: {  	v10 =	vld [tilespmem:s9+$0xFFFFFC70]  }
0x46: {  	v11 =	vld [tilespmem:s9+$0xFFFFFC80]  }
0x47: {  	v12 =	vld [tilespmem:s9+$0xFFFFFC90]  }
0x48: {  	v13 =	vld [tilespmem:s9+$0xFFFFFCA0]  }
0x49: {  	s12 =	sadd.s32 $0xFFFFFFF1, s31;
	v14 =	vld [tilespmem:s9+$0xFFFFFCB0];
	s13 =	spop (v2sf)  }
0x4a: {  	v15 =	vld [tilespmem:s9+$0xFFFFFCC0];
	p0 =	slt.s32 s12, s30;
	s12 =	spop (v2sf)  }
0x4b: {  	v16 =	vld [tilespmem:s9+$0xFFFFFCD0];
	(v2sf) =	vpush v2, $0x1;
	s12 =	simm.s32 @p0 $0x0  }
0x4c: {  	v17 =	vld [tilespmem:s9+$0xFFFFFCE0];
	(v2sf) =	vpush v1, $0x1;
	s14 =	sshll.u32 s13, $0x9;
	v3 =	vmul.f32 s12, v3  }
0x4d: {  	v18 =	vld [tilespmem:s9+$0xFFFFFCF0];
	s14 =	sshra.s32 s14, $0x2;
	v4 =	vmul.f32 s12, v4  }
0x4e: {  	v5 =	vmul.f32 s12, v5;
	[tilespmem:s14+$0xA400] =	vst.add.f32.msk $0xffff, v3  }
0x4f: {  	v19 =	vmul.f32 s12, v7;
	[tilespmem:s14+$0xA410] =	vst.add.f32.msk $0xffff, v4  }
0x50: {  	v20 =	vmul.f32 s12, v8;
	[tilespmem:s14+$0xA420] =	vst.add.f32.msk $0xffff, v5  }
0x51: {  	v3 =	vmul.f32 s12, v6;
	[tilespmem:s14+$0xA440] =	vst.add.f32.msk $0xffff, v19  }
0x52: {  	v21 =	vmul.f32 s12, v10;
	[tilespmem:s14+$0xA450] =	vst.add.f32.msk $0xffff, v20  }
0x53: {  	[tilespmem:s14+$0xA430] =	vst.add.f32.msk $0xffff, v3;
	v3 =	vmul.f32 s12, v9  }
0x54: {  	s13 =	sshll.u32 s13, $0x6;
	[tilespmem:s14+$0xA470] =	vst.add.f32.msk $0xffff, v21  }
0x55: {  	s13 =	sshra.s32 s13, $0x2;
	[tilespmem:s14+$0xA460] =	vst.add.f32.msk $0xffff, v3;
	v3 =	vmov s12  }
0x56: {  	[tilespmem:s13+$0x1A400] =	vst.add.f32.msk $0xffff, v3  }
0x57: {  	v3 =	vld [tilespmem:s9+$0xFFFFFD00]  }
0x58: {  	v4 =	vld [tilespmem:s9+$0xFFFFFD10]  }
0x59: {  	v5 =	vld [tilespmem:s9+$0xFFFFFD20]  }
0x5a: {  	s28 =	spop (v2sf);
	s14 =	sadd.s32 $0xFFFFFFF2, s31;
	v22 =	vld [tilespmem:s9+$0xFFFFFD30]  }
0x5b: {  	s12 =	spop (v2sf);
	p0 =	slt.s32 s14, s30;
	v23 =	vld [tilespmem:s9+$0xFFFFFD40]  }
0x5c: {  	(v2sf) =	vpush v2, $0x2;
	s12 =	simm.s32 @p0 $0x0;
	v24 =	vld [tilespmem:s9+$0xFFFFFD50]  }
0x5d: {  	s1 =	sshll.u32 s28, $0x9;
	(v2sf) =	vpush v1, $0x2;
	v26 =	vld [tilespmem:s9+$0xFFFFFD60];
	v25 =	vmul.f32 s12, v11  }
0x5e: {  	s14 =	sshra.s32 s1, $0x2;
	v28 =	vld [tilespmem:s9+$0xFFFFFD70];
	v27 =	vmul.f32 s12, v12  }
0x5f: {  	v13 =	vmul.f32 s12, v13;
	[tilespmem:s14+$0xA400] =	vst.add.f32.msk $0xffff, v25  }
0x60: {  	v29 =	vmul.f32 s12, v14;
	[tilespmem:s14+$0xA410] =	vst.add.f32.msk $0xffff, v27  }
0x61: {  	v30 =	vmul.f32 s12, v15;
	[tilespmem:s14+$0xA420] =	vst.add.f32.msk $0xffff, v13  }
0x62: {  	v31 =	vmul.f32 s12, v16;
	[tilespmem:s14+$0xA430] =	vst.add.f32.msk $0xffff, v29  }
0x63: {  	v32 =	vmul.f32 s12, v17;
	[tilespmem:s14+$0xA440] =	vst.add.f32.msk $0xffff, v30  }
0x64: {  	v33 =	vmul.f32 s12, v18;
	[tilespmem:s14+$0xA450] =	vst.add.f32.msk $0xffff, v31  }
0x65: {  	s13 =	sshll.u32 s28, $0x6;
	[tilespmem:s14+$0xA460] =	vst.add.f32.msk $0xffff, v32  }
0x66: {  	s13 =	sshra.s32 s13, $0x2;
	v34 =	vmov s12;
	[tilespmem:s14+$0xA470] =	vst.add.f32.msk $0xffff, v33  }
0x67: {  	[tilespmem:s13+$0x1A400] =	vst.add.f32.msk $0xffff, v34  }
0x68: {  	v9 =	vld [tilespmem:s9+$0xFFFFFD80]  }
0x69: {  	v11 =	vld [tilespmem:s9+$0xFFFFFD90]  }
0x6a: {  	v13 =	vld [tilespmem:s9+$0xFFFFFDA0]  }
0x6b: {  	s14 =	sadd.s32 $0xFFFFFFF3, s31;
	v35 =	vld [tilespmem:s9+$0xFFFFFDB0];
	s28 =	spop (v2sf)  }
0x6c: {  	p0 =	slt.s32 s14, s30;
	v36 =	vld [tilespmem:s9+$0xFFFFFDC0];
	s12 =	spop (v2sf)  }
0x6d: {  	v37 =	vld [tilespmem:s9+$0xFFFFFDD0];
	(v2sf) =	vpush v2, $0x3;
	s12 =	simm.s32 @p0 $0x0  }
0x6e: {  	v38 =	vld [tilespmem:s9+$0xFFFFFDE0];
	s1 =	sshll.u32 s28, $0x9;
	(v2sf) =	vpush v1, $0x3;
	v3 =	vmul.f32 s12, v3  }
0x6f: {  	v39 =	vld [tilespmem:s9+$0xFFFFFDF0];
	s14 =	sshra.s32 s1, $0x2;
	v4 =	vmul.f32 s12, v4  }
0x70: {  	v5 =	vmul.f32 s12, v5;
	[tilespmem:s14+$0xA400] =	vst.add.f32.msk $0xffff, v3  }
0x71: {  	v40 =	vmul.f32 s12, v23;
	[tilespmem:s14+$0xA410] =	vst.add.f32.msk $0xffff, v4  }
0x72: {  	v41 =	vmul.f32 s12, v24;
	[tilespmem:s14+$0xA420] =	vst.add.f32.msk $0xffff, v5  }
0x73: {  	v3 =	vmul.f32 s12, v22;
	[tilespmem:s14+$0xA440] =	vst.add.f32.msk $0xffff, v40  }
0x74: {  	v42 =	vmul.f32 s12, v28;
	[tilespmem:s14+$0xA450] =	vst.add.f32.msk $0xffff, v41  }
0x75: {  	[tilespmem:s14+$0xA430] =	vst.add.f32.msk $0xffff, v3;
	v3 =	vmul.f32 s12, v26  }
0x76: {  	s13 =	sshll.u32 s28, $0x6;
	[tilespmem:s14+$0xA470] =	vst.add.f32.msk $0xffff, v42  }
0x77: {  	s13 =	sshra.s32 s13, $0x2;
	[tilespmem:s14+$0xA460] =	vst.add.f32.msk $0xffff, v3;
	v3 =	vmov s12  }
0x78: {  	[tilespmem:s13+$0x1A400] =	vst.add.f32.msk $0xffff, v3  }
0x79: {  	v3 =	vld [tilespmem:s9+$0xFFFFFE00]  }
0x7a: {  	v4 =	vld [tilespmem:s9+$0xFFFFFE10]  }
0x7b: {  	v5 =	vld [tilespmem:s9+$0xFFFFFE20]  }
0x7c: {  	s14 =	sadd.s32 $0xFFFFFFF4, s31;
	s28 =	spop (v2sf);
	v43 =	vld [tilespmem:s9+$0xFFFFFE30]  }
0x7d: {  	p0 =	slt.s32 s14, s30;
	v44 =	vld [tilespmem:s9+$0xFFFFFE40];
	s12 =	spop (v2sf)  }
0x7e: {  	(v2sf) =	vpush v2, $0x4;
	v45 =	vld [tilespmem:s9+$0xFFFFFE50];
	s12 =	simm.s32 @p0 $0x0  }
0x7f: {  	s1 =	sshll.u32 s28, $0x9;
	v46 =	vld [tilespmem:s9+$0xFFFFFE60];
	(v2sf) =	vpush v1, $0x4;
	v9 =	vmul.f32 s12, v9  }
0x80: {  	v47 =	vld [tilespmem:s9+$0xFFFFFE70];
	s14 =	sshra.s32 s1, $0x2;
	v11 =	vmul.f32 s12, v11  }
0x81: {  	v13 =	vmul.f32 s12, v13;
	[tilespmem:s14+$0xA400] =	vst.add.f32.msk $0xffff, v9  }
0x82: {  	v48 =	vmul.f32 s12, v35;
	[tilespmem:s14+$0xA410] =	vst.add.f32.msk $0xffff, v11  }
0x83: {  	v49 =	vmul.f32 s12, v36;
	[tilespmem:s14+$0xA420] =	vst.add.f32.msk $0xffff, v13  }
0x84: {  	v50 =	vmul.f32 s12, v37;
	[tilespmem:s14+$0xA430] =	vst.add.f32.msk $0xffff, v48  }
0x85: {  	v51 =	vmul.f32 s12, v38;
	[tilespmem:s14+$0xA440] =	vst.add.f32.msk $0xffff, v49  }
0x86: {  	v52 =	vmul.f32 s12, v39;
	[tilespmem:s14+$0xA450] =	vst.add.f32.msk $0xffff, v50  }
0x87: {  	s13 =	sshll.u32 s28, $0x6;
	[tilespmem:s14+$0xA460] =	vst.add.f32.msk $0xffff, v51  }
0x88: {  	s13 =	sshra.s32 s13, $0x2;
	v53 =	vmov s12;
	[tilespmem:s14+$0xA470] =	vst.add.f32.msk $0xffff, v52  }
0x89: {  	[tilespmem:s13+$0x1A400] =	vst.add.f32.msk $0xffff, v53  }
0x8a: {  	v9 =	vld [tilespmem:s9+$0xFFFFFE80]  }
0x8b: {  	v11 =	vld [tilespmem:s9+$0xFFFFFE90]  }
0x8c: {  	v13 =	vld [tilespmem:s9+$0xFFFFFEA0]  }
0x8d: {  	s14 =	sadd.s32 $0xFFFFFFF5, s31;
	v54 =	vld [tilespmem:s9+$0xFFFFFEB0];
	s28 =	spop (v2sf)  }
0x8e: {  	p0 =	slt.s32 s14, s30;
	v55 =	vld [tilespmem:s9+$0xFFFFFEC0];
	s12 =	spop (v2sf)  }
0x8f: {  	v56 =	vld [tilespmem:s9+$0xFFFFFED0];
	(v2sf) =	vpush v2, $0x5;
	s12 =	simm.s32 @p0 $0x0  }
0x90: {  	v57 =	vld [tilespmem:s9+$0xFFFFFEE0];
	s1 =	sshll.u32 s28, $0x9;
	(v2sf) =	vpush v1, $0x5;
	v3 =	vmul.f32 s12, v3  }
0x91: {  	v58 =	vld [tilespmem:s9+$0xFFFFFEF0];
	s14 =	sshra.s32 s1, $0x2;
	v4 =	vmul.f32 s12, v4  }
0x92: {  	v5 =	vmul.f32 s12, v5;
	[tilespmem:s14+$0xA400] =	vst.add.f32.msk $0xffff, v3  }
0x93: {  	v59 =	vmul.f32 s12, v44;
	[tilespmem:s14+$0xA410] =	vst.add.f32.msk $0xffff, v4  }
0x94: {  	v60 =	vmul.f32 s12, v45;
	[tilespmem:s14+$0xA420] =	vst.add.f32.msk $0xffff, v5  }
0x95: {  	v3 =	vmul.f32 s12, v43;
	[tilespmem:s14+$0xA440] =	vst.add.f32.msk $0xffff, v59  }
0x96: {  	v61 =	vmul.f32 s12, v47;
	[tilespmem:s14+$0xA450] =	vst.add.f32.msk $0xffff, v60  }
0x97: {  	[tilespmem:s14+$0xA430] =	vst.add.f32.msk $0xffff, v3;
	v3 =	vmul.f32 s12, v46  }
0x98: {  	s13 =	sshll.u32 s28, $0x6;
	[tilespmem:s14+$0xA470] =	vst.add.f32.msk $0xffff, v61  }
0x99: {  	s13 =	sshra.s32 s13, $0x2;
	[tilespmem:s14+$0xA460] =	vst.add.f32.msk $0xffff, v3;
	v3 =	vmov s12  }
0x9a: {  	[tilespmem:s13+$0x1A400] =	vst.add.f32.msk $0xffff, v3  }
0x9b: {  	v3 =	vld [tilespmem:s9+$0xFFFFFF00]  }
0x9c: {  	v4 =	vld [tilespmem:s9+$0xFFFFFF10]  }
0x9d: {  	v5 =	vld [tilespmem:s9+$0xFFFFFF20]  }
0x9e: {  	s14 =	sadd.s32 $0xFFFFFFF6, s31;
	s28 =	spop (v2sf);
	v62 =	vld [tilespmem:s9+$0xFFFFFF30]  }
0x9f: {  	p0 =	slt.s32 s14, s30;
	v63 =	vld [tilespmem:s9+$0xFFFFFF40];
	s12 =	spop (v2sf)  }
0xa0: {  	(v2sf) =	vpush v2, $0x6;
	v21 =	vld [tilespmem:s9+$0xFFFFFF50];
	s12 =	simm.s32 @p0 $0x0  }
0xa1: {  	s1 =	sshll.u32 s28, $0x9;
	v22 =	vld [tilespmem:s9+$0xFFFFFF60];
	(v2sf) =	vpush v1, $0x6;
	v9 =	vmul.f32 s12, v9  }
0xa2: {  	v23 =	vld [tilespmem:s9+$0xFFFFFF70];
	s14 =	sshra.s32 s1, $0x2;
	v11 =	vmul.f32 s12, v11  }
0xa3: {  	v13 =	vmul.f32 s12, v13;
	[tilespmem:s14+$0xA400] =	vst.add.f32.msk $0xffff, v9  }
0xa4: {  	v24 =	vmul.f32 s12, v54;
	[tilespmem:s14+$0xA410] =	vst.add.f32.msk $0xffff, v11  }
0xa5: {  	v25 =	vmul.f32 s12, v55;
	[tilespmem:s14+$0xA420] =	vst.add.f32.msk $0xffff, v13  }
0xa6: {  	v26 =	vmul.f32 s12, v56;
	[tilespmem:s14+$0xA430] =	vst.add.f32.msk $0xffff, v24  }
0xa7: {  	v27 =	vmul.f32 s12, v57;
	[tilespmem:s14+$0xA440] =	vst.add.f32.msk $0xffff, v25  }
0xa8: {  	v28 =	vmul.f32 s12, v58;
	[tilespmem:s14+$0xA450] =	vst.add.f32.msk $0xffff, v26  }
0xa9: {  	s13 =	sshll.u32 s28, $0x6;
	[tilespmem:s14+$0xA460] =	vst.add.f32.msk $0xffff, v27  }
0xaa: {  	s13 =	sshra.s32 s13, $0x2;
	v29 =	vmov s12;
	[tilespmem:s14+$0xA470] =	vst.add.f32.msk $0xffff, v28  }
0xab: {  	[tilespmem:s13+$0x1A400] =	vst.add.f32.msk $0xffff, v29  }
0xac: {  	v9 =	vld [tilespmem:s9+$0xFFFFFF80]  }
0xad: {  	v11 =	vld [tilespmem:s9+$0xFFFFFF90]  }
0xae: {  	v13 =	vld [tilespmem:s9+$0xFFFFFFA0]  }
0xaf: {  	s14 =	sadd.s32 $0xFFFFFFF7, s31;
	v30 =	vld [tilespmem:s9+$0xFFFFFFB0];
	s28 =	spop (v2sf)  }
0xb0: {  	p0 =	slt.s32 s14, s30;
	v31 =	vld [tilespmem:s9+$0xFFFFFFC0];
	s12 =	spop (v2sf)  }
0xb1: {  	v32 =	vld [tilespmem:s9+$0xFFFFFFD0];
	(v2sf) =	vpush v2, $0x7;
	s12 =	simm.s32 @p0 $0x0  }
0xb2: {  	v33 =	vld [tilespmem:s9+$0xFFFFFFE0];
	s1 =	sshll.u32 s28, $0x9;
	(v2sf) =	vpush v1, $0x7;
	v3 =	vmul.f32 s12, v3  }
0xb3: {  	v34 =	vld [tilespmem:s9+$0xFFFFFFF0];
	s14 =	sshra.s32 s1, $0x2;
	v4 =	vmul.f32 s12, v4  }
0xb4: {  	v5 =	vmul.f32 s12, v5;
	[tilespmem:s14+$0xA400] =	vst.add.f32.msk $0xffff, v3  }
0xb5: {  	v35 =	vmul.f32 s12, v63;
	[tilespmem:s14+$0xA410] =	vst.add.f32.msk $0xffff, v4  }
0xb6: {  	v36 =	vmul.f32 s12, v21;
	[tilespmem:s14+$0xA420] =	vst.add.f32.msk $0xffff, v5  }
0xb7: {  	v3 =	vmul.f32 s12, v62;
	[tilespmem:s14+$0xA440] =	vst.add.f32.msk $0xffff, v35  }
0xb8: {  	v37 =	vmul.f32 s12, v23;
	[tilespmem:s14+$0xA450] =	vst.add.f32.msk $0xffff, v36  }
0xb9: {  	[tilespmem:s14+$0xA430] =	vst.add.f32.msk $0xffff, v3;
	v3 =	vmul.f32 s12, v22  }
0xba: {  	s13 =	sshll.u32 s28, $0x6;
	[tilespmem:s14+$0xA470] =	vst.add.f32.msk $0xffff, v37  }
0xbb: {  	s13 =	sshra.s32 s13, $0x2;
	[tilespmem:s14+$0xA460] =	vst.add.f32.msk $0xffff, v3;
	v3 =	vmov s12  }
0xbc: {  	[tilespmem:s13+$0x1A400] =	vst.add.f32.msk $0xffff, v3  }
0xbd: {  	v3 =	vld [tilespmem:s9+$0x0]  }
0xbe: {  	v4 =	vld [tilespmem:s9+$0x10]  }
0xbf: {  	v5 =	vld [tilespmem:s9+$0x20]  }
0xc0: {  	s14 =	sadd.s32 $0xFFFFFFF8, s31;
	s28 =	spop (v2sf);
	v38 =	vld [tilespmem:s9+$0x30]  }
0xc1: {  	p0 =	slt.s32 s14, s30;
	v39 =	vld [tilespmem:s9+$0x40];
	s12 =	spop (v2sf)  }
0xc2: {  	(v2sf) =	vpush v2, $0x8;
	v40 =	vld [tilespmem:s9+$0x50];
	s12 =	simm.s32 @p0 $0x0  }
0xc3: {  	s1 =	sshll.u32 s28, $0x9;
	v41 =	vld [tilespmem:s9+$0x60];
	(v2sf) =	vpush v1, $0x8;
	v9 =	vmul.f32 s12, v9  }
0xc4: {  	v42 =	vld [tilespmem:s9+$0x70];
	s14 =	sshra.s32 s1, $0x2;
	v11 =	vmul.f32 s12, v11  }
0xc5: {  	v13 =	vmul.f32 s12, v13;
	[tilespmem:s14+$0xA400] =	vst.add.f32.msk $0xffff, v9  }
0xc6: {  	v43 =	vmul.f32 s12, v30;
	[tilespmem:s14+$0xA410] =	vst.add.f32.msk $0xffff, v11  }
0xc7: {  	v44 =	vmul.f32 s12, v31;
	[tilespmem:s14+$0xA420] =	vst.add.f32.msk $0xffff, v13  }
0xc8: {  	v45 =	vmul.f32 s12, v32;
	[tilespmem:s14+$0xA430] =	vst.add.f32.msk $0xffff, v43  }
0xc9: {  	v46 =	vmul.f32 s12, v33;
	[tilespmem:s14+$0xA440] =	vst.add.f32.msk $0xffff, v44  }
0xca: {  	v47 =	vmul.f32 s12, v34;
	[tilespmem:s14+$0xA450] =	vst.add.f32.msk $0xffff, v45  }
0xcb: {  	s13 =	sshll.u32 s28, $0x6;
	[tilespmem:s14+$0xA460] =	vst.add.f32.msk $0xffff, v46  }
0xcc: {  	s13 =	sshra.s32 s13, $0x2;
	v48 =	vmov s12;
	[tilespmem:s14+$0xA470] =	vst.add.f32.msk $0xffff, v47  }
0xcd: {  	[tilespmem:s13+$0x1A400] =	vst.add.f32.msk $0xffff, v48  }
0xce: {  	v9 =	vld [tilespmem:s9+$0x80]  }
0xcf: {  	v11 =	vld [tilespmem:s9+$0x90]  }
0xd0: {  	v13 =	vld [tilespmem:s9+$0xA0]  }
0xd1: {  	s14 =	sadd.s32 $0xFFFFFFF9, s31;
	v49 =	vld [tilespmem:s9+$0xB0];
	s28 =	spop (v2sf)  }
0xd2: {  	p0 =	slt.s32 s14, s30;
	v50 =	vld [tilespmem:s9+$0xC0];
	s12 =	spop (v2sf)  }
0xd3: {  	v51 =	vld [tilespmem:s9+$0xD0];
	(v2sf) =	vpush v2, $0x9;
	s12 =	simm.s32 @p0 $0x0  }
0xd4: {  	v52 =	vld [tilespmem:s9+$0xE0];
	s1 =	sshll.u32 s28, $0x9;
	(v2sf) =	vpush v1, $0x9;
	v3 =	vmul.f32 s12, v3  }
0xd5: {  	v53 =	vld [tilespmem:s9+$0xF0];
	s14 =	sshra.s32 s1, $0x2;
	v4 =	vmul.f32 s12, v4  }
0xd6: {  	v5 =	vmul.f32 s12, v5;
	[tilespmem:s14+$0xA400] =	vst.add.f32.msk $0xffff, v3  }
0xd7: {  	v54 =	vmul.f32 s12, v39;
	[tilespmem:s14+$0xA410] =	vst.add.f32.msk $0xffff, v4  }
0xd8: {  	v55 =	vmul.f32 s12, v40;
	[tilespmem:s14+$0xA420] =	vst.add.f32.msk $0xffff, v5  }
0xd9: {  	v3 =	vmul.f32 s12, v38;
	[tilespmem:s14+$0xA440] =	vst.add.f32.msk $0xffff, v54  }
0xda: {  	v56 =	vmul.f32 s12, v42;
	[tilespmem:s14+$0xA450] =	vst.add.f32.msk $0xffff, v55  }
0xdb: {  	[tilespmem:s14+$0xA430] =	vst.add.f32.msk $0xffff, v3;
	v3 =	vmul.f32 s12, v41  }
0xdc: {  	s13 =	sshll.u32 s28, $0x6;
	[tilespmem:s14+$0xA470] =	vst.add.f32.msk $0xffff, v56  }
0xdd: {  	s13 =	sshra.s32 s13, $0x2;
	[tilespmem:s14+$0xA460] =	vst.add.f32.msk $0xffff, v3;
	v3 =	vmov s12  }
0xde: {  	[tilespmem:s13+$0x1A400] =	vst.add.f32.msk $0xffff, v3  }
0xdf: {  	v3 =	vld [tilespmem:s9+$0x100]  }
0xe0: {  	v4 =	vld [tilespmem:s9+$0x110]  }
0xe1: {  	v5 =	vld [tilespmem:s9+$0x120]  }
0xe2: {  	s14 =	sadd.s32 $0xFFFFFFFA, s31;
	s28 =	spop (v2sf);
	v57 =	vld [tilespmem:s9+$0x130]  }
0xe3: {  	p0 =	slt.s32 s14, s30;
	v58 =	vld [tilespmem:s9+$0x140];
	s12 =	spop (v2sf)  }
0xe4: {  	(v2sf) =	vpush v2, $0xA;
	v59 =	vld [tilespmem:s9+$0x150];
	s12 =	simm.s32 @p0 $0x0  }
0xe5: {  	s1 =	sshll.u32 s28, $0x9;
	v60 =	vld [tilespmem:s9+$0x160];
	(v2sf) =	vpush v1, $0xA;
	v9 =	vmul.f32 s12, v9  }
0xe6: {  	v61 =	vld [tilespmem:s9+$0x170];
	s14 =	sshra.s32 s1, $0x2;
	v11 =	vmul.f32 s12, v11  }
0xe7: {  	v13 =	vmul.f32 s12, v13;
	[tilespmem:s14+$0xA400] =	vst.add.f32.msk $0xffff, v9  }
0xe8: {  	v62 =	vmul.f32 s12, v49;
	[tilespmem:s14+$0xA410] =	vst.add.f32.msk $0xffff, v11  }
0xe9: {  	v63 =	vmul.f32 s12, v50;
	[tilespmem:s14+$0xA420] =	vst.add.f32.msk $0xffff, v13  }
0xea: {  	v16 =	vmul.f32 s12, v51;
	[tilespmem:s14+$0xA430] =	vst.add.f32.msk $0xffff, v62  }
0xeb: {  	v17 =	vmul.f32 s12, v52;
	[tilespmem:s14+$0xA440] =	vst.add.f32.msk $0xffff, v63  }
0xec: {  	v19 =	vmul.f32 s12, v53;
	[tilespmem:s14+$0xA450] =	vst.add.f32.msk $0xffff, v16  }
0xed: {  	s13 =	sshll.u32 s28, $0x6;
	[tilespmem:s14+$0xA460] =	vst.add.f32.msk $0xffff, v17  }
0xee: {  	s13 =	sshra.s32 s13, $0x2;
	v20 =	vmov s12;
	[tilespmem:s14+$0xA470] =	vst.add.f32.msk $0xffff, v19  }
0xef: {  	[tilespmem:s13+$0x1A400] =	vst.add.f32.msk $0xffff, v20  }
0xf0: {  	v9 =	vld [tilespmem:s9+$0x180]  }
0xf1: {  	v11 =	vld [tilespmem:s9+$0x190]  }
0xf2: {  	v13 =	vld [tilespmem:s9+$0x1A0]  }
0xf3: {  	s14 =	sadd.s32 $0xFFFFFFFB, s31;
	v21 =	vld [tilespmem:s9+$0x1B0];
	s28 =	spop (v2sf)  }
0xf4: {  	p0 =	slt.s32 s14, s30;
	v22 =	vld [tilespmem:s9+$0x1C0];
	s12 =	spop (v2sf)  }
0xf5: {  	v23 =	vld [tilespmem:s9+$0x1D0];
	(v2sf) =	vpush v2, $0xB;
	s12 =	simm.s32 @p0 $0x0  }
0xf6: {  	v24 =	vld [tilespmem:s9+$0x1E0];
	s1 =	sshll.u32 s28, $0x9;
	(v2sf) =	vpush v1, $0xB;
	v3 =	vmul.f32 s12, v3  }
0xf7: {  	v25 =	vld [tilespmem:s9+$0x1F0];
	s14 =	sshra.s32 s1, $0x2;
	v4 =	vmul.f32 s12, v4  }
0xf8: {  	v5 =	vmul.f32 s12, v5;
	[tilespmem:s14+$0xA400] =	vst.add.f32.msk $0xffff, v3  }
0xf9: {  	v26 =	vmul.f32 s12, v58;
	[tilespmem:s14+$0xA410] =	vst.add.f32.msk $0xffff, v4  }
0xfa: {  	v27 =	vmul.f32 s12, v59;
	[tilespmem:s14+$0xA420] =	vst.add.f32.msk $0xffff, v5  }
0xfb: {  	v3 =	vmul.f32 s12, v57;
	[tilespmem:s14+$0xA440] =	vst.add.f32.msk $0xffff, v26  }
0xfc: {  	v28 =	vmul.f32 s12, v61;
	[tilespmem:s14+$0xA450] =	vst.add.f32.msk $0xffff, v27  }
0xfd: {  	[tilespmem:s14+$0xA430] =	vst.add.f32.msk $0xffff, v3;
	v3 =	vmul.f32 s12, v60  }
0xfe: {  	s13 =	sshll.u32 s28, $0x6;
	[tilespmem:s14+$0xA470] =	vst.add.f32.msk $0xffff, v28  }
0xff: {  	s13 =	sshra.s32 s13, $0x2;
	[tilespmem:s14+$0xA460] =	vst.add.f32.msk $0xffff, v3;
	v3 =	vmov s12  }
0x100: {  	[tilespmem:s13+$0x1A400] =	vst.add.f32.msk $0xffff, v3  }
0x101: {  	v3 =	vld [tilespmem:s9+$0x200]  }
0x102: {  	v4 =	vld [tilespmem:s9+$0x210]  }
0x103: {  	v5 =	vld [tilespmem:s9+$0x220]  }
0x104: {  	s14 =	sadd.s32 $0xFFFFFFFC, s31;
	s28 =	spop (v2sf);
	v29 =	vld [tilespmem:s9+$0x230]  }
0x105: {  	p0 =	slt.s32 s14, s30;
	v30 =	vld [tilespmem:s9+$0x240];
	s12 =	spop (v2sf)  }
0x106: {  	(v2sf) =	vpush v2, $0xC;
	v31 =	vld [tilespmem:s9+$0x250];
	s12 =	simm.s32 @p0 $0x0  }
0x107: {  	s1 =	sshll.u32 s28, $0x9;
	v32 =	vld [tilespmem:s9+$0x260];
	(v2sf) =	vpush v1, $0xC;
	v9 =	vmul.f32 s12, v9  }
0x108: {  	v33 =	vld [tilespmem:s9+$0x270];
	s14 =	sshra.s32 s1, $0x2;
	v11 =	vmul.f32 s12, v11  }
0x109: {  	v13 =	vmul.f32 s12, v13;
	[tilespmem:s14+$0xA400] =	vst.add.f32.msk $0xffff, v9  }
0x10a: {  	v34 =	vmul.f32 s12, v21;
	[tilespmem:s14+$0xA410] =	vst.add.f32.msk $0xffff, v11  }
0x10b: {  	v35 =	vmul.f32 s12, v22;
	[tilespmem:s14+$0xA420] =	vst.add.f32.msk $0xffff, v13  }
0x10c: {  	v36 =	vmul.f32 s12, v23;
	[tilespmem:s14+$0xA430] =	vst.add.f32.msk $0xffff, v34  }
0x10d: {  	v37 =	vmul.f32 s12, v24;
	[tilespmem:s14+$0xA440] =	vst.add.f32.msk $0xffff, v35  }
0x10e: {  	v38 =	vmul.f32 s12, v25;
	[tilespmem:s14+$0xA450] =	vst.add.f32.msk $0xffff, v36  }
0x10f: {  	s13 =	sshll.u32 s28, $0x6;
	[tilespmem:s14+$0xA460] =	vst.add.f32.msk $0xffff, v37  }
0x110: {  	s13 =	sshra.s32 s13, $0x2;
	v39 =	vmov s12;
	[tilespmem:s14+$0xA470] =	vst.add.f32.msk $0xffff, v38  }
0x111: {  	[tilespmem:s13+$0x1A400] =	vst.add.f32.msk $0xffff, v39  }
0x112: {  	v9 =	vld [tilespmem:s9+$0x280]  }
0x113: {  	v11 =	vld [tilespmem:s9+$0x290]  }
0x114: {  	v13 =	vld [tilespmem:s9+$0x2A0]  }
0x115: {  	s14 =	sadd.s32 $0xFFFFFFFD, s31;
	v40 =	vld [tilespmem:s9+$0x2B0];
	s28 =	spop (v2sf)  }
0x116: {  	p0 =	slt.s32 s14, s30;
	v41 =	vld [tilespmem:s9+$0x2C0];
	s12 =	spop (v2sf)  }
0x117: {  	v42 =	vld [tilespmem:s9+$0x2D0];
	(v2sf) =	vpush v2, $0xD;
	s12 =	simm.s32 @p0 $0x0  }
0x118: {  	v43 =	vld [tilespmem:s9+$0x2E0];
	s1 =	sshll.u32 s28, $0x9;
	(v2sf) =	vpush v1, $0xD;
	v3 =	vmul.f32 s12, v3  }
0x119: {  	v44 =	vld [tilespmem:s9+$0x2F0];
	s14 =	sshra.s32 s1, $0x2;
	v4 =	vmul.f32 s12, v4  }
0x11a: {  	v5 =	vmul.f32 s12, v5;
	[tilespmem:s14+$0xA400] =	vst.add.f32.msk $0xffff, v3  }
0x11b: {  	v45 =	vmul.f32 s12, v30;
	[tilespmem:s14+$0xA410] =	vst.add.f32.msk $0xffff, v4  }
0x11c: {  	v46 =	vmul.f32 s12, v31;
	[tilespmem:s14+$0xA420] =	vst.add.f32.msk $0xffff, v5  }
0x11d: {  	v3 =	vmul.f32 s12, v29;
	[tilespmem:s14+$0xA440] =	vst.add.f32.msk $0xffff, v45  }
0x11e: {  	v47 =	vmul.f32 s12, v33;
	[tilespmem:s14+$0xA450] =	vst.add.f32.msk $0xffff, v46  }
0x11f: {  	[tilespmem:s14+$0xA430] =	vst.add.f32.msk $0xffff, v3;
	v3 =	vmul.f32 s12, v32  }
0x120: {  	s13 =	sshll.u32 s28, $0x6;
	[tilespmem:s14+$0xA470] =	vst.add.f32.msk $0xffff, v47  }
0x121: {  	s13 =	sshra.s32 s13, $0x2;
	[tilespmem:s14+$0xA460] =	vst.add.f32.msk $0xffff, v3;
	v3 =	vmov s12  }
0x122: {  	[tilespmem:s13+$0x1A400] =	vst.add.f32.msk $0xffff, v3  }
0x123: {  	v3 =	vld [tilespmem:s9+$0x300]  }
0x124: {  	v4 =	vld [tilespmem:s9+$0x310]  }
0x125: {  	v5 =	vld [tilespmem:s9+$0x320]  }
0x126: {  	s14 =	sadd.s32 $0xFFFFFFFE, s31;
	s28 =	spop (v2sf);
	v48 =	vld [tilespmem:s9+$0x330]  }
0x127: {  	p0 =	slt.s32 s14, s30;
	v49 =	vld [tilespmem:s9+$0x340];
	s12 =	spop (v2sf)  }
0x128: {  	(v2sf) =	vpush v2, $0xE;
	v50 =	vld [tilespmem:s9+$0x350];
	s12 =	simm.s32 @p0 $0x0  }
0x129: {  	(v2sf) =	vpush v1, $0xE;
	s1 =	sshll.u32 s28, $0x9;
	v51 =	vld [tilespmem:s9+$0x360];
	v9 =	vmul.f32 s12, v9  }
0x12a: {  	v52 =	vld [tilespmem:s9+$0x370];
	s14 =	sshra.s32 s1, $0x2;
	v11 =	vmul.f32 s12, v11  }
0x12b: {  	v13 =	vmul.f32 s12, v13;
	[tilespmem:s14+$0xA400] =	vst.add.f32.msk $0xffff, v9  }
0x12c: {  	v53 =	vmul.f32 s12, v40;
	[tilespmem:s14+$0xA410] =	vst.add.f32.msk $0xffff, v11  }
0x12d: {  	v54 =	vmul.f32 s12, v41;
	[tilespmem:s14+$0xA420] =	vst.add.f32.msk $0xffff, v13  }
0x12e: {  	v55 =	vmul.f32 s12, v42;
	[tilespmem:s14+$0xA430] =	vst.add.f32.msk $0xffff, v53  }
0x12f: {  	v56 =	vmul.f32 s12, v43;
	[tilespmem:s14+$0xA440] =	vst.add.f32.msk $0xffff, v54  }
0x130: {  	v57 =	vmul.f32 s12, v44;
	[tilespmem:s14+$0xA450] =	vst.add.f32.msk $0xffff, v55  }
0x131: {  	(v2sf) =	vpush v2, $0xF;
	s13 =	sshll.u32 s28, $0x6;
	[tilespmem:s14+$0xA460] =	vst.add.f32.msk $0xffff, v56  }
0x132: {  	(v2sf) =	vpush v1, $0xF;
	v2 =	vmov s12;
	[tilespmem:s14+$0xA470] =	vst.add.f32.msk $0xffff, v57;
	s14 =	sshra.s32 s13, $0x2  }
0x133: {  	[tilespmem:s14+$0x1A400] =	vst.add.f32.msk $0xffff, v2  }
0x134: {  	v1 =	vld [tilespmem:s9+$0x380]  }
0x135: {  	v2 =	vld [tilespmem:s9+$0x390]  }
0x136: {  	v9 =	vld [tilespmem:s9+$0x3A0]  }
0x137: {  	s28 =	sadd.s32 $0xFFFFFFFF, s31;
	s12 =	spop (v2sf);
	v11 =	vld [tilespmem:s9+$0x3B0]  }
0x138: {  	p0 =	slt.s32 s28, s30;
	s14 =	spop (v2sf);
	v13 =	vld [tilespmem:s9+$0x3C0]  }
0x139: {  	s14 =	simm.s32 @p0 $0x0;
	v58 =	vld [tilespmem:s9+$0x3D0]  }
0x13a: {  	s1 =	sshll.u32 s12, $0x9;
	v59 =	vld [tilespmem:s9+$0x3E0];
	v3 =	vmul.f32 s14, v3  }
0x13b: {  	s13 =	sshra.s32 s1, $0x2;
	v60 =	vld [tilespmem:s9+$0x3F0];
	v4 =	vmul.f32 s14, v4  }
0x13c: {  	v5 =	vmul.f32 s14, v5;
	[tilespmem:s13+$0xA400] =	vst.add.f32.msk $0xffff, v3  }
0x13d: {  	v61 =	vmul.f32 s14, v49;
	[tilespmem:s13+$0xA410] =	vst.add.f32.msk $0xffff, v4  }
0x13e: {  	v62 =	vmul.f32 s14, v50;
	[tilespmem:s13+$0xA420] =	vst.add.f32.msk $0xffff, v5  }
0x13f: {  	v3 =	vmul.f32 s14, v48;
	[tilespmem:s13+$0xA440] =	vst.add.f32.msk $0xffff, v61  }
0x140: {  	v63 =	vmul.f32 s14, v52;
	s28 =	spop (v2sf);
	[tilespmem:s13+$0xA450] =	vst.add.f32.msk $0xffff, v62  }
0x141: {  	p0 =	slt.s32 s31, s30;
	[tilespmem:s13+$0xA430] =	vst.add.f32.msk $0xffff, v3;
	v3 =	vmul.f32 s14, v51;
	s1 =	spop (v2sf)  }
0x142: {  	s12 =	sshll.u32 s12, $0x6;
	[tilespmem:s13+$0xA470] =	vst.add.f32.msk $0xffff, v63;
	s1 =	simm.s32 @p0 $0x0  }
0x143: {  	s12 =	sshra.s32 s12, $0x2;
	[tilespmem:s13+$0xA460] =	vst.add.f32.msk $0xffff, v3;
	v3 =	vmov s14;
	s14 =	sshll.u32 s28, $0x9;
	v1 =	vmul.f32 s1, v1  }
0x144: {  	[tilespmem:s12+$0x1A400] =	vst.add.f32.msk $0xffff, v3;
	s13 =	sshra.s32 s14, $0x2;
	v2 =	vmul.f32 s1, v2  }
0x145: {  	v3 =	vmul.f32 s1, v9;
	[tilespmem:s13+$0xA400] =	vst.add.f32.msk $0xffff, v1  }
0x146: {  	v1 =	vmul.f32 s1, v11;
	[tilespmem:s13+$0xA410] =	vst.add.f32.msk $0xffff, v2  }
0x147: {  	v2 =	vmul.f32 s1, v13;
	[tilespmem:s13+$0xA420] =	vst.add.f32.msk $0xffff, v3  }
0x148: {  	p0 =	sne.s32 s31, $0x9F;
	v3 =	vmul.f32 s1, v58;
	[tilespmem:s13+$0xA430] =	vst.add.f32.msk $0xffff, v1  }
.Ltmp1:
0x149: {  	v1 =	vmul.f32 s1, v59;
	[tilespmem:s13+$0xA440] =	vst.add.f32.msk $0xffff, v2;
	(pc) =	sbr.rel @p0 .LBB2_5-.Ltmp1, $4  }
0x14a: {  	v2 =	vmul.f32 s1, v60;
	[tilespmem:s13+$0xA450] =	vst.add.f32.msk $0xffff, v3  }
0x14b: {  	s14 =	sshll.u32 s28, $0x6;
	[tilespmem:s13+$0xA460] =	vst.add.f32.msk $0xffff, v1  }
0x14c: {  	s7 =	sadd.s32 $0x10, s7;
	s28 =	sshra.s32 s14, $0x2;
	v1 =	vmov s1;
	[tilespmem:s13+$0xA470] =	vst.add.f32.msk $0xffff, v2  }
0x14d: {  	s8 =	sadd.s32 $0x10, s8;
	s9 =	sadd.s32 $0x800, s9;
	s31 =	sadd.s32 $0x10, s31;
	[tilespmem:s28+$0x1A400] =	vst.add.f32.msk $0xffff, v1  }
0x14e: {  	_ =	swait.ge [sflag:s23], $0x5000  }
0x14f: {  	s1 =	sshll.u32 s2, $0x1;
	[sflag:s23] =	ssyncset.done $0x0  }
0x150: {  	s1 =	smin.u32 s1, $0x11;
	[sflag:s23] =	ssyncadd.s32 $0xFFFFB000  }
0x151: {  	s1 =	smul.u32 $0xA0, s1;
	_ =	swait.ge [sflag:s24], $0xA0  }
0x152: {  	[sflag:s24] =	ssyncset.done $0x0  }
0x153: {  	s1 =	sadd.s32 s1, s11;
	[sflag:s24] =	ssyncadd.s32 $0xFFFFFF60  }
0x154: {  	s1 =	smin.u32 s1, $0x18600;
	_ =	swait.ge [sflag:s25], $0xA0  }
0x155: {  	s26 =	ssub.s32 s29, s26;
	s7 =	sshll.u32 s1, $0x4;
	[sflag:s25] =	ssyncset.done $0x0  }
0x156: {  	s1 =	sshrl.u32 s1, $0x3;
	s7 =	sadd.s32 s0, s7;
	[sflag:s25] =	ssyncadd.s32 $0xFFFFFF60  }
0x157: {  	[tilespmem:s4], [sflag:$0x1] =	stream.linear.gather [hbm4b:s7+s4], $0x5000, $0x38;
	[tilespmem:$0x1C400] =	vst v63  }
0x158: {  	s29 =	simm.s32 $0xF;
	s8 =	simm.s32 $0xA100;
	s31 =	sadd.s32 s3, s1  }
0x159: {  	[tilespmem:s15], [sflag:$0x3] =	stream.linear.gather [hbm4b:s31+s4], $0xA0, $0x38;
	[tilespmem:$0x1C400] =	vst v63  }
0x15a: {  	s9 =	simm.s32 $0x5400;
	s1 =	sadd.s32 s5, s1;
	s7 =	simm.s32 $0xA300  }
0x15b: {  	[tilespmem:s16], [sflag:$0x5] =	stream.linear.gather [hbm4b:s1+s4], $0xA0, $0x38;
	[tilespmem:$0x1C400] =	vst v63  }
.LBB2_7:
0x15c: {  	v2 =	vld [tilespmem:s8+$0x0]  }
0x15d: {  	v1 =	vld [tilespmem:s7+$0x0];
	_ =	sdelay $0x3  }
0x15e: {  	(v2sf) =	vpush v2, $0x0  }
0x15f: {  	(v2sf) =	vpush v1, $0x0;
	_ =	sdelay $0x2  }
0x160: {  	v3 =	vld [tilespmem:s9+$0xFFFFFC00]  }
0x161: {  	v4 =	vld [tilespmem:s9+$0xFFFFFC10]  }
0x162: {  	v5 =	vld [tilespmem:s9+$0xFFFFFC20]  }
0x163: {  	v6 =	vld [tilespmem:s9+$0xFFFFFC30]  }
0x164: {  	v7 =	vld [tilespmem:s9+$0xFFFFFC40]  }
0x165: {  	v8 =	vld [tilespmem:s9+$0xFFFFFC50]  }
0x166: {  	v9 =	vld [tilespmem:s9+$0xFFFFFC60]  }
0x167: {  	v10 =	vld [tilespmem:s9+$0xFFFFFC70]  }
0x168: {  	v11 =	vld [tilespmem:s9+$0xFFFFFC80]  }
0x169: {  	v12 =	vld [tilespmem:s9+$0xFFFFFC90]  }
0x16a: {  	v13 =	vld [tilespmem:s9+$0xFFFFFCA0]  }
0x16b: {  	s1 =	sadd.s32 $0xFFFFFFF1, s29;
	v14 =	vld [tilespmem:s9+$0xFFFFFCB0];
	s12 =	spop (v2sf)  }
0x16c: {  	v15 =	vld [tilespmem:s9+$0xFFFFFCC0];
	p0 =	slt.s32 s1, s26;
	s1 =	spop (v2sf)  }
0x16d: {  	v16 =	vld [tilespmem:s9+$0xFFFFFCD0];
	(v2sf) =	vpush v2, $0x1;
	s1 =	simm.s32 @p0 $0x0  }
0x16e: {  	v17 =	vld [tilespmem:s9+$0xFFFFFCE0];
	(v2sf) =	vpush v1, $0x1;
	s13 =	sshll.u32 s12, $0x9;
	v3 =	vmul.f32 s1, v3  }
0x16f: {  	v18 =	vld [tilespmem:s9+$0xFFFFFCF0];
	s13 =	sshra.s32 s13, $0x2;
	v4 =	vmul.f32 s1, v4  }
0x170: {  	v5 =	vmul.f32 s1, v5;
	[tilespmem:s13+$0xA400] =	vst.add.f32.msk $0xffff, v3  }
0x171: {  	v19 =	vmul.f32 s1, v7;
	[tilespmem:s13+$0xA410] =	vst.add.f32.msk $0xffff, v4  }
0x172: {  	v20 =	vmul.f32 s1, v8;
	[tilespmem:s13+$0xA420] =	vst.add.f32.msk $0xffff, v5  }
0x173: {  	v3 =	vmul.f32 s1, v6;
	[tilespmem:s13+$0xA440] =	vst.add.f32.msk $0xffff, v19  }
0x174: {  	v21 =	vmul.f32 s1, v10;
	[tilespmem:s13+$0xA450] =	vst.add.f32.msk $0xffff, v20  }
0x175: {  	[tilespmem:s13+$0xA430] =	vst.add.f32.msk $0xffff, v3;
	v3 =	vmul.f32 s1, v9  }
0x176: {  	s12 =	sshll.u32 s12, $0x6;
	[tilespmem:s13+$0xA470] =	vst.add.f32.msk $0xffff, v21  }
0x177: {  	s14 =	sshra.s32 s12, $0x2;
	[tilespmem:s13+$0xA460] =	vst.add.f32.msk $0xffff, v3;
	v3 =	vmov s1  }
0x178: {  	[tilespmem:s14+$0x1A400] =	vst.add.f32.msk $0xffff, v3  }
0x179: {  	v3 =	vld [tilespmem:s9+$0xFFFFFD00]  }
0x17a: {  	v4 =	vld [tilespmem:s9+$0xFFFFFD10]  }
0x17b: {  	v5 =	vld [tilespmem:s9+$0xFFFFFD20]  }
0x17c: {  	s28 =	sadd.s32 $0xFFFFFFF2, s29;
	s30 =	spop (v2sf);
	v22 =	vld [tilespmem:s9+$0xFFFFFD30]  }
0x17d: {  	p0 =	slt.s32 s28, s26;
	s1 =	spop (v2sf);
	v23 =	vld [tilespmem:s9+$0xFFFFFD40]  }
0x17e: {  	(v2sf) =	vpush v2, $0x2;
	s1 =	simm.s32 @p0 $0x0;
	v24 =	vld [tilespmem:s9+$0xFFFFFD50]  }
0x17f: {  	s31 =	sshll.u32 s30, $0x9;
	(v2sf) =	vpush v1, $0x2;
	v25 =	vmul.f32 s1, v11;
	v26 =	vld [tilespmem:s9+$0xFFFFFD60]  }
0x180: {  	s13 =	sshra.s32 s31, $0x2;
	v27 =	vmul.f32 s1, v12;
	v28 =	vld [tilespmem:s9+$0xFFFFFD70]  }
0x181: {  	v13 =	vmul.f32 s1, v13;
	[tilespmem:s13+$0xA400] =	vst.add.f32.msk $0xffff, v25  }
0x182: {  	v29 =	vmul.f32 s1, v14;
	[tilespmem:s13+$0xA410] =	vst.add.f32.msk $0xffff, v27  }
0x183: {  	v30 =	vmul.f32 s1, v15;
	[tilespmem:s13+$0xA420] =	vst.add.f32.msk $0xffff, v13  }
0x184: {  	v31 =	vmul.f32 s1, v16;
	[tilespmem:s13+$0xA430] =	vst.add.f32.msk $0xffff, v29  }
0x185: {  	v32 =	vmul.f32 s1, v17;
	[tilespmem:s13+$0xA440] =	vst.add.f32.msk $0xffff, v30  }
0x186: {  	v33 =	vmul.f32 s1, v18;
	[tilespmem:s13+$0xA450] =	vst.add.f32.msk $0xffff, v31  }
0x187: {  	s12 =	sshll.u32 s30, $0x6;
	[tilespmem:s13+$0xA460] =	vst.add.f32.msk $0xffff, v32  }
0x188: {  	s14 =	sshra.s32 s12, $0x2;
	v34 =	vmov s1;
	[tilespmem:s13+$0xA470] =	vst.add.f32.msk $0xffff, v33  }
0x189: {  	[tilespmem:s14+$0x1A400] =	vst.add.f32.msk $0xffff, v34  }
0x18a: {  	v9 =	vld [tilespmem:s9+$0xFFFFFD80]  }
0x18b: {  	v11 =	vld [tilespmem:s9+$0xFFFFFD90]  }
0x18c: {  	v13 =	vld [tilespmem:s9+$0xFFFFFDA0]  }
0x18d: {  	s28 =	sadd.s32 $0xFFFFFFF3, s29;
	v35 =	vld [tilespmem:s9+$0xFFFFFDB0];
	s30 =	spop (v2sf)  }
0x18e: {  	p0 =	slt.s32 s28, s26;
	v36 =	vld [tilespmem:s9+$0xFFFFFDC0];
	s1 =	spop (v2sf)  }
0x18f: {  	v37 =	vld [tilespmem:s9+$0xFFFFFDD0];
	(v2sf) =	vpush v2, $0x3;
	s1 =	simm.s32 @p0 $0x0  }
0x190: {  	v38 =	vld [tilespmem:s9+$0xFFFFFDE0];
	s31 =	sshll.u32 s30, $0x9;
	(v2sf) =	vpush v1, $0x3;
	v3 =	vmul.f32 s1, v3  }
0x191: {  	v39 =	vld [tilespmem:s9+$0xFFFFFDF0];
	s13 =	sshra.s32 s31, $0x2;
	v4 =	vmul.f32 s1, v4  }
0x192: {  	v5 =	vmul.f32 s1, v5;
	[tilespmem:s13+$0xA400] =	vst.add.f32.msk $0xffff, v3  }
0x193: {  	v40 =	vmul.f32 s1, v23;
	[tilespmem:s13+$0xA410] =	vst.add.f32.msk $0xffff, v4  }
0x194: {  	v41 =	vmul.f32 s1, v24;
	[tilespmem:s13+$0xA420] =	vst.add.f32.msk $0xffff, v5  }
0x195: {  	v3 =	vmul.f32 s1, v22;
	[tilespmem:s13+$0xA440] =	vst.add.f32.msk $0xffff, v40  }
0x196: {  	v42 =	vmul.f32 s1, v28;
	[tilespmem:s13+$0xA450] =	vst.add.f32.msk $0xffff, v41  }
0x197: {  	[tilespmem:s13+$0xA430] =	vst.add.f32.msk $0xffff, v3;
	v3 =	vmul.f32 s1, v26  }
0x198: {  	s12 =	sshll.u32 s30, $0x6;
	[tilespmem:s13+$0xA470] =	vst.add.f32.msk $0xffff, v42  }
0x199: {  	s14 =	sshra.s32 s12, $0x2;
	[tilespmem:s13+$0xA460] =	vst.add.f32.msk $0xffff, v3;
	v3 =	vmov s1  }
0x19a: {  	[tilespmem:s14+$0x1A400] =	vst.add.f32.msk $0xffff, v3  }
0x19b: {  	v3 =	vld [tilespmem:s9+$0xFFFFFE00]  }
0x19c: {  	v4 =	vld [tilespmem:s9+$0xFFFFFE10]  }
0x19d: {  	v5 =	vld [tilespmem:s9+$0xFFFFFE20]  }
0x19e: {  	s28 =	sadd.s32 $0xFFFFFFF4, s29;
	s30 =	spop (v2sf);
	v43 =	vld [tilespmem:s9+$0xFFFFFE30]  }
0x19f: {  	p0 =	slt.s32 s28, s26;
	v44 =	vld [tilespmem:s9+$0xFFFFFE40];
	s1 =	spop (v2sf)  }
0x1a0: {  	(v2sf) =	vpush v2, $0x4;
	v45 =	vld [tilespmem:s9+$0xFFFFFE50];
	s1 =	simm.s32 @p0 $0x0  }
0x1a1: {  	s31 =	sshll.u32 s30, $0x9;
	v46 =	vld [tilespmem:s9+$0xFFFFFE60];
	(v2sf) =	vpush v1, $0x4;
	v9 =	vmul.f32 s1, v9  }
0x1a2: {  	v47 =	vld [tilespmem:s9+$0xFFFFFE70];
	s13 =	sshra.s32 s31, $0x2;
	v11 =	vmul.f32 s1, v11  }
0x1a3: {  	v13 =	vmul.f32 s1, v13;
	[tilespmem:s13+$0xA400] =	vst.add.f32.msk $0xffff, v9  }
0x1a4: {  	v48 =	vmul.f32 s1, v35;
	[tilespmem:s13+$0xA410] =	vst.add.f32.msk $0xffff, v11  }
0x1a5: {  	v49 =	vmul.f32 s1, v36;
	[tilespmem:s13+$0xA420] =	vst.add.f32.msk $0xffff, v13  }
0x1a6: {  	v50 =	vmul.f32 s1, v37;
	[tilespmem:s13+$0xA430] =	vst.add.f32.msk $0xffff, v48  }
0x1a7: {  	v51 =	vmul.f32 s1, v38;
	[tilespmem:s13+$0xA440] =	vst.add.f32.msk $0xffff, v49  }
0x1a8: {  	v52 =	vmul.f32 s1, v39;
	[tilespmem:s13+$0xA450] =	vst.add.f32.msk $0xffff, v50  }
0x1a9: {  	s12 =	sshll.u32 s30, $0x6;
	[tilespmem:s13+$0xA460] =	vst.add.f32.msk $0xffff, v51  }
0x1aa: {  	s14 =	sshra.s32 s12, $0x2;
	v53 =	vmov s1;
	[tilespmem:s13+$0xA470] =	vst.add.f32.msk $0xffff, v52  }
0x1ab: {  	[tilespmem:s14+$0x1A400] =	vst.add.f32.msk $0xffff, v53  }
0x1ac: {  	v9 =	vld [tilespmem:s9+$0xFFFFFE80]  }
0x1ad: {  	v11 =	vld [tilespmem:s9+$0xFFFFFE90]  }
0x1ae: {  	v13 =	vld [tilespmem:s9+$0xFFFFFEA0]  }
0x1af: {  	s28 =	sadd.s32 $0xFFFFFFF5, s29;
	v54 =	vld [tilespmem:s9+$0xFFFFFEB0];
	s30 =	spop (v2sf)  }
0x1b0: {  	p0 =	slt.s32 s28, s26;
	v55 =	vld [tilespmem:s9+$0xFFFFFEC0];
	s1 =	spop (v2sf)  }
0x1b1: {  	v56 =	vld [tilespmem:s9+$0xFFFFFED0];
	(v2sf) =	vpush v2, $0x5;
	s1 =	simm.s32 @p0 $0x0  }
0x1b2: {  	v57 =	vld [tilespmem:s9+$0xFFFFFEE0];
	s31 =	sshll.u32 s30, $0x9;
	(v2sf) =	vpush v1, $0x5;
	v3 =	vmul.f32 s1, v3  }
0x1b3: {  	v58 =	vld [tilespmem:s9+$0xFFFFFEF0];
	s13 =	sshra.s32 s31, $0x2;
	v4 =	vmul.f32 s1, v4  }
0x1b4: {  	v5 =	vmul.f32 s1, v5;
	[tilespmem:s13+$0xA400] =	vst.add.f32.msk $0xffff, v3  }
0x1b5: {  	v59 =	vmul.f32 s1, v44;
	[tilespmem:s13+$0xA410] =	vst.add.f32.msk $0xffff, v4  }
0x1b6: {  	v60 =	vmul.f32 s1, v45;
	[tilespmem:s13+$0xA420] =	vst.add.f32.msk $0xffff, v5  }
0x1b7: {  	v3 =	vmul.f32 s1, v43;
	[tilespmem:s13+$0xA440] =	vst.add.f32.msk $0xffff, v59  }
0x1b8: {  	v61 =	vmul.f32 s1, v47;
	[tilespmem:s13+$0xA450] =	vst.add.f32.msk $0xffff, v60  }
0x1b9: {  	[tilespmem:s13+$0xA430] =	vst.add.f32.msk $0xffff, v3;
	v3 =	vmul.f32 s1, v46  }
0x1ba: {  	s12 =	sshll.u32 s30, $0x6;
	[tilespmem:s13+$0xA470] =	vst.add.f32.msk $0xffff, v61  }
0x1bb: {  	s14 =	sshra.s32 s12, $0x2;
	[tilespmem:s13+$0xA460] =	vst.add.f32.msk $0xffff, v3;
	v3 =	vmov s1  }
0x1bc: {  	[tilespmem:s14+$0x1A400] =	vst.add.f32.msk $0xffff, v3  }
0x1bd: {  	v3 =	vld [tilespmem:s9+$0xFFFFFF00]  }
0x1be: {  	v4 =	vld [tilespmem:s9+$0xFFFFFF10]  }
0x1bf: {  	v5 =	vld [tilespmem:s9+$0xFFFFFF20]  }
0x1c0: {  	s28 =	sadd.s32 $0xFFFFFFF6, s29;
	s30 =	spop (v2sf);
	v62 =	vld [tilespmem:s9+$0xFFFFFF30]  }
0x1c1: {  	p0 =	slt.s32 s28, s26;
	v63 =	vld [tilespmem:s9+$0xFFFFFF40];
	s1 =	spop (v2sf)  }
0x1c2: {  	(v2sf) =	vpush v2, $0x6;
	v21 =	vld [tilespmem:s9+$0xFFFFFF50];
	s1 =	simm.s32 @p0 $0x0  }
0x1c3: {  	s31 =	sshll.u32 s30, $0x9;
	v22 =	vld [tilespmem:s9+$0xFFFFFF60];
	(v2sf) =	vpush v1, $0x6;
	v9 =	vmul.f32 s1, v9  }
0x1c4: {  	v23 =	vld [tilespmem:s9+$0xFFFFFF70];
	s13 =	sshra.s32 s31, $0x2;
	v11 =	vmul.f32 s1, v11  }
0x1c5: {  	v13 =	vmul.f32 s1, v13;
	[tilespmem:s13+$0xA400] =	vst.add.f32.msk $0xffff, v9  }
0x1c6: {  	v24 =	vmul.f32 s1, v54;
	[tilespmem:s13+$0xA410] =	vst.add.f32.msk $0xffff, v11  }
0x1c7: {  	v25 =	vmul.f32 s1, v55;
	[tilespmem:s13+$0xA420] =	vst.add.f32.msk $0xffff, v13  }
0x1c8: {  	v26 =	vmul.f32 s1, v56;
	[tilespmem:s13+$0xA430] =	vst.add.f32.msk $0xffff, v24  }
0x1c9: {  	v27 =	vmul.f32 s1, v57;
	[tilespmem:s13+$0xA440] =	vst.add.f32.msk $0xffff, v25  }
0x1ca: {  	v28 =	vmul.f32 s1, v58;
	[tilespmem:s13+$0xA450] =	vst.add.f32.msk $0xffff, v26  }
0x1cb: {  	s12 =	sshll.u32 s30, $0x6;
	[tilespmem:s13+$0xA460] =	vst.add.f32.msk $0xffff, v27  }
0x1cc: {  	s14 =	sshra.s32 s12, $0x2;
	v29 =	vmov s1;
	[tilespmem:s13+$0xA470] =	vst.add.f32.msk $0xffff, v28  }
0x1cd: {  	[tilespmem:s14+$0x1A400] =	vst.add.f32.msk $0xffff, v29  }
0x1ce: {  	v9 =	vld [tilespmem:s9+$0xFFFFFF80]  }
0x1cf: {  	v11 =	vld [tilespmem:s9+$0xFFFFFF90]  }
0x1d0: {  	v13 =	vld [tilespmem:s9+$0xFFFFFFA0]  }
0x1d1: {  	s28 =	sadd.s32 $0xFFFFFFF7, s29;
	v30 =	vld [tilespmem:s9+$0xFFFFFFB0];
	s30 =	spop (v2sf)  }
0x1d2: {  	p0 =	slt.s32 s28, s26;
	v31 =	vld [tilespmem:s9+$0xFFFFFFC0];
	s1 =	spop (v2sf)  }
0x1d3: {  	v32 =	vld [tilespmem:s9+$0xFFFFFFD0];
	(v2sf) =	vpush v2, $0x7;
	s1 =	simm.s32 @p0 $0x0  }
0x1d4: {  	v33 =	vld [tilespmem:s9+$0xFFFFFFE0];
	s31 =	sshll.u32 s30, $0x9;
	(v2sf) =	vpush v1, $0x7;
	v3 =	vmul.f32 s1, v3  }
0x1d5: {  	v34 =	vld [tilespmem:s9+$0xFFFFFFF0];
	s13 =	sshra.s32 s31, $0x2;
	v4 =	vmul.f32 s1, v4  }
0x1d6: {  	v5 =	vmul.f32 s1, v5;
	[tilespmem:s13+$0xA400] =	vst.add.f32.msk $0xffff, v3  }
0x1d7: {  	v35 =	vmul.f32 s1, v63;
	[tilespmem:s13+$0xA410] =	vst.add.f32.msk $0xffff, v4  }
0x1d8: {  	v36 =	vmul.f32 s1, v21;
	[tilespmem:s13+$0xA420] =	vst.add.f32.msk $0xffff, v5  }
0x1d9: {  	v3 =	vmul.f32 s1, v62;
	[tilespmem:s13+$0xA440] =	vst.add.f32.msk $0xffff, v35  }
0x1da: {  	v37 =	vmul.f32 s1, v23;
	[tilespmem:s13+$0xA450] =	vst.add.f32.msk $0xffff, v36  }
0x1db: {  	[tilespmem:s13+$0xA430] =	vst.add.f32.msk $0xffff, v3;
	v3 =	vmul.f32 s1, v22  }
0x1dc: {  	s12 =	sshll.u32 s30, $0x6;
	[tilespmem:s13+$0xA470] =	vst.add.f32.msk $0xffff, v37  }
0x1dd: {  	s14 =	sshra.s32 s12, $0x2;
	[tilespmem:s13+$0xA460] =	vst.add.f32.msk $0xffff, v3;
	v3 =	vmov s1  }
0x1de: {  	[tilespmem:s14+$0x1A400] =	vst.add.f32.msk $0xffff, v3  }
0x1df: {  	v3 =	vld [tilespmem:s9+$0x0]  }
0x1e0: {  	v4 =	vld [tilespmem:s9+$0x10]  }
0x1e1: {  	v5 =	vld [tilespmem:s9+$0x20]  }
0x1e2: {  	s28 =	sadd.s32 $0xFFFFFFF8, s29;
	s30 =	spop (v2sf);
	v38 =	vld [tilespmem:s9+$0x30]  }
0x1e3: {  	p0 =	slt.s32 s28, s26;
	v39 =	vld [tilespmem:s9+$0x40];
	s1 =	spop (v2sf)  }
0x1e4: {  	(v2sf) =	vpush v2, $0x8;
	v40 =	vld [tilespmem:s9+$0x50];
	s1 =	simm.s32 @p0 $0x0  }
0x1e5: {  	s31 =	sshll.u32 s30, $0x9;
	v41 =	vld [tilespmem:s9+$0x60];
	(v2sf) =	vpush v1, $0x8;
	v9 =	vmul.f32 s1, v9  }
0x1e6: {  	v42 =	vld [tilespmem:s9+$0x70];
	s13 =	sshra.s32 s31, $0x2;
	v11 =	vmul.f32 s1, v11  }
0x1e7: {  	v13 =	vmul.f32 s1, v13;
	[tilespmem:s13+$0xA400] =	vst.add.f32.msk $0xffff, v9  }
0x1e8: {  	v43 =	vmul.f32 s1, v30;
	[tilespmem:s13+$0xA410] =	vst.add.f32.msk $0xffff, v11  }
0x1e9: {  	v44 =	vmul.f32 s1, v31;
	[tilespmem:s13+$0xA420] =	vst.add.f32.msk $0xffff, v13  }
0x1ea: {  	v45 =	vmul.f32 s1, v32;
	[tilespmem:s13+$0xA430] =	vst.add.f32.msk $0xffff, v43  }
0x1eb: {  	v46 =	vmul.f32 s1, v33;
	[tilespmem:s13+$0xA440] =	vst.add.f32.msk $0xffff, v44  }
0x1ec: {  	v47 =	vmul.f32 s1, v34;
	[tilespmem:s13+$0xA450] =	vst.add.f32.msk $0xffff, v45  }
0x1ed: {  	s12 =	sshll.u32 s30, $0x6;
	[tilespmem:s13+$0xA460] =	vst.add.f32.msk $0xffff, v46  }
0x1ee: {  	s14 =	sshra.s32 s12, $0x2;
	v48 =	vmov s1;
	[tilespmem:s13+$0xA470] =	vst.add.f32.msk $0xffff, v47  }
0x1ef: {  	[tilespmem:s14+$0x1A400] =	vst.add.f32.msk $0xffff, v48  }
0x1f0: {  	v9 =	vld [tilespmem:s9+$0x80]  }
0x1f1: {  	v11 =	vld [tilespmem:s9+$0x90]  }
0x1f2: {  	v13 =	vld [tilespmem:s9+$0xA0]  }
0x1f3: {  	s28 =	sadd.s32 $0xFFFFFFF9, s29;
	v49 =	vld [tilespmem:s9+$0xB0];
	s30 =	spop (v2sf)  }
0x1f4: {  	p0 =	slt.s32 s28, s26;
	v50 =	vld [tilespmem:s9+$0xC0];
	s1 =	spop (v2sf)  }
0x1f5: {  	v51 =	vld [tilespmem:s9+$0xD0];
	(v2sf) =	vpush v2, $0x9;
	s1 =	simm.s32 @p0 $0x0  }
0x1f6: {  	v52 =	vld [tilespmem:s9+$0xE0];
	s31 =	sshll.u32 s30, $0x9;
	(v2sf) =	vpush v1, $0x9;
	v3 =	vmul.f32 s1, v3  }
0x1f7: {  	v53 =	vld [tilespmem:s9+$0xF0];
	s13 =	sshra.s32 s31, $0x2;
	v4 =	vmul.f32 s1, v4  }
0x1f8: {  	v5 =	vmul.f32 s1, v5;
	[tilespmem:s13+$0xA400] =	vst.add.f32.msk $0xffff, v3  }
0x1f9: {  	v54 =	vmul.f32 s1, v39;
	[tilespmem:s13+$0xA410] =	vst.add.f32.msk $0xffff, v4  }
0x1fa: {  	v55 =	vmul.f32 s1, v40;
	[tilespmem:s13+$0xA420] =	vst.add.f32.msk $0xffff, v5  }
0x1fb: {  	v3 =	vmul.f32 s1, v38;
	[tilespmem:s13+$0xA440] =	vst.add.f32.msk $0xffff, v54  }
0x1fc: {  	v56 =	vmul.f32 s1, v42;
	[tilespmem:s13+$0xA450] =	vst.add.f32.msk $0xffff, v55  }
0x1fd: {  	[tilespmem:s13+$0xA430] =	vst.add.f32.msk $0xffff, v3;
	v3 =	vmul.f32 s1, v41  }
0x1fe: {  	s12 =	sshll.u32 s30, $0x6;
	[tilespmem:s13+$0xA470] =	vst.add.f32.msk $0xffff, v56  }
0x1ff: {  	s14 =	sshra.s32 s12, $0x2;
	[tilespmem:s13+$0xA460] =	vst.add.f32.msk $0xffff, v3;
	v3 =	vmov s1  }
0x200: {  	[tilespmem:s14+$0x1A400] =	vst.add.f32.msk $0xffff, v3  }
0x201: {  	v3 =	vld [tilespmem:s9+$0x100]  }
0x202: {  	v4 =	vld [tilespmem:s9+$0x110]  }
0x203: {  	v5 =	vld [tilespmem:s9+$0x120]  }
0x204: {  	s28 =	sadd.s32 $0xFFFFFFFA, s29;
	s30 =	spop (v2sf);
	v57 =	vld [tilespmem:s9+$0x130]  }
0x205: {  	p0 =	slt.s32 s28, s26;
	v58 =	vld [tilespmem:s9+$0x140];
	s1 =	spop (v2sf)  }
0x206: {  	(v2sf) =	vpush v2, $0xA;
	v59 =	vld [tilespmem:s9+$0x150];
	s1 =	simm.s32 @p0 $0x0  }
0x207: {  	s31 =	sshll.u32 s30, $0x9;
	v60 =	vld [tilespmem:s9+$0x160];
	(v2sf) =	vpush v1, $0xA;
	v9 =	vmul.f32 s1, v9  }
0x208: {  	v61 =	vld [tilespmem:s9+$0x170];
	s13 =	sshra.s32 s31, $0x2;
	v11 =	vmul.f32 s1, v11  }
0x209: {  	v13 =	vmul.f32 s1, v13;
	[tilespmem:s13+$0xA400] =	vst.add.f32.msk $0xffff, v9  }
0x20a: {  	v62 =	vmul.f32 s1, v49;
	[tilespmem:s13+$0xA410] =	vst.add.f32.msk $0xffff, v11  }
0x20b: {  	v63 =	vmul.f32 s1, v50;
	[tilespmem:s13+$0xA420] =	vst.add.f32.msk $0xffff, v13  }
0x20c: {  	v16 =	vmul.f32 s1, v51;
	[tilespmem:s13+$0xA430] =	vst.add.f32.msk $0xffff, v62  }
0x20d: {  	v17 =	vmul.f32 s1, v52;
	[tilespmem:s13+$0xA440] =	vst.add.f32.msk $0xffff, v63  }
0x20e: {  	v19 =	vmul.f32 s1, v53;
	[tilespmem:s13+$0xA450] =	vst.add.f32.msk $0xffff, v16  }
0x20f: {  	s12 =	sshll.u32 s30, $0x6;
	[tilespmem:s13+$0xA460] =	vst.add.f32.msk $0xffff, v17  }
0x210: {  	s14 =	sshra.s32 s12, $0x2;
	v20 =	vmov s1;
	[tilespmem:s13+$0xA470] =	vst.add.f32.msk $0xffff, v19  }
0x211: {  	[tilespmem:s14+$0x1A400] =	vst.add.f32.msk $0xffff, v20  }
0x212: {  	v9 =	vld [tilespmem:s9+$0x180]  }
0x213: {  	v11 =	vld [tilespmem:s9+$0x190]  }
0x214: {  	v13 =	vld [tilespmem:s9+$0x1A0]  }
0x215: {  	s28 =	sadd.s32 $0xFFFFFFFB, s29;
	v21 =	vld [tilespmem:s9+$0x1B0];
	s30 =	spop (v2sf)  }
0x216: {  	p0 =	slt.s32 s28, s26;
	v22 =	vld [tilespmem:s9+$0x1C0];
	s1 =	spop (v2sf)  }
0x217: {  	v23 =	vld [tilespmem:s9+$0x1D0];
	(v2sf) =	vpush v2, $0xB;
	s1 =	simm.s32 @p0 $0x0  }
0x218: {  	v24 =	vld [tilespmem:s9+$0x1E0];
	s31 =	sshll.u32 s30, $0x9;
	(v2sf) =	vpush v1, $0xB;
	v3 =	vmul.f32 s1, v3  }
0x219: {  	v25 =	vld [tilespmem:s9+$0x1F0];
	s13 =	sshra.s32 s31, $0x2;
	v4 =	vmul.f32 s1, v4  }
0x21a: {  	v5 =	vmul.f32 s1, v5;
	[tilespmem:s13+$0xA400] =	vst.add.f32.msk $0xffff, v3  }
0x21b: {  	v26 =	vmul.f32 s1, v58;
	[tilespmem:s13+$0xA410] =	vst.add.f32.msk $0xffff, v4  }
0x21c: {  	v27 =	vmul.f32 s1, v59;
	[tilespmem:s13+$0xA420] =	vst.add.f32.msk $0xffff, v5  }
0x21d: {  	v3 =	vmul.f32 s1, v57;
	[tilespmem:s13+$0xA440] =	vst.add.f32.msk $0xffff, v26  }
0x21e: {  	v28 =	vmul.f32 s1, v61;
	[tilespmem:s13+$0xA450] =	vst.add.f32.msk $0xffff, v27  }
0x21f: {  	[tilespmem:s13+$0xA430] =	vst.add.f32.msk $0xffff, v3;
	v3 =	vmul.f32 s1, v60  }
0x220: {  	s12 =	sshll.u32 s30, $0x6;
	[tilespmem:s13+$0xA470] =	vst.add.f32.msk $0xffff, v28  }
0x221: {  	s14 =	sshra.s32 s12, $0x2;
	[tilespmem:s13+$0xA460] =	vst.add.f32.msk $0xffff, v3;
	v3 =	vmov s1  }
0x222: {  	[tilespmem:s14+$0x1A400] =	vst.add.f32.msk $0xffff, v3  }
0x223: {  	v3 =	vld [tilespmem:s9+$0x200]  }
0x224: {  	v4 =	vld [tilespmem:s9+$0x210]  }
0x225: {  	v5 =	vld [tilespmem:s9+$0x220]  }
0x226: {  	s28 =	sadd.s32 $0xFFFFFFFC, s29;
	s30 =	spop (v2sf);
	v29 =	vld [tilespmem:s9+$0x230]  }
0x227: {  	p0 =	slt.s32 s28, s26;
	v30 =	vld [tilespmem:s9+$0x240];
	s1 =	spop (v2sf)  }
0x228: {  	(v2sf) =	vpush v2, $0xC;
	v31 =	vld [tilespmem:s9+$0x250];
	s1 =	simm.s32 @p0 $0x0  }
0x229: {  	s31 =	sshll.u32 s30, $0x9;
	v32 =	vld [tilespmem:s9+$0x260];
	(v2sf) =	vpush v1, $0xC;
	v9 =	vmul.f32 s1, v9  }
0x22a: {  	v33 =	vld [tilespmem:s9+$0x270];
	s13 =	sshra.s32 s31, $0x2;
	v11 =	vmul.f32 s1, v11  }
0x22b: {  	v13 =	vmul.f32 s1, v13;
	[tilespmem:s13+$0xA400] =	vst.add.f32.msk $0xffff, v9  }
0x22c: {  	v34 =	vmul.f32 s1, v21;
	[tilespmem:s13+$0xA410] =	vst.add.f32.msk $0xffff, v11  }
0x22d: {  	v35 =	vmul.f32 s1, v22;
	[tilespmem:s13+$0xA420] =	vst.add.f32.msk $0xffff, v13  }
0x22e: {  	v36 =	vmul.f32 s1, v23;
	[tilespmem:s13+$0xA430] =	vst.add.f32.msk $0xffff, v34  }
0x22f: {  	v37 =	vmul.f32 s1, v24;
	[tilespmem:s13+$0xA440] =	vst.add.f32.msk $0xffff, v35  }
0x230: {  	v38 =	vmul.f32 s1, v25;
	[tilespmem:s13+$0xA450] =	vst.add.f32.msk $0xffff, v36  }
0x231: {  	s12 =	sshll.u32 s30, $0x6;
	[tilespmem:s13+$0xA460] =	vst.add.f32.msk $0xffff, v37  }
0x232: {  	s14 =	sshra.s32 s12, $0x2;
	v39 =	vmov s1;
	[tilespmem:s13+$0xA470] =	vst.add.f32.msk $0xffff, v38  }
0x233: {  	[tilespmem:s14+$0x1A400] =	vst.add.f32.msk $0xffff, v39  }
0x234: {  	v9 =	vld [tilespmem:s9+$0x280]  }
0x235: {  	v11 =	vld [tilespmem:s9+$0x290]  }
0x236: {  	v13 =	vld [tilespmem:s9+$0x2A0]  }
0x237: {  	s28 =	sadd.s32 $0xFFFFFFFD, s29;
	v40 =	vld [tilespmem:s9+$0x2B0];
	s30 =	spop (v2sf)  }
0x238: {  	p0 =	slt.s32 s28, s26;
	v41 =	vld [tilespmem:s9+$0x2C0];
	s1 =	spop (v2sf)  }
0x239: {  	v42 =	vld [tilespmem:s9+$0x2D0];
	(v2sf) =	vpush v2, $0xD;
	s1 =	simm.s32 @p0 $0x0  }
0x23a: {  	v43 =	vld [tilespmem:s9+$0x2E0];
	s31 =	sshll.u32 s30, $0x9;
	(v2sf) =	vpush v1, $0xD;
	v3 =	vmul.f32 s1, v3  }
0x23b: {  	v44 =	vld [tilespmem:s9+$0x2F0];
	s13 =	sshra.s32 s31, $0x2;
	v4 =	vmul.f32 s1, v4  }
0x23c: {  	v5 =	vmul.f32 s1, v5;
	[tilespmem:s13+$0xA400] =	vst.add.f32.msk $0xffff, v3  }
0x23d: {  	v45 =	vmul.f32 s1, v30;
	[tilespmem:s13+$0xA410] =	vst.add.f32.msk $0xffff, v4  }
0x23e: {  	v46 =	vmul.f32 s1, v31;
	[tilespmem:s13+$0xA420] =	vst.add.f32.msk $0xffff, v5  }
0x23f: {  	v3 =	vmul.f32 s1, v29;
	[tilespmem:s13+$0xA440] =	vst.add.f32.msk $0xffff, v45  }
0x240: {  	v47 =	vmul.f32 s1, v33;
	[tilespmem:s13+$0xA450] =	vst.add.f32.msk $0xffff, v46  }
0x241: {  	[tilespmem:s13+$0xA430] =	vst.add.f32.msk $0xffff, v3;
	v3 =	vmul.f32 s1, v32  }
0x242: {  	s12 =	sshll.u32 s30, $0x6;
	[tilespmem:s13+$0xA470] =	vst.add.f32.msk $0xffff, v47  }
0x243: {  	s12 =	sshra.s32 s12, $0x2;
	[tilespmem:s13+$0xA460] =	vst.add.f32.msk $0xffff, v3;
	v3 =	vmov s1  }
0x244: {  	[tilespmem:s12+$0x1A400] =	vst.add.f32.msk $0xffff, v3  }
0x245: {  	v3 =	vld [tilespmem:s9+$0x300]  }
0x246: {  	v4 =	vld [tilespmem:s9+$0x310]  }
0x247: {  	v5 =	vld [tilespmem:s9+$0x320]  }
0x248: {  	s13 =	sadd.s32 $0xFFFFFFFE, s29;
	s14 =	spop (v2sf);
	v48 =	vld [tilespmem:s9+$0x330]  }
0x249: {  	p0 =	slt.s32 s13, s26;
	v49 =	vld [tilespmem:s9+$0x340];
	s1 =	spop (v2sf)  }
0x24a: {  	(v2sf) =	vpush v2, $0xE;
	v50 =	vld [tilespmem:s9+$0x350];
	s1 =	simm.s32 @p0 $0x0  }
0x24b: {  	(v2sf) =	vpush v1, $0xE;
	s28 =	sshll.u32 s14, $0x9;
	v51 =	vld [tilespmem:s9+$0x360];
	v9 =	vmul.f32 s1, v9  }
0x24c: {  	v52 =	vld [tilespmem:s9+$0x370];
	s13 =	sshra.s32 s28, $0x2;
	v11 =	vmul.f32 s1, v11  }
0x24d: {  	v13 =	vmul.f32 s1, v13;
	[tilespmem:s13+$0xA400] =	vst.add.f32.msk $0xffff, v9  }
0x24e: {  	v53 =	vmul.f32 s1, v40;
	[tilespmem:s13+$0xA410] =	vst.add.f32.msk $0xffff, v11  }
0x24f: {  	v54 =	vmul.f32 s1, v41;
	[tilespmem:s13+$0xA420] =	vst.add.f32.msk $0xffff, v13  }
0x250: {  	v55 =	vmul.f32 s1, v42;
	[tilespmem:s13+$0xA430] =	vst.add.f32.msk $0xffff, v53  }
0x251: {  	v56 =	vmul.f32 s1, v43;
	[tilespmem:s13+$0xA440] =	vst.add.f32.msk $0xffff, v54  }
0x252: {  	v57 =	vmul.f32 s1, v44;
	[tilespmem:s13+$0xA450] =	vst.add.f32.msk $0xffff, v55  }
0x253: {  	(v2sf) =	vpush v2, $0xF;
	s12 =	sshll.u32 s14, $0x6;
	[tilespmem:s13+$0xA460] =	vst.add.f32.msk $0xffff, v56  }
0x254: {  	s30 =	sshra.s32 s12, $0x2;
	(v2sf) =	vpush v1, $0xF;
	v2 =	vmov s1;
	[tilespmem:s13+$0xA470] =	vst.add.f32.msk $0xffff, v57  }
0x255: {  	[tilespmem:s30+$0x1A400] =	vst.add.f32.msk $0xffff, v2  }
0x256: {  	v1 =	vld [tilespmem:s9+$0x380]  }
0x257: {  	v2 =	vld [tilespmem:s9+$0x390]  }
0x258: {  	v9 =	vld [tilespmem:s9+$0x3A0]  }
0x259: {  	s28 =	sadd.s32 $0xFFFFFFFF, s29;
	s31 =	spop (v2sf);
	v11 =	vld [tilespmem:s9+$0x3B0]  }
0x25a: {  	p0 =	slt.s32 s28, s26;
	s13 =	spop (v2sf);
	v13 =	vld [tilespmem:s9+$0x3C0]  }
0x25b: {  	s13 =	simm.s32 @p0 $0x0;
	v58 =	vld [tilespmem:s9+$0x3D0]  }
0x25c: {  	s30 =	sshll.u32 s31, $0x9;
	v3 =	vmul.f32 s13, v3;
	v59 =	vld [tilespmem:s9+$0x3E0]  }
0x25d: {  	v4 =	vmul.f32 s13, v4;
	v60 =	vld [tilespmem:s9+$0x3F0];
	s12 =	sshra.s32 s30, $0x2  }
0x25e: {  	v5 =	vmul.f32 s13, v5;
	[tilespmem:s12+$0xA400] =	vst.add.f32.msk $0xffff, v3  }
0x25f: {  	v61 =	vmul.f32 s13, v49;
	[tilespmem:s12+$0xA410] =	vst.add.f32.msk $0xffff, v4  }
0x260: {  	v62 =	vmul.f32 s13, v50;
	[tilespmem:s12+$0xA420] =	vst.add.f32.msk $0xffff, v5  }
0x261: {  	v3 =	vmul.f32 s13, v48;
	[tilespmem:s12+$0xA440] =	vst.add.f32.msk $0xffff, v61  }
0x262: {  	v63 =	vmul.f32 s13, v52;
	s14 =	spop (v2sf);
	[tilespmem:s12+$0xA450] =	vst.add.f32.msk $0xffff, v62  }
0x263: {  	p0 =	slt.s32 s29, s26;
	[tilespmem:s12+$0xA430] =	vst.add.f32.msk $0xffff, v3;
	v3 =	vmul.f32 s13, v51;
	s28 =	spop (v2sf)  }
0x264: {  	s1 =	sshll.u32 s31, $0x6;
	[tilespmem:s12+$0xA470] =	vst.add.f32.msk $0xffff, v63;
	s28 =	simm.s32 @p0 $0x0  }
0x265: {  	s1 =	sshra.s32 s1, $0x2;
	s31 =	sshll.u32 s14, $0x9;
	[tilespmem:s12+$0xA460] =	vst.add.f32.msk $0xffff, v3;
	v3 =	vmov s13;
	v1 =	vmul.f32 s28, v1  }
0x266: {  	s13 =	sshra.s32 s31, $0x2;
	[tilespmem:s1+$0x1A400] =	vst.add.f32.msk $0xffff, v3;
	v2 =	vmul.f32 s28, v2  }
0x267: {  	v3 =	vmul.f32 s28, v9;
	[tilespmem:s13+$0xA400] =	vst.add.f32.msk $0xffff, v1  }
0x268: {  	v1 =	vmul.f32 s28, v11;
	[tilespmem:s13+$0xA410] =	vst.add.f32.msk $0xffff, v2  }
0x269: {  	v2 =	vmul.f32 s28, v13;
	[tilespmem:s13+$0xA420] =	vst.add.f32.msk $0xffff, v3  }
0x26a: {  	p0 =	sne.s32 s29, $0x9F;
	v3 =	vmul.f32 s28, v58;
	[tilespmem:s13+$0xA430] =	vst.add.f32.msk $0xffff, v1  }
.Ltmp2:
0x26b: {  	v1 =	vmul.f32 s28, v59;
	[tilespmem:s13+$0xA440] =	vst.add.f32.msk $0xffff, v2;
	(pc) =	sbr.rel @p0 .LBB2_7-.Ltmp2, $4  }
0x26c: {  	v2 =	vmul.f32 s28, v60;
	[tilespmem:s13+$0xA450] =	vst.add.f32.msk $0xffff, v3  }
0x26d: {  	s30 =	sshll.u32 s14, $0x6;
	[tilespmem:s13+$0xA460] =	vst.add.f32.msk $0xffff, v1  }
0x26e: {  	s7 =	sadd.s32 $0x10, s7;
	s31 =	sshra.s32 s30, $0x2;
	v1 =	vmov s28;
	[tilespmem:s13+$0xA470] =	vst.add.f32.msk $0xffff, v2  }
0x26f: {  	s8 =	sadd.s32 $0x10, s8;
	s9 =	sadd.s32 $0x800, s9;
	s29 =	sadd.s32 $0x10, s29;
	[tilespmem:s31+$0x1A400] =	vst.add.f32.msk $0xffff, v1  }
0x270: {  	s2 =	sadd.s32 $0x1, s2  }
0x271: {  	p0 =	sne.s32 s2, $0xA  }
.Ltmp3:
0x272: {  	_ = 	snop;
	(pc) =	sbr.rel @p0 .LBB2_4-.Ltmp3, $1  }
0x273: {  	_ =	sdelay $0x3  }
0x274: {  	_ =	swait.ge [sflag:s17], $0x5000  }
0x275: {  	[sflag:s17] =	ssyncset.done $0x0  }
0x276: {  	[sflag:s17] =	ssyncadd.s32 $0xFFFFB000  }
0x277: {  	_ =	swait.ge [sflag:s18], $0xA0  }
0x278: {  	[sflag:s18] =	ssyncset.done $0x0  }
0x279: {  	[sflag:s18] =	ssyncadd.s32 $0xFFFFFF60  }
0x27a: {  	_ =	swait.ge [sflag:s19], $0xA0  }
0x27b: {  	s2 =	simm.s32 $0xA400;
	[sflag:s19] =	ssyncset.done $0x0  }
0x27c: {  	s28 =	simm.s32 $0x7;
	s1 =	rddreg [dreg:$0x7];
	[sflag:s19] =	ssyncadd.s32 $0xFFFFFF60  }
0x27d: {  	[hbm4b:s1+s4] =	stream.linear.scatter [tilespmem:s2], [sflag:$0x7], $0x10000, $0x38;
	[tilespmem:$0x1C400] =	vst v63  }
0x27e: {  	_ =	swait.ge [sflag:s28], $0x10000  }
0x27f: {  	s7 =	simm.s32 $0x80;
	s8 =	simm.s32 $0x400;
	[sflag:s28] =	ssyncset.done $0x0  }
0x280: {  	s9 =	simm.s32 $0x1A400;
	s29 =	rddreg [dreg:$0x8];
	[sflag:s28] =	ssyncadd.s32 $0xFFFF0000  }
0x281: {  	[hbm4b:s29+s7] =	stream.strided.scatter [tilespmem:s9], [sflag:$0x7], $0x2000, s8, s7, $0x38;
	[tilespmem:$0x1C400] =	vst v63  }
0x282: {  	_ =	swait.ge [sflag:s28], $0x2000  }
0x283: {  	s30 =	rddreg [dreg:$0xa]  }
0x284: {  	s31 =	rddreg [dreg:$0x9];
	s7 =	sadd.s32 $0x1, s30  }
0x285: {  	p0 =	sne.s32 s7, s31  }
.Ltmp4:
0x286: {  	_ = 	snop;
	(pc) =	sbr.rel @p0 .LBB2_1-.Ltmp4, $3  }
0x287: {  	_ =	sdelay $0x1  }
0x288: {  	[sflag:s28] =	ssyncset.done $0x0  }
0x289: {  	[sflag:s28] =	ssyncadd.s32 $0xFFFFE000  }
0x28a: {  	_ =	sfence.sel $0x180000  }
0x28b: {  	[bflag:$0x0] =	sbarrier.arrive $0xFFFF  }
0x28c: {  	_ =	strace $0x90000047  }
0x28d: {  	s0 =	stileid.u32;
	[bflag:$0x2] =	sbarrier.arrive $0xFFFF  }
0x28e: {  	p0 =	sne.s32 s0, $0x0;
	s0 =	rddreg [dreg:$0x3]  }
0x28f: {  	s0 =	sadd.s32 @!p0 $0x100000, s0  }
0x290: {  	[sflag:s0] =	ssyncadd.tile.s32 @!p0 $0x1;
	_ =	shalt  }
.Lfunc_end2:
_tile_overlayer_lowered:
.L_overlay_start_2:
0x291: {  	(tag) =	ssettag $0x2  }
0x292: {  	s0 =	rddreg [dreg:$0x0];
	s2 =	stileid.u32  }
0x293: {  	s1 =	rddreg [dreg:$0x1];
	p0 =	sne.s32 s2, $0x0  }
0x294: {  	s3 =	rddreg [dreg:$0x2];
	[bflag:$0x3] =	sbarrier.arrive $0xFFFF;
	s2 =	simm.s32 @!p0 $0x1C07  }
0x295: {  	[timem:s3], [sflag:s2] =	dma.local @!p0 [hbm:s0], s1  }
0x296: {  	s0 =	simm.s32 @!p0 $0x7  }
0x297: {  	_ =	swait.ge @!p0 [sflag:s0], s1  }
0x298: {  	s1 =	ssub.s32 @!p0 $0x0, s1;
	[sflag:s0] =	ssyncset.done @!p0 $0x0  }
0x299: {  	[sflag:s0] =	ssyncadd.s32 @!p0 s1  }
0x29a: {  	[bflag:$0x3] =	sbarrier.arrive $0xFFFF  }
0x29b: {  	_ =	shalt  }

</sc_bundles>
